<compile_context>
chip_gen: v7x
topology: tpu7x:2x2x1
jax: 0.10.2.dev20260603
libtpu: 0.0.44.dev20260713+nightly
codegen_flags: <defaults>
</compile_context>

<pallas_src>
import functools

import jax
import jax.numpy as jnp
from jax import lax
from jax.experimental import pallas as pl
from jax.experimental.pallas import tpu as pltpu
from jax.experimental.pallas import tpu_sc as plsc

N = 10000
E = 320000
D = 128
NC = 2
NS = 16
NW = NC * NS
NPAD = 10240
EPT = E // NW
CH = 40
NCH = EPT // CH
SCAT = 80


def _prep_body(h_ref, wfc_ref, wa_ref, z_ref, sl_ref, sr_ref, z16_ref):
    h = h_ref[...]
    z = lax.dot_general(h, wfc_ref[...], (((1,), (1,)), ((), ())),
                        preferred_element_type=jnp.float32)
    z_ref[...] = z
    a2 = wa_ref[...].reshape(2, D)
    s2 = lax.dot_general(z, a2, (((1,), (1,)), ((), ())),
                         preferred_element_type=jnp.float32)
    sl_ref[...] = s2[:, 0:1]
    sr_ref[...] = s2[:, 1:2]
    z16_ref[...] = z.astype(jnp.bfloat16)


def _add_body(a_ref, b_ref, o_ref):
    o_ref[...] = a_ref[...] + b_ref[...]


_sc_mesh = plsc.VectorSubcoreMesh(
    core_axis_name="c", subcore_axis_name="s", num_cores=NC, num_subcores=NS)


@functools.partial(
    pl.kernel,
    out_type=jax.ShapeDtypeStruct((NC, N, D), jnp.float32),
    mesh=_sc_mesh,
    compiler_params=pltpu.CompilerParams(
        needs_layout_passes=False, use_tc_tiling_on_sc=False),
    scratch_types=[
        pltpu.VMEM_SHARED((N, D), jnp.float32),
        pltpu.VMEM_SHARED((NPAD,), jnp.float32),
    ],
)
def _sc_gat(srcA_hbm, dstA_hbm, sl_hbm, sr_hbm, z_hbm, out_hbm,
            hacc_sh, den_sh):
    c = lax.axis_index("c")
    s = lax.axis_index("s")
    pl.run_scoped(
        functools.partial(_sc_gat_body, srcA_hbm, dstA_hbm, sl_hbm, sr_hbm,
                          z_hbm, out_hbm, hacc_sh, den_sh, c, s),
        pltpu.VMEM((EPT,), jnp.int32),
        pltpu.VMEM((EPT,), jnp.int32),
        pltpu.VMEM((EPT + 16,), jnp.float32),
        pltpu.SemaphoreType.DMA,
    )


def _sc_gat_body(srcA_hbm, dstA_hbm, sl_hbm, sr_hbm, z_hbm, out_hbm,
                 hacc_sh, den_sh, c, s, src_v, dst_v, ex_v, dsem):

    def phase1(sl_v, sr_v):
        pltpu.sync_copy(sl_hbm, sl_v)
        pltpu.sync_copy(sr_hbm, sr_v)

        for k in range(640 // 16):
            ex_v[pl.ds(k * 16, 16)] = jnp.zeros((16,), jnp.float32)
        pltpu.sync_copy(ex_v.at[pl.ds(0, 640)], den_sh.at[pl.ds(s * 640, 640)])

        def lane_max(acc):
            dnums = lax.GatherDimensionNumbers(
                offset_dims=(), collapsed_slice_dims=(0,), start_index_map=(0,))
            for sh in (8, 4, 2, 1):
                idx = lax.iota(jnp.int32, 16) ^ sh
                perm = lax.gather(
                    acc, idx[:, None], dnums, slice_sizes=(1,),
                    mode=lax.GatherScatterMode.PROMISE_IN_BOUNDS)
                acc = jnp.maximum(acc, perm)
            return acc

        def table_max(tab):
            def body(i, acc):
                return jnp.maximum(acc, tab[pl.ds(i * 16, 16)])
            return lane_max(lax.fori_loop(
                0, N // 16, body, jnp.full((16,), -jnp.inf, jnp.float32)))

        cv = table_max(sl_v) + table_max(sr_v)
        cv = jnp.maximum(cv, 0.01 * cv)

        plsc.subcore_barrier()

        @pl.loop(0, NC)
        def _half(q):
            b = 1 - c + q * (2 * c - 1)
            pltpu.sync_copy(srcA_hbm.at[s].at[b], src_v)
            pltpu.sync_copy(dstA_hbm.at[s].at[b], dst_v)

            @pl.loop(0, EPT // 16)
            def _edge(i):
                sidx = src_v[pl.ds(i * 16, 16)]
                didx = dst_v[pl.ds(i * 16, 16)]
                x = (plsc.load_gather(sl_v, [sidx])
                     + plsc.load_gather(sr_v, [didx]))
                e = jnp.maximum(x, 0.01 * x)
                ex_v[pl.ds(i * 16, 16)] = jnp.exp(e - cv)

            @pl.loop(0, EPT // SCAT)
            def _sc(j):
                pltpu.async_copy(
                    ex_v.at[pl.ds(j * SCAT, SCAT)],
                    den_sh.at[dst_v.at[pl.ds(j * SCAT, SCAT)]],
                    dsem, add=True)

            @pl.loop(0, EPT // SCAT)
            def _dr(j):
                pltpu.make_async_copy(
                    ex_v.at[pl.ds(0, SCAT)],
                    den_sh.at[dst_v.at[pl.ds(0, SCAT)]], dsem).wait()

        plsc.subcore_barrier()

    with jax.named_scope("p1_denom"):
        pl.run_scoped(
            phase1,
            pltpu.VMEM((N,), jnp.float32),
            pltpu.VMEM((N,), jnp.float32),
        )

    def phase2_prep(rcp_v):
        pltpu.sync_copy(den_sh.at[pl.ds(0, N)], rcp_v)

        @pl.loop(0, N // 16)
        def _rcp(i):
            v = rcp_v[pl.ds(i * 16, 16)]
            rcp_v[pl.ds(i * 16, 16)] = jnp.where(v == 0.0, 1.0, 1.0 / v)

        @pl.loop(0, EPT // 16)
        def _al(i):
            didx = dst_v[pl.ds(i * 16, 16)]
            r16 = plsc.load_gather(rcp_v, [didx])
            ex_v[pl.ds(i * 16, 16)] = ex_v[pl.ds(i * 16, 16)] * r16

    with jax.named_scope("p2_alpha"):
        pl.run_scoped(phase2_prep, pltpu.VMEM((N,), jnp.float32))

    def phase2(gA, gB, sA, sB, gsA, gsB, ssA, ssB):
        @pl.loop(0, CH)
        def _zr(r):
            for t in range(D // 16):
                sA[r, pl.ds(t * 16, 16)] = jnp.zeros((16,), jnp.float32)

        nzh = jnp.where(s == NS - 1, 10, 16)

        @pl.loop(0, nzh)
        def _zh(q):
            pltpu.sync_copy(sA, hacc_sh.at[pl.ds(s * 640 + q * CH, CH)])

        plsc.subcore_barrier()

        def gather(t, buf, sem):
            pltpu.async_copy(
                z_hbm.at[src_v.at[pl.ds(t * CH, CH)]], buf, sem)

        def scat(t, buf, sem):
            pltpu.async_copy(
                buf, hacc_sh.at[dst_v.at[pl.ds(t * CH, CH)]], sem, add=True)

        def wait_gather(t, buf, sem):
            pltpu.make_async_copy(
                z_hbm.at[src_v.at[pl.ds(t * CH, CH)]], buf, sem).wait()

        def wait_scat(t, buf, sem):
            pltpu.make_async_copy(
                buf, hacc_sh.at[dst_v.at[pl.ds(t * CH, CH)]], sem).wait()

        dnums = lax.GatherDimensionNumbers(
            offset_dims=(), collapsed_slice_dims=(0,), start_index_map=(0,))

        def scale(t, gbuf, sbuf):
            @pl.loop(0, CH // 8)
            def _grp(p):
                a16 = ex_v[pl.ds(t * CH + p * 8, 16)]
                for r in range(8):
                    av = lax.gather(
                        a16, jnp.full((16, 1), r, jnp.int32), dnums,
                        slice_sizes=(1,),
                        mode=lax.GatherScatterMode.PROMISE_IN_BOUNDS)
                    row = p * 8 + r
                    for u in range(D // 32):
                        w = plsc.bitcast(gbuf[row, pl.ds(u * 32, 32)],
                                         jnp.int32)
                        lo = plsc.bitcast(w << 16, jnp.float32)
                        hi = plsc.bitcast(w & jnp.int32(-65536), jnp.float32)
                        sbuf[row, pl.ds(u * 32, 16)] = lo * av
                        sbuf[row, pl.ds(u * 32 + 16, 16)] = hi * av

        def chunk(t, g_cur, g_oth, s_cur, gs_cur, gs_oth, ss_cur):
            wait_gather(t, g_cur, gs_cur)

            @pl.when(t + 1 < NCH)
            def _pref():
                gather(t + 1, g_oth, gs_oth)

            @pl.when(t >= 2)
            def _drain():
                wait_scat(t - 2, s_cur, ss_cur)

            scale(t, g_cur, s_cur)
            scat(t, s_cur, ss_cur)

        gather(0, gA, gsA)

        @pl.loop(0, NCH // 2)
        def _pair(i):
            chunk(2 * i, gA, gB, sA, gsA, gsB, ssA)
            chunk(2 * i + 1, gB, gA, sB, gsB, gsA, ssB)

        wait_scat(NCH - 2, sA, ssA)
        wait_scat(NCH - 1, sB, ssB)

        plsc.subcore_barrier()

        nch = jnp.where(s == NS - 1, 10, 16)

        @pl.loop(0, nch)
        def _wb(q):
            r0 = s * 640 + q * CH
            pltpu.sync_copy(hacc_sh.at[pl.ds(r0, CH)], sA)
            pltpu.sync_copy(sA, out_hbm.at[c].at[pl.ds(r0, CH)])

    with jax.named_scope("p2_main"):
        pl.run_scoped(
            phase2,
            pltpu.VMEM((CH, D), jnp.bfloat16),
            pltpu.VMEM((CH, D), jnp.bfloat16),
            pltpu.VMEM((CH, D), jnp.float32),
            pltpu.VMEM((CH, D), jnp.float32),
            pltpu.SemaphoreType.DMA,
            pltpu.SemaphoreType.DMA,
            pltpu.SemaphoreType.DMA,
            pltpu.SemaphoreType.DMA,
        )


def kernel(h, edge_index, W_fc, W_attn):
    src = edge_index[0].astype(jnp.int32)
    dst = edge_index[1].astype(jnp.int32)
    srcA = src.reshape(NS, NC, EPT)
    dstA = dst.reshape(NS, NC, EPT)

    z, sl, sr, z16 = pl.pallas_call(
        _prep_body,
        grid=(10,),
        in_specs=[
            pl.BlockSpec((N // 10, D), lambda i: (i, 0)),
            pl.BlockSpec((D, D), lambda i: (0, 0)),
            pl.BlockSpec((1, 2 * D), lambda i: (0, 0)),
        ],
        out_specs=[
            pl.BlockSpec((N // 10, D), lambda i: (i, 0)),
            pl.BlockSpec((N // 10, 1), lambda i: (i, 0)),
            pl.BlockSpec((N // 10, 1), lambda i: (i, 0)),
            pl.BlockSpec((N // 10, D), lambda i: (i, 0)),
        ],
        out_shape=[
            jax.ShapeDtypeStruct((N, D), jnp.float32),
            jax.ShapeDtypeStruct((N, 1), jnp.float32),
            jax.ShapeDtypeStruct((N, 1), jnp.float32),
            jax.ShapeDtypeStruct((N, D), jnp.bfloat16),
        ],
    )(h, W_fc, W_attn)

    z16p = z16.reshape(N, 4, 2, 16).transpose(0, 1, 3, 2).reshape(N, D)
    hpart = _sc_gat(srcA, dstA, sl.reshape(N), sr.reshape(N), z16p)

    h_out = pl.pallas_call(
        _add_body,
        grid=(10,),
        in_specs=[
            pl.BlockSpec((N // 10, D), lambda i: (i, 0)),
            pl.BlockSpec((N // 10, D), lambda i: (i, 0)),
        ],
        out_specs=pl.BlockSpec((N // 10, D), lambda i: (i, 0)),
        out_shape=jax.ShapeDtypeStruct((N, D), jnp.float32),
    )(hpart[0], hpart[1])
    return h_out

# --- scband reference (transcript-rebuilt; emitter-appended) ---
"""Pipeline reference for scband-gatlayer-29901562315450 (READ-ONLY COPY).

The authoritative reference and input builder live on the scoring server;
editing this copy changes nothing except your own understanding.
"""

import jax, jax.numpy as jnp
import numpy as np

N_NODES = 10000
N_EDGES = 320000
IN_DIM = 128
OUT_DIM = 128


def setup_inputs(seed: int = 0) -> dict:
    key = jax.random.key(seed)
    k1, k2, k3, k4 = jax.random.split(key, 4)
    h = jax.random.normal(k1, (N_NODES, IN_DIM), dtype=jnp.float32)
    edge_index = jax.random.randint(k2, (2, N_EDGES), 0, N_NODES, dtype=jnp.int64)
    # xavier_normal with relu gain for fc: std = gain * sqrt(2/(fan_in+fan_out))
    gain = float(np.sqrt(2.0))
    W_fc = jax.random.normal(k3, (OUT_DIM, IN_DIM), dtype=jnp.float32) * (gain * np.sqrt(2.0 / (IN_DIM + OUT_DIM)))
    W_attn = jax.random.normal(k4, (1, 2 * OUT_DIM), dtype=jnp.float32) * (gain * np.sqrt(2.0 / (2 * OUT_DIM + 1)))
    return {"h": h, "edge_index": edge_index, "W_fc": W_fc, "W_attn": W_attn}


def reference(h, edge_index, W_fc, W_attn):
    N = h.shape[0]
    # z = fc(h)
    z = h @ W_fc.T  # [N, out_dim]
    src = edge_index[0]
    dst = edge_index[1]
    z_src = jnp.take(z, src, axis=0)  # gather [E, out_dim]
    z_dst = jnp.take(z, dst, axis=0)  # gather [E, out_dim]
    # edge_attention: leaky_relu(attn_fc(cat([z_src, z_dst])))
    z2 = jnp.concatenate([z_src, z_dst], axis=1)  # [E, 2*out_dim]
    e = jax.nn.leaky_relu(z2 @ W_attn.T, negative_slope=0.01)[:, 0]  # [E]
    # reduce: softmax over incoming edges per dst node (edge softmax)
    m = jax.ops.segment_max(e, dst, num_segments=N)
    m = jnp.where(jnp.isfinite(m), m, 0.0)  # nodes with no in-edges
    ex = jnp.exp(e - jnp.take(m, dst, axis=0))
    denom = jax.ops.segment_sum(ex, dst, num_segments=N)
    denom_e = jnp.take(denom, dst, axis=0)
    alpha = ex / jnp.where(denom_e == 0.0, 1.0, denom_e)  # [E]
    # h_out = sum(alpha * z_src) per dst (scatter-add)
    h_out = jax.ops.segment_sum(alpha[:, None] * z_src, dst, num_segments=N)
    return h_out

if __name__ == "__main__":
    import jax
    _d = setup_inputs()
    print(jax.jit(kernel)(*tuple(_d.values())))

</pallas_src>

<mosaic_0001>
#map = affine_map<(d0, d1) -> (0, 0, 0)>
#map1 = affine_map<(d0, d1) -> (0)>
#map2 = affine_map<(d0, d1) -> (0, 0)>
module attributes {stable_mosaic.version = 14 : i64} {
  func.func @_sc_gat(%arg0: i32, %arg1: i32, %arg2: memref<16x2x10000xi32, #tpu.memory_space<hbm>>, %arg3: memref<16x2x10000xi32, #tpu.memory_space<hbm>>, %arg4: memref<10000xf32, #tpu.memory_space<hbm>>, %arg5: memref<10000xf32, #tpu.memory_space<hbm>>, %arg6: memref<10000x128xbf16, #tpu.memory_space<hbm>>, %arg7: memref<2x10000x128xf32, #tpu.memory_space<hbm>>, %arg8: memref<10000x128xf32, #tpu.memory_space<vmem_shared>>, %arg9: memref<10240xf32, #tpu.memory_space<vmem_shared>>) attributes {dimension_semantics = [#tpu.dimension_semantics<core_parallel>, #tpu.dimension_semantics<subcore_parallel>], iteration_bounds = array<i64: 2, 16>, scalar_prefetch = 0 : i64, scratch_operands = 2 : i64, tpu.core_type = #tpu.core_type<sc_vector_subcore>, window_params = [{transform_indices = #map}, {transform_indices = #map}, {transform_indices = #map1}, {transform_indices = #map1}, {transform_indices = #map2}, {transform_indices = #map}]} {
    "tpu.region"() ({
      %run_scoped3A = memref.alloca() : memref<10000xi32, #tpu.memory_space<vmem>>
      %run_scoped3A_0 = memref.alloca() : memref<10000xi32, #tpu.memory_space<vmem>>
      %run_scoped3A_1 = memref.alloca() : memref<10016xf32, #tpu.memory_space<vmem>>
      %run_scoped3A_2 = tpu.sem_alloc : memref<!tpu.dma_semaphore, #tpu.memory_space<semaphore_mem>>
      "tpu.trace_start"() <{level = 10 : i32, message = "p1_denom"}> : () -> ()
      "tpu.region"() ({
        %run_scoped3A_3 = memref.alloca() : memref<10000xf32, #tpu.memory_space<vmem>>
        %run_scoped3A_4 = memref.alloca() : memref<10000xf32, #tpu.memory_space<vmem>>
        "tpu.region"() ({
          %run_scoped3A_249 = tpu.sem_alloc : memref<!tpu.dma_semaphore, #tpu.memory_space<semaphore_mem>>
          tpu.enqueue_dma source(%arg4 : memref<10000xf32, #tpu.memory_space<hbm>>) target(%run_scoped3A_3 : memref<10000xf32, #tpu.memory_space<vmem>>) target_semaphore(%run_scoped3A_249 : memref<!tpu.dma_semaphore, #tpu.memory_space<semaphore_mem>>)
          tpu.wait_dma2 semaphore(%run_scoped3A_249 : memref<!tpu.dma_semaphore, #tpu.memory_space<semaphore_mem>>) src(%arg4 : memref<10000xf32, #tpu.memory_space<hbm>>) dst(%run_scoped3A_3 : memref<10000xf32, #tpu.memory_space<vmem>>)
          tpu.yield
        }) : () -> ()
        "tpu.region"() ({
          %run_scoped3A_249 = tpu.sem_alloc : memref<!tpu.dma_semaphore, #tpu.memory_space<semaphore_mem>>
          tpu.enqueue_dma source(%arg5 : memref<10000xf32, #tpu.memory_space<hbm>>) target(%run_scoped3A_4 : memref<10000xf32, #tpu.memory_space<vmem>>) target_semaphore(%run_scoped3A_249 : memref<!tpu.dma_semaphore, #tpu.memory_space<semaphore_mem>>)
          tpu.wait_dma2 semaphore(%run_scoped3A_249 : memref<!tpu.dma_semaphore, #tpu.memory_space<semaphore_mem>>) src(%arg5 : memref<10000xf32, #tpu.memory_space<hbm>>) dst(%run_scoped3A_4 : memref<10000xf32, #tpu.memory_space<vmem>>)
          tpu.yield
        }) : () -> ()
        %broadcast_in_dim3A = arith.constant 0.000000e+00 : f32
        %broadcast_in_dim3A_5 = vector.broadcast %broadcast_in_dim3A : f32 to vector<16xf32>
        %swap3A = arith.constant 0 : index
        %swap3A_6 = tpu.vector_load %run_scoped3A_1[%swap3A] {strides = array<i32>} : memref<10016xf32, #tpu.memory_space<vmem>>, vector<16xf32>,
        tpu.vector_store %run_scoped3A_1[%swap3A], %broadcast_in_dim3A_5 {strides = array<i32>} : memref<10016xf32, #tpu.memory_space<vmem>>, vector<16xf32>,
        %broadcast_in_dim3A_7 = arith.constant 0.000000e+00 : f32
        %broadcast_in_dim3A_8 = vector.broadcast %broadcast_in_dim3A_7 : f32 to vector<16xf32>
        %swap3A_9 = arith.constant 16 : index
        %swap3A_10 = tpu.vector_load %run_scoped3A_1[%swap3A_9] {strides = array<i32>} : memref<10016xf32, #tpu.memory_space<vmem>>, vector<16xf32>,
        tpu.vector_store %run_scoped3A_1[%swap3A_9], %broadcast_in_dim3A_8 {strides = array<i32>} : memref<10016xf32, #tpu.memory_space<vmem>>, vector<16xf32>,
        %broadcast_in_dim3A_11 = arith.constant 0.000000e+00 : f32
        %broadcast_in_dim3A_12 = vector.broadcast %broadcast_in_dim3A_11 : f32 to vector<16xf32>
        %swap3A_13 = arith.constant 32 : index
        %swap3A_14 = tpu.vector_load %run_scoped3A_1[%swap3A_13] {strides = array<i32>} : memref<10016xf32, #tpu.memory_space<vmem>>, vector<16xf32>,
        tpu.vector_store %run_scoped3A_1[%swap3A_13], %broadcast_in_dim3A_12 {strides = array<i32>} : memref<10016xf32, #tpu.memory_space<vmem>>, vector<16xf32>,
        %broadcast_in_dim3A_15 = arith.constant 0.000000e+00 : f32
        %broadcast_in_dim3A_16 = vector.broadcast %broadcast_in_dim3A_15 : f32 to vector<16xf32>
        %swap3A_17 = arith.constant 48 : index
        %swap3A_18 = tpu.vector_load %run_scoped3A_1[%swap3A_17] {strides = array<i32>} : memref<10016xf32, #tpu.memory_space<vmem>>, vector<16xf32>,
        tpu.vector_store %run_scoped3A_1[%swap3A_17], %broadcast_in_dim3A_16 {strides = array<i32>} : memref<10016xf32, #tpu.memory_space<vmem>>, vector<16xf32>,
        %broadcast_in_dim3A_19 = arith.constant 0.000000e+00 : f32
        %broadcast_in_dim3A_20 = vector.broadcast %broadcast_in_dim3A_19 : f32 to vector<16xf32>
        %swap3A_21 = arith.constant 64 : index
        %swap3A_22 = tpu.vector_load %run_scoped3A_1[%swap3A_21] {strides = array<i32>} : memref<10016xf32, #tpu.memory_space<vmem>>, vector<16xf32>,
        tpu.vector_store %run_scoped3A_1[%swap3A_21], %broadcast_in_dim3A_20 {strides = array<i32>} : memref<10016xf32, #tpu.memory_space<vmem>>, vector<16xf32>,
        %broadcast_in_dim3A_23 = arith.constant 0.000000e+00 : f32
        %broadcast_in_dim3A_24 = vector.broadcast %broadcast_in_dim3A_23 : f32 to vector<16xf32>
        %swap3A_25 = arith.constant 80 : index
        %swap3A_26 = tpu.vector_load %run_scoped3A_1[%swap3A_25] {strides = array<i32>} : memref<10016xf32, #tpu.memory_space<vmem>>, vector<16xf32>,
        tpu.vector_store %run_scoped3A_1[%swap3A_25], %broadcast_in_dim3A_24 {strides = array<i32>} : memref<10016xf32, #tpu.memory_space<vmem>>, vector<16xf32>,
        %broadcast_in_dim3A_27 = arith.constant 0.000000e+00 : f32
        %broadcast_in_dim3A_28 = vector.broadcast %broadcast_in_dim3A_27 : f32 to vector<16xf32>
        %swap3A_29 = arith.constant 96 : index
        %swap3A_30 = tpu.vector_load %run_scoped3A_1[%swap3A_29] {strides = array<i32>} : memref<10016xf32, #tpu.memory_space<vmem>>, vector<16xf32>,
        tpu.vector_store %run_scoped3A_1[%swap3A_29], %broadcast_in_dim3A_28 {strides = array<i32>} : memref<10016xf32, #tpu.memory_space<vmem>>, vector<16xf32>,
        %broadcast_in_dim3A_31 = arith.constant 0.000000e+00 : f32
        %broadcast_in_dim3A_32 = vector.broadcast %broadcast_in_dim3A_31 : f32 to vector<16xf32>
        %swap3A_33 = arith.constant 112 : index
        %swap3A_34 = tpu.vector_load %run_scoped3A_1[%swap3A_33] {strides = array<i32>} : memref<10016xf32, #tpu.memory_space<vmem>>, vector<16xf32>,
        tpu.vector_store %run_scoped3A_1[%swap3A_33], %broadcast_in_dim3A_32 {strides = array<i32>} : memref<10016xf32, #tpu.memory_space<vmem>>, vector<16xf32>,
        %broadcast_in_dim3A_35 = arith.constant 0.000000e+00 : f32
        %broadcast_in_dim3A_36 = vector.broadcast %broadcast_in_dim3A_35 : f32 to vector<16xf32>
        %swap3A_37 = arith.constant 128 : index
        %swap3A_38 = tpu.vector_load %run_scoped3A_1[%swap3A_37] {strides = array<i32>} : memref<10016xf32, #tpu.memory_space<vmem>>, vector<16xf32>,
        tpu.vector_store %run_scoped3A_1[%swap3A_37], %broadcast_in_dim3A_36 {strides = array<i32>} : memref<10016xf32, #tpu.memory_space<vmem>>, vector<16xf32>,
        %broadcast_in_dim3A_39 = arith.constant 0.000000e+00 : f32
        %broadcast_in_dim3A_40 = vector.broadcast %broadcast_in_dim3A_39 : f32 to vector<16xf32>
        %swap3A_41 = arith.constant 144 : index
        %swap3A_42 = tpu.vector_load %run_scoped3A_1[%swap3A_41] {strides = array<i32>} : memref<10016xf32, #tpu.memory_space<vmem>>, vector<16xf32>,
        tpu.vector_store %run_scoped3A_1[%swap3A_41], %broadcast_in_dim3A_40 {strides = array<i32>} : memref<10016xf32, #tpu.memory_space<vmem>>, vector<16xf32>,
        %broadcast_in_dim3A_43 = arith.constant 0.000000e+00 : f32
        %broadcast_in_dim3A_44 = vector.broadcast %broadcast_in_dim3A_43 : f32 to vector<16xf32>
        %swap3A_45 = arith.constant 160 : index
        %swap3A_46 = tpu.vector_load %run_scoped3A_1[%swap3A_45] {strides = array<i32>} : memref<10016xf32, #tpu.memory_space<vmem>>, vector<16xf32>,
        tpu.vector_store %run_scoped3A_1[%swap3A_45], %broadcast_in_dim3A_44 {strides = array<i32>} : memref<10016xf32, #tpu.memory_space<vmem>>, vector<16xf32>,
        %broadcast_in_dim3A_47 = arith.constant 0.000000e+00 : f32
        %broadcast_in_dim3A_48 = vector.broadcast %broadcast_in_dim3A_47 : f32 to vector<16xf32>
        %swap3A_49 = arith.constant 176 : index
        %swap3A_50 = tpu.vector_load %run_scoped3A_1[%swap3A_49] {strides = array<i32>} : memref<10016xf32, #tpu.memory_space<vmem>>, vector<16xf32>,
        tpu.vector_store %run_scoped3A_1[%swap3A_49], %broadcast_in_dim3A_48 {strides = array<i32>} : memref<10016xf32, #tpu.memory_space<vmem>>, vector<16xf32>,
        %broadcast_in_dim3A_51 = arith.constant 0.000000e+00 : f32
        %broadcast_in_dim3A_52 = vector.broadcast %broadcast_in_dim3A_51 : f32 to vector<16xf32>
        %swap3A_53 = arith.constant 192 : index
        %swap3A_54 = tpu.vector_load %run_scoped3A_1[%swap3A_53] {strides = array<i32>} : memref<10016xf32, #tpu.memory_space<vmem>>, vector<16xf32>,
        tpu.vector_store %run_scoped3A_1[%swap3A_53], %broadcast_in_dim3A_52 {strides = array<i32>} : memref<10016xf32, #tpu.memory_space<vmem>>, vector<16xf32>,
        %broadcast_in_dim3A_55 = arith.constant 0.000000e+00 : f32
        %broadcast_in_dim3A_56 = vector.broadcast %broadcast_in_dim3A_55 : f32 to vector<16xf32>
        %swap3A_57 = arith.constant 208 : index
        %swap3A_58 = tpu.vector_load %run_scoped3A_1[%swap3A_57] {strides = array<i32>} : memref<10016xf32, #tpu.memory_space<vmem>>, vector<16xf32>,
        tpu.vector_store %run_scoped3A_1[%swap3A_57], %broadcast_in_dim3A_56 {strides = array<i32>} : memref<10016xf32, #tpu.memory_space<vmem>>, vector<16xf32>,
        %broadcast_in_dim3A_59 = arith.constant 0.000000e+00 : f32
        %broadcast_in_dim3A_60 = vector.broadcast %broadcast_in_dim3A_59 : f32 to vector<16xf32>
        %swap3A_61 = arith.constant 224 : index
        %swap3A_62 = tpu.vector_load %run_scoped3A_1[%swap3A_61] {strides = array<i32>} : memref<10016xf32, #tpu.memory_space<vmem>>, vector<16xf32>,
        tpu.vector_store %run_scoped3A_1[%swap3A_61], %broadcast_in_dim3A_60 {strides = array<i32>} : memref<10016xf32, #tpu.memory_space<vmem>>, vector<16xf32>,
        %broadcast_in_dim3A_63 = arith.constant 0.000000e+00 : f32
        %broadcast_in_dim3A_64 = vector.broadcast %broadcast_in_dim3A_63 : f32 to vector<16xf32>
        %swap3A_65 = arith.constant 240 : index
        %swap3A_66 = tpu.vector_load %run_scoped3A_1[%swap3A_65] {strides = array<i32>} : memref<10016xf32, #tpu.memory_space<vmem>>, vector<16xf32>,
        tpu.vector_store %run_scoped3A_1[%swap3A_65], %broadcast_in_dim3A_64 {strides = array<i32>} : memref<10016xf32, #tpu.memory_space<vmem>>, vector<16xf32>,
        %broadcast_in_dim3A_67 = arith.constant 0.000000e+00 : f32
        %broadcast_in_dim3A_68 = vector.broadcast %broadcast_in_dim3A_67 : f32 to vector<16xf32>
        %swap3A_69 = arith.constant 256 : index
        %swap3A_70 = tpu.vector_load %run_scoped3A_1[%swap3A_69] {strides = array<i32>} : memref<10016xf32, #tpu.memory_space<vmem>>, vector<16xf32>,
        tpu.vector_store %run_scoped3A_1[%swap3A_69], %broadcast_in_dim3A_68 {strides = array<i32>} : memref<10016xf32, #tpu.memory_space<vmem>>, vector<16xf32>,
        %broadcast_in_dim3A_71 = arith.constant 0.000000e+00 : f32
        %broadcast_in_dim3A_72 = vector.broadcast %broadcast_in_dim3A_71 : f32 to vector<16xf32>
        %swap3A_73 = arith.constant 272 : index
        %swap3A_74 = tpu.vector_load %run_scoped3A_1[%swap3A_73] {strides = array<i32>} : memref<10016xf32, #tpu.memory_space<vmem>>, vector<16xf32>,
        tpu.vector_store %run_scoped3A_1[%swap3A_73], %broadcast_in_dim3A_72 {strides = array<i32>} : memref<10016xf32, #tpu.memory_space<vmem>>, vector<16xf32>,
        %broadcast_in_dim3A_75 = arith.constant 0.000000e+00 : f32
        %broadcast_in_dim3A_76 = vector.broadcast %broadcast_in_dim3A_75 : f32 to vector<16xf32>
        %swap3A_77 = arith.constant 288 : index
        %swap3A_78 = tpu.vector_load %run_scoped3A_1[%swap3A_77] {strides = array<i32>} : memref<10016xf32, #tpu.memory_space<vmem>>, vector<16xf32>,
        tpu.vector_store %run_scoped3A_1[%swap3A_77], %broadcast_in_dim3A_76 {strides = array<i32>} : memref<10016xf32, #tpu.memory_space<vmem>>, vector<16xf32>,
        %broadcast_in_dim3A_79 = arith.constant 0.000000e+00 : f32
        %broadcast_in_dim3A_80 = vector.broadcast %broadcast_in_dim3A_79 : f32 to vector<16xf32>
        %swap3A_81 = arith.constant 304 : index
        %swap3A_82 = tpu.vector_load %run_scoped3A_1[%swap3A_81] {strides = array<i32>} : memref<10016xf32, #tpu.memory_space<vmem>>, vector<16xf32>,
        tpu.vector_store %run_scoped3A_1[%swap3A_81], %broadcast_in_dim3A_80 {strides = array<i32>} : memref<10016xf32, #tpu.memory_space<vmem>>, vector<16xf32>,
        %broadcast_in_dim3A_83 = arith.constant 0.000000e+00 : f32
        %broadcast_in_dim3A_84 = vector.broadcast %broadcast_in_dim3A_83 : f32 to vector<16xf32>
        %swap3A_85 = arith.constant 320 : index
        %swap3A_86 = tpu.vector_load %run_scoped3A_1[%swap3A_85] {strides = array<i32>} : memref<10016xf32, #tpu.memory_space<vmem>>, vector<16xf32>,
        tpu.vector_store %run_scoped3A_1[%swap3A_85], %broadcast_in_dim3A_84 {strides = array<i32>} : memref<10016xf32, #tpu.memory_space<vmem>>, vector<16xf32>,
        %broadcast_in_dim3A_87 = arith.constant 0.000000e+00 : f32
        %broadcast_in_dim3A_88 = vector.broadcast %broadcast_in_dim3A_87 : f32 to vector<16xf32>
        %swap3A_89 = arith.constant 336 : index
        %swap3A_90 = tpu.vector_load %run_scoped3A_1[%swap3A_89] {strides = array<i32>} : memref<10016xf32, #tpu.memory_space<vmem>>, vector<16xf32>,
        tpu.vector_store %run_scoped3A_1[%swap3A_89], %broadcast_in_dim3A_88 {strides = array<i32>} : memref<10016xf32, #tpu.memory_space<vmem>>, vector<16xf32>,
        %broadcast_in_dim3A_91 = arith.constant 0.000000e+00 : f32
        %broadcast_in_dim3A_92 = vector.broadcast %broadcast_in_dim3A_91 : f32 to vector<16xf32>
        %swap3A_93 = arith.constant 352 : index
        %swap3A_94 = tpu.vector_load %run_scoped3A_1[%swap3A_93] {strides = array<i32>} : memref<10016xf32, #tpu.memory_space<vmem>>, vector<16xf32>,
        tpu.vector_store %run_scoped3A_1[%swap3A_93], %broadcast_in_dim3A_92 {strides = array<i32>} : memref<10016xf32, #tpu.memory_space<vmem>>, vector<16xf32>,
        %broadcast_in_dim3A_95 = arith.constant 0.000000e+00 : f32
        %broadcast_in_dim3A_96 = vector.broadcast %broadcast_in_dim3A_95 : f32 to vector<16xf32>
        %swap3A_97 = arith.constant 368 : index
        %swap3A_98 = tpu.vector_load %run_scoped3A_1[%swap3A_97] {strides = array<i32>} : memref<10016xf32, #tpu.memory_space<vmem>>, vector<16xf32>,
        tpu.vector_store %run_scoped3A_1[%swap3A_97], %broadcast_in_dim3A_96 {strides = array<i32>} : memref<10016xf32, #tpu.memory_space<vmem>>, vector<16xf32>,
        %broadcast_in_dim3A_99 = arith.constant 0.000000e+00 : f32
        %broadcast_in_dim3A_100 = vector.broadcast %broadcast_in_dim3A_99 : f32 to vector<16xf32>
        %swap3A_101 = arith.constant 384 : index
        %swap3A_102 = tpu.vector_load %run_scoped3A_1[%swap3A_101] {strides = array<i32>} : memref<10016xf32, #tpu.memory_space<vmem>>, vector<16xf32>,
        tpu.vector_store %run_scoped3A_1[%swap3A_101], %broadcast_in_dim3A_100 {strides = array<i32>} : memref<10016xf32, #tpu.memory_space<vmem>>, vector<16xf32>,
        %broadcast_in_dim3A_103 = arith.constant 0.000000e+00 : f32
        %broadcast_in_dim3A_104 = vector.broadcast %broadcast_in_dim3A_103 : f32 to vector<16xf32>
        %swap3A_105 = arith.constant 400 : index
        %swap3A_106 = tpu.vector_load %run_scoped3A_1[%swap3A_105] {strides = array<i32>} : memref<10016xf32, #tpu.memory_space<vmem>>, vector<16xf32>,
        tpu.vector_store %run_scoped3A_1[%swap3A_105], %broadcast_in_dim3A_104 {strides = array<i32>} : memref<10016xf32, #tpu.memory_space<vmem>>, vector<16xf32>,
        %broadcast_in_dim3A_107 = arith.constant 0.000000e+00 : f32
        %broadcast_in_dim3A_108 = vector.broadcast %broadcast_in_dim3A_107 : f32 to vector<16xf32>
        %swap3A_109 = arith.constant 416 : index
        %swap3A_110 = tpu.vector_load %run_scoped3A_1[%swap3A_109] {strides = array<i32>} : memref<10016xf32, #tpu.memory_space<vmem>>, vector<16xf32>,
        tpu.vector_store %run_scoped3A_1[%swap3A_109], %broadcast_in_dim3A_108 {strides = array<i32>} : memref<10016xf32, #tpu.memory_space<vmem>>, vector<16xf32>,
        %broadcast_in_dim3A_111 = arith.constant 0.000000e+00 : f32
        %broadcast_in_dim3A_112 = vector.broadcast %broadcast_in_dim3A_111 : f32 to vector<16xf32>
        %swap3A_113 = arith.constant 432 : index
        %swap3A_114 = tpu.vector_load %run_scoped3A_1[%swap3A_113] {strides = array<i32>} : memref<10016xf32, #tpu.memory_space<vmem>>, vector<16xf32>,
        tpu.vector_store %run_scoped3A_1[%swap3A_113], %broadcast_in_dim3A_112 {strides = array<i32>} : memref<10016xf32, #tpu.memory_space<vmem>>, vector<16xf32>,
        %broadcast_in_dim3A_115 = arith.constant 0.000000e+00 : f32
        %broadcast_in_dim3A_116 = vector.broadcast %broadcast_in_dim3A_115 : f32 to vector<16xf32>
        %swap3A_117 = arith.constant 448 : index
        %swap3A_118 = tpu.vector_load %run_scoped3A_1[%swap3A_117] {strides = array<i32>} : memref<10016xf32, #tpu.memory_space<vmem>>, vector<16xf32>,
        tpu.vector_store %run_scoped3A_1[%swap3A_117], %broadcast_in_dim3A_116 {strides = array<i32>} : memref<10016xf32, #tpu.memory_space<vmem>>, vector<16xf32>,
        %broadcast_in_dim3A_119 = arith.constant 0.000000e+00 : f32
        %broadcast_in_dim3A_120 = vector.broadcast %broadcast_in_dim3A_119 : f32 to vector<16xf32>
        %swap3A_121 = arith.constant 464 : index
        %swap3A_122 = tpu.vector_load %run_scoped3A_1[%swap3A_121] {strides = array<i32>} : memref<10016xf32, #tpu.memory_space<vmem>>, vector<16xf32>,
        tpu.vector_store %run_scoped3A_1[%swap3A_121], %broadcast_in_dim3A_120 {strides = array<i32>} : memref<10016xf32, #tpu.memory_space<vmem>>, vector<16xf32>,
        %broadcast_in_dim3A_123 = arith.constant 0.000000e+00 : f32
        %broadcast_in_dim3A_124 = vector.broadcast %broadcast_in_dim3A_123 : f32 to vector<16xf32>
        %swap3A_125 = arith.constant 480 : index
        %swap3A_126 = tpu.vector_load %run_scoped3A_1[%swap3A_125] {strides = array<i32>} : memref<10016xf32, #tpu.memory_space<vmem>>, vector<16xf32>,
        tpu.vector_store %run_scoped3A_1[%swap3A_125], %broadcast_in_dim3A_124 {strides = array<i32>} : memref<10016xf32, #tpu.memory_space<vmem>>, vector<16xf32>,
        %broadcast_in_dim3A_127 = arith.constant 0.000000e+00 : f32
        %broadcast_in_dim3A_128 = vector.broadcast %broadcast_in_dim3A_127 : f32 to vector<16xf32>
        %swap3A_129 = arith.constant 496 : index
        %swap3A_130 = tpu.vector_load %run_scoped3A_1[%swap3A_129] {strides = array<i32>} : memref<10016xf32, #tpu.memory_space<vmem>>, vector<16xf32>,
        tpu.vector_store %run_scoped3A_1[%swap3A_129], %broadcast_in_dim3A_128 {strides = array<i32>} : memref<10016xf32, #tpu.memory_space<vmem>>, vector<16xf32>,
        %broadcast_in_dim3A_131 = arith.constant 0.000000e+00 : f32
        %broadcast_in_dim3A_132 = vector.broadcast %broadcast_in_dim3A_131 : f32 to vector<16xf32>
        %swap3A_133 = arith.constant 512 : index
        %swap3A_134 = tpu.vector_load %run_scoped3A_1[%swap3A_133] {strides = array<i32>} : memref<10016xf32, #tpu.memory_space<vmem>>, vector<16xf32>,
        tpu.vector_store %run_scoped3A_1[%swap3A_133], %broadcast_in_dim3A_132 {strides = array<i32>} : memref<10016xf32, #tpu.memory_space<vmem>>, vector<16xf32>,
        %broadcast_in_dim3A_135 = arith.constant 0.000000e+00 : f32
        %broadcast_in_dim3A_136 = vector.broadcast %broadcast_in_dim3A_135 : f32 to vector<16xf32>
        %swap3A_137 = arith.constant 528 : index
        %swap3A_138 = tpu.vector_load %run_scoped3A_1[%swap3A_137] {strides = array<i32>} : memref<10016xf32, #tpu.memory_space<vmem>>, vector<16xf32>,
        tpu.vector_store %run_scoped3A_1[%swap3A_137], %broadcast_in_dim3A_136 {strides = array<i32>} : memref<10016xf32, #tpu.memory_space<vmem>>, vector<16xf32>,
        %broadcast_in_dim3A_139 = arith.constant 0.000000e+00 : f32
        %broadcast_in_dim3A_140 = vector.broadcast %broadcast_in_dim3A_139 : f32 to vector<16xf32>
        %swap3A_141 = arith.constant 544 : index
        %swap3A_142 = tpu.vector_load %run_scoped3A_1[%swap3A_141] {strides = array<i32>} : memref<10016xf32, #tpu.memory_space<vmem>>, vector<16xf32>,
        tpu.vector_store %run_scoped3A_1[%swap3A_141], %broadcast_in_dim3A_140 {strides = array<i32>} : memref<10016xf32, #tpu.memory_space<vmem>>, vector<16xf32>,
        %broadcast_in_dim3A_143 = arith.constant 0.000000e+00 : f32
        %broadcast_in_dim3A_144 = vector.broadcast %broadcast_in_dim3A_143 : f32 to vector<16xf32>
        %swap3A_145 = arith.constant 560 : index
        %swap3A_146 = tpu.vector_load %run_scoped3A_1[%swap3A_145] {strides = array<i32>} : memref<10016xf32, #tpu.memory_space<vmem>>, vector<16xf32>,
        tpu.vector_store %run_scoped3A_1[%swap3A_145], %broadcast_in_dim3A_144 {strides = array<i32>} : memref<10016xf32, #tpu.memory_space<vmem>>, vector<16xf32>,
        %broadcast_in_dim3A_147 = arith.constant 0.000000e+00 : f32
        %broadcast_in_dim3A_148 = vector.broadcast %broadcast_in_dim3A_147 : f32 to vector<16xf32>
        %swap3A_149 = arith.constant 576 : index
        %swap3A_150 = tpu.vector_load %run_scoped3A_1[%swap3A_149] {strides = array<i32>} : memref<10016xf32, #tpu.memory_space<vmem>>, vector<16xf32>,
        tpu.vector_store %run_scoped3A_1[%swap3A_149], %broadcast_in_dim3A_148 {strides = array<i32>} : memref<10016xf32, #tpu.memory_space<vmem>>, vector<16xf32>,
        %broadcast_in_dim3A_151 = arith.constant 0.000000e+00 : f32
        %broadcast_in_dim3A_152 = vector.broadcast %broadcast_in_dim3A_151 : f32 to vector<16xf32>
        %swap3A_153 = arith.constant 592 : index
        %swap3A_154 = tpu.vector_load %run_scoped3A_1[%swap3A_153] {strides = array<i32>} : memref<10016xf32, #tpu.memory_space<vmem>>, vector<16xf32>,
        tpu.vector_store %run_scoped3A_1[%swap3A_153], %broadcast_in_dim3A_152 {strides = array<i32>} : memref<10016xf32, #tpu.memory_space<vmem>>, vector<16xf32>,
        %broadcast_in_dim3A_155 = arith.constant 0.000000e+00 : f32
        %broadcast_in_dim3A_156 = vector.broadcast %broadcast_in_dim3A_155 : f32 to vector<16xf32>
        %swap3A_157 = arith.constant 608 : index
        %swap3A_158 = tpu.vector_load %run_scoped3A_1[%swap3A_157] {strides = array<i32>} : memref<10016xf32, #tpu.memory_space<vmem>>, vector<16xf32>,
        tpu.vector_store %run_scoped3A_1[%swap3A_157], %broadcast_in_dim3A_156 {strides = array<i32>} : memref<10016xf32, #tpu.memory_space<vmem>>, vector<16xf32>,
        %broadcast_in_dim3A_159 = arith.constant 0.000000e+00 : f32
        %broadcast_in_dim3A_160 = vector.broadcast %broadcast_in_dim3A_159 : f32 to vector<16xf32>
        %swap3A_161 = arith.constant 624 : index
        %swap3A_162 = tpu.vector_load %run_scoped3A_1[%swap3A_161] {strides = array<i32>} : memref<10016xf32, #tpu.memory_space<vmem>>, vector<16xf32>,
        tpu.vector_store %run_scoped3A_1[%swap3A_161], %broadcast_in_dim3A_160 {strides = array<i32>} : memref<10016xf32, #tpu.memory_space<vmem>>, vector<16xf32>,
        %mul3A = arith.constant 640 : i32
        %mul3A_163 = arith.muli %arg1, %mul3A : i32
        "tpu.region"() ({
          %run_scoped3A_249 = tpu.sem_alloc : memref<!tpu.dma_semaphore, #tpu.memory_space<semaphore_mem>>
          %dma_start3A = arith.constant 0 : i32
          %dma_start3A_250 = tpu.memref_slice %run_scoped3A_1[%dma_start3A] : memref<10016xf32, #tpu.memory_space<vmem>> -> memref<640xf32, #tpu.memory_space<vmem>>
          %dma_start3A_251 = tpu.memref_slice %arg9[%mul3A_163] : memref<10240xf32, #tpu.memory_space<vmem_shared>> -> memref<640xf32, #tpu.memory_space<vmem_shared>>
          %dma_start3A_252 = tpu.memref_slice %arg9[%mul3A_163] : memref<10240xf32, #tpu.memory_space<vmem_shared>> -> memref<640xf32, #tpu.memory_space<vmem_shared>>
          %dma_start3A_253 = arith.constant 0 : i32
          %dma_start3A_254 = tpu.memref_slice %run_scoped3A_1[%dma_start3A_253] : memref<10016xf32, #tpu.memory_space<vmem>> -> memref<640xf32, #tpu.memory_space<vmem>>
          tpu.enqueue_dma source(%dma_start3A_254 : memref<640xf32, #tpu.memory_space<vmem>>) target(%dma_start3A_252 : memref<640xf32, #tpu.memory_space<vmem_shared>>) target_semaphore(%run_scoped3A_249 : memref<!tpu.dma_semaphore, #tpu.memory_space<semaphore_mem>>)
          %dma_wait3A = arith.constant 0 : i32
          %dma_wait3A_255 = tpu.memref_slice %run_scoped3A_1[%dma_wait3A] : memref<10016xf32, #tpu.memory_space<vmem>> -> memref<640xf32, #tpu.memory_space<vmem>>
          %dma_wait3A_256 = tpu.memref_slice %arg9[%mul3A_163] : memref<10240xf32, #tpu.memory_space<vmem_shared>> -> memref<640xf32, #tpu.memory_space<vmem_shared>>
          %dma_wait3A_257 = tpu.memref_slice %arg9[%mul3A_163] : memref<10240xf32, #tpu.memory_space<vmem_shared>> -> memref<640xf32, #tpu.memory_space<vmem_shared>>
          %dma_wait3A_258 = arith.constant 0 : i32
          %dma_wait3A_259 = tpu.memref_slice %run_scoped3A_1[%dma_wait3A_258] : memref<10016xf32, #tpu.memory_space<vmem>> -> memref<640xf32, #tpu.memory_space<vmem>>
          tpu.wait_dma2 semaphore(%run_scoped3A_249 : memref<!tpu.dma_semaphore, #tpu.memory_space<semaphore_mem>>) src(%dma_wait3A_259 : memref<640xf32, #tpu.memory_space<vmem>>) dst(%dma_wait3A_257 : memref<640xf32, #tpu.memory_space<vmem_shared>>)
          tpu.yield
        }) : () -> ()
        %broadcast_in_dim3A_164 = arith.constant 0xFF800000 : f32
        %broadcast_in_dim3A_165 = vector.broadcast %broadcast_in_dim3A_164 : f32 to vector<16xf32>
        %scan3A = arith.constant 0 : i32
        %scan3A_166 = arith.constant 625 : i32
        %scan3A_167 = arith.addi %scan3A, %scan3A_166 : i32
        %scan3A_168 = arith.constant 1 : i32
        %scan3A_169 = scf.for %scan3A_249 = %scan3A to %scan3A_167 step %scan3A_168 iter_args(%scan3A_250 = %broadcast_in_dim3A_165) -> (vector<16xf32>)  : i32 {
          %mul3A_251 = arith.constant 16 : i32
          %mul3A_252 = arith.muli %scan3A_249, %mul3A_251 : i32
          %get3A = arith.index_cast %mul3A_252 : i32 to index
          %get3A_253 = tpu.vector_load %run_scoped3A_3[%get3A] {strides = array<i32>} : memref<10000xf32, #tpu.memory_space<vmem>>, vector<16xf32>,
          %max3A_254 = arith.maximumf %scan3A_250, %get3A_253 : vector<16xf32>
          scf.yield %max3A_254 : vector<16xf32>
        }
        %scan3A_170 = arith.constant 625 : i32
        %iota3A = tpu.iota {dimensions = array<i32: 0>} : vector<16xi32>
        %xor3A = arith.constant 8 : i32
        %xor3A_171 = vector.broadcast %xor3A : i32 to vector<16xi32>
        %xor3A_172 = arith.xori %iota3A, %xor3A_171 : vector<16xi32>
        %broadcast_in_dim3A_173 = vector.shape_cast %xor3A_172 : vector<16xi32> to vector<16x1xi32>
        %gather3A = vector.shape_cast %broadcast_in_dim3A_173 : vector<16x1xi32> to vector<16xi32>
        %gather3A_174 = tpu.dynamic_gather %scan3A_169[%gather3A] in [0] : vector<16xf32>, vector<16xi32> -> vector<16xf32>
        %max3A = arith.maximumf %scan3A_169, %gather3A_174 : vector<16xf32>
        %iota3A_175 = tpu.iota {dimensions = array<i32: 0>} : vector<16xi32>
        %xor3A_176 = arith.constant 4 : i32
        %xor3A_177 = vector.broadcast %xor3A_176 : i32 to vector<16xi32>
        %xor3A_178 = arith.xori %iota3A_175, %xor3A_177 : vector<16xi32>
        %broadcast_in_dim3A_179 = vector.shape_cast %xor3A_178 : vector<16xi32> to vector<16x1xi32>
        %gather3A_180 = vector.shape_cast %broadcast_in_dim3A_179 : vector<16x1xi32> to vector<16xi32>
        %gather3A_181 = tpu.dynamic_gather %max3A[%gather3A_180] in [0] : vector<16xf32>, vector<16xi32> -> vector<16xf32>
        %max3A_182 = arith.maximumf %max3A, %gather3A_181 : vector<16xf32>
        %iota3A_183 = tpu.iota {dimensions = array<i32: 0>} : vector<16xi32>
        %xor3A_184 = arith.constant 2 : i32
        %xor3A_185 = vector.broadcast %xor3A_184 : i32 to vector<16xi32>
        %xor3A_186 = arith.xori %iota3A_183, %xor3A_185 : vector<16xi32>
        %broadcast_in_dim3A_187 = vector.shape_cast %xor3A_186 : vector<16xi32> to vector<16x1xi32>
        %gather3A_188 = vector.shape_cast %broadcast_in_dim3A_187 : vector<16x1xi32> to vector<16xi32>
        %gather3A_189 = tpu.dynamic_gather %max3A_182[%gather3A_188] in [0] : vector<16xf32>, vector<16xi32> -> vector<16xf32>
        %max3A_190 = arith.maximumf %max3A_182, %gather3A_189 : vector<16xf32>
        %iota3A_191 = tpu.iota {dimensions = array<i32: 0>} : vector<16xi32>
        %xor3A_192 = arith.constant 1 : i32
        %xor3A_193 = vector.broadcast %xor3A_192 : i32 to vector<16xi32>
        %xor3A_194 = arith.xori %iota3A_191, %xor3A_193 : vector<16xi32>
        %broadcast_in_dim3A_195 = vector.shape_cast %xor3A_194 : vector<16xi32> to vector<16x1xi32>
        %gather3A_196 = vector.shape_cast %broadcast_in_dim3A_195 : vector<16x1xi32> to vector<16xi32>
        %gather3A_197 = tpu.dynamic_gather %max3A_190[%gather3A_196] in [0] : vector<16xf32>, vector<16xi32> -> vector<16xf32>
        %max3A_198 = arith.maximumf %max3A_190, %gather3A_197 : vector<16xf32>
        %broadcast_in_dim3A_199 = arith.constant 0xFF800000 : f32
        %broadcast_in_dim3A_200 = vector.broadcast %broadcast_in_dim3A_199 : f32 to vector<16xf32>
        %scan3A_201 = arith.constant 0 : i32
        %scan3A_202 = arith.constant 625 : i32
        %scan3A_203 = arith.addi %scan3A_201, %scan3A_202 : i32
        %scan3A_204 = arith.constant 1 : i32
        %scan3A_205 = scf.for %scan3A_249 = %scan3A_201 to %scan3A_203 step %scan3A_204 iter_args(%scan3A_250 = %broadcast_in_dim3A_200) -> (vector<16xf32>)  : i32 {
          %mul3A_251 = arith.constant 16 : i32
          %mul3A_252 = arith.muli %scan3A_249, %mul3A_251 : i32
          %get3A = arith.index_cast %mul3A_252 : i32 to index
          %get3A_253 = tpu.vector_load %run_scoped3A_4[%get3A] {strides = array<i32>} : memref<10000xf32, #tpu.memory_space<vmem>>, vector<16xf32>,
          %max3A_254 = arith.maximumf %scan3A_250, %get3A_253 : vector<16xf32>
          scf.yield %max3A_254 : vector<16xf32>
        }
        %scan3A_206 = arith.constant 625 : i32
        %iota3A_207 = tpu.iota {dimensions = array<i32: 0>} : vector<16xi32>
        %xor3A_208 = arith.constant 8 : i32
        %xor3A_209 = vector.broadcast %xor3A_208 : i32 to vector<16xi32>
        %xor3A_210 = arith.xori %iota3A_207, %xor3A_209 : vector<16xi32>
        %broadcast_in_dim3A_211 = vector.shape_cast %xor3A_210 : vector<16xi32> to vector<16x1xi32>
        %gather3A_212 = vector.shape_cast %broadcast_in_dim3A_211 : vector<16x1xi32> to vector<16xi32>
        %gather3A_213 = tpu.dynamic_gather %scan3A_205[%gather3A_212] in [0] : vector<16xf32>, vector<16xi32> -> vector<16xf32>
        %max3A_214 = arith.maximumf %scan3A_205, %gather3A_213 : vector<16xf32>
        %iota3A_215 = tpu.iota {dimensions = array<i32: 0>} : vector<16xi32>
        %xor3A_216 = arith.constant 4 : i32
        %xor3A_217 = vector.broadcast %xor3A_216 : i32 to vector<16xi32>
        %xor3A_218 = arith.xori %iota3A_215, %xor3A_217 : vector<16xi32>
        %broadcast_in_dim3A_219 = vector.shape_cast %xor3A_218 : vector<16xi32> to vector<16x1xi32>
        %gather3A_220 = vector.shape_cast %broadcast_in_dim3A_219 : vector<16x1xi32> to vector<16xi32>
        %gather3A_221 = tpu.dynamic_gather %max3A_214[%gather3A_220] in [0] : vector<16xf32>, vector<16xi32> -> vector<16xf32>
        %max3A_222 = arith.maximumf %max3A_214, %gather3A_221 : vector<16xf32>
        %iota3A_223 = tpu.iota {dimensions = array<i32: 0>} : vector<16xi32>
        %xor3A_224 = arith.constant 2 : i32
        %xor3A_225 = vector.broadcast %xor3A_224 : i32 to vector<16xi32>
        %xor3A_226 = arith.xori %iota3A_223, %xor3A_225 : vector<16xi32>
        %broadcast_in_dim3A_227 = vector.shape_cast %xor3A_226 : vector<16xi32> to vector<16x1xi32>
        %gather3A_228 = vector.shape_cast %broadcast_in_dim3A_227 : vector<16x1xi32> to vector<16xi32>
        %gather3A_229 = tpu.dynamic_gather %max3A_222[%gather3A_228] in [0] : vector<16xf32>, vector<16xi32> -> vector<16xf32>
        %max3A_230 = arith.maximumf %max3A_222, %gather3A_229 : vector<16xf32>
        %iota3A_231 = tpu.iota {dimensions = array<i32: 0>} : vector<16xi32>
        %xor3A_232 = arith.constant 1 : i32
        %xor3A_233 = vector.broadcast %xor3A_232 : i32 to vector<16xi32>
        %xor3A_234 = arith.xori %iota3A_231, %xor3A_233 : vector<16xi32>
        %broadcast_in_dim3A_235 = vector.shape_cast %xor3A_234 : vector<16xi32> to vector<16x1xi32>
        %gather3A_236 = vector.shape_cast %broadcast_in_dim3A_235 : vector<16x1xi32> to vector<16xi32>
        %gather3A_237 = tpu.dynamic_gather %max3A_230[%gather3A_236] in [0] : vector<16xf32>, vector<16xi32> -> vector<16xf32>
        %max3A_238 = arith.maximumf %max3A_230, %gather3A_237 : vector<16xf32>
        %add3A = arith.addf %max3A_198, %max3A_238 : vector<16xf32>
        %mul3A_239 = arith.constant 0.00999999977 : f32
        %mul3A_240 = vector.broadcast %mul3A_239 : f32 to vector<16xf32>
        %mul3A_241 = arith.mulf %mul3A_240, %add3A : vector<16xf32>
        %max3A_242 = arith.maximumf %add3A, %mul3A_241 : vector<16xf32>
        %barrier3A = arith.constant 0 : index
        tpu.barrier barrier_id(%barrier3A)
        %scan3A_243 = arith.constant 0 : i32
        %scan3A_244 = arith.constant 2 : i32
        %scan3A_245 = arith.addi %scan3A_243, %scan3A_244 : i32
        %scan3A_246 = arith.constant 1 : i32
        scf.for %scan3A_249 = %scan3A_243 to %scan3A_245 step %scan3A_246  : i32 {
          %mul3A_250 = arith.constant 1 : i32
          %mul3A_251 = arith.muli %scan3A_249, %mul3A_250 : i32
          %add3A_252 = arith.constant 0 : i32
          %add3A_253 = arith.addi %add3A_252, %mul3A_251 : i32
          %sub3A = arith.constant 1 : i32
          %sub3A_254 = arith.subi %sub3A, %arg0 : i32
          %mul3A_255 = arith.constant 2 : i32
          %mul3A_256 = arith.muli %mul3A_255, %arg0 : i32
          %sub3A_257 = arith.constant 1 : i32
          %sub3A_258 = arith.subi %mul3A_256, %sub3A_257 : i32
          %mul3A_259 = arith.muli %add3A_253, %sub3A_258 : i32
          %add3A_260 = arith.addi %sub3A_254, %mul3A_259 : i32
          "tpu.region"() ({
            %run_scoped3A_276 = tpu.sem_alloc : memref<!tpu.dma_semaphore, #tpu.memory_space<semaphore_mem>>
            %dma_start3A = arith.constant 0 : i32
            %dma_start3A_277 = arith.constant 0 : i32
            %dma_start3A_278 = tpu.memref_slice %arg2[%arg1, %dma_start3A, %dma_start3A_277] : memref<16x2x10000xi32, #tpu.memory_space<hbm>> -> memref<1x2x10000xi32, #tpu.memory_space<hbm>>
            %dma_start3A_279 = tpu.memref_squeeze %dma_start3A_278 : memref<1x2x10000xi32, #tpu.memory_space<hbm>> -> memref<2x10000xi32, #tpu.memory_space<hbm>>
            %dma_start3A_280 = arith.constant 0 : i32
            %dma_start3A_281 = tpu.memref_slice %dma_start3A_279[%add3A_260, %dma_start3A_280] : memref<2x10000xi32, #tpu.memory_space<hbm>> -> memref<1x10000xi32, #tpu.memory_space<hbm>>
            %dma_start3A_282 = tpu.memref_squeeze %dma_start3A_281 : memref<1x10000xi32, #tpu.memory_space<hbm>> -> memref<10000xi32, #tpu.memory_space<hbm>>
            %dma_start3A_283 = arith.constant 0 : i32
            %dma_start3A_284 = arith.constant 0 : i32
            %dma_start3A_285 = tpu.memref_slice %arg2[%arg1, %dma_start3A_283, %dma_start3A_284] : memref<16x2x10000xi32, #tpu.memory_space<hbm>> -> memref<1x2x10000xi32, #tpu.memory_space<hbm>>
            %dma_start3A_286 = tpu.memref_squeeze %dma_start3A_285 : memref<1x2x10000xi32, #tpu.memory_space<hbm>> -> memref<2x10000xi32, #tpu.memory_space<hbm>>
            %dma_start3A_287 = arith.constant 0 : i32
            %dma_start3A_288 = tpu.memref_slice %dma_start3A_286[%add3A_260, %dma_start3A_287] : memref<2x10000xi32, #tpu.memory_space<hbm>> -> memref<1x10000xi32, #tpu.memory_space<hbm>>
            %dma_start3A_289 = tpu.memref_squeeze %dma_start3A_288 : memref<1x10000xi32, #tpu.memory_space<hbm>> -> memref<10000xi32, #tpu.memory_space<hbm>>
            tpu.enqueue_dma source(%dma_start3A_289 : memref<10000xi32, #tpu.memory_space<hbm>>) target(%run_scoped3A : memref<10000xi32, #tpu.memory_space<vmem>>) target_semaphore(%run_scoped3A_276 : memref<!tpu.dma_semaphore, #tpu.memory_space<semaphore_mem>>)
            %dma_wait3A = arith.constant 0 : i32
            %dma_wait3A_290 = arith.constant 0 : i32
            %dma_wait3A_291 = tpu.memref_slice %arg2[%arg1, %dma_wait3A, %dma_wait3A_290] : memref<16x2x10000xi32, #tpu.memory_space<hbm>> -> memref<1x2x10000xi32, #tpu.memory_space<hbm>>
            %dma_wait3A_292 = tpu.memref_squeeze %dma_wait3A_291 : memref<1x2x10000xi32, #tpu.memory_space<hbm>> -> memref<2x10000xi32, #tpu.memory_space<hbm>>
            %dma_wait3A_293 = arith.constant 0 : i32
            %dma_wait3A_294 = tpu.memref_slice %dma_wait3A_292[%add3A_260, %dma_wait3A_293] : memref<2x10000xi32, #tpu.memory_space<hbm>> -> memref<1x10000xi32, #tpu.memory_space<hbm>>
            %dma_wait3A_295 = tpu.memref_squeeze %dma_wait3A_294 : memref<1x10000xi32, #tpu.memory_space<hbm>> -> memref<10000xi32, #tpu.memory_space<hbm>>
            %dma_wait3A_296 = arith.constant 0 : i32
            %dma_wait3A_297 = arith.constant 0 : i32
            %dma_wait3A_298 = tpu.memref_slice %arg2[%arg1, %dma_wait3A_296, %dma_wait3A_297] : memref<16x2x10000xi32, #tpu.memory_space<hbm>> -> memref<1x2x10000xi32, #tpu.memory_space<hbm>>
            %dma_wait3A_299 = tpu.memref_squeeze %dma_wait3A_298 : memref<1x2x10000xi32, #tpu.memory_space<hbm>> -> memref<2x10000xi32, #tpu.memory_space<hbm>>
            %dma_wait3A_300 = arith.constant 0 : i32
            %dma_wait3A_301 = tpu.memref_slice %dma_wait3A_299[%add3A_260, %dma_wait3A_300] : memref<2x10000xi32, #tpu.memory_space<hbm>> -> memref<1x10000xi32, #tpu.memory_space<hbm>>
            %dma_wait3A_302 = tpu.memref_squeeze %dma_wait3A_301 : memref<1x10000xi32, #tpu.memory_space<hbm>> -> memref<10000xi32, #tpu.memory_space<hbm>>
            tpu.wait_dma2 semaphore(%run_scoped3A_276 : memref<!tpu.dma_semaphore, #tpu.memory_space<semaphore_mem>>) src(%dma_wait3A_302 : memref<10000xi32, #tpu.memory_space<hbm>>) dst(%run_scoped3A : memref<10000xi32, #tpu.memory_space<vmem>>)
            tpu.yield
          }) : () -> ()
          "tpu.region"() ({
            %run_scoped3A_276 = tpu.sem_alloc : memref<!tpu.dma_semaphore, #tpu.memory_space<semaphore_mem>>
            %dma_start3A = arith.constant 0 : i32
            %dma_start3A_277 = arith.constant 0 : i32
            %dma_start3A_278 = tpu.memref_slice %arg3[%arg1, %dma_start3A, %dma_start3A_277] : memref<16x2x10000xi32, #tpu.memory_space<hbm>> -> memref<1x2x10000xi32, #tpu.memory_space<hbm>>
            %dma_start3A_279 = tpu.memref_squeeze %dma_start3A_278 : memref<1x2x10000xi32, #tpu.memory_space<hbm>> -> memref<2x10000xi32, #tpu.memory_space<hbm>>
            %dma_start3A_280 = arith.constant 0 : i32
            %dma_start3A_281 = tpu.memref_slice %dma_start3A_279[%add3A_260, %dma_start3A_280] : memref<2x10000xi32, #tpu.memory_space<hbm>> -> memref<1x10000xi32, #tpu.memory_space<hbm>>
            %dma_start3A_282 = tpu.memref_squeeze %dma_start3A_281 : memref<1x10000xi32, #tpu.memory_space<hbm>> -> memref<10000xi32, #tpu.memory_space<hbm>>
            %dma_start3A_283 = arith.constant 0 : i32
            %dma_start3A_284 = arith.constant 0 : i32
            %dma_start3A_285 = tpu.memref_slice %arg3[%arg1, %dma_start3A_283, %dma_start3A_284] : memref<16x2x10000xi32, #tpu.memory_space<hbm>> -> memref<1x2x10000xi32, #tpu.memory_space<hbm>>
            %dma_start3A_286 = tpu.memref_squeeze %dma_start3A_285 : memref<1x2x10000xi32, #tpu.memory_space<hbm>> -> memref<2x10000xi32, #tpu.memory_space<hbm>>
            %dma_start3A_287 = arith.constant 0 : i32
            %dma_start3A_288 = tpu.memref_slice %dma_start3A_286[%add3A_260, %dma_start3A_287] : memref<2x10000xi32, #tpu.memory_space<hbm>> -> memref<1x10000xi32, #tpu.memory_space<hbm>>
            %dma_start3A_289 = tpu.memref_squeeze %dma_start3A_288 : memref<1x10000xi32, #tpu.memory_space<hbm>> -> memref<10000xi32, #tpu.memory_space<hbm>>
            tpu.enqueue_dma source(%dma_start3A_289 : memref<10000xi32, #tpu.memory_space<hbm>>) target(%run_scoped3A_0 : memref<10000xi32, #tpu.memory_space<vmem>>) target_semaphore(%run_scoped3A_276 : memref<!tpu.dma_semaphore, #tpu.memory_space<semaphore_mem>>)
            %dma_wait3A = arith.constant 0 : i32
            %dma_wait3A_290 = arith.constant 0 : i32
            %dma_wait3A_291 = tpu.memref_slice %arg3[%arg1, %dma_wait3A, %dma_wait3A_290] : memref<16x2x10000xi32, #tpu.memory_space<hbm>> -> memref<1x2x10000xi32, #tpu.memory_space<hbm>>
            %dma_wait3A_292 = tpu.memref_squeeze %dma_wait3A_291 : memref<1x2x10000xi32, #tpu.memory_space<hbm>> -> memref<2x10000xi32, #tpu.memory_space<hbm>>
            %dma_wait3A_293 = arith.constant 0 : i32
            %dma_wait3A_294 = tpu.memref_slice %dma_wait3A_292[%add3A_260, %dma_wait3A_293] : memref<2x10000xi32, #tpu.memory_space<hbm>> -> memref<1x10000xi32, #tpu.memory_space<hbm>>
            %dma_wait3A_295 = tpu.memref_squeeze %dma_wait3A_294 : memref<1x10000xi32, #tpu.memory_space<hbm>> -> memref<10000xi32, #tpu.memory_space<hbm>>
            %dma_wait3A_296 = arith.constant 0 : i32
            %dma_wait3A_297 = arith.constant 0 : i32
            %dma_wait3A_298 = tpu.memref_slice %arg3[%arg1, %dma_wait3A_296, %dma_wait3A_297] : memref<16x2x10000xi32, #tpu.memory_space<hbm>> -> memref<1x2x10000xi32, #tpu.memory_space<hbm>>
            %dma_wait3A_299 = tpu.memref_squeeze %dma_wait3A_298 : memref<1x2x10000xi32, #tpu.memory_space<hbm>> -> memref<2x10000xi32, #tpu.memory_space<hbm>>
            %dma_wait3A_300 = arith.constant 0 : i32
            %dma_wait3A_301 = tpu.memref_slice %dma_wait3A_299[%add3A_260, %dma_wait3A_300] : memref<2x10000xi32, #tpu.memory_space<hbm>> -> memref<1x10000xi32, #tpu.memory_space<hbm>>
            %dma_wait3A_302 = tpu.memref_squeeze %dma_wait3A_301 : memref<1x10000xi32, #tpu.memory_space<hbm>> -> memref<10000xi32, #tpu.memory_space<hbm>>
            tpu.wait_dma2 semaphore(%run_scoped3A_276 : memref<!tpu.dma_semaphore, #tpu.memory_space<semaphore_mem>>) src(%dma_wait3A_302 : memref<10000xi32, #tpu.memory_space<hbm>>) dst(%run_scoped3A_0 : memref<10000xi32, #tpu.memory_space<vmem>>)
            tpu.yield
          }) : () -> ()
          %scan3A_261 = arith.constant 0 : i32
          %scan3A_262 = arith.constant 625 : i32
          %scan3A_263 = arith.addi %scan3A_261, %scan3A_262 : i32
          %scan3A_264 = arith.constant 1 : i32
          scf.for %scan3A_276 = %scan3A_261 to %scan3A_263 step %scan3A_264  : i32 {
            %mul3A_277 = arith.constant 1 : i32
            %mul3A_278 = arith.muli %scan3A_276, %mul3A_277 : i32
            %add3A_279 = arith.constant 0 : i32
            %add3A_280 = arith.addi %add3A_279, %mul3A_278 : i32
            %mul3A_281 = arith.constant 16 : i32
            %mul3A_282 = arith.muli %add3A_280, %mul3A_281 : i32
            %get3A = arith.index_cast %mul3A_282 : i32 to index
            %get3A_283 = tpu.vector_load %run_scoped3A[%get3A] {strides = array<i32>} : memref<10000xi32, #tpu.memory_space<vmem>>, vector<16xi32>,
            %mul3A_284 = arith.constant 16 : i32
            %mul3A_285 = arith.muli %add3A_280, %mul3A_284 : i32
            %get3A_286 = arith.index_cast %mul3A_285 : i32 to index
            %get3A_287 = tpu.vector_load %run_scoped3A_0[%get3A_286] {strides = array<i32>} : memref<10000xi32, #tpu.memory_space<vmem>>, vector<16xi32>,
            %gather3A_288 = tpu.vector_load_idx %run_scoped3A_3[%get3A_283] : memref<10000xf32, #tpu.memory_space<vmem>>[vector<16xi32>], vector<16xf32>,
            %gather3A_289 = tpu.vector_load_idx %run_scoped3A_4[%get3A_287] : memref<10000xf32, #tpu.memory_space<vmem>>[vector<16xi32>], vector<16xf32>,
            %add3A_290 = arith.addf %gather3A_288, %gather3A_289 : vector<16xf32>
            %mul3A_291 = arith.constant 0.00999999977 : f32
            %mul3A_292 = vector.broadcast %mul3A_291 : f32 to vector<16xf32>
            %mul3A_293 = arith.mulf %mul3A_292, %add3A_290 : vector<16xf32>
            %max3A_294 = arith.maximumf %add3A_290, %mul3A_293 : vector<16xf32>
            %sub3A_295 = arith.subf %max3A_294, %max3A_242 : vector<16xf32>
            %exp3A = math.exp %sub3A_295 : vector<16xf32>
            %mul3A_296 = arith.constant 16 : i32
            %mul3A_297 = arith.muli %add3A_280, %mul3A_296 : i32
            %swap3A_298 = arith.index_cast %mul3A_297 : i32 to index
            %swap3A_299 = tpu.vector_load %run_scoped3A_1[%swap3A_298] {strides = array<i32>} : memref<10016xf32, #tpu.memory_space<vmem>>, vector<16xf32>,
            tpu.vector_store %run_scoped3A_1[%swap3A_298], %exp3A {strides = array<i32>} : memref<10016xf32, #tpu.memory_space<vmem>>, vector<16xf32>,
          }
          %scan3A_265 = arith.constant 625 : i32
          %scan3A_266 = arith.constant 0 : i32
          %scan3A_267 = arith.constant 125 : i32
          %scan3A_268 = arith.addi %scan3A_266, %scan3A_267 : i32
          %scan3A_269 = arith.constant 1 : i32
          scf.for %scan3A_276 = %scan3A_266 to %scan3A_268 step %scan3A_269  : i32 {
            %mul3A_277 = arith.constant 1 : i32
            %mul3A_278 = arith.muli %scan3A_276, %mul3A_277 : i32
            %add3A_279 = arith.constant 0 : i32
            %add3A_280 = arith.addi %add3A_279, %mul3A_278 : i32
            %mul3A_281 = arith.constant 80 : i32
            %mul3A_282 = arith.muli %add3A_280, %mul3A_281 : i32
            %mul3A_283 = arith.constant 80 : i32
            %mul3A_284 = arith.muli %add3A_280, %mul3A_283 : i32
            %dma_start3A = tpu.memref_slice %run_scoped3A_1[%mul3A_282] : memref<10016xf32, #tpu.memory_space<vmem>> -> memref<80xf32, #tpu.memory_space<vmem>>
            %dma_start3A_285 = tpu.memref_slice %run_scoped3A_0[%mul3A_284] : memref<10000xi32, #tpu.memory_space<vmem>> -> memref<80xi32, #tpu.memory_space<vmem>>
            %dma_start3A_286 = arith.constant 0 : i32
            %dma_start3A_287 = tpu.memref_slice %arg9[%dma_start3A_286] : memref<10240xf32, #tpu.memory_space<vmem_shared>> -> memref<10240xf32, #tpu.memory_space<vmem_shared>>
            tpu.enqueue_indirect_dma source(%dma_start3A : memref<80xf32, #tpu.memory_space<vmem>>) target(%dma_start3A_287 : memref<10240xf32, #tpu.memory_space<vmem_shared>>) offsets(%dma_start3A_285 : memref<80xi32, #tpu.memory_space<vmem>>) semaphore(%run_scoped3A_2 : memref<!tpu.dma_semaphore, #tpu.memory_space<semaphore_mem>>) {add = true}
          }
          %scan3A_270 = arith.constant 125 : i32
          %scan3A_271 = arith.constant 0 : i32
          %scan3A_272 = arith.constant 125 : i32
          %scan3A_273 = arith.addi %scan3A_271, %scan3A_272 : i32
          %scan3A_274 = arith.constant 1 : i32
          scf.for %scan3A_276 = %scan3A_271 to %scan3A_273 step %scan3A_274  : i32 {
            %mul3A_277 = arith.constant 1 : i32
            %mul3A_278 = arith.muli %scan3A_276, %mul3A_277 : i32
            %add3A_279 = arith.constant 0 : i32
            %add3A_280 = arith.addi %add3A_279, %mul3A_278 : i32
            %dma_wait3A = arith.constant 0 : i32
            %dma_wait3A_281 = tpu.memref_slice %run_scoped3A_1[%dma_wait3A] : memref<10016xf32, #tpu.memory_space<vmem>> -> memref<80xf32, #tpu.memory_space<vmem>>
            %dma_wait3A_282 = arith.constant 0 : i32
            %dma_wait3A_283 = tpu.memref_slice %run_scoped3A_0[%dma_wait3A_282] : memref<10000xi32, #tpu.memory_space<vmem>> -> memref<80xi32, #tpu.memory_space<vmem>>
            %dma_wait3A_284 = arith.constant 0 : i32
            %dma_wait3A_285 = tpu.memref_slice %arg9[%dma_wait3A_284] : memref<10240xf32, #tpu.memory_space<vmem_shared>> -> memref<10240xf32, #tpu.memory_space<vmem_shared>>
            tpu.wait_indirect_dma semaphore(%run_scoped3A_2 : memref<!tpu.dma_semaphore, #tpu.memory_space<semaphore_mem>>) src(%dma_wait3A_281 : memref<80xf32, #tpu.memory_space<vmem>>) dst(%dma_wait3A_285 : memref<10240xf32, #tpu.memory_space<vmem_shared>>)
          }
          %scan3A_275 = arith.constant 125 : i32
        }
        %scan3A_247 = arith.constant 2 : i32
        %barrier3A_248 = arith.constant 0 : index
        tpu.barrier barrier_id(%barrier3A_248)
        tpu.yield
      }) : () -> ()
      "tpu.trace_stop"() : () -> ()
      "tpu.trace_start"() <{level = 10 : i32, message = "p2_alpha"}> : () -> ()
      "tpu.region"() ({
        %run_scoped3A_3 = memref.alloca() : memref<10000xf32, #tpu.memory_space<vmem>>
        "tpu.region"() ({
          %run_scoped3A_13 = tpu.sem_alloc : memref<!tpu.dma_semaphore, #tpu.memory_space<semaphore_mem>>
          %dma_start3A = arith.constant 0 : i32
          %dma_start3A_14 = tpu.memref_slice %arg9[%dma_start3A] : memref<10240xf32, #tpu.memory_space<vmem_shared>> -> memref<10000xf32, #tpu.memory_space<vmem_shared>>
          %dma_start3A_15 = arith.constant 0 : i32
          %dma_start3A_16 = tpu.memref_slice %arg9[%dma_start3A_15] : memref<10240xf32, #tpu.memory_space<vmem_shared>> -> memref<10000xf32, #tpu.memory_space<vmem_shared>>
          tpu.enqueue_dma source(%dma_start3A_16 : memref<10000xf32, #tpu.memory_space<vmem_shared>>) target(%run_scoped3A_3 : memref<10000xf32, #tpu.memory_space<vmem>>) target_semaphore(%run_scoped3A_13 : memref<!tpu.dma_semaphore, #tpu.memory_space<semaphore_mem>>)
          %dma_wait3A = arith.constant 0 : i32
          %dma_wait3A_17 = tpu.memref_slice %arg9[%dma_wait3A] : memref<10240xf32, #tpu.memory_space<vmem_shared>> -> memref<10000xf32, #tpu.memory_space<vmem_shared>>
          %dma_wait3A_18 = arith.constant 0 : i32
          %dma_wait3A_19 = tpu.memref_slice %arg9[%dma_wait3A_18] : memref<10240xf32, #tpu.memory_space<vmem_shared>> -> memref<10000xf32, #tpu.memory_space<vmem_shared>>
          tpu.wait_dma2 semaphore(%run_scoped3A_13 : memref<!tpu.dma_semaphore, #tpu.memory_space<semaphore_mem>>) src(%dma_wait3A_19 : memref<10000xf32, #tpu.memory_space<vmem_shared>>) dst(%run_scoped3A_3 : memref<10000xf32, #tpu.memory_space<vmem>>)
          tpu.yield
        }) : () -> ()
        %scan3A = arith.constant 0 : i32
        %scan3A_4 = arith.constant 625 : i32
        %scan3A_5 = arith.addi %scan3A, %scan3A_4 : i32
        %scan3A_6 = arith.constant 1 : i32
        scf.for %scan3A_13 = %scan3A to %scan3A_5 step %scan3A_6  : i32 {
          %mul3A = arith.constant 1 : i32
          %mul3A_14 = arith.muli %scan3A_13, %mul3A : i32
          %add3A = arith.constant 0 : i32
          %add3A_15 = arith.addi %add3A, %mul3A_14 : i32
          %mul3A_16 = arith.constant 16 : i32
          %mul3A_17 = arith.muli %add3A_15, %mul3A_16 : i32
          %get3A = arith.index_cast %mul3A_17 : i32 to index
          %get3A_18 = tpu.vector_load %run_scoped3A_3[%get3A] {strides = array<i32>} : memref<10000xf32, #tpu.memory_space<vmem>>, vector<16xf32>,
          %eq3A = arith.constant 0.000000e+00 : f32
          %eq3A_19 = vector.broadcast %eq3A : f32 to vector<16xf32>
          %eq3A_20 = arith.cmpf oeq, %get3A_18, %eq3A_19 : vector<16xf32>
          %div3A = arith.constant 1.000000e+00 : f32
          %div3A_21 = vector.broadcast %div3A : f32 to vector<16xf32>
          %div3A_22 = arith.divf %div3A_21, %get3A_18 : vector<16xf32>
          %jit3A = arith.constant 1.000000e+00 : f32
          %broadcast_in_dim3A = vector.broadcast %jit3A : f32 to vector<16xf32>
          %select_n3A = arith.select %eq3A_20, %broadcast_in_dim3A, %div3A_22 : vector<16xi1>, vector<16xf32>
          %mul3A_23 = arith.constant 16 : i32
          %mul3A_24 = arith.muli %add3A_15, %mul3A_23 : i32
          %swap3A = arith.index_cast %mul3A_24 : i32 to index
          %swap3A_25 = tpu.vector_load %run_scoped3A_3[%swap3A] {strides = array<i32>} : memref<10000xf32, #tpu.memory_space<vmem>>, vector<16xf32>,
          tpu.vector_store %run_scoped3A_3[%swap3A], %select_n3A {strides = array<i32>} : memref<10000xf32, #tpu.memory_space<vmem>>, vector<16xf32>,
        }
        %scan3A_7 = arith.constant 625 : i32
        %scan3A_8 = arith.constant 0 : i32
        %scan3A_9 = arith.constant 625 : i32
        %scan3A_10 = arith.addi %scan3A_8, %scan3A_9 : i32
        %scan3A_11 = arith.constant 1 : i32
        scf.for %scan3A_13 = %scan3A_8 to %scan3A_10 step %scan3A_11  : i32 {
          %mul3A = arith.constant 1 : i32
          %mul3A_14 = arith.muli %scan3A_13, %mul3A : i32
          %add3A = arith.constant 0 : i32
          %add3A_15 = arith.addi %add3A, %mul3A_14 : i32
          %mul3A_16 = arith.constant 16 : i32
          %mul3A_17 = arith.muli %add3A_15, %mul3A_16 : i32
          %get3A = arith.index_cast %mul3A_17 : i32 to index
          %get3A_18 = tpu.vector_load %run_scoped3A_0[%get3A] {strides = array<i32>} : memref<10000xi32, #tpu.memory_space<vmem>>, vector<16xi32>,
          %gather3A = tpu.vector_load_idx %run_scoped3A_3[%get3A_18] : memref<10000xf32, #tpu.memory_space<vmem>>[vector<16xi32>], vector<16xf32>,
          %mul3A_19 = arith.constant 16 : i32
          %mul3A_20 = arith.muli %add3A_15, %mul3A_19 : i32
          %get3A_21 = arith.index_cast %mul3A_20 : i32 to index
          %get3A_22 = tpu.vector_load %run_scoped3A_1[%get3A_21] {strides = array<i32>} : memref<10016xf32, #tpu.memory_space<vmem>>, vector<16xf32>,
          %mul3A_23 = arith.mulf %get3A_22, %gather3A : vector<16xf32>
          %mul3A_24 = arith.constant 16 : i32
          %mul3A_25 = arith.muli %add3A_15, %mul3A_24 : i32
          %swap3A = arith.index_cast %mul3A_25 : i32 to index
          %swap3A_26 = tpu.vector_load %run_scoped3A_1[%swap3A] {strides = array<i32>} : memref<10016xf32, #tpu.memory_space<vmem>>, vector<16xf32>,
          tpu.vector_store %run_scoped3A_1[%swap3A], %mul3A_23 {strides = array<i32>} : memref<10016xf32, #tpu.memory_space<vmem>>, vector<16xf32>,
        }
        %scan3A_12 = arith.constant 625 : i32
        tpu.yield
      }) : () -> ()
      "tpu.trace_stop"() : () -> ()
      "tpu.trace_start"() <{level = 10 : i32, message = "p2_main"}> : () -> ()
      "tpu.region"() ({
        %run_scoped3A_3 = memref.alloca() : memref<40x128xbf16, #tpu.memory_space<vmem>>
        %run_scoped3A_4 = memref.alloca() : memref<40x128xbf16, #tpu.memory_space<vmem>>
        %run_scoped3A_5 = memref.alloca() : memref<40x128xf32, #tpu.memory_space<vmem>>
        %run_scoped3A_6 = memref.alloca() : memref<40x128xf32, #tpu.memory_space<vmem>>
        %run_scoped3A_7 = tpu.sem_alloc : memref<!tpu.dma_semaphore, #tpu.memory_space<semaphore_mem>>
        %run_scoped3A_8 = tpu.sem_alloc : memref<!tpu.dma_semaphore, #tpu.memory_space<semaphore_mem>>
        %run_scoped3A_9 = tpu.sem_alloc : memref<!tpu.dma_semaphore, #tpu.memory_space<semaphore_mem>>
        %run_scoped3A_10 = tpu.sem_alloc : memref<!tpu.dma_semaphore, #tpu.memory_space<semaphore_mem>>
        %scan3A = arith.constant 0 : i32
        %scan3A_11 = arith.constant 40 : i32
        %scan3A_12 = arith.addi %scan3A, %scan3A_11 : i32
        %scan3A_13 = arith.constant 1 : i32
        scf.for %scan3A_75 = %scan3A to %scan3A_12 step %scan3A_13  : i32 {
          %mul3A = arith.constant 1 : i32
          %mul3A_76 = arith.muli %scan3A_75, %mul3A : i32
          %add3A_77 = arith.constant 0 : i32
          %add3A_78 = arith.addi %add3A_77, %mul3A_76 : i32
          %broadcast_in_dim3A = arith.constant 0.000000e+00 : f32
          %broadcast_in_dim3A_79 = vector.broadcast %broadcast_in_dim3A : f32 to vector<16xf32>
          %swap3A = arith.index_cast %add3A_78 : i32 to index
          %swap3A_80 = arith.constant 0 : index
          %swap3A_81 = tpu.vector_load %run_scoped3A_5[%swap3A, %swap3A_80] {strides = array<i32>} : memref<40x128xf32, #tpu.memory_space<vmem>>, vector<16xf32>,
          tpu.vector_store %run_scoped3A_5[%swap3A, %swap3A_80], %broadcast_in_dim3A_79 {strides = array<i32>} : memref<40x128xf32, #tpu.memory_space<vmem>>, vector<16xf32>,
          %broadcast_in_dim3A_82 = arith.constant 0.000000e+00 : f32
          %broadcast_in_dim3A_83 = vector.broadcast %broadcast_in_dim3A_82 : f32 to vector<16xf32>
          %swap3A_84 = arith.index_cast %add3A_78 : i32 to index
          %swap3A_85 = arith.constant 16 : index
          %swap3A_86 = tpu.vector_load %run_scoped3A_5[%swap3A_84, %swap3A_85] {strides = array<i32>} : memref<40x128xf32, #tpu.memory_space<vmem>>, vector<16xf32>,
          tpu.vector_store %run_scoped3A_5[%swap3A_84, %swap3A_85], %broadcast_in_dim3A_83 {strides = array<i32>} : memref<40x128xf32, #tpu.memory_space<vmem>>, vector<16xf32>,
          %broadcast_in_dim3A_87 = arith.constant 0.000000e+00 : f32
          %broadcast_in_dim3A_88 = vector.broadcast %broadcast_in_dim3A_87 : f32 to vector<16xf32>
          %swap3A_89 = arith.index_cast %add3A_78 : i32 to index
          %swap3A_90 = arith.constant 32 : index
          %swap3A_91 = tpu.vector_load %run_scoped3A_5[%swap3A_89, %swap3A_90] {strides = array<i32>} : memref<40x128xf32, #tpu.memory_space<vmem>>, vector<16xf32>,
          tpu.vector_store %run_scoped3A_5[%swap3A_89, %swap3A_90], %broadcast_in_dim3A_88 {strides = array<i32>} : memref<40x128xf32, #tpu.memory_space<vmem>>, vector<16xf32>,
          %broadcast_in_dim3A_92 = arith.constant 0.000000e+00 : f32
          %broadcast_in_dim3A_93 = vector.broadcast %broadcast_in_dim3A_92 : f32 to vector<16xf32>
          %swap3A_94 = arith.index_cast %add3A_78 : i32 to index
          %swap3A_95 = arith.constant 48 : index
          %swap3A_96 = tpu.vector_load %run_scoped3A_5[%swap3A_94, %swap3A_95] {strides = array<i32>} : memref<40x128xf32, #tpu.memory_space<vmem>>, vector<16xf32>,
          tpu.vector_store %run_scoped3A_5[%swap3A_94, %swap3A_95], %broadcast_in_dim3A_93 {strides = array<i32>} : memref<40x128xf32, #tpu.memory_space<vmem>>, vector<16xf32>,
          %broadcast_in_dim3A_97 = arith.constant 0.000000e+00 : f32
          %broadcast_in_dim3A_98 = vector.broadcast %broadcast_in_dim3A_97 : f32 to vector<16xf32>
          %swap3A_99 = arith.index_cast %add3A_78 : i32 to index
          %swap3A_100 = arith.constant 64 : index
          %swap3A_101 = tpu.vector_load %run_scoped3A_5[%swap3A_99, %swap3A_100] {strides = array<i32>} : memref<40x128xf32, #tpu.memory_space<vmem>>, vector<16xf32>,
          tpu.vector_store %run_scoped3A_5[%swap3A_99, %swap3A_100], %broadcast_in_dim3A_98 {strides = array<i32>} : memref<40x128xf32, #tpu.memory_space<vmem>>, vector<16xf32>,
          %broadcast_in_dim3A_102 = arith.constant 0.000000e+00 : f32
          %broadcast_in_dim3A_103 = vector.broadcast %broadcast_in_dim3A_102 : f32 to vector<16xf32>
          %swap3A_104 = arith.index_cast %add3A_78 : i32 to index
          %swap3A_105 = arith.constant 80 : index
          %swap3A_106 = tpu.vector_load %run_scoped3A_5[%swap3A_104, %swap3A_105] {strides = array<i32>} : memref<40x128xf32, #tpu.memory_space<vmem>>, vector<16xf32>,
          tpu.vector_store %run_scoped3A_5[%swap3A_104, %swap3A_105], %broadcast_in_dim3A_103 {strides = array<i32>} : memref<40x128xf32, #tpu.memory_space<vmem>>, vector<16xf32>,
          %broadcast_in_dim3A_107 = arith.constant 0.000000e+00 : f32
          %broadcast_in_dim3A_108 = vector.broadcast %broadcast_in_dim3A_107 : f32 to vector<16xf32>
          %swap3A_109 = arith.index_cast %add3A_78 : i32 to index
          %swap3A_110 = arith.constant 96 : index
          %swap3A_111 = tpu.vector_load %run_scoped3A_5[%swap3A_109, %swap3A_110] {strides = array<i32>} : memref<40x128xf32, #tpu.memory_space<vmem>>, vector<16xf32>,
          tpu.vector_store %run_scoped3A_5[%swap3A_109, %swap3A_110], %broadcast_in_dim3A_108 {strides = array<i32>} : memref<40x128xf32, #tpu.memory_space<vmem>>, vector<16xf32>,
          %broadcast_in_dim3A_112 = arith.constant 0.000000e+00 : f32
          %broadcast_in_dim3A_113 = vector.broadcast %broadcast_in_dim3A_112 : f32 to vector<16xf32>
          %swap3A_114 = arith.index_cast %add3A_78 : i32 to index
          %swap3A_115 = arith.constant 112 : index
          %swap3A_116 = tpu.vector_load %run_scoped3A_5[%swap3A_114, %swap3A_115] {strides = array<i32>} : memref<40x128xf32, #tpu.memory_space<vmem>>, vector<16xf32>,
          tpu.vector_store %run_scoped3A_5[%swap3A_114, %swap3A_115], %broadcast_in_dim3A_113 {strides = array<i32>} : memref<40x128xf32, #tpu.memory_space<vmem>>, vector<16xf32>,
        }
        %scan3A_14 = arith.constant 40 : i32
        %eq3A = arith.constant 15 : i32
        %eq3A_15 = arith.cmpi eq, %arg1, %eq3A : i32
        %jit3A = arith.constant 10 : i32
        %jit3A_16 = arith.constant 16 : i32
        %select_n3A = arith.select %eq3A_15, %jit3A, %jit3A_16 : i32
        %sub3A = arith.constant 0 : i32
        %sub3A_17 = arith.subi %select_n3A, %sub3A : i32
        %sub3A_18 = arith.constant 1 : i32
        %sub3A_19 = arith.constant 1 : i32
        %sub3A_20 = arith.subi %sub3A_18, %sub3A_19 : i32
        %add3A = arith.addi %sub3A_17, %sub3A_20 : i32
        %div3A = arith.constant 1 : i32
        %div3A_21 = arith.divsi %add3A, %div3A : i32
        %while3A = arith.constant 1 : i32
        %while3A_22 = arith.constant 0 : i32
        %while3A_23 = arith.constant 0 : i32
        %while3A_24 = arith.subi %div3A_21, %while3A_23 : i32
        %while3A_25 = arith.addi %while3A_23, %while3A_24 : i32
        %while3A_26 = arith.constant 1 : i32
        %while3A_27 = arith.divsi %while3A_24, %while3A_26 : i32
        %while3A_28 = arith.muli %while3A_27, %while3A_26 : i32
        %while3A_29 = arith.addi %while3A_23, %while3A_28 : i32
        %while3A_30 = arith.constant 1 : i32
        scf.for %while3A_75 = %while3A_23 to %while3A_29 step %while3A_30  : i32 {
          %mul3A = arith.muli %while3A_75, %while3A : i32
          %add3A_76 = arith.addi %while3A_22, %mul3A : i32
          %mul3A_77 = arith.constant 640 : i32
          %mul3A_78 = arith.muli %arg1, %mul3A_77 : i32
          %mul3A_79 = arith.constant 40 : i32
          %mul3A_80 = arith.muli %add3A_76, %mul3A_79 : i32
          %add3A_81 = arith.addi %mul3A_78, %mul3A_80 : i32
          "tpu.region"() ({
            %run_scoped3A_82 = tpu.sem_alloc : memref<!tpu.dma_semaphore, #tpu.memory_space<semaphore_mem>>
            %dma_start3A_83 = arith.constant 0 : i32
            %dma_start3A_84 = tpu.memref_slice %arg8[%add3A_81, %dma_start3A_83] : memref<10000x128xf32, #tpu.memory_space<vmem_shared>> -> memref<40x128xf32, #tpu.memory_space<vmem_shared>>
            %dma_start3A_85 = arith.constant 0 : i32
            %dma_start3A_86 = tpu.memref_slice %arg8[%add3A_81, %dma_start3A_85] : memref<10000x128xf32, #tpu.memory_space<vmem_shared>> -> memref<40x128xf32, #tpu.memory_space<vmem_shared>>
            tpu.enqueue_dma source(%run_scoped3A_5 : memref<40x128xf32, #tpu.memory_space<vmem>>) target(%dma_start3A_86 : memref<40x128xf32, #tpu.memory_space<vmem_shared>>) target_semaphore(%run_scoped3A_82 : memref<!tpu.dma_semaphore, #tpu.memory_space<semaphore_mem>>)
            %dma_wait3A_87 = arith.constant 0 : i32
            %dma_wait3A_88 = tpu.memref_slice %arg8[%add3A_81, %dma_wait3A_87] : memref<10000x128xf32, #tpu.memory_space<vmem_shared>> -> memref<40x128xf32, #tpu.memory_space<vmem_shared>>
            %dma_wait3A_89 = arith.constant 0 : i32
            %dma_wait3A_90 = tpu.memref_slice %arg8[%add3A_81, %dma_wait3A_89] : memref<10000x128xf32, #tpu.memory_space<vmem_shared>> -> memref<40x128xf32, #tpu.memory_space<vmem_shared>>
            tpu.wait_dma2 semaphore(%run_scoped3A_82 : memref<!tpu.dma_semaphore, #tpu.memory_space<semaphore_mem>>) src(%run_scoped3A_5 : memref<40x128xf32, #tpu.memory_space<vmem>>) dst(%dma_wait3A_90 : memref<40x128xf32, #tpu.memory_space<vmem_shared>>)
            tpu.yield
          }) : () -> ()
        }
        %while3A_31 = arith.constant 1 : i32
        scf.for %while3A_75 = %while3A_29 to %while3A_25 step %while3A_31  : i32 {
          %mul3A = arith.muli %while3A_75, %while3A : i32
          %add3A_76 = arith.addi %while3A_22, %mul3A : i32
          %mul3A_77 = arith.constant 640 : i32
          %mul3A_78 = arith.muli %arg1, %mul3A_77 : i32
          %mul3A_79 = arith.constant 40 : i32
          %mul3A_80 = arith.muli %add3A_76, %mul3A_79 : i32
          %add3A_81 = arith.addi %mul3A_78, %mul3A_80 : i32
          "tpu.region"() ({
            %run_scoped3A_82 = tpu.sem_alloc : memref<!tpu.dma_semaphore, #tpu.memory_space<semaphore_mem>>
            %dma_start3A_83 = arith.constant 0 : i32
            %dma_start3A_84 = tpu.memref_slice %arg8[%add3A_81, %dma_start3A_83] : memref<10000x128xf32, #tpu.memory_space<vmem_shared>> -> memref<40x128xf32, #tpu.memory_space<vmem_shared>>
            %dma_start3A_85 = arith.constant 0 : i32
            %dma_start3A_86 = tpu.memref_slice %arg8[%add3A_81, %dma_start3A_85] : memref<10000x128xf32, #tpu.memory_space<vmem_shared>> -> memref<40x128xf32, #tpu.memory_space<vmem_shared>>
            tpu.enqueue_dma source(%run_scoped3A_5 : memref<40x128xf32, #tpu.memory_space<vmem>>) target(%dma_start3A_86 : memref<40x128xf32, #tpu.memory_space<vmem_shared>>) target_semaphore(%run_scoped3A_82 : memref<!tpu.dma_semaphore, #tpu.memory_space<semaphore_mem>>)
            %dma_wait3A_87 = arith.constant 0 : i32
            %dma_wait3A_88 = tpu.memref_slice %arg8[%add3A_81, %dma_wait3A_87] : memref<10000x128xf32, #tpu.memory_space<vmem_shared>> -> memref<40x128xf32, #tpu.memory_space<vmem_shared>>
            %dma_wait3A_89 = arith.constant 0 : i32
            %dma_wait3A_90 = tpu.memref_slice %arg8[%add3A_81, %dma_wait3A_89] : memref<10000x128xf32, #tpu.memory_space<vmem_shared>> -> memref<40x128xf32, #tpu.memory_space<vmem_shared>>
            tpu.wait_dma2 semaphore(%run_scoped3A_82 : memref<!tpu.dma_semaphore, #tpu.memory_space<semaphore_mem>>) src(%run_scoped3A_5 : memref<40x128xf32, #tpu.memory_space<vmem>>) dst(%dma_wait3A_90 : memref<40x128xf32, #tpu.memory_space<vmem_shared>>)
            tpu.yield
          }) : () -> ()
        }
        %barrier3A = arith.constant 0 : index
        tpu.barrier barrier_id(%barrier3A)
        %dma_start3A = arith.constant 0 : i32
        %dma_start3A_32 = tpu.memref_slice %run_scoped3A[%dma_start3A] : memref<10000xi32, #tpu.memory_space<vmem>> -> memref<40xi32, #tpu.memory_space<vmem>>
        %dma_start3A_33 = arith.constant 0 : i32
        %dma_start3A_34 = arith.constant 0 : i32
        %dma_start3A_35 = tpu.memref_slice %arg6[%dma_start3A_33, %dma_start3A_34] : memref<10000x128xbf16, #tpu.memory_space<hbm>> -> memref<10000x128xbf16, #tpu.memory_space<hbm>>
        tpu.enqueue_indirect_dma source(%dma_start3A_35 : memref<10000x128xbf16, #tpu.memory_space<hbm>>) target(%run_scoped3A_3 : memref<40x128xbf16, #tpu.memory_space<vmem>>) offsets(%dma_start3A_32 : memref<40xi32, #tpu.memory_space<vmem>>) semaphore(%run_scoped3A_7 : memref<!tpu.dma_semaphore, #tpu.memory_space<semaphore_mem>>)
        %scan3A_36 = arith.constant 0 : i32
        %scan3A_37 = arith.constant 125 : i32
        %scan3A_38 = arith.addi %scan3A_36, %scan3A_37 : i32
        %scan3A_39 = arith.constant 1 : i32
        scf.for %scan3A_75 = %scan3A_36 to %scan3A_38 step %scan3A_39  : i32 {
          %mul3A = arith.constant 1 : i32
          %mul3A_76 = arith.muli %scan3A_75, %mul3A : i32
          %add3A_77 = arith.constant 0 : i32
          %add3A_78 = arith.addi %add3A_77, %mul3A_76 : i32
          %mul3A_79 = arith.constant 2 : i32
          %mul3A_80 = arith.muli %mul3A_79, %add3A_78 : i32
          %mul3A_81 = arith.constant 40 : i32
          %mul3A_82 = arith.muli %mul3A_80, %mul3A_81 : i32
          %dma_wait3A_83 = tpu.memref_slice %run_scoped3A[%mul3A_82] : memref<10000xi32, #tpu.memory_space<vmem>> -> memref<40xi32, #tpu.memory_space<vmem>>
          %dma_wait3A_84 = arith.constant 0 : i32
          %dma_wait3A_85 = arith.constant 0 : i32
          %dma_wait3A_86 = tpu.memref_slice %arg6[%dma_wait3A_84, %dma_wait3A_85] : memref<10000x128xbf16, #tpu.memory_space<hbm>> -> memref<10000x128xbf16, #tpu.memory_space<hbm>>
          tpu.wait_indirect_dma semaphore(%run_scoped3A_7 : memref<!tpu.dma_semaphore, #tpu.memory_space<semaphore_mem>>) src(%dma_wait3A_86 : memref<10000x128xbf16, #tpu.memory_space<hbm>>) dst(%run_scoped3A_3 : memref<40x128xbf16, #tpu.memory_space<vmem>>)
          %add3A_87 = arith.constant 1 : i32
          %add3A_88 = arith.addi %mul3A_80, %add3A_87 : i32
          %lt3A = arith.constant 250 : i32
          %lt3A_89 = arith.cmpi slt, %add3A_88, %lt3A : i32
          %convert_element_type3A = arith.extui %lt3A_89 : i1 to i32
          %cond3A = arith.constant 0 : i32
          %cond3A_90 = arith.cmpi ne, %convert_element_type3A, %cond3A : i32
          scf.if %cond3A_90 {
            %add3A_139 = arith.constant 1 : i32
            %add3A_140 = arith.addi %mul3A_80, %add3A_139 : i32
            %mul3A_141 = arith.constant 40 : i32
            %mul3A_142 = arith.muli %add3A_140, %mul3A_141 : i32
            %dma_start3A_143 = tpu.memref_slice %run_scoped3A[%mul3A_142] : memref<10000xi32, #tpu.memory_space<vmem>> -> memref<40xi32, #tpu.memory_space<vmem>>
            %dma_start3A_144 = arith.constant 0 : i32
            %dma_start3A_145 = arith.constant 0 : i32
            %dma_start3A_146 = tpu.memref_slice %arg6[%dma_start3A_144, %dma_start3A_145] : memref<10000x128xbf16, #tpu.memory_space<hbm>> -> memref<10000x128xbf16, #tpu.memory_space<hbm>>
            tpu.enqueue_indirect_dma source(%dma_start3A_146 : memref<10000x128xbf16, #tpu.memory_space<hbm>>) target(%run_scoped3A_4 : memref<40x128xbf16, #tpu.memory_space<vmem>>) offsets(%dma_start3A_143 : memref<40xi32, #tpu.memory_space<vmem>>) semaphore(%run_scoped3A_8 : memref<!tpu.dma_semaphore, #tpu.memory_space<semaphore_mem>>)
          } else {
          }
          %ge3A = arith.constant 2 : i32
          %ge3A_91 = arith.cmpi sge, %mul3A_80, %ge3A : i32
          %convert_element_type3A_92 = arith.extui %ge3A_91 : i1 to i32
          %cond3A_93 = arith.constant 0 : i32
          %cond3A_94 = arith.cmpi ne, %convert_element_type3A_92, %cond3A_93 : i32
          scf.if %cond3A_94 {
            %sub3A_139 = arith.constant 2 : i32
            %sub3A_140 = arith.subi %mul3A_80, %sub3A_139 : i32
            %mul3A_141 = arith.constant 40 : i32
            %mul3A_142 = arith.muli %sub3A_140, %mul3A_141 : i32
            %dma_wait3A_143 = tpu.memref_slice %run_scoped3A_0[%mul3A_142] : memref<10000xi32, #tpu.memory_space<vmem>> -> memref<40xi32, #tpu.memory_space<vmem>>
            %dma_wait3A_144 = arith.constant 0 : i32
            %dma_wait3A_145 = arith.constant 0 : i32
            %dma_wait3A_146 = tpu.memref_slice %arg8[%dma_wait3A_144, %dma_wait3A_145] : memref<10000x128xf32, #tpu.memory_space<vmem_shared>> -> memref<10000x128xf32, #tpu.memory_space<vmem_shared>>
            tpu.wait_indirect_dma semaphore(%run_scoped3A_9 : memref<!tpu.dma_semaphore, #tpu.memory_space<semaphore_mem>>) src(%run_scoped3A_5 : memref<40x128xf32, #tpu.memory_space<vmem>>) dst(%dma_wait3A_146 : memref<10000x128xf32, #tpu.memory_space<vmem_shared>>)
          } else {
          }
          %scan3A_95 = arith.constant 0 : i32
          %scan3A_96 = arith.constant 5 : i32
          %scan3A_97 = arith.addi %scan3A_95, %scan3A_96 : i32
          %scan3A_98 = arith.constant 1 : i32
          scf.for %scan3A_139 = %scan3A_95 to %scan3A_97 step %scan3A_98  : i32 {
            %mul3A_140 = arith.constant 1 : i32
            %mul3A_141 = arith.muli %scan3A_139, %mul3A_140 : i32
            %add3A_142 = arith.constant 0 : i32
            %add3A_143 = arith.addi %add3A_142, %mul3A_141 : i32
            %mul3A_144 = arith.constant 40 : i32
            %mul3A_145 = arith.muli %mul3A_80, %mul3A_144 : i32
            %mul3A_146 = arith.constant 8 : i32
            %mul3A_147 = arith.muli %add3A_143, %mul3A_146 : i32
            %add3A_148 = arith.addi %mul3A_145, %mul3A_147 : i32
            %get3A = arith.index_cast %add3A_148 : i32 to index
            %get3A_149 = tpu.vector_load %run_scoped3A_1[%get3A] {strides = array<i32>} : memref<10016xf32, #tpu.memory_space<vmem>>, vector<16xf32>,
            %broadcast_in_dim3A = arith.constant 0 : i32
            %broadcast_in_dim3A_150 = vector.broadcast %broadcast_in_dim3A : i32 to vector<16x1xi32>
            %gather3A = vector.shape_cast %broadcast_in_dim3A_150 : vector<16x1xi32> to vector<16xi32>
            %gather3A_151 = tpu.dynamic_gather %get3A_149[%gather3A] in [0] : vector<16xf32>, vector<16xi32> -> vector<16xf32>
            %mul3A_152 = arith.constant 8 : i32
            %mul3A_153 = arith.muli %add3A_143, %mul3A_152 : i32
            %add3A_154 = arith.constant 0 : i32
            %add3A_155 = arith.addi %mul3A_153, %add3A_154 : i32
            %get3A_156 = arith.index_cast %add3A_155 : i32 to index
            %get3A_157 = arith.constant 0 : index
            %get3A_158 = tpu.vector_load %run_scoped3A_3[%get3A_156, %get3A_157] {strides = array<i32>} : memref<40x128xbf16, #tpu.memory_space<vmem>>, vector<32xbf16>,
            %bitcast3A = vector.bitcast %get3A_158 : vector<32xbf16> to vector<16xi32>
            %shift_left3A = arith.constant 16 : i32
            %shift_left3A_159 = vector.broadcast %shift_left3A : i32 to vector<16xi32>
            %shift_left3A_160 = arith.shli %bitcast3A, %shift_left3A_159 : vector<16xi32>
            %bitcast3A_161 = vector.bitcast %shift_left3A_160 : vector<16xi32> to vector<16xf32>
            %and3A = arith.constant -65536 : i32
            %and3A_162 = vector.broadcast %and3A : i32 to vector<16xi32>
            %and3A_163 = arith.andi %bitcast3A, %and3A_162 : vector<16xi32>
            %bitcast3A_164 = vector.bitcast %and3A_163 : vector<16xi32> to vector<16xf32>
            %mul3A_165 = arith.mulf %bitcast3A_161, %gather3A_151 : vector<16xf32>
            %swap3A = arith.index_cast %add3A_155 : i32 to index
            %swap3A_166 = arith.constant 0 : index
            %swap3A_167 = tpu.vector_load %run_scoped3A_5[%swap3A, %swap3A_166] {strides = array<i32>} : memref<40x128xf32, #tpu.memory_space<vmem>>, vector<16xf32>,
            tpu.vector_store %run_scoped3A_5[%swap3A, %swap3A_166], %mul3A_165 {strides = array<i32>} : memref<40x128xf32, #tpu.memory_space<vmem>>, vector<16xf32>,
            %mul3A_168 = arith.mulf %bitcast3A_164, %gather3A_151 : vector<16xf32>
            %swap3A_169 = arith.index_cast %add3A_155 : i32 to index
            %swap3A_170 = arith.constant 16 : index
            %swap3A_171 = tpu.vector_load %run_scoped3A_5[%swap3A_169, %swap3A_170] {strides = array<i32>} : memref<40x128xf32, #tpu.memory_space<vmem>>, vector<16xf32>,
            tpu.vector_store %run_scoped3A_5[%swap3A_169, %swap3A_170], %mul3A_168 {strides = array<i32>} : memref<40x128xf32, #tpu.memory_space<vmem>>, vector<16xf32>,
            %get3A_172 = arith.index_cast %add3A_155 : i32 to index
            %get3A_173 = arith.constant 32 : index
            %get3A_174 = tpu.vector_load %run_scoped3A_3[%get3A_172, %get3A_173] {strides = array<i32>} : memref<40x128xbf16, #tpu.memory_space<vmem>>, vector<32xbf16>,
            %bitcast3A_175 = vector.bitcast %get3A_174 : vector<32xbf16> to vector<16xi32>
            %shift_left3A_176 = arith.constant 16 : i32
            %shift_left3A_177 = vector.broadcast %shift_left3A_176 : i32 to vector<16xi32>
            %shift_left3A_178 = arith.shli %bitcast3A_175, %shift_left3A_177 : vector<16xi32>
            %bitcast3A_179 = vector.bitcast %shift_left3A_178 : vector<16xi32> to vector<16xf32>
            %and3A_180 = arith.constant -65536 : i32
            %and3A_181 = vector.broadcast %and3A_180 : i32 to vector<16xi32>
            %and3A_182 = arith.andi %bitcast3A_175, %and3A_181 : vector<16xi32>
            %bitcast3A_183 = vector.bitcast %and3A_182 : vector<16xi32> to vector<16xf32>
            %mul3A_184 = arith.mulf %bitcast3A_179, %gather3A_151 : vector<16xf32>
            %swap3A_185 = arith.index_cast %add3A_155 : i32 to index
            %swap3A_186 = arith.constant 32 : index
            %swap3A_187 = tpu.vector_load %run_scoped3A_5[%swap3A_185, %swap3A_186] {strides = array<i32>} : memref<40x128xf32, #tpu.memory_space<vmem>>, vector<16xf32>,
            tpu.vector_store %run_scoped3A_5[%swap3A_185, %swap3A_186], %mul3A_184 {strides = array<i32>} : memref<40x128xf32, #tpu.memory_space<vmem>>, vector<16xf32>,
            %mul3A_188 = arith.mulf %bitcast3A_183, %gather3A_151 : vector<16xf32>
            %swap3A_189 = arith.index_cast %add3A_155 : i32 to index
            %swap3A_190 = arith.constant 48 : index
            %swap3A_191 = tpu.vector_load %run_scoped3A_5[%swap3A_189, %swap3A_190] {strides = array<i32>} : memref<40x128xf32, #tpu.memory_space<vmem>>, vector<16xf32>,
            tpu.vector_store %run_scoped3A_5[%swap3A_189, %swap3A_190], %mul3A_188 {strides = array<i32>} : memref<40x128xf32, #tpu.memory_space<vmem>>, vector<16xf32>,
            %get3A_192 = arith.index_cast %add3A_155 : i32 to index
            %get3A_193 = arith.constant 64 : index
            %get3A_194 = tpu.vector_load %run_scoped3A_3[%get3A_192, %get3A_193] {strides = array<i32>} : memref<40x128xbf16, #tpu.memory_space<vmem>>, vector<32xbf16>,
            %bitcast3A_195 = vector.bitcast %get3A_194 : vector<32xbf16> to vector<16xi32>
            %shift_left3A_196 = arith.constant 16 : i32
            %shift_left3A_197 = vector.broadcast %shift_left3A_196 : i32 to vector<16xi32>
            %shift_left3A_198 = arith.shli %bitcast3A_195, %shift_left3A_197 : vector<16xi32>
            %bitcast3A_199 = vector.bitcast %shift_left3A_198 : vector<16xi32> to vector<16xf32>
            %and3A_200 = arith.constant -65536 : i32
            %and3A_201 = vector.broadcast %and3A_200 : i32 to vector<16xi32>
            %and3A_202 = arith.andi %bitcast3A_195, %and3A_201 : vector<16xi32>
            %bitcast3A_203 = vector.bitcast %and3A_202 : vector<16xi32> to vector<16xf32>
            %mul3A_204 = arith.mulf %bitcast3A_199, %gather3A_151 : vector<16xf32>
            %swap3A_205 = arith.index_cast %add3A_155 : i32 to index
            %swap3A_206 = arith.constant 64 : index
            %swap3A_207 = tpu.vector_load %run_scoped3A_5[%swap3A_205, %swap3A_206] {strides = array<i32>} : memref<40x128xf32, #tpu.memory_space<vmem>>, vector<16xf32>,
            tpu.vector_store %run_scoped3A_5[%swap3A_205, %swap3A_206], %mul3A_204 {strides = array<i32>} : memref<40x128xf32, #tpu.memory_space<vmem>>, vector<16xf32>,
            %mul3A_208 = arith.mulf %bitcast3A_203, %gather3A_151 : vector<16xf32>
            %swap3A_209 = arith.index_cast %add3A_155 : i32 to index
            %swap3A_210 = arith.constant 80 : index
            %swap3A_211 = tpu.vector_load %run_scoped3A_5[%swap3A_209, %swap3A_210] {strides = array<i32>} : memref<40x128xf32, #tpu.memory_space<vmem>>, vector<16xf32>,
            tpu.vector_store %run_scoped3A_5[%swap3A_209, %swap3A_210], %mul3A_208 {strides = array<i32>} : memref<40x128xf32, #tpu.memory_space<vmem>>, vector<16xf32>,
            %get3A_212 = arith.index_cast %add3A_155 : i32 to index
            %get3A_213 = arith.constant 96 : index
            %get3A_214 = tpu.vector_load %run_scoped3A_3[%get3A_212, %get3A_213] {strides = array<i32>} : memref<40x128xbf16, #tpu.memory_space<vmem>>, vector<32xbf16>,
            %bitcast3A_215 = vector.bitcast %get3A_214 : vector<32xbf16> to vector<16xi32>
            %shift_left3A_216 = arith.constant 16 : i32
            %shift_left3A_217 = vector.broadcast %shift_left3A_216 : i32 to vector<16xi32>
            %shift_left3A_218 = arith.shli %bitcast3A_215, %shift_left3A_217 : vector<16xi32>
            %bitcast3A_219 = vector.bitcast %shift_left3A_218 : vector<16xi32> to vector<16xf32>
            %and3A_220 = arith.constant -65536 : i32
            %and3A_221 = vector.broadcast %and3A_220 : i32 to vector<16xi32>
            %and3A_222 = arith.andi %bitcast3A_215, %and3A_221 : vector<16xi32>
            %bitcast3A_223 = vector.bitcast %and3A_222 : vector<16xi32> to vector<16xf32>
            %mul3A_224 = arith.mulf %bitcast3A_219, %gather3A_151 : vector<16xf32>
            %swap3A_225 = arith.index_cast %add3A_155 : i32 to index
            %swap3A_226 = arith.constant 96 : index
            %swap3A_227 = tpu.vector_load %run_scoped3A_5[%swap3A_225, %swap3A_226] {strides = array<i32>} : memref<40x128xf32, #tpu.memory_space<vmem>>, vector<16xf32>,
            tpu.vector_store %run_scoped3A_5[%swap3A_225, %swap3A_226], %mul3A_224 {strides = array<i32>} : memref<40x128xf32, #tpu.memory_space<vmem>>, vector<16xf32>,
            %mul3A_228 = arith.mulf %bitcast3A_223, %gather3A_151 : vector<16xf32>
            %swap3A_229 = arith.index_cast %add3A_155 : i32 to index
            %swap3A_230 = arith.constant 112 : index
            %swap3A_231 = tpu.vector_load %run_scoped3A_5[%swap3A_229, %swap3A_230] {strides = array<i32>} : memref<40x128xf32, #tpu.memory_space<vmem>>, vector<16xf32>,
            tpu.vector_store %run_scoped3A_5[%swap3A_229, %swap3A_230], %mul3A_228 {strides = array<i32>} : memref<40x128xf32, #tpu.memory_space<vmem>>, vector<16xf32>,
            %broadcast_in_dim3A_232 = arith.constant 1 : i32
            %broadcast_in_dim3A_233 = vector.broadcast %broadcast_in_dim3A_232 : i32 to vector<16x1xi32>
            %gather3A_234 = vector.shape_cast %broadcast_in_dim3A_233 : vector<16x1xi32> to vector<16xi32>
            %gather3A_235 = tpu.dynamic_gather %get3A_149[%gather3A_234] in [0] : vector<16xf32>, vector<16xi32> -> vector<16xf32>
            %mul3A_236 = arith.constant 8 : i32
            %mul3A_237 = arith.muli %add3A_143, %mul3A_236 : i32
            %add3A_238 = arith.constant 1 : i32
            %add3A_239 = arith.addi %mul3A_237, %add3A_238 : i32
            %get3A_240 = arith.index_cast %add3A_239 : i32 to index
            %get3A_241 = arith.constant 0 : index
            %get3A_242 = tpu.vector_load %run_scoped3A_3[%get3A_240, %get3A_241] {strides = array<i32>} : memref<40x128xbf16, #tpu.memory_space<vmem>>, vector<32xbf16>,
            %bitcast3A_243 = vector.bitcast %get3A_242 : vector<32xbf16> to vector<16xi32>
            %shift_left3A_244 = arith.constant 16 : i32
            %shift_left3A_245 = vector.broadcast %shift_left3A_244 : i32 to vector<16xi32>
            %shift_left3A_246 = arith.shli %bitcast3A_243, %shift_left3A_245 : vector<16xi32>
            %bitcast3A_247 = vector.bitcast %shift_left3A_246 : vector<16xi32> to vector<16xf32>
            %and3A_248 = arith.constant -65536 : i32
            %and3A_249 = vector.broadcast %and3A_248 : i32 to vector<16xi32>
            %and3A_250 = arith.andi %bitcast3A_243, %and3A_249 : vector<16xi32>
            %bitcast3A_251 = vector.bitcast %and3A_250 : vector<16xi32> to vector<16xf32>
            %mul3A_252 = arith.mulf %bitcast3A_247, %gather3A_235 : vector<16xf32>
            %swap3A_253 = arith.index_cast %add3A_239 : i32 to index
            %swap3A_254 = arith.constant 0 : index
            %swap3A_255 = tpu.vector_load %run_scoped3A_5[%swap3A_253, %swap3A_254] {strides = array<i32>} : memref<40x128xf32, #tpu.memory_space<vmem>>, vector<16xf32>,
            tpu.vector_store %run_scoped3A_5[%swap3A_253, %swap3A_254], %mul3A_252 {strides = array<i32>} : memref<40x128xf32, #tpu.memory_space<vmem>>, vector<16xf32>,
            %mul3A_256 = arith.mulf %bitcast3A_251, %gather3A_235 : vector<16xf32>
            %swap3A_257 = arith.index_cast %add3A_239 : i32 to index
            %swap3A_258 = arith.constant 16 : index
            %swap3A_259 = tpu.vector_load %run_scoped3A_5[%swap3A_257, %swap3A_258] {strides = array<i32>} : memref<40x128xf32, #tpu.memory_space<vmem>>, vector<16xf32>,
            tpu.vector_store %run_scoped3A_5[%swap3A_257, %swap3A_258], %mul3A_256 {strides = array<i32>} : memref<40x128xf32, #tpu.memory_space<vmem>>, vector<16xf32>,
            %get3A_260 = arith.index_cast %add3A_239 : i32 to index
            %get3A_261 = arith.constant 32 : index
            %get3A_262 = tpu.vector_load %run_scoped3A_3[%get3A_260, %get3A_261] {strides = array<i32>} : memref<40x128xbf16, #tpu.memory_space<vmem>>, vector<32xbf16>,
            %bitcast3A_263 = vector.bitcast %get3A_262 : vector<32xbf16> to vector<16xi32>
            %shift_left3A_264 = arith.constant 16 : i32
            %shift_left3A_265 = vector.broadcast %shift_left3A_264 : i32 to vector<16xi32>
            %shift_left3A_266 = arith.shli %bitcast3A_263, %shift_left3A_265 : vector<16xi32>
            %bitcast3A_267 = vector.bitcast %shift_left3A_266 : vector<16xi32> to vector<16xf32>
            %and3A_268 = arith.constant -65536 : i32
            %and3A_269 = vector.broadcast %and3A_268 : i32 to vector<16xi32>
            %and3A_270 = arith.andi %bitcast3A_263, %and3A_269 : vector<16xi32>
            %bitcast3A_271 = vector.bitcast %and3A_270 : vector<16xi32> to vector<16xf32>
            %mul3A_272 = arith.mulf %bitcast3A_267, %gather3A_235 : vector<16xf32>
            %swap3A_273 = arith.index_cast %add3A_239 : i32 to index
            %swap3A_274 = arith.constant 32 : index
            %swap3A_275 = tpu.vector_load %run_scoped3A_5[%swap3A_273, %swap3A_274] {strides = array<i32>} : memref<40x128xf32, #tpu.memory_space<vmem>>, vector<16xf32>,
            tpu.vector_store %run_scoped3A_5[%swap3A_273, %swap3A_274], %mul3A_272 {strides = array<i32>} : memref<40x128xf32, #tpu.memory_space<vmem>>, vector<16xf32>,
            %mul3A_276 = arith.mulf %bitcast3A_271, %gather3A_235 : vector<16xf32>
            %swap3A_277 = arith.index_cast %add3A_239 : i32 to index
            %swap3A_278 = arith.constant 48 : index
            %swap3A_279 = tpu.vector_load %run_scoped3A_5[%swap3A_277, %swap3A_278] {strides = array<i32>} : memref<40x128xf32, #tpu.memory_space<vmem>>, vector<16xf32>,
            tpu.vector_store %run_scoped3A_5[%swap3A_277, %swap3A_278], %mul3A_276 {strides = array<i32>} : memref<40x128xf32, #tpu.memory_space<vmem>>, vector<16xf32>,
            %get3A_280 = arith.index_cast %add3A_239 : i32 to index
            %get3A_281 = arith.constant 64 : index
            %get3A_282 = tpu.vector_load %run_scoped3A_3[%get3A_280, %get3A_281] {strides = array<i32>} : memref<40x128xbf16, #tpu.memory_space<vmem>>, vector<32xbf16>,
            %bitcast3A_283 = vector.bitcast %get3A_282 : vector<32xbf16> to vector<16xi32>
            %shift_left3A_284 = arith.constant 16 : i32
            %shift_left3A_285 = vector.broadcast %shift_left3A_284 : i32 to vector<16xi32>
            %shift_left3A_286 = arith.shli %bitcast3A_283, %shift_left3A_285 : vector<16xi32>
            %bitcast3A_287 = vector.bitcast %shift_left3A_286 : vector<16xi32> to vector<16xf32>
            %and3A_288 = arith.constant -65536 : i32
            %and3A_289 = vector.broadcast %and3A_288 : i32 to vector<16xi32>
            %and3A_290 = arith.andi %bitcast3A_283, %and3A_289 : vector<16xi32>
            %bitcast3A_291 = vector.bitcast %and3A_290 : vector<16xi32> to vector<16xf32>
            %mul3A_292 = arith.mulf %bitcast3A_287, %gather3A_235 : vector<16xf32>
            %swap3A_293 = arith.index_cast %add3A_239 : i32 to index
            %swap3A_294 = arith.constant 64 : index
            %swap3A_295 = tpu.vector_load %run_scoped3A_5[%swap3A_293, %swap3A_294] {strides = array<i32>} : memref<40x128xf32, #tpu.memory_space<vmem>>, vector<16xf32>,
            tpu.vector_store %run_scoped3A_5[%swap3A_293, %swap3A_294], %mul3A_292 {strides = array<i32>} : memref<40x128xf32, #tpu.memory_space<vmem>>, vector<16xf32>,
            %mul3A_296 = arith.mulf %bitcast3A_291, %gather3A_235 : vector<16xf32>
            %swap3A_297 = arith.index_cast %add3A_239 : i32 to index
            %swap3A_298 = arith.constant 80 : index
            %swap3A_299 = tpu.vector_load %run_scoped3A_5[%swap3A_297, %swap3A_298] {strides = array<i32>} : memref<40x128xf32, #tpu.memory_space<vmem>>, vector<16xf32>,
            tpu.vector_store %run_scoped3A_5[%swap3A_297, %swap3A_298], %mul3A_296 {strides = array<i32>} : memref<40x128xf32, #tpu.memory_space<vmem>>, vector<16xf32>,
            %get3A_300 = arith.index_cast %add3A_239 : i32 to index
            %get3A_301 = arith.constant 96 : index
            %get3A_302 = tpu.vector_load %run_scoped3A_3[%get3A_300, %get3A_301] {strides = array<i32>} : memref<40x128xbf16, #tpu.memory_space<vmem>>, vector<32xbf16>,
            %bitcast3A_303 = vector.bitcast %get3A_302 : vector<32xbf16> to vector<16xi32>
            %shift_left3A_304 = arith.constant 16 : i32
            %shift_left3A_305 = vector.broadcast %shift_left3A_304 : i32 to vector<16xi32>
            %shift_left3A_306 = arith.shli %bitcast3A_303, %shift_left3A_305 : vector<16xi32>
            %bitcast3A_307 = vector.bitcast %shift_left3A_306 : vector<16xi32> to vector<16xf32>
            %and3A_308 = arith.constant -65536 : i32
            %and3A_309 = vector.broadcast %and3A_308 : i32 to vector<16xi32>
            %and3A_310 = arith.andi %bitcast3A_303, %and3A_309 : vector<16xi32>
            %bitcast3A_311 = vector.bitcast %and3A_310 : vector<16xi32> to vector<16xf32>
            %mul3A_312 = arith.mulf %bitcast3A_307, %gather3A_235 : vector<16xf32>
            %swap3A_313 = arith.index_cast %add3A_239 : i32 to index
            %swap3A_314 = arith.constant 96 : index
            %swap3A_315 = tpu.vector_load %run_scoped3A_5[%swap3A_313, %swap3A_314] {strides = array<i32>} : memref<40x128xf32, #tpu.memory_space<vmem>>, vector<16xf32>,
            tpu.vector_store %run_scoped3A_5[%swap3A_313, %swap3A_314], %mul3A_312 {strides = array<i32>} : memref<40x128xf32, #tpu.memory_space<vmem>>, vector<16xf32>,
            %mul3A_316 = arith.mulf %bitcast3A_311, %gather3A_235 : vector<16xf32>
            %swap3A_317 = arith.index_cast %add3A_239 : i32 to index
            %swap3A_318 = arith.constant 112 : index
            %swap3A_319 = tpu.vector_load %run_scoped3A_5[%swap3A_317, %swap3A_318] {strides = array<i32>} : memref<40x128xf32, #tpu.memory_space<vmem>>, vector<16xf32>,
            tpu.vector_store %run_scoped3A_5[%swap3A_317, %swap3A_318], %mul3A_316 {strides = array<i32>} : memref<40x128xf32, #tpu.memory_space<vmem>>, vector<16xf32>,
            %broadcast_in_dim3A_320 = arith.constant 2 : i32
            %broadcast_in_dim3A_321 = vector.broadcast %broadcast_in_dim3A_320 : i32 to vector<16x1xi32>
            %gather3A_322 = vector.shape_cast %broadcast_in_dim3A_321 : vector<16x1xi32> to vector<16xi32>
            %gather3A_323 = tpu.dynamic_gather %get3A_149[%gather3A_322] in [0] : vector<16xf32>, vector<16xi32> -> vector<16xf32>
            %mul3A_324 = arith.constant 8 : i32
            %mul3A_325 = arith.muli %add3A_143, %mul3A_324 : i32
            %add3A_326 = arith.constant 2 : i32
            %add3A_327 = arith.addi %mul3A_325, %add3A_326 : i32
            %get3A_328 = arith.index_cast %add3A_327 : i32 to index
            %get3A_329 = arith.constant 0 : index
            %get3A_330 = tpu.vector_load %run_scoped3A_3[%get3A_328, %get3A_329] {strides = array<i32>} : memref<40x128xbf16, #tpu.memory_space<vmem>>, vector<32xbf16>,
            %bitcast3A_331 = vector.bitcast %get3A_330 : vector<32xbf16> to vector<16xi32>
            %shift_left3A_332 = arith.constant 16 : i32
            %shift_left3A_333 = vector.broadcast %shift_left3A_332 : i32 to vector<16xi32>
            %shift_left3A_334 = arith.shli %bitcast3A_331, %shift_left3A_333 : vector<16xi32>
            %bitcast3A_335 = vector.bitcast %shift_left3A_334 : vector<16xi32> to vector<16xf32>
            %and3A_336 = arith.constant -65536 : i32
            %and3A_337 = vector.broadcast %and3A_336 : i32 to vector<16xi32>
            %and3A_338 = arith.andi %bitcast3A_331, %and3A_337 : vector<16xi32>
            %bitcast3A_339 = vector.bitcast %and3A_338 : vector<16xi32> to vector<16xf32>
            %mul3A_340 = arith.mulf %bitcast3A_335, %gather3A_323 : vector<16xf32>
            %swap3A_341 = arith.index_cast %add3A_327 : i32 to index
            %swap3A_342 = arith.constant 0 : index
            %swap3A_343 = tpu.vector_load %run_scoped3A_5[%swap3A_341, %swap3A_342] {strides = array<i32>} : memref<40x128xf32, #tpu.memory_space<vmem>>, vector<16xf32>,
            tpu.vector_store %run_scoped3A_5[%swap3A_341, %swap3A_342], %mul3A_340 {strides = array<i32>} : memref<40x128xf32, #tpu.memory_space<vmem>>, vector<16xf32>,
            %mul3A_344 = arith.mulf %bitcast3A_339, %gather3A_323 : vector<16xf32>
            %swap3A_345 = arith.index_cast %add3A_327 : i32 to index
            %swap3A_346 = arith.constant 16 : index
            %swap3A_347 = tpu.vector_load %run_scoped3A_5[%swap3A_345, %swap3A_346] {strides = array<i32>} : memref<40x128xf32, #tpu.memory_space<vmem>>, vector<16xf32>,
            tpu.vector_store %run_scoped3A_5[%swap3A_345, %swap3A_346], %mul3A_344 {strides = array<i32>} : memref<40x128xf32, #tpu.memory_space<vmem>>, vector<16xf32>,
            %get3A_348 = arith.index_cast %add3A_327 : i32 to index
            %get3A_349 = arith.constant 32 : index
            %get3A_350 = tpu.vector_load %run_scoped3A_3[%get3A_348, %get3A_349] {strides = array<i32>} : memref<40x128xbf16, #tpu.memory_space<vmem>>, vector<32xbf16>,
            %bitcast3A_351 = vector.bitcast %get3A_350 : vector<32xbf16> to vector<16xi32>
            %shift_left3A_352 = arith.constant 16 : i32
            %shift_left3A_353 = vector.broadcast %shift_left3A_352 : i32 to vector<16xi32>
            %shift_left3A_354 = arith.shli %bitcast3A_351, %shift_left3A_353 : vector<16xi32>
            %bitcast3A_355 = vector.bitcast %shift_left3A_354 : vector<16xi32> to vector<16xf32>
            %and3A_356 = arith.constant -65536 : i32
            %and3A_357 = vector.broadcast %and3A_356 : i32 to vector<16xi32>
            %and3A_358 = arith.andi %bitcast3A_351, %and3A_357 : vector<16xi32>
            %bitcast3A_359 = vector.bitcast %and3A_358 : vector<16xi32> to vector<16xf32>
            %mul3A_360 = arith.mulf %bitcast3A_355, %gather3A_323 : vector<16xf32>
            %swap3A_361 = arith.index_cast %add3A_327 : i32 to index
            %swap3A_362 = arith.constant 32 : index
            %swap3A_363 = tpu.vector_load %run_scoped3A_5[%swap3A_361, %swap3A_362] {strides = array<i32>} : memref<40x128xf32, #tpu.memory_space<vmem>>, vector<16xf32>,
            tpu.vector_store %run_scoped3A_5[%swap3A_361, %swap3A_362], %mul3A_360 {strides = array<i32>} : memref<40x128xf32, #tpu.memory_space<vmem>>, vector<16xf32>,
            %mul3A_364 = arith.mulf %bitcast3A_359, %gather3A_323 : vector<16xf32>
            %swap3A_365 = arith.index_cast %add3A_327 : i32 to index
            %swap3A_366 = arith.constant 48 : index
            %swap3A_367 = tpu.vector_load %run_scoped3A_5[%swap3A_365, %swap3A_366] {strides = array<i32>} : memref<40x128xf32, #tpu.memory_space<vmem>>, vector<16xf32>,
            tpu.vector_store %run_scoped3A_5[%swap3A_365, %swap3A_366], %mul3A_364 {strides = array<i32>} : memref<40x128xf32, #tpu.memory_space<vmem>>, vector<16xf32>,
            %get3A_368 = arith.index_cast %add3A_327 : i32 to index
            %get3A_369 = arith.constant 64 : index
            %get3A_370 = tpu.vector_load %run_scoped3A_3[%get3A_368, %get3A_369] {strides = array<i32>} : memref<40x128xbf16, #tpu.memory_space<vmem>>, vector<32xbf16>,
            %bitcast3A_371 = vector.bitcast %get3A_370 : vector<32xbf16> to vector<16xi32>
            %shift_left3A_372 = arith.constant 16 : i32
            %shift_left3A_373 = vector.broadcast %shift_left3A_372 : i32 to vector<16xi32>
            %shift_left3A_374 = arith.shli %bitcast3A_371, %shift_left3A_373 : vector<16xi32>
            %bitcast3A_375 = vector.bitcast %shift_left3A_374 : vector<16xi32> to vector<16xf32>
            %and3A_376 = arith.constant -65536 : i32
            %and3A_377 = vector.broadcast %and3A_376 : i32 to vector<16xi32>
            %and3A_378 = arith.andi %bitcast3A_371, %and3A_377 : vector<16xi32>
            %bitcast3A_379 = vector.bitcast %and3A_378 : vector<16xi32> to vector<16xf32>
            %mul3A_380 = arith.mulf %bitcast3A_375, %gather3A_323 : vector<16xf32>
            %swap3A_381 = arith.index_cast %add3A_327 : i32 to index
            %swap3A_382 = arith.constant 64 : index
            %swap3A_383 = tpu.vector_load %run_scoped3A_5[%swap3A_381, %swap3A_382] {strides = array<i32>} : memref<40x128xf32, #tpu.memory_space<vmem>>, vector<16xf32>,
            tpu.vector_store %run_scoped3A_5[%swap3A_381, %swap3A_382], %mul3A_380 {strides = array<i32>} : memref<40x128xf32, #tpu.memory_space<vmem>>, vector<16xf32>,
            %mul3A_384 = arith.mulf %bitcast3A_379, %gather3A_323 : vector<16xf32>
            %swap3A_385 = arith.index_cast %add3A_327 : i32 to index
            %swap3A_386 = arith.constant 80 : index
            %swap3A_387 = tpu.vector_load %run_scoped3A_5[%swap3A_385, %swap3A_386] {strides = array<i32>} : memref<40x128xf32, #tpu.memory_space<vmem>>, vector<16xf32>,
            tpu.vector_store %run_scoped3A_5[%swap3A_385, %swap3A_386], %mul3A_384 {strides = array<i32>} : memref<40x128xf32, #tpu.memory_space<vmem>>, vector<16xf32>,
            %get3A_388 = arith.index_cast %add3A_327 : i32 to index
            %get3A_389 = arith.constant 96 : index
            %get3A_390 = tpu.vector_load %run_scoped3A_3[%get3A_388, %get3A_389] {strides = array<i32>} : memref<40x128xbf16, #tpu.memory_space<vmem>>, vector<32xbf16>,
            %bitcast3A_391 = vector.bitcast %get3A_390 : vector<32xbf16> to vector<16xi32>
            %shift_left3A_392 = arith.constant 16 : i32
            %shift_left3A_393 = vector.broadcast %shift_left3A_392 : i32 to vector<16xi32>
            %shift_left3A_394 = arith.shli %bitcast3A_391, %shift_left3A_393 : vector<16xi32>
            %bitcast3A_395 = vector.bitcast %shift_left3A_394 : vector<16xi32> to vector<16xf32>
            %and3A_396 = arith.constant -65536 : i32
            %and3A_397 = vector.broadcast %and3A_396 : i32 to vector<16xi32>
            %and3A_398 = arith.andi %bitcast3A_391, %and3A_397 : vector<16xi32>
            %bitcast3A_399 = vector.bitcast %and3A_398 : vector<16xi32> to vector<16xf32>
            %mul3A_400 = arith.mulf %bitcast3A_395, %gather3A_323 : vector<16xf32>
            %swap3A_401 = arith.index_cast %add3A_327 : i32 to index
            %swap3A_402 = arith.constant 96 : index
            %swap3A_403 = tpu.vector_load %run_scoped3A_5[%swap3A_401, %swap3A_402] {strides = array<i32>} : memref<40x128xf32, #tpu.memory_space<vmem>>, vector<16xf32>,
            tpu.vector_store %run_scoped3A_5[%swap3A_401, %swap3A_402], %mul3A_400 {strides = array<i32>} : memref<40x128xf32, #tpu.memory_space<vmem>>, vector<16xf32>,
            %mul3A_404 = arith.mulf %bitcast3A_399, %gather3A_323 : vector<16xf32>
            %swap3A_405 = arith.index_cast %add3A_327 : i32 to index
            %swap3A_406 = arith.constant 112 : index
            %swap3A_407 = tpu.vector_load %run_scoped3A_5[%swap3A_405, %swap3A_406] {strides = array<i32>} : memref<40x128xf32, #tpu.memory_space<vmem>>, vector<16xf32>,
            tpu.vector_store %run_scoped3A_5[%swap3A_405, %swap3A_406], %mul3A_404 {strides = array<i32>} : memref<40x128xf32, #tpu.memory_space<vmem>>, vector<16xf32>,
            %broadcast_in_dim3A_408 = arith.constant 3 : i32
            %broadcast_in_dim3A_409 = vector.broadcast %broadcast_in_dim3A_408 : i32 to vector<16x1xi32>
            %gather3A_410 = vector.shape_cast %broadcast_in_dim3A_409 : vector<16x1xi32> to vector<16xi32>
            %gather3A_411 = tpu.dynamic_gather %get3A_149[%gather3A_410] in [0] : vector<16xf32>, vector<16xi32> -> vector<16xf32>
            %mul3A_412 = arith.constant 8 : i32
            %mul3A_413 = arith.muli %add3A_143, %mul3A_412 : i32
            %add3A_414 = arith.constant 3 : i32
            %add3A_415 = arith.addi %mul3A_413, %add3A_414 : i32
            %get3A_416 = arith.index_cast %add3A_415 : i32 to index
            %get3A_417 = arith.constant 0 : index
            %get3A_418 = tpu.vector_load %run_scoped3A_3[%get3A_416, %get3A_417] {strides = array<i32>} : memref<40x128xbf16, #tpu.memory_space<vmem>>, vector<32xbf16>,
            %bitcast3A_419 = vector.bitcast %get3A_418 : vector<32xbf16> to vector<16xi32>
            %shift_left3A_420 = arith.constant 16 : i32
            %shift_left3A_421 = vector.broadcast %shift_left3A_420 : i32 to vector<16xi32>
            %shift_left3A_422 = arith.shli %bitcast3A_419, %shift_left3A_421 : vector<16xi32>
            %bitcast3A_423 = vector.bitcast %shift_left3A_422 : vector<16xi32> to vector<16xf32>
            %and3A_424 = arith.constant -65536 : i32
            %and3A_425 = vector.broadcast %and3A_424 : i32 to vector<16xi32>
            %and3A_426 = arith.andi %bitcast3A_419, %and3A_425 : vector<16xi32>
            %bitcast3A_427 = vector.bitcast %and3A_426 : vector<16xi32> to vector<16xf32>
            %mul3A_428 = arith.mulf %bitcast3A_423, %gather3A_411 : vector<16xf32>
            %swap3A_429 = arith.index_cast %add3A_415 : i32 to index
            %swap3A_430 = arith.constant 0 : index
            %swap3A_431 = tpu.vector_load %run_scoped3A_5[%swap3A_429, %swap3A_430] {strides = array<i32>} : memref<40x128xf32, #tpu.memory_space<vmem>>, vector<16xf32>,
            tpu.vector_store %run_scoped3A_5[%swap3A_429, %swap3A_430], %mul3A_428 {strides = array<i32>} : memref<40x128xf32, #tpu.memory_space<vmem>>, vector<16xf32>,
            %mul3A_432 = arith.mulf %bitcast3A_427, %gather3A_411 : vector<16xf32>
            %swap3A_433 = arith.index_cast %add3A_415 : i32 to index
            %swap3A_434 = arith.constant 16 : index
            %swap3A_435 = tpu.vector_load %run_scoped3A_5[%swap3A_433, %swap3A_434] {strides = array<i32>} : memref<40x128xf32, #tpu.memory_space<vmem>>, vector<16xf32>,
            tpu.vector_store %run_scoped3A_5[%swap3A_433, %swap3A_434], %mul3A_432 {strides = array<i32>} : memref<40x128xf32, #tpu.memory_space<vmem>>, vector<16xf32>,
            %get3A_436 = arith.index_cast %add3A_415 : i32 to index
            %get3A_437 = arith.constant 32 : index
            %get3A_438 = tpu.vector_load %run_scoped3A_3[%get3A_436, %get3A_437] {strides = array<i32>} : memref<40x128xbf16, #tpu.memory_space<vmem>>, vector<32xbf16>,
            %bitcast3A_439 = vector.bitcast %get3A_438 : vector<32xbf16> to vector<16xi32>
            %shift_left3A_440 = arith.constant 16 : i32
            %shift_left3A_441 = vector.broadcast %shift_left3A_440 : i32 to vector<16xi32>
            %shift_left3A_442 = arith.shli %bitcast3A_439, %shift_left3A_441 : vector<16xi32>
            %bitcast3A_443 = vector.bitcast %shift_left3A_442 : vector<16xi32> to vector<16xf32>
            %and3A_444 = arith.constant -65536 : i32
            %and3A_445 = vector.broadcast %and3A_444 : i32 to vector<16xi32>
            %and3A_446 = arith.andi %bitcast3A_439, %and3A_445 : vector<16xi32>
            %bitcast3A_447 = vector.bitcast %and3A_446 : vector<16xi32> to vector<16xf32>
            %mul3A_448 = arith.mulf %bitcast3A_443, %gather3A_411 : vector<16xf32>
            %swap3A_449 = arith.index_cast %add3A_415 : i32 to index
            %swap3A_450 = arith.constant 32 : index
            %swap3A_451 = tpu.vector_load %run_scoped3A_5[%swap3A_449, %swap3A_450] {strides = array<i32>} : memref<40x128xf32, #tpu.memory_space<vmem>>, vector<16xf32>,
            tpu.vector_store %run_scoped3A_5[%swap3A_449, %swap3A_450], %mul3A_448 {strides = array<i32>} : memref<40x128xf32, #tpu.memory_space<vmem>>, vector<16xf32>,
            %mul3A_452 = arith.mulf %bitcast3A_447, %gather3A_411 : vector<16xf32>
            %swap3A_453 = arith.index_cast %add3A_415 : i32 to index
            %swap3A_454 = arith.constant 48 : index
            %swap3A_455 = tpu.vector_load %run_scoped3A_5[%swap3A_453, %swap3A_454] {strides = array<i32>} : memref<40x128xf32, #tpu.memory_space<vmem>>, vector<16xf32>,
            tpu.vector_store %run_scoped3A_5[%swap3A_453, %swap3A_454], %mul3A_452 {strides = array<i32>} : memref<40x128xf32, #tpu.memory_space<vmem>>, vector<16xf32>,
            %get3A_456 = arith.index_cast %add3A_415 : i32 to index
            %get3A_457 = arith.constant 64 : index
            %get3A_458 = tpu.vector_load %run_scoped3A_3[%get3A_456, %get3A_457] {strides = array<i32>} : memref<40x128xbf16, #tpu.memory_space<vmem>>, vector<32xbf16>,
            %bitcast3A_459 = vector.bitcast %get3A_458 : vector<32xbf16> to vector<16xi32>
            %shift_left3A_460 = arith.constant 16 : i32
            %shift_left3A_461 = vector.broadcast %shift_left3A_460 : i32 to vector<16xi32>
            %shift_left3A_462 = arith.shli %bitcast3A_459, %shift_left3A_461 : vector<16xi32>
            %bitcast3A_463 = vector.bitcast %shift_left3A_462 : vector<16xi32> to vector<16xf32>
            %and3A_464 = arith.constant -65536 : i32
            %and3A_465 = vector.broadcast %and3A_464 : i32 to vector<16xi32>
            %and3A_466 = arith.andi %bitcast3A_459, %and3A_465 : vector<16xi32>
            %bitcast3A_467 = vector.bitcast %and3A_466 : vector<16xi32> to vector<16xf32>
            %mul3A_468 = arith.mulf %bitcast3A_463, %gather3A_411 : vector<16xf32>
            %swap3A_469 = arith.index_cast %add3A_415 : i32 to index
            %swap3A_470 = arith.constant 64 : index
            %swap3A_471 = tpu.vector_load %run_scoped3A_5[%swap3A_469, %swap3A_470] {strides = array<i32>} : memref<40x128xf32, #tpu.memory_space<vmem>>, vector<16xf32>,
            tpu.vector_store %run_scoped3A_5[%swap3A_469, %swap3A_470], %mul3A_468 {strides = array<i32>} : memref<40x128xf32, #tpu.memory_space<vmem>>, vector<16xf32>,
            %mul3A_472 = arith.mulf %bitcast3A_467, %gather3A_411 : vector<16xf32>
            %swap3A_473 = arith.index_cast %add3A_415 : i32 to index
            %swap3A_474 = arith.constant 80 : index
            %swap3A_475 = tpu.vector_load %run_scoped3A_5[%swap3A_473, %swap3A_474] {strides = array<i32>} : memref<40x128xf32, #tpu.memory_space<vmem>>, vector<16xf32>,
            tpu.vector_store %run_scoped3A_5[%swap3A_473, %swap3A_474], %mul3A_472 {strides = array<i32>} : memref<40x128xf32, #tpu.memory_space<vmem>>, vector<16xf32>,
            %get3A_476 = arith.index_cast %add3A_415 : i32 to index
            %get3A_477 = arith.constant 96 : index
            %get3A_478 = tpu.vector_load %run_scoped3A_3[%get3A_476, %get3A_477] {strides = array<i32>} : memref<40x128xbf16, #tpu.memory_space<vmem>>, vector<32xbf16>,
            %bitcast3A_479 = vector.bitcast %get3A_478 : vector<32xbf16> to vector<16xi32>
            %shift_left3A_480 = arith.constant 16 : i32
            %shift_left3A_481 = vector.broadcast %shift_left3A_480 : i32 to vector<16xi32>
            %shift_left3A_482 = arith.shli %bitcast3A_479, %shift_left3A_481 : vector<16xi32>
            %bitcast3A_483 = vector.bitcast %shift_left3A_482 : vector<16xi32> to vector<16xf32>
            %and3A_484 = arith.constant -65536 : i32
            %and3A_485 = vector.broadcast %and3A_484 : i32 to vector<16xi32>
            %and3A_486 = arith.andi %bitcast3A_479, %and3A_485 : vector<16xi32>
            %bitcast3A_487 = vector.bitcast %and3A_486 : vector<16xi32> to vector<16xf32>
            %mul3A_488 = arith.mulf %bitcast3A_483, %gather3A_411 : vector<16xf32>
            %swap3A_489 = arith.index_cast %add3A_415 : i32 to index
            %swap3A_490 = arith.constant 96 : index
            %swap3A_491 = tpu.vector_load %run_scoped3A_5[%swap3A_489, %swap3A_490] {strides = array<i32>} : memref<40x128xf32, #tpu.memory_space<vmem>>, vector<16xf32>,
            tpu.vector_store %run_scoped3A_5[%swap3A_489, %swap3A_490], %mul3A_488 {strides = array<i32>} : memref<40x128xf32, #tpu.memory_space<vmem>>, vector<16xf32>,
            %mul3A_492 = arith.mulf %bitcast3A_487, %gather3A_411 : vector<16xf32>
            %swap3A_493 = arith.index_cast %add3A_415 : i32 to index
            %swap3A_494 = arith.constant 112 : index
            %swap3A_495 = tpu.vector_load %run_scoped3A_5[%swap3A_493, %swap3A_494] {strides = array<i32>} : memref<40x128xf32, #tpu.memory_space<vmem>>, vector<16xf32>,
            tpu.vector_store %run_scoped3A_5[%swap3A_493, %swap3A_494], %mul3A_492 {strides = array<i32>} : memref<40x128xf32, #tpu.memory_space<vmem>>, vector<16xf32>,
            %broadcast_in_dim3A_496 = arith.constant 4 : i32
            %broadcast_in_dim3A_497 = vector.broadcast %broadcast_in_dim3A_496 : i32 to vector<16x1xi32>
            %gather3A_498 = vector.shape_cast %broadcast_in_dim3A_497 : vector<16x1xi32> to vector<16xi32>
            %gather3A_499 = tpu.dynamic_gather %get3A_149[%gather3A_498] in [0] : vector<16xf32>, vector<16xi32> -> vector<16xf32>
            %mul3A_500 = arith.constant 8 : i32
            %mul3A_501 = arith.muli %add3A_143, %mul3A_500 : i32
            %add3A_502 = arith.constant 4 : i32
            %add3A_503 = arith.addi %mul3A_501, %add3A_502 : i32
            %get3A_504 = arith.index_cast %add3A_503 : i32 to index
            %get3A_505 = arith.constant 0 : index
            %get3A_506 = tpu.vector_load %run_scoped3A_3[%get3A_504, %get3A_505] {strides = array<i32>} : memref<40x128xbf16, #tpu.memory_space<vmem>>, vector<32xbf16>,
            %bitcast3A_507 = vector.bitcast %get3A_506 : vector<32xbf16> to vector<16xi32>
            %shift_left3A_508 = arith.constant 16 : i32
            %shift_left3A_509 = vector.broadcast %shift_left3A_508 : i32 to vector<16xi32>
            %shift_left3A_510 = arith.shli %bitcast3A_507, %shift_left3A_509 : vector<16xi32>
            %bitcast3A_511 = vector.bitcast %shift_left3A_510 : vector<16xi32> to vector<16xf32>
            %and3A_512 = arith.constant -65536 : i32
            %and3A_513 = vector.broadcast %and3A_512 : i32 to vector<16xi32>
            %and3A_514 = arith.andi %bitcast3A_507, %and3A_513 : vector<16xi32>
            %bitcast3A_515 = vector.bitcast %and3A_514 : vector<16xi32> to vector<16xf32>
            %mul3A_516 = arith.mulf %bitcast3A_511, %gather3A_499 : vector<16xf32>
            %swap3A_517 = arith.index_cast %add3A_503 : i32 to index
            %swap3A_518 = arith.constant 0 : index
            %swap3A_519 = tpu.vector_load %run_scoped3A_5[%swap3A_517, %swap3A_518] {strides = array<i32>} : memref<40x128xf32, #tpu.memory_space<vmem>>, vector<16xf32>,
            tpu.vector_store %run_scoped3A_5[%swap3A_517, %swap3A_518], %mul3A_516 {strides = array<i32>} : memref<40x128xf32, #tpu.memory_space<vmem>>, vector<16xf32>,
            %mul3A_520 = arith.mulf %bitcast3A_515, %gather3A_499 : vector<16xf32>
            %swap3A_521 = arith.index_cast %add3A_503 : i32 to index
            %swap3A_522 = arith.constant 16 : index
            %swap3A_523 = tpu.vector_load %run_scoped3A_5[%swap3A_521, %swap3A_522] {strides = array<i32>} : memref<40x128xf32, #tpu.memory_space<vmem>>, vector<16xf32>,
            tpu.vector_store %run_scoped3A_5[%swap3A_521, %swap3A_522], %mul3A_520 {strides = array<i32>} : memref<40x128xf32, #tpu.memory_space<vmem>>, vector<16xf32>,
            %get3A_524 = arith.index_cast %add3A_503 : i32 to index
            %get3A_525 = arith.constant 32 : index
            %get3A_526 = tpu.vector_load %run_scoped3A_3[%get3A_524, %get3A_525] {strides = array<i32>} : memref<40x128xbf16, #tpu.memory_space<vmem>>, vector<32xbf16>,
            %bitcast3A_527 = vector.bitcast %get3A_526 : vector<32xbf16> to vector<16xi32>
            %shift_left3A_528 = arith.constant 16 : i32
            %shift_left3A_529 = vector.broadcast %shift_left3A_528 : i32 to vector<16xi32>
            %shift_left3A_530 = arith.shli %bitcast3A_527, %shift_left3A_529 : vector<16xi32>
            %bitcast3A_531 = vector.bitcast %shift_left3A_530 : vector<16xi32> to vector<16xf32>
            %and3A_532 = arith.constant -65536 : i32
            %and3A_533 = vector.broadcast %and3A_532 : i32 to vector<16xi32>
            %and3A_534 = arith.andi %bitcast3A_527, %and3A_533 : vector<16xi32>
            %bitcast3A_535 = vector.bitcast %and3A_534 : vector<16xi32> to vector<16xf32>
            %mul3A_536 = arith.mulf %bitcast3A_531, %gather3A_499 : vector<16xf32>
            %swap3A_537 = arith.index_cast %add3A_503 : i32 to index
            %swap3A_538 = arith.constant 32 : index
            %swap3A_539 = tpu.vector_load %run_scoped3A_5[%swap3A_537, %swap3A_538] {strides = array<i32>} : memref<40x128xf32, #tpu.memory_space<vmem>>, vector<16xf32>,
            tpu.vector_store %run_scoped3A_5[%swap3A_537, %swap3A_538], %mul3A_536 {strides = array<i32>} : memref<40x128xf32, #tpu.memory_space<vmem>>, vector<16xf32>,
            %mul3A_540 = arith.mulf %bitcast3A_535, %gather3A_499 : vector<16xf32>
            %swap3A_541 = arith.index_cast %add3A_503 : i32 to index
            %swap3A_542 = arith.constant 48 : index
            %swap3A_543 = tpu.vector_load %run_scoped3A_5[%swap3A_541, %swap3A_542] {strides = array<i32>} : memref<40x128xf32, #tpu.memory_space<vmem>>, vector<16xf32>,
            tpu.vector_store %run_scoped3A_5[%swap3A_541, %swap3A_542], %mul3A_540 {strides = array<i32>} : memref<40x128xf32, #tpu.memory_space<vmem>>, vector<16xf32>,
            %get3A_544 = arith.index_cast %add3A_503 : i32 to index
            %get3A_545 = arith.constant 64 : index
            %get3A_546 = tpu.vector_load %run_scoped3A_3[%get3A_544, %get3A_545] {strides = array<i32>} : memref<40x128xbf16, #tpu.memory_space<vmem>>, vector<32xbf16>,
            %bitcast3A_547 = vector.bitcast %get3A_546 : vector<32xbf16> to vector<16xi32>
            %shift_left3A_548 = arith.constant 16 : i32
            %shift_left3A_549 = vector.broadcast %shift_left3A_548 : i32 to vector<16xi32>
            %shift_left3A_550 = arith.shli %bitcast3A_547, %shift_left3A_549 : vector<16xi32>
            %bitcast3A_551 = vector.bitcast %shift_left3A_550 : vector<16xi32> to vector<16xf32>
            %and3A_552 = arith.constant -65536 : i32
            %and3A_553 = vector.broadcast %and3A_552 : i32 to vector<16xi32>
            %and3A_554 = arith.andi %bitcast3A_547, %and3A_553 : vector<16xi32>
            %bitcast3A_555 = vector.bitcast %and3A_554 : vector<16xi32> to vector<16xf32>
            %mul3A_556 = arith.mulf %bitcast3A_551, %gather3A_499 : vector<16xf32>
            %swap3A_557 = arith.index_cast %add3A_503 : i32 to index
            %swap3A_558 = arith.constant 64 : index
            %swap3A_559 = tpu.vector_load %run_scoped3A_5[%swap3A_557, %swap3A_558] {strides = array<i32>} : memref<40x128xf32, #tpu.memory_space<vmem>>, vector<16xf32>,
            tpu.vector_store %run_scoped3A_5[%swap3A_557, %swap3A_558], %mul3A_556 {strides = array<i32>} : memref<40x128xf32, #tpu.memory_space<vmem>>, vector<16xf32>,
            %mul3A_560 = arith.mulf %bitcast3A_555, %gather3A_499 : vector<16xf32>
            %swap3A_561 = arith.index_cast %add3A_503 : i32 to index
            %swap3A_562 = arith.constant 80 : index
            %swap3A_563 = tpu.vector_load %run_scoped3A_5[%swap3A_561, %swap3A_562] {strides = array<i32>} : memref<40x128xf32, #tpu.memory_space<vmem>>, vector<16xf32>,
            tpu.vector_store %run_scoped3A_5[%swap3A_561, %swap3A_562], %mul3A_560 {strides = array<i32>} : memref<40x128xf32, #tpu.memory_space<vmem>>, vector<16xf32>,
            %get3A_564 = arith.index_cast %add3A_503 : i32 to index
            %get3A_565 = arith.constant 96 : index
            %get3A_566 = tpu.vector_load %run_scoped3A_3[%get3A_564, %get3A_565] {strides = array<i32>} : memref<40x128xbf16, #tpu.memory_space<vmem>>, vector<32xbf16>,
            %bitcast3A_567 = vector.bitcast %get3A_566 : vector<32xbf16> to vector<16xi32>
            %shift_left3A_568 = arith.constant 16 : i32
            %shift_left3A_569 = vector.broadcast %shift_left3A_568 : i32 to vector<16xi32>
            %shift_left3A_570 = arith.shli %bitcast3A_567, %shift_left3A_569 : vector<16xi32>
            %bitcast3A_571 = vector.bitcast %shift_left3A_570 : vector<16xi32> to vector<16xf32>
            %and3A_572 = arith.constant -65536 : i32
            %and3A_573 = vector.broadcast %and3A_572 : i32 to vector<16xi32>
            %and3A_574 = arith.andi %bitcast3A_567, %and3A_573 : vector<16xi32>
            %bitcast3A_575 = vector.bitcast %and3A_574 : vector<16xi32> to vector<16xf32>
            %mul3A_576 = arith.mulf %bitcast3A_571, %gather3A_499 : vector<16xf32>
            %swap3A_577 = arith.index_cast %add3A_503 : i32 to index
            %swap3A_578 = arith.constant 96 : index
            %swap3A_579 = tpu.vector_load %run_scoped3A_5[%swap3A_577, %swap3A_578] {strides = array<i32>} : memref<40x128xf32, #tpu.memory_space<vmem>>, vector<16xf32>,
            tpu.vector_store %run_scoped3A_5[%swap3A_577, %swap3A_578], %mul3A_576 {strides = array<i32>} : memref<40x128xf32, #tpu.memory_space<vmem>>, vector<16xf32>,
            %mul3A_580 = arith.mulf %bitcast3A_575, %gather3A_499 : vector<16xf32>
            %swap3A_581 = arith.index_cast %add3A_503 : i32 to index
            %swap3A_582 = arith.constant 112 : index
            %swap3A_583 = tpu.vector_load %run_scoped3A_5[%swap3A_581, %swap3A_582] {strides = array<i32>} : memref<40x128xf32, #tpu.memory_space<vmem>>, vector<16xf32>,
            tpu.vector_store %run_scoped3A_5[%swap3A_581, %swap3A_582], %mul3A_580 {strides = array<i32>} : memref<40x128xf32, #tpu.memory_space<vmem>>, vector<16xf32>,
            %broadcast_in_dim3A_584 = arith.constant 5 : i32
            %broadcast_in_dim3A_585 = vector.broadcast %broadcast_in_dim3A_584 : i32 to vector<16x1xi32>
            %gather3A_586 = vector.shape_cast %broadcast_in_dim3A_585 : vector<16x1xi32> to vector<16xi32>
            %gather3A_587 = tpu.dynamic_gather %get3A_149[%gather3A_586] in [0] : vector<16xf32>, vector<16xi32> -> vector<16xf32>
            %mul3A_588 = arith.constant 8 : i32
            %mul3A_589 = arith.muli %add3A_143, %mul3A_588 : i32
            %add3A_590 = arith.constant 5 : i32
            %add3A_591 = arith.addi %mul3A_589, %add3A_590 : i32
            %get3A_592 = arith.index_cast %add3A_591 : i32 to index
            %get3A_593 = arith.constant 0 : index
            %get3A_594 = tpu.vector_load %run_scoped3A_3[%get3A_592, %get3A_593] {strides = array<i32>} : memref<40x128xbf16, #tpu.memory_space<vmem>>, vector<32xbf16>,
            %bitcast3A_595 = vector.bitcast %get3A_594 : vector<32xbf16> to vector<16xi32>
            %shift_left3A_596 = arith.constant 16 : i32
            %shift_left3A_597 = vector.broadcast %shift_left3A_596 : i32 to vector<16xi32>
            %shift_left3A_598 = arith.shli %bitcast3A_595, %shift_left3A_597 : vector<16xi32>
            %bitcast3A_599 = vector.bitcast %shift_left3A_598 : vector<16xi32> to vector<16xf32>
            %and3A_600 = arith.constant -65536 : i32
            %and3A_601 = vector.broadcast %and3A_600 : i32 to vector<16xi32>
            %and3A_602 = arith.andi %bitcast3A_595, %and3A_601 : vector<16xi32>
            %bitcast3A_603 = vector.bitcast %and3A_602 : vector<16xi32> to vector<16xf32>
            %mul3A_604 = arith.mulf %bitcast3A_599, %gather3A_587 : vector<16xf32>
            %swap3A_605 = arith.index_cast %add3A_591 : i32 to index
            %swap3A_606 = arith.constant 0 : index
            %swap3A_607 = tpu.vector_load %run_scoped3A_5[%swap3A_605, %swap3A_606] {strides = array<i32>} : memref<40x128xf32, #tpu.memory_space<vmem>>, vector<16xf32>,
            tpu.vector_store %run_scoped3A_5[%swap3A_605, %swap3A_606], %mul3A_604 {strides = array<i32>} : memref<40x128xf32, #tpu.memory_space<vmem>>, vector<16xf32>,
            %mul3A_608 = arith.mulf %bitcast3A_603, %gather3A_587 : vector<16xf32>
            %swap3A_609 = arith.index_cast %add3A_591 : i32 to index
            %swap3A_610 = arith.constant 16 : index
            %swap3A_611 = tpu.vector_load %run_scoped3A_5[%swap3A_609, %swap3A_610] {strides = array<i32>} : memref<40x128xf32, #tpu.memory_space<vmem>>, vector<16xf32>,
            tpu.vector_store %run_scoped3A_5[%swap3A_609, %swap3A_610], %mul3A_608 {strides = array<i32>} : memref<40x128xf32, #tpu.memory_space<vmem>>, vector<16xf32>,
            %get3A_612 = arith.index_cast %add3A_591 : i32 to index
            %get3A_613 = arith.constant 32 : index
            %get3A_614 = tpu.vector_load %run_scoped3A_3[%get3A_612, %get3A_613] {strides = array<i32>} : memref<40x128xbf16, #tpu.memory_space<vmem>>, vector<32xbf16>,
            %bitcast3A_615 = vector.bitcast %get3A_614 : vector<32xbf16> to vector<16xi32>
            %shift_left3A_616 = arith.constant 16 : i32
            %shift_left3A_617 = vector.broadcast %shift_left3A_616 : i32 to vector<16xi32>
            %shift_left3A_618 = arith.shli %bitcast3A_615, %shift_left3A_617 : vector<16xi32>
            %bitcast3A_619 = vector.bitcast %shift_left3A_618 : vector<16xi32> to vector<16xf32>
            %and3A_620 = arith.constant -65536 : i32
            %and3A_621 = vector.broadcast %and3A_620 : i32 to vector<16xi32>
            %and3A_622 = arith.andi %bitcast3A_615, %and3A_621 : vector<16xi32>
            %bitcast3A_623 = vector.bitcast %and3A_622 : vector<16xi32> to vector<16xf32>
            %mul3A_624 = arith.mulf %bitcast3A_619, %gather3A_587 : vector<16xf32>
            %swap3A_625 = arith.index_cast %add3A_591 : i32 to index
            %swap3A_626 = arith.constant 32 : index
            %swap3A_627 = tpu.vector_load %run_scoped3A_5[%swap3A_625, %swap3A_626] {strides = array<i32>} : memref<40x128xf32, #tpu.memory_space<vmem>>, vector<16xf32>,
            tpu.vector_store %run_scoped3A_5[%swap3A_625, %swap3A_626], %mul3A_624 {strides = array<i32>} : memref<40x128xf32, #tpu.memory_space<vmem>>, vector<16xf32>,
            %mul3A_628 = arith.mulf %bitcast3A_623, %gather3A_587 : vector<16xf32>
            %swap3A_629 = arith.index_cast %add3A_591 : i32 to index
            %swap3A_630 = arith.constant 48 : index
            %swap3A_631 = tpu.vector_load %run_scoped3A_5[%swap3A_629, %swap3A_630] {strides = array<i32>} : memref<40x128xf32, #tpu.memory_space<vmem>>, vector<16xf32>,
            tpu.vector_store %run_scoped3A_5[%swap3A_629, %swap3A_630], %mul3A_628 {strides = array<i32>} : memref<40x128xf32, #tpu.memory_space<vmem>>, vector<16xf32>,
            %get3A_632 = arith.index_cast %add3A_591 : i32 to index
            %get3A_633 = arith.constant 64 : index
            %get3A_634 = tpu.vector_load %run_scoped3A_3[%get3A_632, %get3A_633] {strides = array<i32>} : memref<40x128xbf16, #tpu.memory_space<vmem>>, vector<32xbf16>,
            %bitcast3A_635 = vector.bitcast %get3A_634 : vector<32xbf16> to vector<16xi32>
            %shift_left3A_636 = arith.constant 16 : i32
            %shift_left3A_637 = vector.broadcast %shift_left3A_636 : i32 to vector<16xi32>
            %shift_left3A_638 = arith.shli %bitcast3A_635, %shift_left3A_637 : vector<16xi32>
            %bitcast3A_639 = vector.bitcast %shift_left3A_638 : vector<16xi32> to vector<16xf32>
            %and3A_640 = arith.constant -65536 : i32
            %and3A_641 = vector.broadcast %and3A_640 : i32 to vector<16xi32>
            %and3A_642 = arith.andi %bitcast3A_635, %and3A_641 : vector<16xi32>
            %bitcast3A_643 = vector.bitcast %and3A_642 : vector<16xi32> to vector<16xf32>
            %mul3A_644 = arith.mulf %bitcast3A_639, %gather3A_587 : vector<16xf32>
            %swap3A_645 = arith.index_cast %add3A_591 : i32 to index
            %swap3A_646 = arith.constant 64 : index
            %swap3A_647 = tpu.vector_load %run_scoped3A_5[%swap3A_645, %swap3A_646] {strides = array<i32>} : memref<40x128xf32, #tpu.memory_space<vmem>>, vector<16xf32>,
            tpu.vector_store %run_scoped3A_5[%swap3A_645, %swap3A_646], %mul3A_644 {strides = array<i32>} : memref<40x128xf32, #tpu.memory_space<vmem>>, vector<16xf32>,
            %mul3A_648 = arith.mulf %bitcast3A_643, %gather3A_587 : vector<16xf32>
            %swap3A_649 = arith.index_cast %add3A_591 : i32 to index
            %swap3A_650 = arith.constant 80 : index
            %swap3A_651 = tpu.vector_load %run_scoped3A_5[%swap3A_649, %swap3A_650] {strides = array<i32>} : memref<40x128xf32, #tpu.memory_space<vmem>>, vector<16xf32>,
            tpu.vector_store %run_scoped3A_5[%swap3A_649, %swap3A_650], %mul3A_648 {strides = array<i32>} : memref<40x128xf32, #tpu.memory_space<vmem>>, vector<16xf32>,
            %get3A_652 = arith.index_cast %add3A_591 : i32 to index
            %get3A_653 = arith.constant 96 : index
            %get3A_654 = tpu.vector_load %run_scoped3A_3[%get3A_652, %get3A_653] {strides = array<i32>} : memref<40x128xbf16, #tpu.memory_space<vmem>>, vector<32xbf16>,
            %bitcast3A_655 = vector.bitcast %get3A_654 : vector<32xbf16> to vector<16xi32>
            %shift_left3A_656 = arith.constant 16 : i32
            %shift_left3A_657 = vector.broadcast %shift_left3A_656 : i32 to vector<16xi32>
            %shift_left3A_658 = arith.shli %bitcast3A_655, %shift_left3A_657 : vector<16xi32>
            %bitcast3A_659 = vector.bitcast %shift_left3A_658 : vector<16xi32> to vector<16xf32>
            %and3A_660 = arith.constant -65536 : i32
            %and3A_661 = vector.broadcast %and3A_660 : i32 to vector<16xi32>
            %and3A_662 = arith.andi %bitcast3A_655, %and3A_661 : vector<16xi32>
            %bitcast3A_663 = vector.bitcast %and3A_662 : vector<16xi32> to vector<16xf32>
            %mul3A_664 = arith.mulf %bitcast3A_659, %gather3A_587 : vector<16xf32>
            %swap3A_665 = arith.index_cast %add3A_591 : i32 to index
            %swap3A_666 = arith.constant 96 : index
            %swap3A_667 = tpu.vector_load %run_scoped3A_5[%swap3A_665, %swap3A_666] {strides = array<i32>} : memref<40x128xf32, #tpu.memory_space<vmem>>, vector<16xf32>,
            tpu.vector_store %run_scoped3A_5[%swap3A_665, %swap3A_666], %mul3A_664 {strides = array<i32>} : memref<40x128xf32, #tpu.memory_space<vmem>>, vector<16xf32>,
            %mul3A_668 = arith.mulf %bitcast3A_663, %gather3A_587 : vector<16xf32>
            %swap3A_669 = arith.index_cast %add3A_591 : i32 to index
            %swap3A_670 = arith.constant 112 : index
            %swap3A_671 = tpu.vector_load %run_scoped3A_5[%swap3A_669, %swap3A_670] {strides = array<i32>} : memref<40x128xf32, #tpu.memory_space<vmem>>, vector<16xf32>,
            tpu.vector_store %run_scoped3A_5[%swap3A_669, %swap3A_670], %mul3A_668 {strides = array<i32>} : memref<40x128xf32, #tpu.memory_space<vmem>>, vector<16xf32>,
            %broadcast_in_dim3A_672 = arith.constant 6 : i32
            %broadcast_in_dim3A_673 = vector.broadcast %broadcast_in_dim3A_672 : i32 to vector<16x1xi32>
            %gather3A_674 = vector.shape_cast %broadcast_in_dim3A_673 : vector<16x1xi32> to vector<16xi32>
            %gather3A_675 = tpu.dynamic_gather %get3A_149[%gather3A_674] in [0] : vector<16xf32>, vector<16xi32> -> vector<16xf32>
            %mul3A_676 = arith.constant 8 : i32
            %mul3A_677 = arith.muli %add3A_143, %mul3A_676 : i32
            %add3A_678 = arith.constant 6 : i32
            %add3A_679 = arith.addi %mul3A_677, %add3A_678 : i32
            %get3A_680 = arith.index_cast %add3A_679 : i32 to index
            %get3A_681 = arith.constant 0 : index
            %get3A_682 = tpu.vector_load %run_scoped3A_3[%get3A_680, %get3A_681] {strides = array<i32>} : memref<40x128xbf16, #tpu.memory_space<vmem>>, vector<32xbf16>,
            %bitcast3A_683 = vector.bitcast %get3A_682 : vector<32xbf16> to vector<16xi32>
            %shift_left3A_684 = arith.constant 16 : i32
            %shift_left3A_685 = vector.broadcast %shift_left3A_684 : i32 to vector<16xi32>
            %shift_left3A_686 = arith.shli %bitcast3A_683, %shift_left3A_685 : vector<16xi32>
            %bitcast3A_687 = vector.bitcast %shift_left3A_686 : vector<16xi32> to vector<16xf32>
            %and3A_688 = arith.constant -65536 : i32
            %and3A_689 = vector.broadcast %and3A_688 : i32 to vector<16xi32>
            %and3A_690 = arith.andi %bitcast3A_683, %and3A_689 : vector<16xi32>
            %bitcast3A_691 = vector.bitcast %and3A_690 : vector<16xi32> to vector<16xf32>
            %mul3A_692 = arith.mulf %bitcast3A_687, %gather3A_675 : vector<16xf32>
            %swap3A_693 = arith.index_cast %add3A_679 : i32 to index
            %swap3A_694 = arith.constant 0 : index
            %swap3A_695 = tpu.vector_load %run_scoped3A_5[%swap3A_693, %swap3A_694] {strides = array<i32>} : memref<40x128xf32, #tpu.memory_space<vmem>>, vector<16xf32>,
            tpu.vector_store %run_scoped3A_5[%swap3A_693, %swap3A_694], %mul3A_692 {strides = array<i32>} : memref<40x128xf32, #tpu.memory_space<vmem>>, vector<16xf32>,
            %mul3A_696 = arith.mulf %bitcast3A_691, %gather3A_675 : vector<16xf32>
            %swap3A_697 = arith.index_cast %add3A_679 : i32 to index
            %swap3A_698 = arith.constant 16 : index
            %swap3A_699 = tpu.vector_load %run_scoped3A_5[%swap3A_697, %swap3A_698] {strides = array<i32>} : memref<40x128xf32, #tpu.memory_space<vmem>>, vector<16xf32>,
            tpu.vector_store %run_scoped3A_5[%swap3A_697, %swap3A_698], %mul3A_696 {strides = array<i32>} : memref<40x128xf32, #tpu.memory_space<vmem>>, vector<16xf32>,
            %get3A_700 = arith.index_cast %add3A_679 : i32 to index
            %get3A_701 = arith.constant 32 : index
            %get3A_702 = tpu.vector_load %run_scoped3A_3[%get3A_700, %get3A_701] {strides = array<i32>} : memref<40x128xbf16, #tpu.memory_space<vmem>>, vector<32xbf16>,
            %bitcast3A_703 = vector.bitcast %get3A_702 : vector<32xbf16> to vector<16xi32>
            %shift_left3A_704 = arith.constant 16 : i32
            %shift_left3A_705 = vector.broadcast %shift_left3A_704 : i32 to vector<16xi32>
            %shift_left3A_706 = arith.shli %bitcast3A_703, %shift_left3A_705 : vector<16xi32>
            %bitcast3A_707 = vector.bitcast %shift_left3A_706 : vector<16xi32> to vector<16xf32>
            %and3A_708 = arith.constant -65536 : i32
            %and3A_709 = vector.broadcast %and3A_708 : i32 to vector<16xi32>
            %and3A_710 = arith.andi %bitcast3A_703, %and3A_709 : vector<16xi32>
            %bitcast3A_711 = vector.bitcast %and3A_710 : vector<16xi32> to vector<16xf32>
            %mul3A_712 = arith.mulf %bitcast3A_707, %gather3A_675 : vector<16xf32>
            %swap3A_713 = arith.index_cast %add3A_679 : i32 to index
            %swap3A_714 = arith.constant 32 : index
            %swap3A_715 = tpu.vector_load %run_scoped3A_5[%swap3A_713, %swap3A_714] {strides = array<i32>} : memref<40x128xf32, #tpu.memory_space<vmem>>, vector<16xf32>,
            tpu.vector_store %run_scoped3A_5[%swap3A_713, %swap3A_714], %mul3A_712 {strides = array<i32>} : memref<40x128xf32, #tpu.memory_space<vmem>>, vector<16xf32>,
            %mul3A_716 = arith.mulf %bitcast3A_711, %gather3A_675 : vector<16xf32>
            %swap3A_717 = arith.index_cast %add3A_679 : i32 to index
            %swap3A_718 = arith.constant 48 : index
            %swap3A_719 = tpu.vector_load %run_scoped3A_5[%swap3A_717, %swap3A_718] {strides = array<i32>} : memref<40x128xf32, #tpu.memory_space<vmem>>, vector<16xf32>,
            tpu.vector_store %run_scoped3A_5[%swap3A_717, %swap3A_718], %mul3A_716 {strides = array<i32>} : memref<40x128xf32, #tpu.memory_space<vmem>>, vector<16xf32>,
            %get3A_720 = arith.index_cast %add3A_679 : i32 to index
            %get3A_721 = arith.constant 64 : index
            %get3A_722 = tpu.vector_load %run_scoped3A_3[%get3A_720, %get3A_721] {strides = array<i32>} : memref<40x128xbf16, #tpu.memory_space<vmem>>, vector<32xbf16>,
            %bitcast3A_723 = vector.bitcast %get3A_722 : vector<32xbf16> to vector<16xi32>
            %shift_left3A_724 = arith.constant 16 : i32
            %shift_left3A_725 = vector.broadcast %shift_left3A_724 : i32 to vector<16xi32>
            %shift_left3A_726 = arith.shli %bitcast3A_723, %shift_left3A_725 : vector<16xi32>
            %bitcast3A_727 = vector.bitcast %shift_left3A_726 : vector<16xi32> to vector<16xf32>
            %and3A_728 = arith.constant -65536 : i32
            %and3A_729 = vector.broadcast %and3A_728 : i32 to vector<16xi32>
            %and3A_730 = arith.andi %bitcast3A_723, %and3A_729 : vector<16xi32>
            %bitcast3A_731 = vector.bitcast %and3A_730 : vector<16xi32> to vector<16xf32>
            %mul3A_732 = arith.mulf %bitcast3A_727, %gather3A_675 : vector<16xf32>
            %swap3A_733 = arith.index_cast %add3A_679 : i32 to index
            %swap3A_734 = arith.constant 64 : index
            %swap3A_735 = tpu.vector_load %run_scoped3A_5[%swap3A_733, %swap3A_734] {strides = array<i32>} : memref<40x128xf32, #tpu.memory_space<vmem>>, vector<16xf32>,
            tpu.vector_store %run_scoped3A_5[%swap3A_733, %swap3A_734], %mul3A_732 {strides = array<i32>} : memref<40x128xf32, #tpu.memory_space<vmem>>, vector<16xf32>,
            %mul3A_736 = arith.mulf %bitcast3A_731, %gather3A_675 : vector<16xf32>
            %swap3A_737 = arith.index_cast %add3A_679 : i32 to index
            %swap3A_738 = arith.constant 80 : index
            %swap3A_739 = tpu.vector_load %run_scoped3A_5[%swap3A_737, %swap3A_738] {strides = array<i32>} : memref<40x128xf32, #tpu.memory_space<vmem>>, vector<16xf32>,
            tpu.vector_store %run_scoped3A_5[%swap3A_737, %swap3A_738], %mul3A_736 {strides = array<i32>} : memref<40x128xf32, #tpu.memory_space<vmem>>, vector<16xf32>,
            %get3A_740 = arith.index_cast %add3A_679 : i32 to index
            %get3A_741 = arith.constant 96 : index
            %get3A_742 = tpu.vector_load %run_scoped3A_3[%get3A_740, %get3A_741] {strides = array<i32>} : memref<40x128xbf16, #tpu.memory_space<vmem>>, vector<32xbf16>,
            %bitcast3A_743 = vector.bitcast %get3A_742 : vector<32xbf16> to vector<16xi32>
            %shift_left3A_744 = arith.constant 16 : i32
            %shift_left3A_745 = vector.broadcast %shift_left3A_744 : i32 to vector<16xi32>
            %shift_left3A_746 = arith.shli %bitcast3A_743, %shift_left3A_745 : vector<16xi32>
            %bitcast3A_747 = vector.bitcast %shift_left3A_746 : vector<16xi32> to vector<16xf32>
            %and3A_748 = arith.constant -65536 : i32
            %and3A_749 = vector.broadcast %and3A_748 : i32 to vector<16xi32>
            %and3A_750 = arith.andi %bitcast3A_743, %and3A_749 : vector<16xi32>
            %bitcast3A_751 = vector.bitcast %and3A_750 : vector<16xi32> to vector<16xf32>
            %mul3A_752 = arith.mulf %bitcast3A_747, %gather3A_675 : vector<16xf32>
            %swap3A_753 = arith.index_cast %add3A_679 : i32 to index
            %swap3A_754 = arith.constant 96 : index
            %swap3A_755 = tpu.vector_load %run_scoped3A_5[%swap3A_753, %swap3A_754] {strides = array<i32>} : memref<40x128xf32, #tpu.memory_space<vmem>>, vector<16xf32>,
            tpu.vector_store %run_scoped3A_5[%swap3A_753, %swap3A_754], %mul3A_752 {strides = array<i32>} : memref<40x128xf32, #tpu.memory_space<vmem>>, vector<16xf32>,
            %mul3A_756 = arith.mulf %bitcast3A_751, %gather3A_675 : vector<16xf32>
            %swap3A_757 = arith.index_cast %add3A_679 : i32 to index
            %swap3A_758 = arith.constant 112 : index
            %swap3A_759 = tpu.vector_load %run_scoped3A_5[%swap3A_757, %swap3A_758] {strides = array<i32>} : memref<40x128xf32, #tpu.memory_space<vmem>>, vector<16xf32>,
            tpu.vector_store %run_scoped3A_5[%swap3A_757, %swap3A_758], %mul3A_756 {strides = array<i32>} : memref<40x128xf32, #tpu.memory_space<vmem>>, vector<16xf32>,
            %broadcast_in_dim3A_760 = arith.constant 7 : i32
            %broadcast_in_dim3A_761 = vector.broadcast %broadcast_in_dim3A_760 : i32 to vector<16x1xi32>
            %gather3A_762 = vector.shape_cast %broadcast_in_dim3A_761 : vector<16x1xi32> to vector<16xi32>
            %gather3A_763 = tpu.dynamic_gather %get3A_149[%gather3A_762] in [0] : vector<16xf32>, vector<16xi32> -> vector<16xf32>
            %mul3A_764 = arith.constant 8 : i32
            %mul3A_765 = arith.muli %add3A_143, %mul3A_764 : i32
            %add3A_766 = arith.constant 7 : i32
            %add3A_767 = arith.addi %mul3A_765, %add3A_766 : i32
            %get3A_768 = arith.index_cast %add3A_767 : i32 to index
            %get3A_769 = arith.constant 0 : index
            %get3A_770 = tpu.vector_load %run_scoped3A_3[%get3A_768, %get3A_769] {strides = array<i32>} : memref<40x128xbf16, #tpu.memory_space<vmem>>, vector<32xbf16>,
            %bitcast3A_771 = vector.bitcast %get3A_770 : vector<32xbf16> to vector<16xi32>
            %shift_left3A_772 = arith.constant 16 : i32
            %shift_left3A_773 = vector.broadcast %shift_left3A_772 : i32 to vector<16xi32>
            %shift_left3A_774 = arith.shli %bitcast3A_771, %shift_left3A_773 : vector<16xi32>
            %bitcast3A_775 = vector.bitcast %shift_left3A_774 : vector<16xi32> to vector<16xf32>
            %and3A_776 = arith.constant -65536 : i32
            %and3A_777 = vector.broadcast %and3A_776 : i32 to vector<16xi32>
            %and3A_778 = arith.andi %bitcast3A_771, %and3A_777 : vector<16xi32>
            %bitcast3A_779 = vector.bitcast %and3A_778 : vector<16xi32> to vector<16xf32>
            %mul3A_780 = arith.mulf %bitcast3A_775, %gather3A_763 : vector<16xf32>
            %swap3A_781 = arith.index_cast %add3A_767 : i32 to index
            %swap3A_782 = arith.constant 0 : index
            %swap3A_783 = tpu.vector_load %run_scoped3A_5[%swap3A_781, %swap3A_782] {strides = array<i32>} : memref<40x128xf32, #tpu.memory_space<vmem>>, vector<16xf32>,
            tpu.vector_store %run_scoped3A_5[%swap3A_781, %swap3A_782], %mul3A_780 {strides = array<i32>} : memref<40x128xf32, #tpu.memory_space<vmem>>, vector<16xf32>,
            %mul3A_784 = arith.mulf %bitcast3A_779, %gather3A_763 : vector<16xf32>
            %swap3A_785 = arith.index_cast %add3A_767 : i32 to index
            %swap3A_786 = arith.constant 16 : index
            %swap3A_787 = tpu.vector_load %run_scoped3A_5[%swap3A_785, %swap3A_786] {strides = array<i32>} : memref<40x128xf32, #tpu.memory_space<vmem>>, vector<16xf32>,
            tpu.vector_store %run_scoped3A_5[%swap3A_785, %swap3A_786], %mul3A_784 {strides = array<i32>} : memref<40x128xf32, #tpu.memory_space<vmem>>, vector<16xf32>,
            %get3A_788 = arith.index_cast %add3A_767 : i32 to index
            %get3A_789 = arith.constant 32 : index
            %get3A_790 = tpu.vector_load %run_scoped3A_3[%get3A_788, %get3A_789] {strides = array<i32>} : memref<40x128xbf16, #tpu.memory_space<vmem>>, vector<32xbf16>,
            %bitcast3A_791 = vector.bitcast %get3A_790 : vector<32xbf16> to vector<16xi32>
            %shift_left3A_792 = arith.constant 16 : i32
            %shift_left3A_793 = vector.broadcast %shift_left3A_792 : i32 to vector<16xi32>
            %shift_left3A_794 = arith.shli %bitcast3A_791, %shift_left3A_793 : vector<16xi32>
            %bitcast3A_795 = vector.bitcast %shift_left3A_794 : vector<16xi32> to vector<16xf32>
            %and3A_796 = arith.constant -65536 : i32
            %and3A_797 = vector.broadcast %and3A_796 : i32 to vector<16xi32>
            %and3A_798 = arith.andi %bitcast3A_791, %and3A_797 : vector<16xi32>
            %bitcast3A_799 = vector.bitcast %and3A_798 : vector<16xi32> to vector<16xf32>
            %mul3A_800 = arith.mulf %bitcast3A_795, %gather3A_763 : vector<16xf32>
            %swap3A_801 = arith.index_cast %add3A_767 : i32 to index
            %swap3A_802 = arith.constant 32 : index
            %swap3A_803 = tpu.vector_load %run_scoped3A_5[%swap3A_801, %swap3A_802] {strides = array<i32>} : memref<40x128xf32, #tpu.memory_space<vmem>>, vector<16xf32>,
            tpu.vector_store %run_scoped3A_5[%swap3A_801, %swap3A_802], %mul3A_800 {strides = array<i32>} : memref<40x128xf32, #tpu.memory_space<vmem>>, vector<16xf32>,
            %mul3A_804 = arith.mulf %bitcast3A_799, %gather3A_763 : vector<16xf32>
            %swap3A_805 = arith.index_cast %add3A_767 : i32 to index
            %swap3A_806 = arith.constant 48 : index
            %swap3A_807 = tpu.vector_load %run_scoped3A_5[%swap3A_805, %swap3A_806] {strides = array<i32>} : memref<40x128xf32, #tpu.memory_space<vmem>>, vector<16xf32>,
            tpu.vector_store %run_scoped3A_5[%swap3A_805, %swap3A_806], %mul3A_804 {strides = array<i32>} : memref<40x128xf32, #tpu.memory_space<vmem>>, vector<16xf32>,
            %get3A_808 = arith.index_cast %add3A_767 : i32 to index
            %get3A_809 = arith.constant 64 : index
            %get3A_810 = tpu.vector_load %run_scoped3A_3[%get3A_808, %get3A_809] {strides = array<i32>} : memref<40x128xbf16, #tpu.memory_space<vmem>>, vector<32xbf16>,
            %bitcast3A_811 = vector.bitcast %get3A_810 : vector<32xbf16> to vector<16xi32>
            %shift_left3A_812 = arith.constant 16 : i32
            %shift_left3A_813 = vector.broadcast %shift_left3A_812 : i32 to vector<16xi32>
            %shift_left3A_814 = arith.shli %bitcast3A_811, %shift_left3A_813 : vector<16xi32>
            %bitcast3A_815 = vector.bitcast %shift_left3A_814 : vector<16xi32> to vector<16xf32>
            %and3A_816 = arith.constant -65536 : i32
            %and3A_817 = vector.broadcast %and3A_816 : i32 to vector<16xi32>
            %and3A_818 = arith.andi %bitcast3A_811, %and3A_817 : vector<16xi32>
            %bitcast3A_819 = vector.bitcast %and3A_818 : vector<16xi32> to vector<16xf32>
            %mul3A_820 = arith.mulf %bitcast3A_815, %gather3A_763 : vector<16xf32>
            %swap3A_821 = arith.index_cast %add3A_767 : i32 to index
            %swap3A_822 = arith.constant 64 : index
            %swap3A_823 = tpu.vector_load %run_scoped3A_5[%swap3A_821, %swap3A_822] {strides = array<i32>} : memref<40x128xf32, #tpu.memory_space<vmem>>, vector<16xf32>,
            tpu.vector_store %run_scoped3A_5[%swap3A_821, %swap3A_822], %mul3A_820 {strides = array<i32>} : memref<40x128xf32, #tpu.memory_space<vmem>>, vector<16xf32>,
            %mul3A_824 = arith.mulf %bitcast3A_819, %gather3A_763 : vector<16xf32>
            %swap3A_825 = arith.index_cast %add3A_767 : i32 to index
            %swap3A_826 = arith.constant 80 : index
            %swap3A_827 = tpu.vector_load %run_scoped3A_5[%swap3A_825, %swap3A_826] {strides = array<i32>} : memref<40x128xf32, #tpu.memory_space<vmem>>, vector<16xf32>,
            tpu.vector_store %run_scoped3A_5[%swap3A_825, %swap3A_826], %mul3A_824 {strides = array<i32>} : memref<40x128xf32, #tpu.memory_space<vmem>>, vector<16xf32>,
            %get3A_828 = arith.index_cast %add3A_767 : i32 to index
            %get3A_829 = arith.constant 96 : index
            %get3A_830 = tpu.vector_load %run_scoped3A_3[%get3A_828, %get3A_829] {strides = array<i32>} : memref<40x128xbf16, #tpu.memory_space<vmem>>, vector<32xbf16>,
            %bitcast3A_831 = vector.bitcast %get3A_830 : vector<32xbf16> to vector<16xi32>
            %shift_left3A_832 = arith.constant 16 : i32
            %shift_left3A_833 = vector.broadcast %shift_left3A_832 : i32 to vector<16xi32>
            %shift_left3A_834 = arith.shli %bitcast3A_831, %shift_left3A_833 : vector<16xi32>
            %bitcast3A_835 = vector.bitcast %shift_left3A_834 : vector<16xi32> to vector<16xf32>
            %and3A_836 = arith.constant -65536 : i32
            %and3A_837 = vector.broadcast %and3A_836 : i32 to vector<16xi32>
            %and3A_838 = arith.andi %bitcast3A_831, %and3A_837 : vector<16xi32>
            %bitcast3A_839 = vector.bitcast %and3A_838 : vector<16xi32> to vector<16xf32>
            %mul3A_840 = arith.mulf %bitcast3A_835, %gather3A_763 : vector<16xf32>
            %swap3A_841 = arith.index_cast %add3A_767 : i32 to index
            %swap3A_842 = arith.constant 96 : index
            %swap3A_843 = tpu.vector_load %run_scoped3A_5[%swap3A_841, %swap3A_842] {strides = array<i32>} : memref<40x128xf32, #tpu.memory_space<vmem>>, vector<16xf32>,
            tpu.vector_store %run_scoped3A_5[%swap3A_841, %swap3A_842], %mul3A_840 {strides = array<i32>} : memref<40x128xf32, #tpu.memory_space<vmem>>, vector<16xf32>,
            %mul3A_844 = arith.mulf %bitcast3A_839, %gather3A_763 : vector<16xf32>
            %swap3A_845 = arith.index_cast %add3A_767 : i32 to index
            %swap3A_846 = arith.constant 112 : index
            %swap3A_847 = tpu.vector_load %run_scoped3A_5[%swap3A_845, %swap3A_846] {strides = array<i32>} : memref<40x128xf32, #tpu.memory_space<vmem>>, vector<16xf32>,
            tpu.vector_store %run_scoped3A_5[%swap3A_845, %swap3A_846], %mul3A_844 {strides = array<i32>} : memref<40x128xf32, #tpu.memory_space<vmem>>, vector<16xf32>,
          }
          %scan3A_99 = arith.constant 5 : i32
          %mul3A_100 = arith.constant 40 : i32
          %mul3A_101 = arith.muli %mul3A_80, %mul3A_100 : i32
          %dma_start3A_102 = tpu.memref_slice %run_scoped3A_0[%mul3A_101] : memref<10000xi32, #tpu.memory_space<vmem>> -> memref<40xi32, #tpu.memory_space<vmem>>
          %dma_start3A_103 = arith.constant 0 : i32
          %dma_start3A_104 = arith.constant 0 : i32
          %dma_start3A_105 = tpu.memref_slice %arg8[%dma_start3A_103, %dma_start3A_104] : memref<10000x128xf32, #tpu.memory_space<vmem_shared>> -> memref<10000x128xf32, #tpu.memory_space<vmem_shared>>
          tpu.enqueue_indirect_dma source(%run_scoped3A_5 : memref<40x128xf32, #tpu.memory_space<vmem>>) target(%dma_start3A_105 : memref<10000x128xf32, #tpu.memory_space<vmem_shared>>) offsets(%dma_start3A_102 : memref<40xi32, #tpu.memory_space<vmem>>) semaphore(%run_scoped3A_9 : memref<!tpu.dma_semaphore, #tpu.memory_space<semaphore_mem>>) {add = true}
          %mul3A_106 = arith.constant 2 : i32
          %mul3A_107 = arith.muli %mul3A_106, %add3A_78 : i32
          %add3A_108 = arith.constant 1 : i32
          %add3A_109 = arith.addi %mul3A_107, %add3A_108 : i32
          %mul3A_110 = arith.constant 40 : i32
          %mul3A_111 = arith.muli %add3A_109, %mul3A_110 : i32
          %dma_wait3A_112 = tpu.memref_slice %run_scoped3A[%mul3A_111] : memref<10000xi32, #tpu.memory_space<vmem>> -> memref<40xi32, #tpu.memory_space<vmem>>
          %dma_wait3A_113 = arith.constant 0 : i32
          %dma_wait3A_114 = arith.constant 0 : i32
          %dma_wait3A_115 = tpu.memref_slice %arg6[%dma_wait3A_113, %dma_wait3A_114] : memref<10000x128xbf16, #tpu.memory_space<hbm>> -> memref<10000x128xbf16, #tpu.memory_space<hbm>>
          tpu.wait_indirect_dma semaphore(%run_scoped3A_8 : memref<!tpu.dma_semaphore, #tpu.memory_space<semaphore_mem>>) src(%dma_wait3A_115 : memref<10000x128xbf16, #tpu.memory_space<hbm>>) dst(%run_scoped3A_4 : memref<40x128xbf16, #tpu.memory_space<vmem>>)
          %add3A_116 = arith.constant 1 : i32
          %add3A_117 = arith.addi %add3A_109, %add3A_116 : i32
          %lt3A_118 = arith.constant 250 : i32
          %lt3A_119 = arith.cmpi slt, %add3A_117, %lt3A_118 : i32
          %convert_element_type3A_120 = arith.extui %lt3A_119 : i1 to i32
          %cond3A_121 = arith.constant 0 : i32
          %cond3A_122 = arith.cmpi ne, %convert_element_type3A_120, %cond3A_121 : i32
          scf.if %cond3A_122 {
            %add3A_139 = arith.constant 1 : i32
            %add3A_140 = arith.addi %add3A_109, %add3A_139 : i32
            %mul3A_141 = arith.constant 40 : i32
            %mul3A_142 = arith.muli %add3A_140, %mul3A_141 : i32
            %dma_start3A_143 = tpu.memref_slice %run_scoped3A[%mul3A_142] : memref<10000xi32, #tpu.memory_space<vmem>> -> memref<40xi32, #tpu.memory_space<vmem>>
            %dma_start3A_144 = arith.constant 0 : i32
            %dma_start3A_145 = arith.constant 0 : i32
            %dma_start3A_146 = tpu.memref_slice %arg6[%dma_start3A_144, %dma_start3A_145] : memref<10000x128xbf16, #tpu.memory_space<hbm>> -> memref<10000x128xbf16, #tpu.memory_space<hbm>>
            tpu.enqueue_indirect_dma source(%dma_start3A_146 : memref<10000x128xbf16, #tpu.memory_space<hbm>>) target(%run_scoped3A_3 : memref<40x128xbf16, #tpu.memory_space<vmem>>) offsets(%dma_start3A_143 : memref<40xi32, #tpu.memory_space<vmem>>) semaphore(%run_scoped3A_7 : memref<!tpu.dma_semaphore, #tpu.memory_space<semaphore_mem>>)
          } else {
          }
          %ge3A_123 = arith.constant 2 : i32
          %ge3A_124 = arith.cmpi sge, %add3A_109, %ge3A_123 : i32
          %convert_element_type3A_125 = arith.extui %ge3A_124 : i1 to i32
          %cond3A_126 = arith.constant 0 : i32
          %cond3A_127 = arith.cmpi ne, %convert_element_type3A_125, %cond3A_126 : i32
          scf.if %cond3A_127 {
            %sub3A_139 = arith.constant 2 : i32
            %sub3A_140 = arith.subi %add3A_109, %sub3A_139 : i32
            %mul3A_141 = arith.constant 40 : i32
            %mul3A_142 = arith.muli %sub3A_140, %mul3A_141 : i32
            %dma_wait3A_143 = tpu.memref_slice %run_scoped3A_0[%mul3A_142] : memref<10000xi32, #tpu.memory_space<vmem>> -> memref<40xi32, #tpu.memory_space<vmem>>
            %dma_wait3A_144 = arith.constant 0 : i32
            %dma_wait3A_145 = arith.constant 0 : i32
            %dma_wait3A_146 = tpu.memref_slice %arg8[%dma_wait3A_144, %dma_wait3A_145] : memref<10000x128xf32, #tpu.memory_space<vmem_shared>> -> memref<10000x128xf32, #tpu.memory_space<vmem_shared>>
            tpu.wait_indirect_dma semaphore(%run_scoped3A_10 : memref<!tpu.dma_semaphore, #tpu.memory_space<semaphore_mem>>) src(%run_scoped3A_6 : memref<40x128xf32, #tpu.memory_space<vmem>>) dst(%dma_wait3A_146 : memref<10000x128xf32, #tpu.memory_space<vmem_shared>>)
          } else {
          }
          %scan3A_128 = arith.constant 0 : i32
          %scan3A_129 = arith.constant 5 : i32
          %scan3A_130 = arith.addi %scan3A_128, %scan3A_129 : i32
          %scan3A_131 = arith.constant 1 : i32
          scf.for %scan3A_139 = %scan3A_128 to %scan3A_130 step %scan3A_131  : i32 {
            %mul3A_140 = arith.constant 1 : i32
            %mul3A_141 = arith.muli %scan3A_139, %mul3A_140 : i32
            %add3A_142 = arith.constant 0 : i32
            %add3A_143 = arith.addi %add3A_142, %mul3A_141 : i32
            %mul3A_144 = arith.constant 40 : i32
            %mul3A_145 = arith.muli %add3A_109, %mul3A_144 : i32
            %mul3A_146 = arith.constant 8 : i32
            %mul3A_147 = arith.muli %add3A_143, %mul3A_146 : i32
            %add3A_148 = arith.addi %mul3A_145, %mul3A_147 : i32
            %get3A = arith.index_cast %add3A_148 : i32 to index
            %get3A_149 = tpu.vector_load %run_scoped3A_1[%get3A] {strides = array<i32>} : memref<10016xf32, #tpu.memory_space<vmem>>, vector<16xf32>,
            %broadcast_in_dim3A = arith.constant 0 : i32
            %broadcast_in_dim3A_150 = vector.broadcast %broadcast_in_dim3A : i32 to vector<16x1xi32>
            %gather3A = vector.shape_cast %broadcast_in_dim3A_150 : vector<16x1xi32> to vector<16xi32>
            %gather3A_151 = tpu.dynamic_gather %get3A_149[%gather3A] in [0] : vector<16xf32>, vector<16xi32> -> vector<16xf32>
            %mul3A_152 = arith.constant 8 : i32
            %mul3A_153 = arith.muli %add3A_143, %mul3A_152 : i32
            %add3A_154 = arith.constant 0 : i32
            %add3A_155 = arith.addi %mul3A_153, %add3A_154 : i32
            %get3A_156 = arith.index_cast %add3A_155 : i32 to index
            %get3A_157 = arith.constant 0 : index
            %get3A_158 = tpu.vector_load %run_scoped3A_4[%get3A_156, %get3A_157] {strides = array<i32>} : memref<40x128xbf16, #tpu.memory_space<vmem>>, vector<32xbf16>,
            %bitcast3A = vector.bitcast %get3A_158 : vector<32xbf16> to vector<16xi32>
            %shift_left3A = arith.constant 16 : i32
            %shift_left3A_159 = vector.broadcast %shift_left3A : i32 to vector<16xi32>
            %shift_left3A_160 = arith.shli %bitcast3A, %shift_left3A_159 : vector<16xi32>
            %bitcast3A_161 = vector.bitcast %shift_left3A_160 : vector<16xi32> to vector<16xf32>
            %and3A = arith.constant -65536 : i32
            %and3A_162 = vector.broadcast %and3A : i32 to vector<16xi32>
            %and3A_163 = arith.andi %bitcast3A, %and3A_162 : vector<16xi32>
            %bitcast3A_164 = vector.bitcast %and3A_163 : vector<16xi32> to vector<16xf32>
            %mul3A_165 = arith.mulf %bitcast3A_161, %gather3A_151 : vector<16xf32>
            %swap3A = arith.index_cast %add3A_155 : i32 to index
            %swap3A_166 = arith.constant 0 : index
            %swap3A_167 = tpu.vector_load %run_scoped3A_6[%swap3A, %swap3A_166] {strides = array<i32>} : memref<40x128xf32, #tpu.memory_space<vmem>>, vector<16xf32>,
            tpu.vector_store %run_scoped3A_6[%swap3A, %swap3A_166], %mul3A_165 {strides = array<i32>} : memref<40x128xf32, #tpu.memory_space<vmem>>, vector<16xf32>,
            %mul3A_168 = arith.mulf %bitcast3A_164, %gather3A_151 : vector<16xf32>
            %swap3A_169 = arith.index_cast %add3A_155 : i32 to index
            %swap3A_170 = arith.constant 16 : index
            %swap3A_171 = tpu.vector_load %run_scoped3A_6[%swap3A_169, %swap3A_170] {strides = array<i32>} : memref<40x128xf32, #tpu.memory_space<vmem>>, vector<16xf32>,
            tpu.vector_store %run_scoped3A_6[%swap3A_169, %swap3A_170], %mul3A_168 {strides = array<i32>} : memref<40x128xf32, #tpu.memory_space<vmem>>, vector<16xf32>,
            %get3A_172 = arith.index_cast %add3A_155 : i32 to index
            %get3A_173 = arith.constant 32 : index
            %get3A_174 = tpu.vector_load %run_scoped3A_4[%get3A_172, %get3A_173] {strides = array<i32>} : memref<40x128xbf16, #tpu.memory_space<vmem>>, vector<32xbf16>,
            %bitcast3A_175 = vector.bitcast %get3A_174 : vector<32xbf16> to vector<16xi32>
            %shift_left3A_176 = arith.constant 16 : i32
            %shift_left3A_177 = vector.broadcast %shift_left3A_176 : i32 to vector<16xi32>
            %shift_left3A_178 = arith.shli %bitcast3A_175, %shift_left3A_177 : vector<16xi32>
            %bitcast3A_179 = vector.bitcast %shift_left3A_178 : vector<16xi32> to vector<16xf32>
            %and3A_180 = arith.constant -65536 : i32
            %and3A_181 = vector.broadcast %and3A_180 : i32 to vector<16xi32>
            %and3A_182 = arith.andi %bitcast3A_175, %and3A_181 : vector<16xi32>
            %bitcast3A_183 = vector.bitcast %and3A_182 : vector<16xi32> to vector<16xf32>
            %mul3A_184 = arith.mulf %bitcast3A_179, %gather3A_151 : vector<16xf32>
            %swap3A_185 = arith.index_cast %add3A_155 : i32 to index
            %swap3A_186 = arith.constant 32 : index
            %swap3A_187 = tpu.vector_load %run_scoped3A_6[%swap3A_185, %swap3A_186] {strides = array<i32>} : memref<40x128xf32, #tpu.memory_space<vmem>>, vector<16xf32>,
            tpu.vector_store %run_scoped3A_6[%swap3A_185, %swap3A_186], %mul3A_184 {strides = array<i32>} : memref<40x128xf32, #tpu.memory_space<vmem>>, vector<16xf32>,
            %mul3A_188 = arith.mulf %bitcast3A_183, %gather3A_151 : vector<16xf32>
            %swap3A_189 = arith.index_cast %add3A_155 : i32 to index
            %swap3A_190 = arith.constant 48 : index
            %swap3A_191 = tpu.vector_load %run_scoped3A_6[%swap3A_189, %swap3A_190] {strides = array<i32>} : memref<40x128xf32, #tpu.memory_space<vmem>>, vector<16xf32>,
            tpu.vector_store %run_scoped3A_6[%swap3A_189, %swap3A_190], %mul3A_188 {strides = array<i32>} : memref<40x128xf32, #tpu.memory_space<vmem>>, vector<16xf32>,
            %get3A_192 = arith.index_cast %add3A_155 : i32 to index
            %get3A_193 = arith.constant 64 : index
            %get3A_194 = tpu.vector_load %run_scoped3A_4[%get3A_192, %get3A_193] {strides = array<i32>} : memref<40x128xbf16, #tpu.memory_space<vmem>>, vector<32xbf16>,
            %bitcast3A_195 = vector.bitcast %get3A_194 : vector<32xbf16> to vector<16xi32>
            %shift_left3A_196 = arith.constant 16 : i32
            %shift_left3A_197 = vector.broadcast %shift_left3A_196 : i32 to vector<16xi32>
            %shift_left3A_198 = arith.shli %bitcast3A_195, %shift_left3A_197 : vector<16xi32>
            %bitcast3A_199 = vector.bitcast %shift_left3A_198 : vector<16xi32> to vector<16xf32>
            %and3A_200 = arith.constant -65536 : i32
            %and3A_201 = vector.broadcast %and3A_200 : i32 to vector<16xi32>
            %and3A_202 = arith.andi %bitcast3A_195, %and3A_201 : vector<16xi32>
            %bitcast3A_203 = vector.bitcast %and3A_202 : vector<16xi32> to vector<16xf32>
            %mul3A_204 = arith.mulf %bitcast3A_199, %gather3A_151 : vector<16xf32>
            %swap3A_205 = arith.index_cast %add3A_155 : i32 to index
            %swap3A_206 = arith.constant 64 : index
            %swap3A_207 = tpu.vector_load %run_scoped3A_6[%swap3A_205, %swap3A_206] {strides = array<i32>} : memref<40x128xf32, #tpu.memory_space<vmem>>, vector<16xf32>,
            tpu.vector_store %run_scoped3A_6[%swap3A_205, %swap3A_206], %mul3A_204 {strides = array<i32>} : memref<40x128xf32, #tpu.memory_space<vmem>>, vector<16xf32>,
            %mul3A_208 = arith.mulf %bitcast3A_203, %gather3A_151 : vector<16xf32>
            %swap3A_209 = arith.index_cast %add3A_155 : i32 to index
            %swap3A_210 = arith.constant 80 : index
            %swap3A_211 = tpu.vector_load %run_scoped3A_6[%swap3A_209, %swap3A_210] {strides = array<i32>} : memref<40x128xf32, #tpu.memory_space<vmem>>, vector<16xf32>,
            tpu.vector_store %run_scoped3A_6[%swap3A_209, %swap3A_210], %mul3A_208 {strides = array<i32>} : memref<40x128xf32, #tpu.memory_space<vmem>>, vector<16xf32>,
            %get3A_212 = arith.index_cast %add3A_155 : i32 to index
            %get3A_213 = arith.constant 96 : index
            %get3A_214 = tpu.vector_load %run_scoped3A_4[%get3A_212, %get3A_213] {strides = array<i32>} : memref<40x128xbf16, #tpu.memory_space<vmem>>, vector<32xbf16>,
            %bitcast3A_215 = vector.bitcast %get3A_214 : vector<32xbf16> to vector<16xi32>
            %shift_left3A_216 = arith.constant 16 : i32
            %shift_left3A_217 = vector.broadcast %shift_left3A_216 : i32 to vector<16xi32>
            %shift_left3A_218 = arith.shli %bitcast3A_215, %shift_left3A_217 : vector<16xi32>
            %bitcast3A_219 = vector.bitcast %shift_left3A_218 : vector<16xi32> to vector<16xf32>
            %and3A_220 = arith.constant -65536 : i32
            %and3A_221 = vector.broadcast %and3A_220 : i32 to vector<16xi32>
            %and3A_222 = arith.andi %bitcast3A_215, %and3A_221 : vector<16xi32>
            %bitcast3A_223 = vector.bitcast %and3A_222 : vector<16xi32> to vector<16xf32>
            %mul3A_224 = arith.mulf %bitcast3A_219, %gather3A_151 : vector<16xf32>
            %swap3A_225 = arith.index_cast %add3A_155 : i32 to index
            %swap3A_226 = arith.constant 96 : index
            %swap3A_227 = tpu.vector_load %run_scoped3A_6[%swap3A_225, %swap3A_226] {strides = array<i32>} : memref<40x128xf32, #tpu.memory_space<vmem>>, vector<16xf32>,
            tpu.vector_store %run_scoped3A_6[%swap3A_225, %swap3A_226], %mul3A_224 {strides = array<i32>} : memref<40x128xf32, #tpu.memory_space<vmem>>, vector<16xf32>,
            %mul3A_228 = arith.mulf %bitcast3A_223, %gather3A_151 : vector<16xf32>
            %swap3A_229 = arith.index_cast %add3A_155 : i32 to index
            %swap3A_230 = arith.constant 112 : index
            %swap3A_231 = tpu.vector_load %run_scoped3A_6[%swap3A_229, %swap3A_230] {strides = array<i32>} : memref<40x128xf32, #tpu.memory_space<vmem>>, vector<16xf32>,
            tpu.vector_store %run_scoped3A_6[%swap3A_229, %swap3A_230], %mul3A_228 {strides = array<i32>} : memref<40x128xf32, #tpu.memory_space<vmem>>, vector<16xf32>,
            %broadcast_in_dim3A_232 = arith.constant 1 : i32
            %broadcast_in_dim3A_233 = vector.broadcast %broadcast_in_dim3A_232 : i32 to vector<16x1xi32>
            %gather3A_234 = vector.shape_cast %broadcast_in_dim3A_233 : vector<16x1xi32> to vector<16xi32>
            %gather3A_235 = tpu.dynamic_gather %get3A_149[%gather3A_234] in [0] : vector<16xf32>, vector<16xi32> -> vector<16xf32>
            %mul3A_236 = arith.constant 8 : i32
            %mul3A_237 = arith.muli %add3A_143, %mul3A_236 : i32
            %add3A_238 = arith.constant 1 : i32
            %add3A_239 = arith.addi %mul3A_237, %add3A_238 : i32
            %get3A_240 = arith.index_cast %add3A_239 : i32 to index
            %get3A_241 = arith.constant 0 : index
            %get3A_242 = tpu.vector_load %run_scoped3A_4[%get3A_240, %get3A_241] {strides = array<i32>} : memref<40x128xbf16, #tpu.memory_space<vmem>>, vector<32xbf16>,
            %bitcast3A_243 = vector.bitcast %get3A_242 : vector<32xbf16> to vector<16xi32>
            %shift_left3A_244 = arith.constant 16 : i32
            %shift_left3A_245 = vector.broadcast %shift_left3A_244 : i32 to vector<16xi32>
            %shift_left3A_246 = arith.shli %bitcast3A_243, %shift_left3A_245 : vector<16xi32>
            %bitcast3A_247 = vector.bitcast %shift_left3A_246 : vector<16xi32> to vector<16xf32>
            %and3A_248 = arith.constant -65536 : i32
            %and3A_249 = vector.broadcast %and3A_248 : i32 to vector<16xi32>
            %and3A_250 = arith.andi %bitcast3A_243, %and3A_249 : vector<16xi32>
            %bitcast3A_251 = vector.bitcast %and3A_250 : vector<16xi32> to vector<16xf32>
            %mul3A_252 = arith.mulf %bitcast3A_247, %gather3A_235 : vector<16xf32>
            %swap3A_253 = arith.index_cast %add3A_239 : i32 to index
            %swap3A_254 = arith.constant 0 : index
            %swap3A_255 = tpu.vector_load %run_scoped3A_6[%swap3A_253, %swap3A_254] {strides = array<i32>} : memref<40x128xf32, #tpu.memory_space<vmem>>, vector<16xf32>,
            tpu.vector_store %run_scoped3A_6[%swap3A_253, %swap3A_254], %mul3A_252 {strides = array<i32>} : memref<40x128xf32, #tpu.memory_space<vmem>>, vector<16xf32>,
            %mul3A_256 = arith.mulf %bitcast3A_251, %gather3A_235 : vector<16xf32>
            %swap3A_257 = arith.index_cast %add3A_239 : i32 to index
            %swap3A_258 = arith.constant 16 : index
            %swap3A_259 = tpu.vector_load %run_scoped3A_6[%swap3A_257, %swap3A_258] {strides = array<i32>} : memref<40x128xf32, #tpu.memory_space<vmem>>, vector<16xf32>,
            tpu.vector_store %run_scoped3A_6[%swap3A_257, %swap3A_258], %mul3A_256 {strides = array<i32>} : memref<40x128xf32, #tpu.memory_space<vmem>>, vector<16xf32>,
            %get3A_260 = arith.index_cast %add3A_239 : i32 to index
            %get3A_261 = arith.constant 32 : index
            %get3A_262 = tpu.vector_load %run_scoped3A_4[%get3A_260, %get3A_261] {strides = array<i32>} : memref<40x128xbf16, #tpu.memory_space<vmem>>, vector<32xbf16>,
            %bitcast3A_263 = vector.bitcast %get3A_262 : vector<32xbf16> to vector<16xi32>
            %shift_left3A_264 = arith.constant 16 : i32
            %shift_left3A_265 = vector.broadcast %shift_left3A_264 : i32 to vector<16xi32>
            %shift_left3A_266 = arith.shli %bitcast3A_263, %shift_left3A_265 : vector<16xi32>
            %bitcast3A_267 = vector.bitcast %shift_left3A_266 : vector<16xi32> to vector<16xf32>
            %and3A_268 = arith.constant -65536 : i32
            %and3A_269 = vector.broadcast %and3A_268 : i32 to vector<16xi32>
            %and3A_270 = arith.andi %bitcast3A_263, %and3A_269 : vector<16xi32>
            %bitcast3A_271 = vector.bitcast %and3A_270 : vector<16xi32> to vector<16xf32>
            %mul3A_272 = arith.mulf %bitcast3A_267, %gather3A_235 : vector<16xf32>
            %swap3A_273 = arith.index_cast %add3A_239 : i32 to index
            %swap3A_274 = arith.constant 32 : index
            %swap3A_275 = tpu.vector_load %run_scoped3A_6[%swap3A_273, %swap3A_274] {strides = array<i32>} : memref<40x128xf32, #tpu.memory_space<vmem>>, vector<16xf32>,
            tpu.vector_store %run_scoped3A_6[%swap3A_273, %swap3A_274], %mul3A_272 {strides = array<i32>} : memref<40x128xf32, #tpu.memory_space<vmem>>, vector<16xf32>,
            %mul3A_276 = arith.mulf %bitcast3A_271, %gather3A_235 : vector<16xf32>
            %swap3A_277 = arith.index_cast %add3A_239 : i32 to index
            %swap3A_278 = arith.constant 48 : index
            %swap3A_279 = tpu.vector_load %run_scoped3A_6[%swap3A_277, %swap3A_278] {strides = array<i32>} : memref<40x128xf32, #tpu.memory_space<vmem>>, vector<16xf32>,
            tpu.vector_store %run_scoped3A_6[%swap3A_277, %swap3A_278], %mul3A_276 {strides = array<i32>} : memref<40x128xf32, #tpu.memory_space<vmem>>, vector<16xf32>,
            %get3A_280 = arith.index_cast %add3A_239 : i32 to index
            %get3A_281 = arith.constant 64 : index
            %get3A_282 = tpu.vector_load %run_scoped3A_4[%get3A_280, %get3A_281] {strides = array<i32>} : memref<40x128xbf16, #tpu.memory_space<vmem>>, vector<32xbf16>,
            %bitcast3A_283 = vector.bitcast %get3A_282 : vector<32xbf16> to vector<16xi32>
            %shift_left3A_284 = arith.constant 16 : i32
            %shift_left3A_285 = vector.broadcast %shift_left3A_284 : i32 to vector<16xi32>
            %shift_left3A_286 = arith.shli %bitcast3A_283, %shift_left3A_285 : vector<16xi32>
            %bitcast3A_287 = vector.bitcast %shift_left3A_286 : vector<16xi32> to vector<16xf32>
            %and3A_288 = arith.constant -65536 : i32
            %and3A_289 = vector.broadcast %and3A_288 : i32 to vector<16xi32>
            %and3A_290 = arith.andi %bitcast3A_283, %and3A_289 : vector<16xi32>
            %bitcast3A_291 = vector.bitcast %and3A_290 : vector<16xi32> to vector<16xf32>
            %mul3A_292 = arith.mulf %bitcast3A_287, %gather3A_235 : vector<16xf32>
            %swap3A_293 = arith.index_cast %add3A_239 : i32 to index
            %swap3A_294 = arith.constant 64 : index
            %swap3A_295 = tpu.vector_load %run_scoped3A_6[%swap3A_293, %swap3A_294] {strides = array<i32>} : memref<40x128xf32, #tpu.memory_space<vmem>>, vector<16xf32>,
            tpu.vector_store %run_scoped3A_6[%swap3A_293, %swap3A_294], %mul3A_292 {strides = array<i32>} : memref<40x128xf32, #tpu.memory_space<vmem>>, vector<16xf32>,
            %mul3A_296 = arith.mulf %bitcast3A_291, %gather3A_235 : vector<16xf32>
            %swap3A_297 = arith.index_cast %add3A_239 : i32 to index
            %swap3A_298 = arith.constant 80 : index
            %swap3A_299 = tpu.vector_load %run_scoped3A_6[%swap3A_297, %swap3A_298] {strides = array<i32>} : memref<40x128xf32, #tpu.memory_space<vmem>>, vector<16xf32>,
            tpu.vector_store %run_scoped3A_6[%swap3A_297, %swap3A_298], %mul3A_296 {strides = array<i32>} : memref<40x128xf32, #tpu.memory_space<vmem>>, vector<16xf32>,
            %get3A_300 = arith.index_cast %add3A_239 : i32 to index
            %get3A_301 = arith.constant 96 : index
            %get3A_302 = tpu.vector_load %run_scoped3A_4[%get3A_300, %get3A_301] {strides = array<i32>} : memref<40x128xbf16, #tpu.memory_space<vmem>>, vector<32xbf16>,
            %bitcast3A_303 = vector.bitcast %get3A_302 : vector<32xbf16> to vector<16xi32>
            %shift_left3A_304 = arith.constant 16 : i32
            %shift_left3A_305 = vector.broadcast %shift_left3A_304 : i32 to vector<16xi32>
            %shift_left3A_306 = arith.shli %bitcast3A_303, %shift_left3A_305 : vector<16xi32>
            %bitcast3A_307 = vector.bitcast %shift_left3A_306 : vector<16xi32> to vector<16xf32>
            %and3A_308 = arith.constant -65536 : i32
            %and3A_309 = vector.broadcast %and3A_308 : i32 to vector<16xi32>
            %and3A_310 = arith.andi %bitcast3A_303, %and3A_309 : vector<16xi32>
            %bitcast3A_311 = vector.bitcast %and3A_310 : vector<16xi32> to vector<16xf32>
            %mul3A_312 = arith.mulf %bitcast3A_307, %gather3A_235 : vector<16xf32>
            %swap3A_313 = arith.index_cast %add3A_239 : i32 to index
            %swap3A_314 = arith.constant 96 : index
            %swap3A_315 = tpu.vector_load %run_scoped3A_6[%swap3A_313, %swap3A_314] {strides = array<i32>} : memref<40x128xf32, #tpu.memory_space<vmem>>, vector<16xf32>,
            tpu.vector_store %run_scoped3A_6[%swap3A_313, %swap3A_314], %mul3A_312 {strides = array<i32>} : memref<40x128xf32, #tpu.memory_space<vmem>>, vector<16xf32>,
            %mul3A_316 = arith.mulf %bitcast3A_311, %gather3A_235 : vector<16xf32>
            %swap3A_317 = arith.index_cast %add3A_239 : i32 to index
            %swap3A_318 = arith.constant 112 : index
            %swap3A_319 = tpu.vector_load %run_scoped3A_6[%swap3A_317, %swap3A_318] {strides = array<i32>} : memref<40x128xf32, #tpu.memory_space<vmem>>, vector<16xf32>,
            tpu.vector_store %run_scoped3A_6[%swap3A_317, %swap3A_318], %mul3A_316 {strides = array<i32>} : memref<40x128xf32, #tpu.memory_space<vmem>>, vector<16xf32>,
            %broadcast_in_dim3A_320 = arith.constant 2 : i32
            %broadcast_in_dim3A_321 = vector.broadcast %broadcast_in_dim3A_320 : i32 to vector<16x1xi32>
            %gather3A_322 = vector.shape_cast %broadcast_in_dim3A_321 : vector<16x1xi32> to vector<16xi32>
            %gather3A_323 = tpu.dynamic_gather %get3A_149[%gather3A_322] in [0] : vector<16xf32>, vector<16xi32> -> vector<16xf32>
            %mul3A_324 = arith.constant 8 : i32
            %mul3A_325 = arith.muli %add3A_143, %mul3A_324 : i32
            %add3A_326 = arith.constant 2 : i32
            %add3A_327 = arith.addi %mul3A_325, %add3A_326 : i32
            %get3A_328 = arith.index_cast %add3A_327 : i32 to index
            %get3A_329 = arith.constant 0 : index
            %get3A_330 = tpu.vector_load %run_scoped3A_4[%get3A_328, %get3A_329] {strides = array<i32>} : memref<40x128xbf16, #tpu.memory_space<vmem>>, vector<32xbf16>,
            %bitcast3A_331 = vector.bitcast %get3A_330 : vector<32xbf16> to vector<16xi32>
            %shift_left3A_332 = arith.constant 16 : i32
            %shift_left3A_333 = vector.broadcast %shift_left3A_332 : i32 to vector<16xi32>
            %shift_left3A_334 = arith.shli %bitcast3A_331, %shift_left3A_333 : vector<16xi32>
            %bitcast3A_335 = vector.bitcast %shift_left3A_334 : vector<16xi32> to vector<16xf32>
            %and3A_336 = arith.constant -65536 : i32
            %and3A_337 = vector.broadcast %and3A_336 : i32 to vector<16xi32>
            %and3A_338 = arith.andi %bitcast3A_331, %and3A_337 : vector<16xi32>
            %bitcast3A_339 = vector.bitcast %and3A_338 : vector<16xi32> to vector<16xf32>
            %mul3A_340 = arith.mulf %bitcast3A_335, %gather3A_323 : vector<16xf32>
            %swap3A_341 = arith.index_cast %add3A_327 : i32 to index
            %swap3A_342 = arith.constant 0 : index
            %swap3A_343 = tpu.vector_load %run_scoped3A_6[%swap3A_341, %swap3A_342] {strides = array<i32>} : memref<40x128xf32, #tpu.memory_space<vmem>>, vector<16xf32>,
            tpu.vector_store %run_scoped3A_6[%swap3A_341, %swap3A_342], %mul3A_340 {strides = array<i32>} : memref<40x128xf32, #tpu.memory_space<vmem>>, vector<16xf32>,
            %mul3A_344 = arith.mulf %bitcast3A_339, %gather3A_323 : vector<16xf32>
            %swap3A_345 = arith.index_cast %add3A_327 : i32 to index
            %swap3A_346 = arith.constant 16 : index
            %swap3A_347 = tpu.vector_load %run_scoped3A_6[%swap3A_345, %swap3A_346] {strides = array<i32>} : memref<40x128xf32, #tpu.memory_space<vmem>>, vector<16xf32>,
            tpu.vector_store %run_scoped3A_6[%swap3A_345, %swap3A_346], %mul3A_344 {strides = array<i32>} : memref<40x128xf32, #tpu.memory_space<vmem>>, vector<16xf32>,
            %get3A_348 = arith.index_cast %add3A_327 : i32 to index
            %get3A_349 = arith.constant 32 : index
            %get3A_350 = tpu.vector_load %run_scoped3A_4[%get3A_348, %get3A_349] {strides = array<i32>} : memref<40x128xbf16, #tpu.memory_space<vmem>>, vector<32xbf16>,
            %bitcast3A_351 = vector.bitcast %get3A_350 : vector<32xbf16> to vector<16xi32>
            %shift_left3A_352 = arith.constant 16 : i32
            %shift_left3A_353 = vector.broadcast %shift_left3A_352 : i32 to vector<16xi32>
            %shift_left3A_354 = arith.shli %bitcast3A_351, %shift_left3A_353 : vector<16xi32>
            %bitcast3A_355 = vector.bitcast %shift_left3A_354 : vector<16xi32> to vector<16xf32>
            %and3A_356 = arith.constant -65536 : i32
            %and3A_357 = vector.broadcast %and3A_356 : i32 to vector<16xi32>
            %and3A_358 = arith.andi %bitcast3A_351, %and3A_357 : vector<16xi32>
            %bitcast3A_359 = vector.bitcast %and3A_358 : vector<16xi32> to vector<16xf32>
            %mul3A_360 = arith.mulf %bitcast3A_355, %gather3A_323 : vector<16xf32>
            %swap3A_361 = arith.index_cast %add3A_327 : i32 to index
            %swap3A_362 = arith.constant 32 : index
            %swap3A_363 = tpu.vector_load %run_scoped3A_6[%swap3A_361, %swap3A_362] {strides = array<i32>} : memref<40x128xf32, #tpu.memory_space<vmem>>, vector<16xf32>,
            tpu.vector_store %run_scoped3A_6[%swap3A_361, %swap3A_362], %mul3A_360 {strides = array<i32>} : memref<40x128xf32, #tpu.memory_space<vmem>>, vector<16xf32>,
            %mul3A_364 = arith.mulf %bitcast3A_359, %gather3A_323 : vector<16xf32>
            %swap3A_365 = arith.index_cast %add3A_327 : i32 to index
            %swap3A_366 = arith.constant 48 : index
            %swap3A_367 = tpu.vector_load %run_scoped3A_6[%swap3A_365, %swap3A_366] {strides = array<i32>} : memref<40x128xf32, #tpu.memory_space<vmem>>, vector<16xf32>,
            tpu.vector_store %run_scoped3A_6[%swap3A_365, %swap3A_366], %mul3A_364 {strides = array<i32>} : memref<40x128xf32, #tpu.memory_space<vmem>>, vector<16xf32>,
            %get3A_368 = arith.index_cast %add3A_327 : i32 to index
            %get3A_369 = arith.constant 64 : index
            %get3A_370 = tpu.vector_load %run_scoped3A_4[%get3A_368, %get3A_369] {strides = array<i32>} : memref<40x128xbf16, #tpu.memory_space<vmem>>, vector<32xbf16>,
            %bitcast3A_371 = vector.bitcast %get3A_370 : vector<32xbf16> to vector<16xi32>
            %shift_left3A_372 = arith.constant 16 : i32
            %shift_left3A_373 = vector.broadcast %shift_left3A_372 : i32 to vector<16xi32>
            %shift_left3A_374 = arith.shli %bitcast3A_371, %shift_left3A_373 : vector<16xi32>
            %bitcast3A_375 = vector.bitcast %shift_left3A_374 : vector<16xi32> to vector<16xf32>
            %and3A_376 = arith.constant -65536 : i32
            %and3A_377 = vector.broadcast %and3A_376 : i32 to vector<16xi32>
            %and3A_378 = arith.andi %bitcast3A_371, %and3A_377 : vector<16xi32>
            %bitcast3A_379 = vector.bitcast %and3A_378 : vector<16xi32> to vector<16xf32>
            %mul3A_380 = arith.mulf %bitcast3A_375, %gather3A_323 : vector<16xf32>
            %swap3A_381 = arith.index_cast %add3A_327 : i32 to index
            %swap3A_382 = arith.constant 64 : index
            %swap3A_383 = tpu.vector_load %run_scoped3A_6[%swap3A_381, %swap3A_382] {strides = array<i32>} : memref<40x128xf32, #tpu.memory_space<vmem>>, vector<16xf32>,
            tpu.vector_store %run_scoped3A_6[%swap3A_381, %swap3A_382], %mul3A_380 {strides = array<i32>} : memref<40x128xf32, #tpu.memory_space<vmem>>, vector<16xf32>,
            %mul3A_384 = arith.mulf %bitcast3A_379, %gather3A_323 : vector<16xf32>
            %swap3A_385 = arith.index_cast %add3A_327 : i32 to index
            %swap3A_386 = arith.constant 80 : index
            %swap3A_387 = tpu.vector_load %run_scoped3A_6[%swap3A_385, %swap3A_386] {strides = array<i32>} : memref<40x128xf32, #tpu.memory_space<vmem>>, vector<16xf32>,
            tpu.vector_store %run_scoped3A_6[%swap3A_385, %swap3A_386], %mul3A_384 {strides = array<i32>} : memref<40x128xf32, #tpu.memory_space<vmem>>, vector<16xf32>,
            %get3A_388 = arith.index_cast %add3A_327 : i32 to index
            %get3A_389 = arith.constant 96 : index
            %get3A_390 = tpu.vector_load %run_scoped3A_4[%get3A_388, %get3A_389] {strides = array<i32>} : memref<40x128xbf16, #tpu.memory_space<vmem>>, vector<32xbf16>,
            %bitcast3A_391 = vector.bitcast %get3A_390 : vector<32xbf16> to vector<16xi32>
            %shift_left3A_392 = arith.constant 16 : i32
            %shift_left3A_393 = vector.broadcast %shift_left3A_392 : i32 to vector<16xi32>
            %shift_left3A_394 = arith.shli %bitcast3A_391, %shift_left3A_393 : vector<16xi32>
            %bitcast3A_395 = vector.bitcast %shift_left3A_394 : vector<16xi32> to vector<16xf32>
            %and3A_396 = arith.constant -65536 : i32
            %and3A_397 = vector.broadcast %and3A_396 : i32 to vector<16xi32>
            %and3A_398 = arith.andi %bitcast3A_391, %and3A_397 : vector<16xi32>
            %bitcast3A_399 = vector.bitcast %and3A_398 : vector<16xi32> to vector<16xf32>
            %mul3A_400 = arith.mulf %bitcast3A_395, %gather3A_323 : vector<16xf32>
            %swap3A_401 = arith.index_cast %add3A_327 : i32 to index
            %swap3A_402 = arith.constant 96 : index
            %swap3A_403 = tpu.vector_load %run_scoped3A_6[%swap3A_401, %swap3A_402] {strides = array<i32>} : memref<40x128xf32, #tpu.memory_space<vmem>>, vector<16xf32>,
            tpu.vector_store %run_scoped3A_6[%swap3A_401, %swap3A_402], %mul3A_400 {strides = array<i32>} : memref<40x128xf32, #tpu.memory_space<vmem>>, vector<16xf32>,
            %mul3A_404 = arith.mulf %bitcast3A_399, %gather3A_323 : vector<16xf32>
            %swap3A_405 = arith.index_cast %add3A_327 : i32 to index
            %swap3A_406 = arith.constant 112 : index
            %swap3A_407 = tpu.vector_load %run_scoped3A_6[%swap3A_405, %swap3A_406] {strides = array<i32>} : memref<40x128xf32, #tpu.memory_space<vmem>>, vector<16xf32>,
            tpu.vector_store %run_scoped3A_6[%swap3A_405, %swap3A_406], %mul3A_404 {strides = array<i32>} : memref<40x128xf32, #tpu.memory_space<vmem>>, vector<16xf32>,
            %broadcast_in_dim3A_408 = arith.constant 3 : i32
            %broadcast_in_dim3A_409 = vector.broadcast %broadcast_in_dim3A_408 : i32 to vector<16x1xi32>
            %gather3A_410 = vector.shape_cast %broadcast_in_dim3A_409 : vector<16x1xi32> to vector<16xi32>
            %gather3A_411 = tpu.dynamic_gather %get3A_149[%gather3A_410] in [0] : vector<16xf32>, vector<16xi32> -> vector<16xf32>
            %mul3A_412 = arith.constant 8 : i32
            %mul3A_413 = arith.muli %add3A_143, %mul3A_412 : i32
            %add3A_414 = arith.constant 3 : i32
            %add3A_415 = arith.addi %mul3A_413, %add3A_414 : i32
            %get3A_416 = arith.index_cast %add3A_415 : i32 to index
            %get3A_417 = arith.constant 0 : index
            %get3A_418 = tpu.vector_load %run_scoped3A_4[%get3A_416, %get3A_417] {strides = array<i32>} : memref<40x128xbf16, #tpu.memory_space<vmem>>, vector<32xbf16>,
            %bitcast3A_419 = vector.bitcast %get3A_418 : vector<32xbf16> to vector<16xi32>
            %shift_left3A_420 = arith.constant 16 : i32
            %shift_left3A_421 = vector.broadcast %shift_left3A_420 : i32 to vector<16xi32>
            %shift_left3A_422 = arith.shli %bitcast3A_419, %shift_left3A_421 : vector<16xi32>
            %bitcast3A_423 = vector.bitcast %shift_left3A_422 : vector<16xi32> to vector<16xf32>
            %and3A_424 = arith.constant -65536 : i32
            %and3A_425 = vector.broadcast %and3A_424 : i32 to vector<16xi32>
            %and3A_426 = arith.andi %bitcast3A_419, %and3A_425 : vector<16xi32>
            %bitcast3A_427 = vector.bitcast %and3A_426 : vector<16xi32> to vector<16xf32>
            %mul3A_428 = arith.mulf %bitcast3A_423, %gather3A_411 : vector<16xf32>
            %swap3A_429 = arith.index_cast %add3A_415 : i32 to index
            %swap3A_430 = arith.constant 0 : index
            %swap3A_431 = tpu.vector_load %run_scoped3A_6[%swap3A_429, %swap3A_430] {strides = array<i32>} : memref<40x128xf32, #tpu.memory_space<vmem>>, vector<16xf32>,
            tpu.vector_store %run_scoped3A_6[%swap3A_429, %swap3A_430], %mul3A_428 {strides = array<i32>} : memref<40x128xf32, #tpu.memory_space<vmem>>, vector<16xf32>,
            %mul3A_432 = arith.mulf %bitcast3A_427, %gather3A_411 : vector<16xf32>
            %swap3A_433 = arith.index_cast %add3A_415 : i32 to index
            %swap3A_434 = arith.constant 16 : index
            %swap3A_435 = tpu.vector_load %run_scoped3A_6[%swap3A_433, %swap3A_434] {strides = array<i32>} : memref<40x128xf32, #tpu.memory_space<vmem>>, vector<16xf32>,
            tpu.vector_store %run_scoped3A_6[%swap3A_433, %swap3A_434], %mul3A_432 {strides = array<i32>} : memref<40x128xf32, #tpu.memory_space<vmem>>, vector<16xf32>,
            %get3A_436 = arith.index_cast %add3A_415 : i32 to index
            %get3A_437 = arith.constant 32 : index
            %get3A_438 = tpu.vector_load %run_scoped3A_4[%get3A_436, %get3A_437] {strides = array<i32>} : memref<40x128xbf16, #tpu.memory_space<vmem>>, vector<32xbf16>,
            %bitcast3A_439 = vector.bitcast %get3A_438 : vector<32xbf16> to vector<16xi32>
            %shift_left3A_440 = arith.constant 16 : i32
            %shift_left3A_441 = vector.broadcast %shift_left3A_440 : i32 to vector<16xi32>
            %shift_left3A_442 = arith.shli %bitcast3A_439, %shift_left3A_441 : vector<16xi32>
            %bitcast3A_443 = vector.bitcast %shift_left3A_442 : vector<16xi32> to vector<16xf32>
            %and3A_444 = arith.constant -65536 : i32
            %and3A_445 = vector.broadcast %and3A_444 : i32 to vector<16xi32>
            %and3A_446 = arith.andi %bitcast3A_439, %and3A_445 : vector<16xi32>
            %bitcast3A_447 = vector.bitcast %and3A_446 : vector<16xi32> to vector<16xf32>
            %mul3A_448 = arith.mulf %bitcast3A_443, %gather3A_411 : vector<16xf32>
            %swap3A_449 = arith.index_cast %add3A_415 : i32 to index
            %swap3A_450 = arith.constant 32 : index
            %swap3A_451 = tpu.vector_load %run_scoped3A_6[%swap3A_449, %swap3A_450] {strides = array<i32>} : memref<40x128xf32, #tpu.memory_space<vmem>>, vector<16xf32>,
            tpu.vector_store %run_scoped3A_6[%swap3A_449, %swap3A_450], %mul3A_448 {strides = array<i32>} : memref<40x128xf32, #tpu.memory_space<vmem>>, vector<16xf32>,
            %mul3A_452 = arith.mulf %bitcast3A_447, %gather3A_411 : vector<16xf32>
            %swap3A_453 = arith.index_cast %add3A_415 : i32 to index
            %swap3A_454 = arith.constant 48 : index
            %swap3A_455 = tpu.vector_load %run_scoped3A_6[%swap3A_453, %swap3A_454] {strides = array<i32>} : memref<40x128xf32, #tpu.memory_space<vmem>>, vector<16xf32>,
            tpu.vector_store %run_scoped3A_6[%swap3A_453, %swap3A_454], %mul3A_452 {strides = array<i32>} : memref<40x128xf32, #tpu.memory_space<vmem>>, vector<16xf32>,
            %get3A_456 = arith.index_cast %add3A_415 : i32 to index
            %get3A_457 = arith.constant 64 : index
            %get3A_458 = tpu.vector_load %run_scoped3A_4[%get3A_456, %get3A_457] {strides = array<i32>} : memref<40x128xbf16, #tpu.memory_space<vmem>>, vector<32xbf16>,
            %bitcast3A_459 = vector.bitcast %get3A_458 : vector<32xbf16> to vector<16xi32>
            %shift_left3A_460 = arith.constant 16 : i32
            %shift_left3A_461 = vector.broadcast %shift_left3A_460 : i32 to vector<16xi32>
            %shift_left3A_462 = arith.shli %bitcast3A_459, %shift_left3A_461 : vector<16xi32>
            %bitcast3A_463 = vector.bitcast %shift_left3A_462 : vector<16xi32> to vector<16xf32>
            %and3A_464 = arith.constant -65536 : i32
            %and3A_465 = vector.broadcast %and3A_464 : i32 to vector<16xi32>
            %and3A_466 = arith.andi %bitcast3A_459, %and3A_465 : vector<16xi32>
            %bitcast3A_467 = vector.bitcast %and3A_466 : vector<16xi32> to vector<16xf32>
            %mul3A_468 = arith.mulf %bitcast3A_463, %gather3A_411 : vector<16xf32>
            %swap3A_469 = arith.index_cast %add3A_415 : i32 to index
            %swap3A_470 = arith.constant 64 : index
            %swap3A_471 = tpu.vector_load %run_scoped3A_6[%swap3A_469, %swap3A_470] {strides = array<i32>} : memref<40x128xf32, #tpu.memory_space<vmem>>, vector<16xf32>,
            tpu.vector_store %run_scoped3A_6[%swap3A_469, %swap3A_470], %mul3A_468 {strides = array<i32>} : memref<40x128xf32, #tpu.memory_space<vmem>>, vector<16xf32>,
            %mul3A_472 = arith.mulf %bitcast3A_467, %gather3A_411 : vector<16xf32>
            %swap3A_473 = arith.index_cast %add3A_415 : i32 to index
            %swap3A_474 = arith.constant 80 : index
            %swap3A_475 = tpu.vector_load %run_scoped3A_6[%swap3A_473, %swap3A_474] {strides = array<i32>} : memref<40x128xf32, #tpu.memory_space<vmem>>, vector<16xf32>,
            tpu.vector_store %run_scoped3A_6[%swap3A_473, %swap3A_474], %mul3A_472 {strides = array<i32>} : memref<40x128xf32, #tpu.memory_space<vmem>>, vector<16xf32>,
            %get3A_476 = arith.index_cast %add3A_415 : i32 to index
            %get3A_477 = arith.constant 96 : index
            %get3A_478 = tpu.vector_load %run_scoped3A_4[%get3A_476, %get3A_477] {strides = array<i32>} : memref<40x128xbf16, #tpu.memory_space<vmem>>, vector<32xbf16>,
            %bitcast3A_479 = vector.bitcast %get3A_478 : vector<32xbf16> to vector<16xi32>
            %shift_left3A_480 = arith.constant 16 : i32
            %shift_left3A_481 = vector.broadcast %shift_left3A_480 : i32 to vector<16xi32>
            %shift_left3A_482 = arith.shli %bitcast3A_479, %shift_left3A_481 : vector<16xi32>
            %bitcast3A_483 = vector.bitcast %shift_left3A_482 : vector<16xi32> to vector<16xf32>
            %and3A_484 = arith.constant -65536 : i32
            %and3A_485 = vector.broadcast %and3A_484 : i32 to vector<16xi32>
            %and3A_486 = arith.andi %bitcast3A_479, %and3A_485 : vector<16xi32>
            %bitcast3A_487 = vector.bitcast %and3A_486 : vector<16xi32> to vector<16xf32>
            %mul3A_488 = arith.mulf %bitcast3A_483, %gather3A_411 : vector<16xf32>
            %swap3A_489 = arith.index_cast %add3A_415 : i32 to index
            %swap3A_490 = arith.constant 96 : index
            %swap3A_491 = tpu.vector_load %run_scoped3A_6[%swap3A_489, %swap3A_490] {strides = array<i32>} : memref<40x128xf32, #tpu.memory_space<vmem>>, vector<16xf32>,
            tpu.vector_store %run_scoped3A_6[%swap3A_489, %swap3A_490], %mul3A_488 {strides = array<i32>} : memref<40x128xf32, #tpu.memory_space<vmem>>, vector<16xf32>,
            %mul3A_492 = arith.mulf %bitcast3A_487, %gather3A_411 : vector<16xf32>
            %swap3A_493 = arith.index_cast %add3A_415 : i32 to index
            %swap3A_494 = arith.constant 112 : index
            %swap3A_495 = tpu.vector_load %run_scoped3A_6[%swap3A_493, %swap3A_494] {strides = array<i32>} : memref<40x128xf32, #tpu.memory_space<vmem>>, vector<16xf32>,
            tpu.vector_store %run_scoped3A_6[%swap3A_493, %swap3A_494], %mul3A_492 {strides = array<i32>} : memref<40x128xf32, #tpu.memory_space<vmem>>, vector<16xf32>,
            %broadcast_in_dim3A_496 = arith.constant 4 : i32
            %broadcast_in_dim3A_497 = vector.broadcast %broadcast_in_dim3A_496 : i32 to vector<16x1xi32>
            %gather3A_498 = vector.shape_cast %broadcast_in_dim3A_497 : vector<16x1xi32> to vector<16xi32>
            %gather3A_499 = tpu.dynamic_gather %get3A_149[%gather3A_498] in [0] : vector<16xf32>, vector<16xi32> -> vector<16xf32>
            %mul3A_500 = arith.constant 8 : i32
            %mul3A_501 = arith.muli %add3A_143, %mul3A_500 : i32
            %add3A_502 = arith.constant 4 : i32
            %add3A_503 = arith.addi %mul3A_501, %add3A_502 : i32
            %get3A_504 = arith.index_cast %add3A_503 : i32 to index
            %get3A_505 = arith.constant 0 : index
            %get3A_506 = tpu.vector_load %run_scoped3A_4[%get3A_504, %get3A_505] {strides = array<i32>} : memref<40x128xbf16, #tpu.memory_space<vmem>>, vector<32xbf16>,
            %bitcast3A_507 = vector.bitcast %get3A_506 : vector<32xbf16> to vector<16xi32>
            %shift_left3A_508 = arith.constant 16 : i32
            %shift_left3A_509 = vector.broadcast %shift_left3A_508 : i32 to vector<16xi32>
            %shift_left3A_510 = arith.shli %bitcast3A_507, %shift_left3A_509 : vector<16xi32>
            %bitcast3A_511 = vector.bitcast %shift_left3A_510 : vector<16xi32> to vector<16xf32>
            %and3A_512 = arith.constant -65536 : i32
            %and3A_513 = vector.broadcast %and3A_512 : i32 to vector<16xi32>
            %and3A_514 = arith.andi %bitcast3A_507, %and3A_513 : vector<16xi32>
            %bitcast3A_515 = vector.bitcast %and3A_514 : vector<16xi32> to vector<16xf32>
            %mul3A_516 = arith.mulf %bitcast3A_511, %gather3A_499 : vector<16xf32>
            %swap3A_517 = arith.index_cast %add3A_503 : i32 to index
            %swap3A_518 = arith.constant 0 : index
            %swap3A_519 = tpu.vector_load %run_scoped3A_6[%swap3A_517, %swap3A_518] {strides = array<i32>} : memref<40x128xf32, #tpu.memory_space<vmem>>, vector<16xf32>,
            tpu.vector_store %run_scoped3A_6[%swap3A_517, %swap3A_518], %mul3A_516 {strides = array<i32>} : memref<40x128xf32, #tpu.memory_space<vmem>>, vector<16xf32>,
            %mul3A_520 = arith.mulf %bitcast3A_515, %gather3A_499 : vector<16xf32>
            %swap3A_521 = arith.index_cast %add3A_503 : i32 to index
            %swap3A_522 = arith.constant 16 : index
            %swap3A_523 = tpu.vector_load %run_scoped3A_6[%swap3A_521, %swap3A_522] {strides = array<i32>} : memref<40x128xf32, #tpu.memory_space<vmem>>, vector<16xf32>,
            tpu.vector_store %run_scoped3A_6[%swap3A_521, %swap3A_522], %mul3A_520 {strides = array<i32>} : memref<40x128xf32, #tpu.memory_space<vmem>>, vector<16xf32>,
            %get3A_524 = arith.index_cast %add3A_503 : i32 to index
            %get3A_525 = arith.constant 32 : index
            %get3A_526 = tpu.vector_load %run_scoped3A_4[%get3A_524, %get3A_525] {strides = array<i32>} : memref<40x128xbf16, #tpu.memory_space<vmem>>, vector<32xbf16>,
            %bitcast3A_527 = vector.bitcast %get3A_526 : vector<32xbf16> to vector<16xi32>
            %shift_left3A_528 = arith.constant 16 : i32
            %shift_left3A_529 = vector.broadcast %shift_left3A_528 : i32 to vector<16xi32>
            %shift_left3A_530 = arith.shli %bitcast3A_527, %shift_left3A_529 : vector<16xi32>
            %bitcast3A_531 = vector.bitcast %shift_left3A_530 : vector<16xi32> to vector<16xf32>
            %and3A_532 = arith.constant -65536 : i32
            %and3A_533 = vector.broadcast %and3A_532 : i32 to vector<16xi32>
            %and3A_534 = arith.andi %bitcast3A_527, %and3A_533 : vector<16xi32>
            %bitcast3A_535 = vector.bitcast %and3A_534 : vector<16xi32> to vector<16xf32>
            %mul3A_536 = arith.mulf %bitcast3A_531, %gather3A_499 : vector<16xf32>
            %swap3A_537 = arith.index_cast %add3A_503 : i32 to index
            %swap3A_538 = arith.constant 32 : index
            %swap3A_539 = tpu.vector_load %run_scoped3A_6[%swap3A_537, %swap3A_538] {strides = array<i32>} : memref<40x128xf32, #tpu.memory_space<vmem>>, vector<16xf32>,
            tpu.vector_store %run_scoped3A_6[%swap3A_537, %swap3A_538], %mul3A_536 {strides = array<i32>} : memref<40x128xf32, #tpu.memory_space<vmem>>, vector<16xf32>,
            %mul3A_540 = arith.mulf %bitcast3A_535, %gather3A_499 : vector<16xf32>
            %swap3A_541 = arith.index_cast %add3A_503 : i32 to index
            %swap3A_542 = arith.constant 48 : index
            %swap3A_543 = tpu.vector_load %run_scoped3A_6[%swap3A_541, %swap3A_542] {strides = array<i32>} : memref<40x128xf32, #tpu.memory_space<vmem>>, vector<16xf32>,
            tpu.vector_store %run_scoped3A_6[%swap3A_541, %swap3A_542], %mul3A_540 {strides = array<i32>} : memref<40x128xf32, #tpu.memory_space<vmem>>, vector<16xf32>,
            %get3A_544 = arith.index_cast %add3A_503 : i32 to index
            %get3A_545 = arith.constant 64 : index
            %get3A_546 = tpu.vector_load %run_scoped3A_4[%get3A_544, %get3A_545] {strides = array<i32>} : memref<40x128xbf16, #tpu.memory_space<vmem>>, vector<32xbf16>,
            %bitcast3A_547 = vector.bitcast %get3A_546 : vector<32xbf16> to vector<16xi32>
            %shift_left3A_548 = arith.constant 16 : i32
            %shift_left3A_549 = vector.broadcast %shift_left3A_548 : i32 to vector<16xi32>
            %shift_left3A_550 = arith.shli %bitcast3A_547, %shift_left3A_549 : vector<16xi32>
            %bitcast3A_551 = vector.bitcast %shift_left3A_550 : vector<16xi32> to vector<16xf32>
            %and3A_552 = arith.constant -65536 : i32
            %and3A_553 = vector.broadcast %and3A_552 : i32 to vector<16xi32>
            %and3A_554 = arith.andi %bitcast3A_547, %and3A_553 : vector<16xi32>
            %bitcast3A_555 = vector.bitcast %and3A_554 : vector<16xi32> to vector<16xf32>
            %mul3A_556 = arith.mulf %bitcast3A_551, %gather3A_499 : vector<16xf32>
            %swap3A_557 = arith.index_cast %add3A_503 : i32 to index
            %swap3A_558 = arith.constant 64 : index
            %swap3A_559 = tpu.vector_load %run_scoped3A_6[%swap3A_557, %swap3A_558] {strides = array<i32>} : memref<40x128xf32, #tpu.memory_space<vmem>>, vector<16xf32>,
            tpu.vector_store %run_scoped3A_6[%swap3A_557, %swap3A_558], %mul3A_556 {strides = array<i32>} : memref<40x128xf32, #tpu.memory_space<vmem>>, vector<16xf32>,
            %mul3A_560 = arith.mulf %bitcast3A_555, %gather3A_499 : vector<16xf32>
            %swap3A_561 = arith.index_cast %add3A_503 : i32 to index
            %swap3A_562 = arith.constant 80 : index
            %swap3A_563 = tpu.vector_load %run_scoped3A_6[%swap3A_561, %swap3A_562] {strides = array<i32>} : memref<40x128xf32, #tpu.memory_space<vmem>>, vector<16xf32>,
            tpu.vector_store %run_scoped3A_6[%swap3A_561, %swap3A_562], %mul3A_560 {strides = array<i32>} : memref<40x128xf32, #tpu.memory_space<vmem>>, vector<16xf32>,
            %get3A_564 = arith.index_cast %add3A_503 : i32 to index
            %get3A_565 = arith.constant 96 : index
            %get3A_566 = tpu.vector_load %run_scoped3A_4[%get3A_564, %get3A_565] {strides = array<i32>} : memref<40x128xbf16, #tpu.memory_space<vmem>>, vector<32xbf16>,
            %bitcast3A_567 = vector.bitcast %get3A_566 : vector<32xbf16> to vector<16xi32>
            %shift_left3A_568 = arith.constant 16 : i32
            %shift_left3A_569 = vector.broadcast %shift_left3A_568 : i32 to vector<16xi32>
            %shift_left3A_570 = arith.shli %bitcast3A_567, %shift_left3A_569 : vector<16xi32>
            %bitcast3A_571 = vector.bitcast %shift_left3A_570 : vector<16xi32> to vector<16xf32>
            %and3A_572 = arith.constant -65536 : i32
            %and3A_573 = vector.broadcast %and3A_572 : i32 to vector<16xi32>
            %and3A_574 = arith.andi %bitcast3A_567, %and3A_573 : vector<16xi32>
            %bitcast3A_575 = vector.bitcast %and3A_574 : vector<16xi32> to vector<16xf32>
            %mul3A_576 = arith.mulf %bitcast3A_571, %gather3A_499 : vector<16xf32>
            %swap3A_577 = arith.index_cast %add3A_503 : i32 to index
            %swap3A_578 = arith.constant 96 : index
            %swap3A_579 = tpu.vector_load %run_scoped3A_6[%swap3A_577, %swap3A_578] {strides = array<i32>} : memref<40x128xf32, #tpu.memory_space<vmem>>, vector<16xf32>,
            tpu.vector_store %run_scoped3A_6[%swap3A_577, %swap3A_578], %mul3A_576 {strides = array<i32>} : memref<40x128xf32, #tpu.memory_space<vmem>>, vector<16xf32>,
            %mul3A_580 = arith.mulf %bitcast3A_575, %gather3A_499 : vector<16xf32>
            %swap3A_581 = arith.index_cast %add3A_503 : i32 to index
            %swap3A_582 = arith.constant 112 : index
            %swap3A_583 = tpu.vector_load %run_scoped3A_6[%swap3A_581, %swap3A_582] {strides = array<i32>} : memref<40x128xf32, #tpu.memory_space<vmem>>, vector<16xf32>,
            tpu.vector_store %run_scoped3A_6[%swap3A_581, %swap3A_582], %mul3A_580 {strides = array<i32>} : memref<40x128xf32, #tpu.memory_space<vmem>>, vector<16xf32>,
            %broadcast_in_dim3A_584 = arith.constant 5 : i32
            %broadcast_in_dim3A_585 = vector.broadcast %broadcast_in_dim3A_584 : i32 to vector<16x1xi32>
            %gather3A_586 = vector.shape_cast %broadcast_in_dim3A_585 : vector<16x1xi32> to vector<16xi32>
            %gather3A_587 = tpu.dynamic_gather %get3A_149[%gather3A_586] in [0] : vector<16xf32>, vector<16xi32> -> vector<16xf32>
            %mul3A_588 = arith.constant 8 : i32
            %mul3A_589 = arith.muli %add3A_143, %mul3A_588 : i32
            %add3A_590 = arith.constant 5 : i32
            %add3A_591 = arith.addi %mul3A_589, %add3A_590 : i32
            %get3A_592 = arith.index_cast %add3A_591 : i32 to index
            %get3A_593 = arith.constant 0 : index
            %get3A_594 = tpu.vector_load %run_scoped3A_4[%get3A_592, %get3A_593] {strides = array<i32>} : memref<40x128xbf16, #tpu.memory_space<vmem>>, vector<32xbf16>,
            %bitcast3A_595 = vector.bitcast %get3A_594 : vector<32xbf16> to vector<16xi32>
            %shift_left3A_596 = arith.constant 16 : i32
            %shift_left3A_597 = vector.broadcast %shift_left3A_596 : i32 to vector<16xi32>
            %shift_left3A_598 = arith.shli %bitcast3A_595, %shift_left3A_597 : vector<16xi32>
            %bitcast3A_599 = vector.bitcast %shift_left3A_598 : vector<16xi32> to vector<16xf32>
            %and3A_600 = arith.constant -65536 : i32
            %and3A_601 = vector.broadcast %and3A_600 : i32 to vector<16xi32>
            %and3A_602 = arith.andi %bitcast3A_595, %and3A_601 : vector<16xi32>
            %bitcast3A_603 = vector.bitcast %and3A_602 : vector<16xi32> to vector<16xf32>
            %mul3A_604 = arith.mulf %bitcast3A_599, %gather3A_587 : vector<16xf32>
            %swap3A_605 = arith.index_cast %add3A_591 : i32 to index
            %swap3A_606 = arith.constant 0 : index
            %swap3A_607 = tpu.vector_load %run_scoped3A_6[%swap3A_605, %swap3A_606] {strides = array<i32>} : memref<40x128xf32, #tpu.memory_space<vmem>>, vector<16xf32>,
            tpu.vector_store %run_scoped3A_6[%swap3A_605, %swap3A_606], %mul3A_604 {strides = array<i32>} : memref<40x128xf32, #tpu.memory_space<vmem>>, vector<16xf32>,
            %mul3A_608 = arith.mulf %bitcast3A_603, %gather3A_587 : vector<16xf32>
            %swap3A_609 = arith.index_cast %add3A_591 : i32 to index
            %swap3A_610 = arith.constant 16 : index
            %swap3A_611 = tpu.vector_load %run_scoped3A_6[%swap3A_609, %swap3A_610] {strides = array<i32>} : memref<40x128xf32, #tpu.memory_space<vmem>>, vector<16xf32>,
            tpu.vector_store %run_scoped3A_6[%swap3A_609, %swap3A_610], %mul3A_608 {strides = array<i32>} : memref<40x128xf32, #tpu.memory_space<vmem>>, vector<16xf32>,
            %get3A_612 = arith.index_cast %add3A_591 : i32 to index
            %get3A_613 = arith.constant 32 : index
            %get3A_614 = tpu.vector_load %run_scoped3A_4[%get3A_612, %get3A_613] {strides = array<i32>} : memref<40x128xbf16, #tpu.memory_space<vmem>>, vector<32xbf16>,
            %bitcast3A_615 = vector.bitcast %get3A_614 : vector<32xbf16> to vector<16xi32>
            %shift_left3A_616 = arith.constant 16 : i32
            %shift_left3A_617 = vector.broadcast %shift_left3A_616 : i32 to vector<16xi32>
            %shift_left3A_618 = arith.shli %bitcast3A_615, %shift_left3A_617 : vector<16xi32>
            %bitcast3A_619 = vector.bitcast %shift_left3A_618 : vector<16xi32> to vector<16xf32>
            %and3A_620 = arith.constant -65536 : i32
            %and3A_621 = vector.broadcast %and3A_620 : i32 to vector<16xi32>
            %and3A_622 = arith.andi %bitcast3A_615, %and3A_621 : vector<16xi32>
            %bitcast3A_623 = vector.bitcast %and3A_622 : vector<16xi32> to vector<16xf32>
            %mul3A_624 = arith.mulf %bitcast3A_619, %gather3A_587 : vector<16xf32>
            %swap3A_625 = arith.index_cast %add3A_591 : i32 to index
            %swap3A_626 = arith.constant 32 : index
            %swap3A_627 = tpu.vector_load %run_scoped3A_6[%swap3A_625, %swap3A_626] {strides = array<i32>} : memref<40x128xf32, #tpu.memory_space<vmem>>, vector<16xf32>,
            tpu.vector_store %run_scoped3A_6[%swap3A_625, %swap3A_626], %mul3A_624 {strides = array<i32>} : memref<40x128xf32, #tpu.memory_space<vmem>>, vector<16xf32>,
            %mul3A_628 = arith.mulf %bitcast3A_623, %gather3A_587 : vector<16xf32>
            %swap3A_629 = arith.index_cast %add3A_591 : i32 to index
            %swap3A_630 = arith.constant 48 : index
            %swap3A_631 = tpu.vector_load %run_scoped3A_6[%swap3A_629, %swap3A_630] {strides = array<i32>} : memref<40x128xf32, #tpu.memory_space<vmem>>, vector<16xf32>,
            tpu.vector_store %run_scoped3A_6[%swap3A_629, %swap3A_630], %mul3A_628 {strides = array<i32>} : memref<40x128xf32, #tpu.memory_space<vmem>>, vector<16xf32>,
            %get3A_632 = arith.index_cast %add3A_591 : i32 to index
            %get3A_633 = arith.constant 64 : index
            %get3A_634 = tpu.vector_load %run_scoped3A_4[%get3A_632, %get3A_633] {strides = array<i32>} : memref<40x128xbf16, #tpu.memory_space<vmem>>, vector<32xbf16>,
            %bitcast3A_635 = vector.bitcast %get3A_634 : vector<32xbf16> to vector<16xi32>
            %shift_left3A_636 = arith.constant 16 : i32
            %shift_left3A_637 = vector.broadcast %shift_left3A_636 : i32 to vector<16xi32>
            %shift_left3A_638 = arith.shli %bitcast3A_635, %shift_left3A_637 : vector<16xi32>
            %bitcast3A_639 = vector.bitcast %shift_left3A_638 : vector<16xi32> to vector<16xf32>
            %and3A_640 = arith.constant -65536 : i32
            %and3A_641 = vector.broadcast %and3A_640 : i32 to vector<16xi32>
            %and3A_642 = arith.andi %bitcast3A_635, %and3A_641 : vector<16xi32>
            %bitcast3A_643 = vector.bitcast %and3A_642 : vector<16xi32> to vector<16xf32>
            %mul3A_644 = arith.mulf %bitcast3A_639, %gather3A_587 : vector<16xf32>
            %swap3A_645 = arith.index_cast %add3A_591 : i32 to index
            %swap3A_646 = arith.constant 64 : index
            %swap3A_647 = tpu.vector_load %run_scoped3A_6[%swap3A_645, %swap3A_646] {strides = array<i32>} : memref<40x128xf32, #tpu.memory_space<vmem>>, vector<16xf32>,
            tpu.vector_store %run_scoped3A_6[%swap3A_645, %swap3A_646], %mul3A_644 {strides = array<i32>} : memref<40x128xf32, #tpu.memory_space<vmem>>, vector<16xf32>,
            %mul3A_648 = arith.mulf %bitcast3A_643, %gather3A_587 : vector<16xf32>
            %swap3A_649 = arith.index_cast %add3A_591 : i32 to index
            %swap3A_650 = arith.constant 80 : index
            %swap3A_651 = tpu.vector_load %run_scoped3A_6[%swap3A_649, %swap3A_650] {strides = array<i32>} : memref<40x128xf32, #tpu.memory_space<vmem>>, vector<16xf32>,
            tpu.vector_store %run_scoped3A_6[%swap3A_649, %swap3A_650], %mul3A_648 {strides = array<i32>} : memref<40x128xf32, #tpu.memory_space<vmem>>, vector<16xf32>,
            %get3A_652 = arith.index_cast %add3A_591 : i32 to index
            %get3A_653 = arith.constant 96 : index
            %get3A_654 = tpu.vector_load %run_scoped3A_4[%get3A_652, %get3A_653] {strides = array<i32>} : memref<40x128xbf16, #tpu.memory_space<vmem>>, vector<32xbf16>,
            %bitcast3A_655 = vector.bitcast %get3A_654 : vector<32xbf16> to vector<16xi32>
            %shift_left3A_656 = arith.constant 16 : i32
            %shift_left3A_657 = vector.broadcast %shift_left3A_656 : i32 to vector<16xi32>
            %shift_left3A_658 = arith.shli %bitcast3A_655, %shift_left3A_657 : vector<16xi32>
            %bitcast3A_659 = vector.bitcast %shift_left3A_658 : vector<16xi32> to vector<16xf32>
            %and3A_660 = arith.constant -65536 : i32
            %and3A_661 = vector.broadcast %and3A_660 : i32 to vector<16xi32>
            %and3A_662 = arith.andi %bitcast3A_655, %and3A_661 : vector<16xi32>
            %bitcast3A_663 = vector.bitcast %and3A_662 : vector<16xi32> to vector<16xf32>
            %mul3A_664 = arith.mulf %bitcast3A_659, %gather3A_587 : vector<16xf32>
            %swap3A_665 = arith.index_cast %add3A_591 : i32 to index
            %swap3A_666 = arith.constant 96 : index
            %swap3A_667 = tpu.vector_load %run_scoped3A_6[%swap3A_665, %swap3A_666] {strides = array<i32>} : memref<40x128xf32, #tpu.memory_space<vmem>>, vector<16xf32>,
            tpu.vector_store %run_scoped3A_6[%swap3A_665, %swap3A_666], %mul3A_664 {strides = array<i32>} : memref<40x128xf32, #tpu.memory_space<vmem>>, vector<16xf32>,
            %mul3A_668 = arith.mulf %bitcast3A_663, %gather3A_587 : vector<16xf32>
            %swap3A_669 = arith.index_cast %add3A_591 : i32 to index
            %swap3A_670 = arith.constant 112 : index
            %swap3A_671 = tpu.vector_load %run_scoped3A_6[%swap3A_669, %swap3A_670] {strides = array<i32>} : memref<40x128xf32, #tpu.memory_space<vmem>>, vector<16xf32>,
            tpu.vector_store %run_scoped3A_6[%swap3A_669, %swap3A_670], %mul3A_668 {strides = array<i32>} : memref<40x128xf32, #tpu.memory_space<vmem>>, vector<16xf32>,
            %broadcast_in_dim3A_672 = arith.constant 6 : i32
            %broadcast_in_dim3A_673 = vector.broadcast %broadcast_in_dim3A_672 : i32 to vector<16x1xi32>
            %gather3A_674 = vector.shape_cast %broadcast_in_dim3A_673 : vector<16x1xi32> to vector<16xi32>
            %gather3A_675 = tpu.dynamic_gather %get3A_149[%gather3A_674] in [0] : vector<16xf32>, vector<16xi32> -> vector<16xf32>
            %mul3A_676 = arith.constant 8 : i32
            %mul3A_677 = arith.muli %add3A_143, %mul3A_676 : i32
            %add3A_678 = arith.constant 6 : i32
            %add3A_679 = arith.addi %mul3A_677, %add3A_678 : i32
            %get3A_680 = arith.index_cast %add3A_679 : i32 to index
            %get3A_681 = arith.constant 0 : index
            %get3A_682 = tpu.vector_load %run_scoped3A_4[%get3A_680, %get3A_681] {strides = array<i32>} : memref<40x128xbf16, #tpu.memory_space<vmem>>, vector<32xbf16>,
            %bitcast3A_683 = vector.bitcast %get3A_682 : vector<32xbf16> to vector<16xi32>
            %shift_left3A_684 = arith.constant 16 : i32
            %shift_left3A_685 = vector.broadcast %shift_left3A_684 : i32 to vector<16xi32>
            %shift_left3A_686 = arith.shli %bitcast3A_683, %shift_left3A_685 : vector<16xi32>
            %bitcast3A_687 = vector.bitcast %shift_left3A_686 : vector<16xi32> to vector<16xf32>
            %and3A_688 = arith.constant -65536 : i32
            %and3A_689 = vector.broadcast %and3A_688 : i32 to vector<16xi32>
            %and3A_690 = arith.andi %bitcast3A_683, %and3A_689 : vector<16xi32>
            %bitcast3A_691 = vector.bitcast %and3A_690 : vector<16xi32> to vector<16xf32>
            %mul3A_692 = arith.mulf %bitcast3A_687, %gather3A_675 : vector<16xf32>
            %swap3A_693 = arith.index_cast %add3A_679 : i32 to index
            %swap3A_694 = arith.constant 0 : index
            %swap3A_695 = tpu.vector_load %run_scoped3A_6[%swap3A_693, %swap3A_694] {strides = array<i32>} : memref<40x128xf32, #tpu.memory_space<vmem>>, vector<16xf32>,
            tpu.vector_store %run_scoped3A_6[%swap3A_693, %swap3A_694], %mul3A_692 {strides = array<i32>} : memref<40x128xf32, #tpu.memory_space<vmem>>, vector<16xf32>,
            %mul3A_696 = arith.mulf %bitcast3A_691, %gather3A_675 : vector<16xf32>
            %swap3A_697 = arith.index_cast %add3A_679 : i32 to index
            %swap3A_698 = arith.constant 16 : index
            %swap3A_699 = tpu.vector_load %run_scoped3A_6[%swap3A_697, %swap3A_698] {strides = array<i32>} : memref<40x128xf32, #tpu.memory_space<vmem>>, vector<16xf32>,
            tpu.vector_store %run_scoped3A_6[%swap3A_697, %swap3A_698], %mul3A_696 {strides = array<i32>} : memref<40x128xf32, #tpu.memory_space<vmem>>, vector<16xf32>,
            %get3A_700 = arith.index_cast %add3A_679 : i32 to index
            %get3A_701 = arith.constant 32 : index
            %get3A_702 = tpu.vector_load %run_scoped3A_4[%get3A_700, %get3A_701] {strides = array<i32>} : memref<40x128xbf16, #tpu.memory_space<vmem>>, vector<32xbf16>,
            %bitcast3A_703 = vector.bitcast %get3A_702 : vector<32xbf16> to vector<16xi32>
            %shift_left3A_704 = arith.constant 16 : i32
            %shift_left3A_705 = vector.broadcast %shift_left3A_704 : i32 to vector<16xi32>
            %shift_left3A_706 = arith.shli %bitcast3A_703, %shift_left3A_705 : vector<16xi32>
            %bitcast3A_707 = vector.bitcast %shift_left3A_706 : vector<16xi32> to vector<16xf32>
            %and3A_708 = arith.constant -65536 : i32
            %and3A_709 = vector.broadcast %and3A_708 : i32 to vector<16xi32>
            %and3A_710 = arith.andi %bitcast3A_703, %and3A_709 : vector<16xi32>
            %bitcast3A_711 = vector.bitcast %and3A_710 : vector<16xi32> to vector<16xf32>
            %mul3A_712 = arith.mulf %bitcast3A_707, %gather3A_675 : vector<16xf32>
            %swap3A_713 = arith.index_cast %add3A_679 : i32 to index
            %swap3A_714 = arith.constant 32 : index
            %swap3A_715 = tpu.vector_load %run_scoped3A_6[%swap3A_713, %swap3A_714] {strides = array<i32>} : memref<40x128xf32, #tpu.memory_space<vmem>>, vector<16xf32>,
            tpu.vector_store %run_scoped3A_6[%swap3A_713, %swap3A_714], %mul3A_712 {strides = array<i32>} : memref<40x128xf32, #tpu.memory_space<vmem>>, vector<16xf32>,
            %mul3A_716 = arith.mulf %bitcast3A_711, %gather3A_675 : vector<16xf32>
            %swap3A_717 = arith.index_cast %add3A_679 : i32 to index
            %swap3A_718 = arith.constant 48 : index
            %swap3A_719 = tpu.vector_load %run_scoped3A_6[%swap3A_717, %swap3A_718] {strides = array<i32>} : memref<40x128xf32, #tpu.memory_space<vmem>>, vector<16xf32>,
            tpu.vector_store %run_scoped3A_6[%swap3A_717, %swap3A_718], %mul3A_716 {strides = array<i32>} : memref<40x128xf32, #tpu.memory_space<vmem>>, vector<16xf32>,
            %get3A_720 = arith.index_cast %add3A_679 : i32 to index
            %get3A_721 = arith.constant 64 : index
            %get3A_722 = tpu.vector_load %run_scoped3A_4[%get3A_720, %get3A_721] {strides = array<i32>} : memref<40x128xbf16, #tpu.memory_space<vmem>>, vector<32xbf16>,
            %bitcast3A_723 = vector.bitcast %get3A_722 : vector<32xbf16> to vector<16xi32>
            %shift_left3A_724 = arith.constant 16 : i32
            %shift_left3A_725 = vector.broadcast %shift_left3A_724 : i32 to vector<16xi32>
            %shift_left3A_726 = arith.shli %bitcast3A_723, %shift_left3A_725 : vector<16xi32>
            %bitcast3A_727 = vector.bitcast %shift_left3A_726 : vector<16xi32> to vector<16xf32>
            %and3A_728 = arith.constant -65536 : i32
            %and3A_729 = vector.broadcast %and3A_728 : i32 to vector<16xi32>
            %and3A_730 = arith.andi %bitcast3A_723, %and3A_729 : vector<16xi32>
            %bitcast3A_731 = vector.bitcast %and3A_730 : vector<16xi32> to vector<16xf32>
            %mul3A_732 = arith.mulf %bitcast3A_727, %gather3A_675 : vector<16xf32>
            %swap3A_733 = arith.index_cast %add3A_679 : i32 to index
            %swap3A_734 = arith.constant 64 : index
            %swap3A_735 = tpu.vector_load %run_scoped3A_6[%swap3A_733, %swap3A_734] {strides = array<i32>} : memref<40x128xf32, #tpu.memory_space<vmem>>, vector<16xf32>,
            tpu.vector_store %run_scoped3A_6[%swap3A_733, %swap3A_734], %mul3A_732 {strides = array<i32>} : memref<40x128xf32, #tpu.memory_space<vmem>>, vector<16xf32>,
            %mul3A_736 = arith.mulf %bitcast3A_731, %gather3A_675 : vector<16xf32>
            %swap3A_737 = arith.index_cast %add3A_679 : i32 to index
            %swap3A_738 = arith.constant 80 : index
            %swap3A_739 = tpu.vector_load %run_scoped3A_6[%swap3A_737, %swap3A_738] {strides = array<i32>} : memref<40x128xf32, #tpu.memory_space<vmem>>, vector<16xf32>,
            tpu.vector_store %run_scoped3A_6[%swap3A_737, %swap3A_738], %mul3A_736 {strides = array<i32>} : memref<40x128xf32, #tpu.memory_space<vmem>>, vector<16xf32>,
            %get3A_740 = arith.index_cast %add3A_679 : i32 to index
            %get3A_741 = arith.constant 96 : index
            %get3A_742 = tpu.vector_load %run_scoped3A_4[%get3A_740, %get3A_741] {strides = array<i32>} : memref<40x128xbf16, #tpu.memory_space<vmem>>, vector<32xbf16>,
            %bitcast3A_743 = vector.bitcast %get3A_742 : vector<32xbf16> to vector<16xi32>
            %shift_left3A_744 = arith.constant 16 : i32
            %shift_left3A_745 = vector.broadcast %shift_left3A_744 : i32 to vector<16xi32>
            %shift_left3A_746 = arith.shli %bitcast3A_743, %shift_left3A_745 : vector<16xi32>
            %bitcast3A_747 = vector.bitcast %shift_left3A_746 : vector<16xi32> to vector<16xf32>
            %and3A_748 = arith.constant -65536 : i32
            %and3A_749 = vector.broadcast %and3A_748 : i32 to vector<16xi32>
            %and3A_750 = arith.andi %bitcast3A_743, %and3A_749 : vector<16xi32>
            %bitcast3A_751 = vector.bitcast %and3A_750 : vector<16xi32> to vector<16xf32>
            %mul3A_752 = arith.mulf %bitcast3A_747, %gather3A_675 : vector<16xf32>
            %swap3A_753 = arith.index_cast %add3A_679 : i32 to index
            %swap3A_754 = arith.constant 96 : index
            %swap3A_755 = tpu.vector_load %run_scoped3A_6[%swap3A_753, %swap3A_754] {strides = array<i32>} : memref<40x128xf32, #tpu.memory_space<vmem>>, vector<16xf32>,
            tpu.vector_store %run_scoped3A_6[%swap3A_753, %swap3A_754], %mul3A_752 {strides = array<i32>} : memref<40x128xf32, #tpu.memory_space<vmem>>, vector<16xf32>,
            %mul3A_756 = arith.mulf %bitcast3A_751, %gather3A_675 : vector<16xf32>
            %swap3A_757 = arith.index_cast %add3A_679 : i32 to index
            %swap3A_758 = arith.constant 112 : index
            %swap3A_759 = tpu.vector_load %run_scoped3A_6[%swap3A_757, %swap3A_758] {strides = array<i32>} : memref<40x128xf32, #tpu.memory_space<vmem>>, vector<16xf32>,
            tpu.vector_store %run_scoped3A_6[%swap3A_757, %swap3A_758], %mul3A_756 {strides = array<i32>} : memref<40x128xf32, #tpu.memory_space<vmem>>, vector<16xf32>,
            %broadcast_in_dim3A_760 = arith.constant 7 : i32
            %broadcast_in_dim3A_761 = vector.broadcast %broadcast_in_dim3A_760 : i32 to vector<16x1xi32>
            %gather3A_762 = vector.shape_cast %broadcast_in_dim3A_761 : vector<16x1xi32> to vector<16xi32>
            %gather3A_763 = tpu.dynamic_gather %get3A_149[%gather3A_762] in [0] : vector<16xf32>, vector<16xi32> -> vector<16xf32>
            %mul3A_764 = arith.constant 8 : i32
            %mul3A_765 = arith.muli %add3A_143, %mul3A_764 : i32
            %add3A_766 = arith.constant 7 : i32
            %add3A_767 = arith.addi %mul3A_765, %add3A_766 : i32
            %get3A_768 = arith.index_cast %add3A_767 : i32 to index
            %get3A_769 = arith.constant 0 : index
            %get3A_770 = tpu.vector_load %run_scoped3A_4[%get3A_768, %get3A_769] {strides = array<i32>} : memref<40x128xbf16, #tpu.memory_space<vmem>>, vector<32xbf16>,
            %bitcast3A_771 = vector.bitcast %get3A_770 : vector<32xbf16> to vector<16xi32>
            %shift_left3A_772 = arith.constant 16 : i32
            %shift_left3A_773 = vector.broadcast %shift_left3A_772 : i32 to vector<16xi32>
            %shift_left3A_774 = arith.shli %bitcast3A_771, %shift_left3A_773 : vector<16xi32>
            %bitcast3A_775 = vector.bitcast %shift_left3A_774 : vector<16xi32> to vector<16xf32>
            %and3A_776 = arith.constant -65536 : i32
            %and3A_777 = vector.broadcast %and3A_776 : i32 to vector<16xi32>
            %and3A_778 = arith.andi %bitcast3A_771, %and3A_777 : vector<16xi32>
            %bitcast3A_779 = vector.bitcast %and3A_778 : vector<16xi32> to vector<16xf32>
            %mul3A_780 = arith.mulf %bitcast3A_775, %gather3A_763 : vector<16xf32>
            %swap3A_781 = arith.index_cast %add3A_767 : i32 to index
            %swap3A_782 = arith.constant 0 : index
            %swap3A_783 = tpu.vector_load %run_scoped3A_6[%swap3A_781, %swap3A_782] {strides = array<i32>} : memref<40x128xf32, #tpu.memory_space<vmem>>, vector<16xf32>,
            tpu.vector_store %run_scoped3A_6[%swap3A_781, %swap3A_782], %mul3A_780 {strides = array<i32>} : memref<40x128xf32, #tpu.memory_space<vmem>>, vector<16xf32>,
            %mul3A_784 = arith.mulf %bitcast3A_779, %gather3A_763 : vector<16xf32>
            %swap3A_785 = arith.index_cast %add3A_767 : i32 to index
            %swap3A_786 = arith.constant 16 : index
            %swap3A_787 = tpu.vector_load %run_scoped3A_6[%swap3A_785, %swap3A_786] {strides = array<i32>} : memref<40x128xf32, #tpu.memory_space<vmem>>, vector<16xf32>,
            tpu.vector_store %run_scoped3A_6[%swap3A_785, %swap3A_786], %mul3A_784 {strides = array<i32>} : memref<40x128xf32, #tpu.memory_space<vmem>>, vector<16xf32>,
            %get3A_788 = arith.index_cast %add3A_767 : i32 to index
            %get3A_789 = arith.constant 32 : index
            %get3A_790 = tpu.vector_load %run_scoped3A_4[%get3A_788, %get3A_789] {strides = array<i32>} : memref<40x128xbf16, #tpu.memory_space<vmem>>, vector<32xbf16>,
            %bitcast3A_791 = vector.bitcast %get3A_790 : vector<32xbf16> to vector<16xi32>
            %shift_left3A_792 = arith.constant 16 : i32
            %shift_left3A_793 = vector.broadcast %shift_left3A_792 : i32 to vector<16xi32>
            %shift_left3A_794 = arith.shli %bitcast3A_791, %shift_left3A_793 : vector<16xi32>
            %bitcast3A_795 = vector.bitcast %shift_left3A_794 : vector<16xi32> to vector<16xf32>
            %and3A_796 = arith.constant -65536 : i32
            %and3A_797 = vector.broadcast %and3A_796 : i32 to vector<16xi32>
            %and3A_798 = arith.andi %bitcast3A_791, %and3A_797 : vector<16xi32>
            %bitcast3A_799 = vector.bitcast %and3A_798 : vector<16xi32> to vector<16xf32>
            %mul3A_800 = arith.mulf %bitcast3A_795, %gather3A_763 : vector<16xf32>
            %swap3A_801 = arith.index_cast %add3A_767 : i32 to index
            %swap3A_802 = arith.constant 32 : index
            %swap3A_803 = tpu.vector_load %run_scoped3A_6[%swap3A_801, %swap3A_802] {strides = array<i32>} : memref<40x128xf32, #tpu.memory_space<vmem>>, vector<16xf32>,
            tpu.vector_store %run_scoped3A_6[%swap3A_801, %swap3A_802], %mul3A_800 {strides = array<i32>} : memref<40x128xf32, #tpu.memory_space<vmem>>, vector<16xf32>,
            %mul3A_804 = arith.mulf %bitcast3A_799, %gather3A_763 : vector<16xf32>
            %swap3A_805 = arith.index_cast %add3A_767 : i32 to index
            %swap3A_806 = arith.constant 48 : index
            %swap3A_807 = tpu.vector_load %run_scoped3A_6[%swap3A_805, %swap3A_806] {strides = array<i32>} : memref<40x128xf32, #tpu.memory_space<vmem>>, vector<16xf32>,
            tpu.vector_store %run_scoped3A_6[%swap3A_805, %swap3A_806], %mul3A_804 {strides = array<i32>} : memref<40x128xf32, #tpu.memory_space<vmem>>, vector<16xf32>,
            %get3A_808 = arith.index_cast %add3A_767 : i32 to index
            %get3A_809 = arith.constant 64 : index
            %get3A_810 = tpu.vector_load %run_scoped3A_4[%get3A_808, %get3A_809] {strides = array<i32>} : memref<40x128xbf16, #tpu.memory_space<vmem>>, vector<32xbf16>,
            %bitcast3A_811 = vector.bitcast %get3A_810 : vector<32xbf16> to vector<16xi32>
            %shift_left3A_812 = arith.constant 16 : i32
            %shift_left3A_813 = vector.broadcast %shift_left3A_812 : i32 to vector<16xi32>
            %shift_left3A_814 = arith.shli %bitcast3A_811, %shift_left3A_813 : vector<16xi32>
            %bitcast3A_815 = vector.bitcast %shift_left3A_814 : vector<16xi32> to vector<16xf32>
            %and3A_816 = arith.constant -65536 : i32
            %and3A_817 = vector.broadcast %and3A_816 : i32 to vector<16xi32>
            %and3A_818 = arith.andi %bitcast3A_811, %and3A_817 : vector<16xi32>
            %bitcast3A_819 = vector.bitcast %and3A_818 : vector<16xi32> to vector<16xf32>
            %mul3A_820 = arith.mulf %bitcast3A_815, %gather3A_763 : vector<16xf32>
            %swap3A_821 = arith.index_cast %add3A_767 : i32 to index
            %swap3A_822 = arith.constant 64 : index
            %swap3A_823 = tpu.vector_load %run_scoped3A_6[%swap3A_821, %swap3A_822] {strides = array<i32>} : memref<40x128xf32, #tpu.memory_space<vmem>>, vector<16xf32>,
            tpu.vector_store %run_scoped3A_6[%swap3A_821, %swap3A_822], %mul3A_820 {strides = array<i32>} : memref<40x128xf32, #tpu.memory_space<vmem>>, vector<16xf32>,
            %mul3A_824 = arith.mulf %bitcast3A_819, %gather3A_763 : vector<16xf32>
            %swap3A_825 = arith.index_cast %add3A_767 : i32 to index
            %swap3A_826 = arith.constant 80 : index
            %swap3A_827 = tpu.vector_load %run_scoped3A_6[%swap3A_825, %swap3A_826] {strides = array<i32>} : memref<40x128xf32, #tpu.memory_space<vmem>>, vector<16xf32>,
            tpu.vector_store %run_scoped3A_6[%swap3A_825, %swap3A_826], %mul3A_824 {strides = array<i32>} : memref<40x128xf32, #tpu.memory_space<vmem>>, vector<16xf32>,
            %get3A_828 = arith.index_cast %add3A_767 : i32 to index
            %get3A_829 = arith.constant 96 : index
            %get3A_830 = tpu.vector_load %run_scoped3A_4[%get3A_828, %get3A_829] {strides = array<i32>} : memref<40x128xbf16, #tpu.memory_space<vmem>>, vector<32xbf16>,
            %bitcast3A_831 = vector.bitcast %get3A_830 : vector<32xbf16> to vector<16xi32>
            %shift_left3A_832 = arith.constant 16 : i32
            %shift_left3A_833 = vector.broadcast %shift_left3A_832 : i32 to vector<16xi32>
            %shift_left3A_834 = arith.shli %bitcast3A_831, %shift_left3A_833 : vector<16xi32>
            %bitcast3A_835 = vector.bitcast %shift_left3A_834 : vector<16xi32> to vector<16xf32>
            %and3A_836 = arith.constant -65536 : i32
            %and3A_837 = vector.broadcast %and3A_836 : i32 to vector<16xi32>
            %and3A_838 = arith.andi %bitcast3A_831, %and3A_837 : vector<16xi32>
            %bitcast3A_839 = vector.bitcast %and3A_838 : vector<16xi32> to vector<16xf32>
            %mul3A_840 = arith.mulf %bitcast3A_835, %gather3A_763 : vector<16xf32>
            %swap3A_841 = arith.index_cast %add3A_767 : i32 to index
            %swap3A_842 = arith.constant 96 : index
            %swap3A_843 = tpu.vector_load %run_scoped3A_6[%swap3A_841, %swap3A_842] {strides = array<i32>} : memref<40x128xf32, #tpu.memory_space<vmem>>, vector<16xf32>,
            tpu.vector_store %run_scoped3A_6[%swap3A_841, %swap3A_842], %mul3A_840 {strides = array<i32>} : memref<40x128xf32, #tpu.memory_space<vmem>>, vector<16xf32>,
            %mul3A_844 = arith.mulf %bitcast3A_839, %gather3A_763 : vector<16xf32>
            %swap3A_845 = arith.index_cast %add3A_767 : i32 to index
            %swap3A_846 = arith.constant 112 : index
            %swap3A_847 = tpu.vector_load %run_scoped3A_6[%swap3A_845, %swap3A_846] {strides = array<i32>} : memref<40x128xf32, #tpu.memory_space<vmem>>, vector<16xf32>,
            tpu.vector_store %run_scoped3A_6[%swap3A_845, %swap3A_846], %mul3A_844 {strides = array<i32>} : memref<40x128xf32, #tpu.memory_space<vmem>>, vector<16xf32>,
          }
          %scan3A_132 = arith.constant 5 : i32
          %mul3A_133 = arith.constant 40 : i32
          %mul3A_134 = arith.muli %add3A_109, %mul3A_133 : i32
          %dma_start3A_135 = tpu.memref_slice %run_scoped3A_0[%mul3A_134] : memref<10000xi32, #tpu.memory_space<vmem>> -> memref<40xi32, #tpu.memory_space<vmem>>
          %dma_start3A_136 = arith.constant 0 : i32
          %dma_start3A_137 = arith.constant 0 : i32
          %dma_start3A_138 = tpu.memref_slice %arg8[%dma_start3A_136, %dma_start3A_137] : memref<10000x128xf32, #tpu.memory_space<vmem_shared>> -> memref<10000x128xf32, #tpu.memory_space<vmem_shared>>
          tpu.enqueue_indirect_dma source(%run_scoped3A_6 : memref<40x128xf32, #tpu.memory_space<vmem>>) target(%dma_start3A_138 : memref<10000x128xf32, #tpu.memory_space<vmem_shared>>) offsets(%dma_start3A_135 : memref<40xi32, #tpu.memory_space<vmem>>) semaphore(%run_scoped3A_10 : memref<!tpu.dma_semaphore, #tpu.memory_space<semaphore_mem>>) {add = true}
        }
        %scan3A_40 = arith.constant 125 : i32
        %dma_wait3A = arith.constant 9920 : i32
        %dma_wait3A_41 = tpu.memref_slice %run_scoped3A_0[%dma_wait3A] : memref<10000xi32, #tpu.memory_space<vmem>> -> memref<40xi32, #tpu.memory_space<vmem>>
        %dma_wait3A_42 = arith.constant 0 : i32
        %dma_wait3A_43 = arith.constant 0 : i32
        %dma_wait3A_44 = tpu.memref_slice %arg8[%dma_wait3A_42, %dma_wait3A_43] : memref<10000x128xf32, #tpu.memory_space<vmem_shared>> -> memref<10000x128xf32, #tpu.memory_space<vmem_shared>>
        tpu.wait_indirect_dma semaphore(%run_scoped3A_9 : memref<!tpu.dma_semaphore, #tpu.memory_space<semaphore_mem>>) src(%run_scoped3A_5 : memref<40x128xf32, #tpu.memory_space<vmem>>) dst(%dma_wait3A_44 : memref<10000x128xf32, #tpu.memory_space<vmem_shared>>)
        %dma_wait3A_45 = arith.constant 9960 : i32
        %dma_wait3A_46 = tpu.memref_slice %run_scoped3A_0[%dma_wait3A_45] : memref<10000xi32, #tpu.memory_space<vmem>> -> memref<40xi32, #tpu.memory_space<vmem>>
        %dma_wait3A_47 = arith.constant 0 : i32
        %dma_wait3A_48 = arith.constant 0 : i32
        %dma_wait3A_49 = tpu.memref_slice %arg8[%dma_wait3A_47, %dma_wait3A_48] : memref<10000x128xf32, #tpu.memory_space<vmem_shared>> -> memref<10000x128xf32, #tpu.memory_space<vmem_shared>>
        tpu.wait_indirect_dma semaphore(%run_scoped3A_10 : memref<!tpu.dma_semaphore, #tpu.memory_space<semaphore_mem>>) src(%run_scoped3A_6 : memref<40x128xf32, #tpu.memory_space<vmem>>) dst(%dma_wait3A_49 : memref<10000x128xf32, #tpu.memory_space<vmem_shared>>)
        %barrier3A_50 = arith.constant 0 : index
        tpu.barrier barrier_id(%barrier3A_50)
        %eq3A_51 = arith.constant 15 : i32
        %eq3A_52 = arith.cmpi eq, %arg1, %eq3A_51 : i32
        %jit3A_53 = arith.constant 10 : i32
        %jit3A_54 = arith.constant 16 : i32
        %select_n3A_55 = arith.select %eq3A_52, %jit3A_53, %jit3A_54 : i32
        %sub3A_56 = arith.constant 0 : i32
        %sub3A_57 = arith.subi %select_n3A_55, %sub3A_56 : i32
        %sub3A_58 = arith.constant 1 : i32
        %sub3A_59 = arith.constant 1 : i32
        %sub3A_60 = arith.subi %sub3A_58, %sub3A_59 : i32
        %add3A_61 = arith.addi %sub3A_57, %sub3A_60 : i32
        %div3A_62 = arith.constant 1 : i32
        %div3A_63 = arith.divsi %add3A_61, %div3A_62 : i32
        %while3A_64 = arith.constant 1 : i32
        %while3A_65 = arith.constant 0 : i32
        %while3A_66 = arith.constant 0 : i32
        %while3A_67 = arith.subi %div3A_63, %while3A_66 : i32
        %while3A_68 = arith.addi %while3A_66, %while3A_67 : i32
        %while3A_69 = arith.constant 1 : i32
        %while3A_70 = arith.divsi %while3A_67, %while3A_69 : i32
        %while3A_71 = arith.muli %while3A_70, %while3A_69 : i32
        %while3A_72 = arith.addi %while3A_66, %while3A_71 : i32
        %while3A_73 = arith.constant 1 : i32
        scf.for %while3A_75 = %while3A_66 to %while3A_72 step %while3A_73  : i32 {
          %mul3A = arith.muli %while3A_75, %while3A_64 : i32
          %add3A_76 = arith.addi %while3A_65, %mul3A : i32
          %mul3A_77 = arith.constant 640 : i32
          %mul3A_78 = arith.muli %arg1, %mul3A_77 : i32
          %mul3A_79 = arith.constant 40 : i32
          %mul3A_80 = arith.muli %add3A_76, %mul3A_79 : i32
          %add3A_81 = arith.addi %mul3A_78, %mul3A_80 : i32
          "tpu.region"() ({
            %run_scoped3A_82 = tpu.sem_alloc : memref<!tpu.dma_semaphore, #tpu.memory_space<semaphore_mem>>
            %dma_start3A_83 = arith.constant 0 : i32
            %dma_start3A_84 = tpu.memref_slice %arg8[%add3A_81, %dma_start3A_83] : memref<10000x128xf32, #tpu.memory_space<vmem_shared>> -> memref<40x128xf32, #tpu.memory_space<vmem_shared>>
            %dma_start3A_85 = arith.constant 0 : i32
            %dma_start3A_86 = tpu.memref_slice %arg8[%add3A_81, %dma_start3A_85] : memref<10000x128xf32, #tpu.memory_space<vmem_shared>> -> memref<40x128xf32, #tpu.memory_space<vmem_shared>>
            tpu.enqueue_dma source(%dma_start3A_86 : memref<40x128xf32, #tpu.memory_space<vmem_shared>>) target(%run_scoped3A_5 : memref<40x128xf32, #tpu.memory_space<vmem>>) target_semaphore(%run_scoped3A_82 : memref<!tpu.dma_semaphore, #tpu.memory_space<semaphore_mem>>)
            %dma_wait3A_87 = arith.constant 0 : i32
            %dma_wait3A_88 = tpu.memref_slice %arg8[%add3A_81, %dma_wait3A_87] : memref<10000x128xf32, #tpu.memory_space<vmem_shared>> -> memref<40x128xf32, #tpu.memory_space<vmem_shared>>
            %dma_wait3A_89 = arith.constant 0 : i32
            %dma_wait3A_90 = tpu.memref_slice %arg8[%add3A_81, %dma_wait3A_89] : memref<10000x128xf32, #tpu.memory_space<vmem_shared>> -> memref<40x128xf32, #tpu.memory_space<vmem_shared>>
            tpu.wait_dma2 semaphore(%run_scoped3A_82 : memref<!tpu.dma_semaphore, #tpu.memory_space<semaphore_mem>>) src(%dma_wait3A_90 : memref<40x128xf32, #tpu.memory_space<vmem_shared>>) dst(%run_scoped3A_5 : memref<40x128xf32, #tpu.memory_space<vmem>>)
            tpu.yield
          }) : () -> ()
          "tpu.region"() ({
            %run_scoped3A_82 = tpu.sem_alloc : memref<!tpu.dma_semaphore, #tpu.memory_space<semaphore_mem>>
            %dma_start3A_83 = arith.constant 0 : i32
            %dma_start3A_84 = arith.constant 0 : i32
            %dma_start3A_85 = tpu.memref_slice %arg7[%arg0, %dma_start3A_83, %dma_start3A_84] : memref<2x10000x128xf32, #tpu.memory_space<hbm>> -> memref<1x10000x128xf32, #tpu.memory_space<hbm>>
            %dma_start3A_86 = tpu.memref_squeeze %dma_start3A_85 : memref<1x10000x128xf32, #tpu.memory_space<hbm>> -> memref<10000x128xf32, #tpu.memory_space<hbm>>
            %dma_start3A_87 = arith.constant 0 : i32
            %dma_start3A_88 = tpu.memref_slice %dma_start3A_86[%add3A_81, %dma_start3A_87] : memref<10000x128xf32, #tpu.memory_space<hbm>> -> memref<40x128xf32, #tpu.memory_space<hbm>>
            %dma_start3A_89 = arith.constant 0 : i32
            %dma_start3A_90 = arith.constant 0 : i32
            %dma_start3A_91 = tpu.memref_slice %arg7[%arg0, %dma_start3A_89, %dma_start3A_90] : memref<2x10000x128xf32, #tpu.memory_space<hbm>> -> memref<1x10000x128xf32, #tpu.memory_space<hbm>>
            %dma_start3A_92 = tpu.memref_squeeze %dma_start3A_91 : memref<1x10000x128xf32, #tpu.memory_space<hbm>> -> memref<10000x128xf32, #tpu.memory_space<hbm>>
            %dma_start3A_93 = arith.constant 0 : i32
            %dma_start3A_94 = tpu.memref_slice %dma_start3A_92[%add3A_81, %dma_start3A_93] : memref<10000x128xf32, #tpu.memory_space<hbm>> -> memref<40x128xf32, #tpu.memory_space<hbm>>
            tpu.enqueue_dma source(%run_scoped3A_5 : memref<40x128xf32, #tpu.memory_space<vmem>>) target(%dma_start3A_94 : memref<40x128xf32, #tpu.memory_space<hbm>>) target_semaphore(%run_scoped3A_82 : memref<!tpu.dma_semaphore, #tpu.memory_space<semaphore_mem>>)
            %dma_wait3A_95 = arith.constant 0 : i32
            %dma_wait3A_96 = arith.constant 0 : i32
            %dma_wait3A_97 = tpu.memref_slice %arg7[%arg0, %dma_wait3A_95, %dma_wait3A_96] : memref<2x10000x128xf32, #tpu.memory_space<hbm>> -> memref<1x10000x128xf32, #tpu.memory_space<hbm>>
            %dma_wait3A_98 = tpu.memref_squeeze %dma_wait3A_97 : memref<1x10000x128xf32, #tpu.memory_space<hbm>> -> memref<10000x128xf32, #tpu.memory_space<hbm>>
            %dma_wait3A_99 = arith.constant 0 : i32
            %dma_wait3A_100 = tpu.memref_slice %dma_wait3A_98[%add3A_81, %dma_wait3A_99] : memref<10000x128xf32, #tpu.memory_space<hbm>> -> memref<40x128xf32, #tpu.memory_space<hbm>>
            %dma_wait3A_101 = arith.constant 0 : i32
            %dma_wait3A_102 = arith.constant 0 : i32
            %dma_wait3A_103 = tpu.memref_slice %arg7[%arg0, %dma_wait3A_101, %dma_wait3A_102] : memref<2x10000x128xf32, #tpu.memory_space<hbm>> -> memref<1x10000x128xf32, #tpu.memory_space<hbm>>
            %dma_wait3A_104 = tpu.memref_squeeze %dma_wait3A_103 : memref<1x10000x128xf32, #tpu.memory_space<hbm>> -> memref<10000x128xf32, #tpu.memory_space<hbm>>
            %dma_wait3A_105 = arith.constant 0 : i32
            %dma_wait3A_106 = tpu.memref_slice %dma_wait3A_104[%add3A_81, %dma_wait3A_105] : memref<10000x128xf32, #tpu.memory_space<hbm>> -> memref<40x128xf32, #tpu.memory_space<hbm>>
            tpu.wait_dma2 semaphore(%run_scoped3A_82 : memref<!tpu.dma_semaphore, #tpu.memory_space<semaphore_mem>>) src(%run_scoped3A_5 : memref<40x128xf32, #tpu.memory_space<vmem>>) dst(%dma_wait3A_106 : memref<40x128xf32, #tpu.memory_space<hbm>>)
            tpu.yield
          }) : () -> ()
        }
        %while3A_74 = arith.constant 1 : i32
        scf.for %while3A_75 = %while3A_72 to %while3A_68 step %while3A_74  : i32 {
          %mul3A = arith.muli %while3A_75, %while3A_64 : i32
          %add3A_76 = arith.addi %while3A_65, %mul3A : i32
          %mul3A_77 = arith.constant 640 : i32
          %mul3A_78 = arith.muli %arg1, %mul3A_77 : i32
          %mul3A_79 = arith.constant 40 : i32
          %mul3A_80 = arith.muli %add3A_76, %mul3A_79 : i32
          %add3A_81 = arith.addi %mul3A_78, %mul3A_80 : i32
          "tpu.region"() ({
            %run_scoped3A_82 = tpu.sem_alloc : memref<!tpu.dma_semaphore, #tpu.memory_space<semaphore_mem>>
            %dma_start3A_83 = arith.constant 0 : i32
            %dma_start3A_84 = tpu.memref_slice %arg8[%add3A_81, %dma_start3A_83] : memref<10000x128xf32, #tpu.memory_space<vmem_shared>> -> memref<40x128xf32, #tpu.memory_space<vmem_shared>>
            %dma_start3A_85 = arith.constant 0 : i32
            %dma_start3A_86 = tpu.memref_slice %arg8[%add3A_81, %dma_start3A_85] : memref<10000x128xf32, #tpu.memory_space<vmem_shared>> -> memref<40x128xf32, #tpu.memory_space<vmem_shared>>
            tpu.enqueue_dma source(%dma_start3A_86 : memref<40x128xf32, #tpu.memory_space<vmem_shared>>) target(%run_scoped3A_5 : memref<40x128xf32, #tpu.memory_space<vmem>>) target_semaphore(%run_scoped3A_82 : memref<!tpu.dma_semaphore, #tpu.memory_space<semaphore_mem>>)
            %dma_wait3A_87 = arith.constant 0 : i32
            %dma_wait3A_88 = tpu.memref_slice %arg8[%add3A_81, %dma_wait3A_87] : memref<10000x128xf32, #tpu.memory_space<vmem_shared>> -> memref<40x128xf32, #tpu.memory_space<vmem_shared>>
            %dma_wait3A_89 = arith.constant 0 : i32
            %dma_wait3A_90 = tpu.memref_slice %arg8[%add3A_81, %dma_wait3A_89] : memref<10000x128xf32, #tpu.memory_space<vmem_shared>> -> memref<40x128xf32, #tpu.memory_space<vmem_shared>>
            tpu.wait_dma2 semaphore(%run_scoped3A_82 : memref<!tpu.dma_semaphore, #tpu.memory_space<semaphore_mem>>) src(%dma_wait3A_90 : memref<40x128xf32, #tpu.memory_space<vmem_shared>>) dst(%run_scoped3A_5 : memref<40x128xf32, #tpu.memory_space<vmem>>)
            tpu.yield
          }) : () -> ()
          "tpu.region"() ({
            %run_scoped3A_82 = tpu.sem_alloc : memref<!tpu.dma_semaphore, #tpu.memory_space<semaphore_mem>>
            %dma_start3A_83 = arith.constant 0 : i32
            %dma_start3A_84 = arith.constant 0 : i32
            %dma_start3A_85 = tpu.memref_slice %arg7[%arg0, %dma_start3A_83, %dma_start3A_84] : memref<2x10000x128xf32, #tpu.memory_space<hbm>> -> memref<1x10000x128xf32, #tpu.memory_space<hbm>>
            %dma_start3A_86 = tpu.memref_squeeze %dma_start3A_85 : memref<1x10000x128xf32, #tpu.memory_space<hbm>> -> memref<10000x128xf32, #tpu.memory_space<hbm>>
            %dma_start3A_87 = arith.constant 0 : i32
            %dma_start3A_88 = tpu.memref_slice %dma_start3A_86[%add3A_81, %dma_start3A_87] : memref<10000x128xf32, #tpu.memory_space<hbm>> -> memref<40x128xf32, #tpu.memory_space<hbm>>
            %dma_start3A_89 = arith.constant 0 : i32
            %dma_start3A_90 = arith.constant 0 : i32
            %dma_start3A_91 = tpu.memref_slice %arg7[%arg0, %dma_start3A_89, %dma_start3A_90] : memref<2x10000x128xf32, #tpu.memory_space<hbm>> -> memref<1x10000x128xf32, #tpu.memory_space<hbm>>
            %dma_start3A_92 = tpu.memref_squeeze %dma_start3A_91 : memref<1x10000x128xf32, #tpu.memory_space<hbm>> -> memref<10000x128xf32, #tpu.memory_space<hbm>>
            %dma_start3A_93 = arith.constant 0 : i32
            %dma_start3A_94 = tpu.memref_slice %dma_start3A_92[%add3A_81, %dma_start3A_93] : memref<10000x128xf32, #tpu.memory_space<hbm>> -> memref<40x128xf32, #tpu.memory_space<hbm>>
            tpu.enqueue_dma source(%run_scoped3A_5 : memref<40x128xf32, #tpu.memory_space<vmem>>) target(%dma_start3A_94 : memref<40x128xf32, #tpu.memory_space<hbm>>) target_semaphore(%run_scoped3A_82 : memref<!tpu.dma_semaphore, #tpu.memory_space<semaphore_mem>>)
            %dma_wait3A_95 = arith.constant 0 : i32
            %dma_wait3A_96 = arith.constant 0 : i32
            %dma_wait3A_97 = tpu.memref_slice %arg7[%arg0, %dma_wait3A_95, %dma_wait3A_96] : memref<2x10000x128xf32, #tpu.memory_space<hbm>> -> memref<1x10000x128xf32, #tpu.memory_space<hbm>>
            %dma_wait3A_98 = tpu.memref_squeeze %dma_wait3A_97 : memref<1x10000x128xf32, #tpu.memory_space<hbm>> -> memref<10000x128xf32, #tpu.memory_space<hbm>>
            %dma_wait3A_99 = arith.constant 0 : i32
            %dma_wait3A_100 = tpu.memref_slice %dma_wait3A_98[%add3A_81, %dma_wait3A_99] : memref<10000x128xf32, #tpu.memory_space<hbm>> -> memref<40x128xf32, #tpu.memory_space<hbm>>
            %dma_wait3A_101 = arith.constant 0 : i32
            %dma_wait3A_102 = arith.constant 0 : i32
            %dma_wait3A_103 = tpu.memref_slice %arg7[%arg0, %dma_wait3A_101, %dma_wait3A_102] : memref<2x10000x128xf32, #tpu.memory_space<hbm>> -> memref<1x10000x128xf32, #tpu.memory_space<hbm>>
            %dma_wait3A_104 = tpu.memref_squeeze %dma_wait3A_103 : memref<1x10000x128xf32, #tpu.memory_space<hbm>> -> memref<10000x128xf32, #tpu.memory_space<hbm>>
            %dma_wait3A_105 = arith.constant 0 : i32
            %dma_wait3A_106 = tpu.memref_slice %dma_wait3A_104[%add3A_81, %dma_wait3A_105] : memref<10000x128xf32, #tpu.memory_space<hbm>> -> memref<40x128xf32, #tpu.memory_space<hbm>>
            tpu.wait_dma2 semaphore(%run_scoped3A_82 : memref<!tpu.dma_semaphore, #tpu.memory_space<semaphore_mem>>) src(%run_scoped3A_5 : memref<40x128xf32, #tpu.memory_space<vmem>>) dst(%dma_wait3A_106 : memref<40x128xf32, #tpu.memory_space<hbm>>)
            tpu.yield
          }) : () -> ()
        }
        tpu.yield
      }) : () -> ()
      "tpu.trace_stop"() : () -> ()
      tpu.yield
    }) : () -> ()
    return
  }
}

module attributes {stable_mosaic.version = 14 : i64} {
  func.func @_prep_body(%arg0: i32, %arg1: memref<1000x128xf32, #tpu.memory_space<vmem>>, %arg2: memref<128x128xf32, #tpu.memory_space<vmem>>, %arg3: memref<1x256xf32, #tpu.memory_space<vmem>>, %arg4: memref<1000x128xf32, #tpu.memory_space<vmem>>, %arg5: memref<1000x1xf32, #tpu.memory_space<vmem>>, %arg6: memref<1000x1xf32, #tpu.memory_space<vmem>>, %arg7: memref<1000x128xbf16, #tpu.memory_space<vmem>>) attributes {dimension_semantics = [#tpu.dimension_semantics<arbitrary>], iteration_bounds = array<i64: 10>, scalar_prefetch = 0 : i64, scratch_operands = 0 : i64, tpu.core_type = #tpu.core_type<tc>, window_params = [{transform_indices = @transform_0, window_bounds = array<i64: 1000, 128>}, {pipeline_mode = #tpu.pipeline_mode<synchronous>, transform_indices = @transform_1, window_bounds = array<i64: 128, 128>}, {pipeline_mode = #tpu.pipeline_mode<synchronous>, transform_indices = @transform_2, window_bounds = array<i64: 1, 256>}, {transform_indices = @transform_3, window_bounds = array<i64: 1000, 128>}, {transform_indices = @transform_4, window_bounds = array<i64: 1000, 1>}, {transform_indices = @transform_5, window_bounds = array<i64: 1000, 1>}, {transform_indices = @transform_6, window_bounds = array<i64: 1000, 128>}]} {
    %get3A = arith.constant 0 : index
    %get3A_0 = arith.constant 0 : index
    %get3A_1 = vector.load %arg1[%get3A, %get3A_0] : memref<1000x128xf32, #tpu.memory_space<vmem>>, vector<1000x128xf32>
    %get3A_2 = arith.constant 0 : index
    %get3A_3 = arith.constant 0 : index
    %get3A_4 = vector.load %arg2[%get3A_2, %get3A_3] : memref<128x128xf32, #tpu.memory_space<vmem>>, vector<128x128xf32>
    %dot_general3A = arith.constant dense<0.000000e+00> : vector<1000x128xf32>
    %dot_general3A_5 = tpu.matmul %get3A_1, %get3A_4, %dot_general3A {dimension_numbers = #tpu.dot_dimension_numbers<[1], [1], [0], [0], [0, 0, 1, 0], [], []>, transpose_lhs_hint = false} : vector<1000x128xf32>, vector<128x128xf32>, vector<1000x128xf32> -> vector<1000x128xf32>
    %swap3A = arith.constant 0 : index
    %swap3A_6 = arith.constant 0 : index
    %swap3A_7 = vector.load %arg4[%swap3A, %swap3A_6] : memref<1000x128xf32, #tpu.memory_space<vmem>>, vector<1000x128xf32>
    tpu.vector_store %arg4[%swap3A, %swap3A_6], %dot_general3A_5 {strides = array<i32>} : memref<1000x128xf32, #tpu.memory_space<vmem>>, vector<1000x128xf32>,
    %get3A_8 = arith.constant 0 : index
    %get3A_9 = arith.constant 0 : index
    %get3A_10 = vector.load %arg3[%get3A_8, %get3A_9] : memref<1x256xf32, #tpu.memory_space<vmem>>, vector<1x256xf32>
    %reshape3A = vector.shape_cast %get3A_10 : vector<1x256xf32> to vector<2x128xf32>
    %dot_general3A_11 = arith.constant dense<0.000000e+00> : vector<1000x2xf32>
    %dot_general3A_12 = tpu.matmul %dot_general3A_5, %reshape3A, %dot_general3A_11 {dimension_numbers = #tpu.dot_dimension_numbers<[1], [1], [0], [0], [0, 0, 1, 0], [], []>, transpose_lhs_hint = false} : vector<1000x128xf32>, vector<2x128xf32>, vector<1000x2xf32> -> vector<1000x2xf32>
    %slice3A = vector.extract_strided_slice %dot_general3A_12 {offsets = [0, 0], sizes = [1000, 1], strides = [1, 1]} : vector<1000x2xf32> to vector<1000x1xf32>
    %swap3A_13 = arith.constant 0 : index
    %swap3A_14 = arith.constant 0 : index
    %swap3A_15 = vector.load %arg5[%swap3A_13, %swap3A_14] : memref<1000x1xf32, #tpu.memory_space<vmem>>, vector<1000x1xf32>
    tpu.vector_store %arg5[%swap3A_13, %swap3A_14], %slice3A {strides = array<i32>} : memref<1000x1xf32, #tpu.memory_space<vmem>>, vector<1000x1xf32>,
    %slice3A_16 = vector.extract_strided_slice %dot_general3A_12 {offsets = [0, 1], sizes = [1000, 1], strides = [1, 1]} : vector<1000x2xf32> to vector<1000x1xf32>
    %swap3A_17 = arith.constant 0 : index
    %swap3A_18 = arith.constant 0 : index
    %swap3A_19 = vector.load %arg6[%swap3A_17, %swap3A_18] : memref<1000x1xf32, #tpu.memory_space<vmem>>, vector<1000x1xf32>
    tpu.vector_store %arg6[%swap3A_17, %swap3A_18], %slice3A_16 {strides = array<i32>} : memref<1000x1xf32, #tpu.memory_space<vmem>>, vector<1000x1xf32>,
    %convert_element_type3A = arith.truncf %dot_general3A_5 : vector<1000x128xf32> to vector<1000x128xbf16>
    %swap3A_20 = arith.constant 0 : index
    %swap3A_21 = arith.constant 0 : index
    %swap3A_22 = vector.load %arg7[%swap3A_20, %swap3A_21] : memref<1000x128xbf16, #tpu.memory_space<vmem>>, vector<1000x128xbf16>
    tpu.vector_store %arg7[%swap3A_20, %swap3A_21], %convert_element_type3A {strides = array<i32>} : memref<1000x128xbf16, #tpu.memory_space<vmem>>, vector<1000x128xbf16>,
    return
  }
  func.func @transform_0(%arg0: i32) -> (i32, i32) {
    %c0_i32 = arith.constant 0 : i32
    %c0_i32_0 = arith.constant 0 : i32
    return %arg0, %c0_i32 : i32, i32
  }
  func.func @transform_1(%arg0: i32) -> (i32, i32) {
    %c0_i32 = arith.constant 0 : i32
    %c0_i32_0 = arith.constant 0 : i32
    %c0_i32_1 = arith.constant 0 : i32
    return %c0_i32, %c0_i32_0 : i32, i32
  }
  func.func @transform_2(%arg0: i32) -> (i32, i32) {
    %c0_i32 = arith.constant 0 : i32
    %c0_i32_0 = arith.constant 0 : i32
    %c0_i32_1 = arith.constant 0 : i32
    return %c0_i32, %c0_i32_0 : i32, i32
  }
  func.func @transform_3(%arg0: i32) -> (i32, i32) {
    %c0_i32 = arith.constant 0 : i32
    %c0_i32_0 = arith.constant 0 : i32
    return %arg0, %c0_i32 : i32, i32
  }
  func.func @transform_4(%arg0: i32) -> (i32, i32) {
    %c0_i32 = arith.constant 0 : i32
    %c0_i32_0 = arith.constant 0 : i32
    return %arg0, %c0_i32 : i32, i32
  }
  func.func @transform_5(%arg0: i32) -> (i32, i32) {
    %c0_i32 = arith.constant 0 : i32
    %c0_i32_0 = arith.constant 0 : i32
    return %arg0, %c0_i32 : i32, i32
  }
  func.func @transform_6(%arg0: i32) -> (i32, i32) {
    %c0_i32 = arith.constant 0 : i32
    %c0_i32_0 = arith.constant 0 : i32
    return %arg0, %c0_i32 : i32, i32
  }
}

module attributes {stable_mosaic.version = 14 : i64} {
  func.func @_add_body(%arg0: i32, %arg1: memref<1000x128xf32, #tpu.memory_space<vmem>>, %arg2: memref<1000x128xf32, #tpu.memory_space<vmem>>, %arg3: memref<1000x128xf32, #tpu.memory_space<vmem>>) attributes {dimension_semantics = [#tpu.dimension_semantics<arbitrary>], iteration_bounds = array<i64: 10>, scalar_prefetch = 0 : i64, scratch_operands = 0 : i64, tpu.core_type = #tpu.core_type<tc>, window_params = [{transform_indices = @transform_0, window_bounds = array<i64: 1000, 128>}, {transform_indices = @transform_1, window_bounds = array<i64: 1000, 128>}, {transform_indices = @transform_2, window_bounds = array<i64: 1000, 128>}]} {
    %get3A = arith.constant 0 : index
    %get3A_0 = arith.constant 0 : index
    %get3A_1 = vector.load %arg1[%get3A, %get3A_0] : memref<1000x128xf32, #tpu.memory_space<vmem>>, vector<1000x128xf32>
    %get3A_2 = arith.constant 0 : index
    %get3A_3 = arith.constant 0 : index
    %get3A_4 = vector.load %arg2[%get3A_2, %get3A_3] : memref<1000x128xf32, #tpu.memory_space<vmem>>, vector<1000x128xf32>
    %add3A = arith.addf %get3A_1, %get3A_4 : vector<1000x128xf32>
    %swap3A = arith.constant 0 : index
    %swap3A_5 = arith.constant 0 : index
    %swap3A_6 = vector.load %arg3[%swap3A, %swap3A_5] : memref<1000x128xf32, #tpu.memory_space<vmem>>, vector<1000x128xf32>
    tpu.vector_store %arg3[%swap3A, %swap3A_5], %add3A {strides = array<i32>} : memref<1000x128xf32, #tpu.memory_space<vmem>>, vector<1000x128xf32>,
    return
  }
  func.func @transform_0(%arg0: i32) -> (i32, i32) {
    %c0_i32 = arith.constant 0 : i32
    %c0_i32_0 = arith.constant 0 : i32
    return %arg0, %c0_i32 : i32, i32
  }
  func.func @transform_1(%arg0: i32) -> (i32, i32) {
    %c0_i32 = arith.constant 0 : i32
    %c0_i32_0 = arith.constant 0 : i32
    return %arg0, %c0_i32 : i32, i32
  }
  func.func @transform_2(%arg0: i32) -> (i32, i32) {
    %c0_i32 = arith.constant 0 : i32
    %c0_i32_0 = arith.constant 0 : i32
    return %arg0, %c0_i32 : i32, i32
  }
}

</mosaic_0001>

<sc_bundles>
// kernel: kernel.5.cloned.1.call-start
scs
__scs_entry_jumppad:
0x0: {  	(pc) =	sbr.rel $0x88, $3  }
0x1: {  	(tag) =	ssettag $0x0;
	lr =	simm.s32 $0x1  }
0x2: {  	[smem:$0x3F9D] =	sst lr;
	_ =	strace $0xD0000000  }
0x3: {  	_ = 	snop  }
0x4: {  	_ = 	snop  }
0x5: {  	_ = 	snop  }
0x6: {  	_ = 	snop  }
0x7: {  	_ = 	snop  }
__scs_overlays_trampoline_lowered:
0x8: {  	[smem:$0x3FAC] =	sst s0  }
0x9: {  	[smem:$0x3FAD] =	sst s1  }
0xa: {  	[smem:$0x3FAE] =	sst s2  }
0xb: {  	[smem:$0x3FAF] =	sst s3  }
0xc: {  	[smem:$0x3FB0] =	sst s4  }
0xd: {  	[smem:$0x3FB1] =	sst s5  }
0xe: {  	[smem:$0x3FB2] =	sst s6  }
0xf: {  	[smem:$0x3FB3] =	sst s7  }
0x10: {  	[smem:$0x3FB4] =	sst s8  }
0x11: {  	[smem:$0x3FB5] =	sst s9;
	s0 =	simm.s32 @!p0 $0x0  }
0x12: {  	s1 =	sld [smem:$0x3F9B];
	s0 =	simm.s32 @p0 $0x1  }
0x13: {  	[smem:$0x3FB6] =	sst s0;
	s0 =	simm.s32 @!p1 $0x0  }
0x14: {  	s2 =	sld [smem:$0x3F9A];
	s0 =	simm.s32 @p1 $0x1  }
0x15: {  	[smem:$0x3FB7] =	sst s0;
	s0 =	simm.s32 @!p2 $0x0  }
0x16: {  	s3 =	sld [smem:$0x3FDB];
	s0 =	simm.s32 @p2 $0x1  }
0x17: {  	s4 =	simm.s32 $0x1BF5;
	[smem:$0x3FB9] =	sst s0  }
0x18: {  	s0 =	sld [smem:$0x3F9C];
	_ =	swait.ge [sflag:s4], $0x0  }
0x19: {  	s7 =	sld [smem:$0x3F9D]  }
0x1a: {  	s8 =	sadd.s32 $0xFFFFE003, lr  }
0x1b: {  	s9 =	sadd.s32 $0xFFFFFEF7, lr;
	s5 =	simm.s32 $0xFFFFFFFF;
	p2 =	slt.u32 s8, $0xFFFFF086  }
0x1c: {  	p1 =	slt.u32 s9, $0xF7A;
	s5 =	simm.s32 @!p2 $0x0  }
0x1d: {  	s5 =	simm.s32 @p1 $0x1;
	p0 =	seq.s32 s7, s2  }
0x1e: {  	s7 =	smul.u32 @!p0 $0xF7A, s2;
	p2 =	seq.s32 @!p0 s5, $0x0  }
0x1f: {  	s9 =	smul.u32 $0xF7A, s1;
	s8 =	simm.s32 @!p0 $0x1BF5;
	p2 =	por !p2, p0  }
0x20: {  	[sflag:s8] =	ssyncset.s32 @!p0 $0xFFFFF086;
	s6 =	sadd.s32 @!p0 s3, s7;
	s7 =	simm.s32 @!p0 $0x108  }
0x21: {  	s3 =	sadd.s32 s3, s9;
	s6 =	sadd.s32 @!p0 $0x88, s6;
	s7 =	simm.s32 @p2 $0x1082  }
0x22: {  	[simem:s7], [sflag:s8] =	dma.local @!p0 [hbm:s6], $0xF7A  }
0x23: {  	s9 =	sor.u32 $0xD0000000, s2;
	s6 =	simm.s32 $0x108;
	_ =	swait.ge @!p0 [sflag:s8], $0x0  }
0x24: {  	s3 =	sadd.s32 $0x88, s3;
	s6 =	simm.s32 @!p1 $0x1082;
	[sflag:s4] =	ssyncset.s32 $0xFFFFF086  }
0x25: {  	[simem:s6], [sflag:s4] =	dma.local [hbm:s3], $0xF7A  }
0x26: {  	[smem:$0x3F9D] =	sst s1;
	(tag) =	ssettag s2;
	_ =	strace s9  }
0x27: {  	s1 =	sld [smem:$0x3FAD]  }
0x28: {  	s2 =	sld [smem:$0x3FAE]  }
0x29: {  	s4 =	sld [smem:$0x3FB0]  }
0x2a: {  	p0 =	seq.s32 s5, $0x0;
	s5 =	sld [smem:$0x3FB1]  }
0x2b: {  	s6 =	sld [smem:$0x3FB2]  }
0x2c: {  	s7 =	sld [smem:$0x3FB3]  }
0x2d: {  	s3 =	simm.s32 $0x108;
	s8 =	sld [smem:$0x3FB4]  }
0x2e: {  	s3 =	simm.s32 @!p0 $0x1082;
	s9 =	sld [smem:$0x3FB5]  }
0x2f: {  	lr =	sadd.s32 s0, s3;
	s0 =	sld [smem:$0x3FAC]  }
0x30: {  	s3 =	sld [smem:$0x3FAF]  }
0x31: {  	[smem:$0x3FB8] =	sst s10  }
0x32: {  	s10 =	sld [smem:$0x3FB6];
	_ =	sdelay $0x3  }
0x33: {  	p0 =	seq.s32 s10, $0x1;
	s10 =	sld [smem:$0x3FB8];
	_ =	sdelay $0x3  }
0x34: {  	[smem:$0x3FB8] =	sst s10  }
0x35: {  	s10 =	sld [smem:$0x3FB7];
	_ =	sdelay $0x3  }
0x36: {  	p1 =	seq.s32 s10, $0x1;
	s10 =	sld [smem:$0x3FB8];
	_ =	sdelay $0x3  }
0x37: {  	[smem:$0x3FB8] =	sst s10  }
0x38: {  	s10 =	sld [smem:$0x3FB9]  }
0x39: {  	_ = 	snop;
	(pc) =	sbr.ind lr, $3  }
0x3a: {  	_ = 	snop  }
0x3b: {  	_ = 	snop  }
0x3c: {  	p2 =	seq.s32 s10, $0x1;
	s10 =	sld [smem:$0x3FB8]  }
0x3d: {  	_ =	shalt  }
0x3e: {  	_ =	shalt  }
0x3f: {  	_ =	shalt  }
0x40: {  	_ =	shalt  }
0x41: {  	_ =	shalt  }
0x42: {  	_ =	shalt  }
0x43: {  	_ =	shalt  }
0x44: {  	_ =	shalt  }
0x45: {  	_ =	shalt  }
0x46: {  	_ =	shalt  }
0x47: {  	_ =	shalt  }
0x48: {  	_ =	shalt  }
0x49: {  	_ =	shalt  }
0x4a: {  	_ =	shalt  }
0x4b: {  	_ =	shalt  }
0x4c: {  	_ =	shalt  }
0x4d: {  	_ =	shalt  }
0x4e: {  	_ =	shalt  }
0x4f: {  	_ =	shalt  }
0x50: {  	_ =	shalt  }
0x51: {  	_ =	shalt  }
0x52: {  	_ =	shalt  }
0x53: {  	_ =	shalt  }
0x54: {  	_ =	shalt  }
0x55: {  	_ =	shalt  }
0x56: {  	_ =	shalt  }
0x57: {  	_ =	shalt  }
0x58: {  	_ =	shalt  }
0x59: {  	_ =	shalt  }
0x5a: {  	_ =	shalt  }
0x5b: {  	_ =	shalt  }
0x5c: {  	_ =	shalt  }
0x5d: {  	_ =	shalt  }
0x5e: {  	_ =	shalt  }
0x5f: {  	_ =	shalt  }
0x60: {  	_ =	shalt  }
0x61: {  	_ =	shalt  }
0x62: {  	_ =	shalt  }
0x63: {  	_ =	shalt  }
0x64: {  	_ =	shalt  }
0x65: {  	_ =	shalt  }
0x66: {  	_ =	shalt  }
0x67: {  	_ =	shalt  }
0x68: {  	_ =	shalt  }
0x69: {  	_ =	shalt  }
0x6a: {  	_ =	shalt  }
0x6b: {  	_ =	shalt  }
0x6c: {  	_ =	shalt  }
0x6d: {  	_ =	shalt  }
0x6e: {  	_ =	shalt  }
0x6f: {  	_ =	shalt  }
0x70: {  	_ =	shalt  }
0x71: {  	_ =	shalt  }
0x72: {  	_ =	shalt  }
0x73: {  	_ =	shalt  }
0x74: {  	_ =	shalt  }
0x75: {  	_ =	shalt  }
0x76: {  	_ =	shalt  }
0x77: {  	_ =	shalt  }
0x78: {  	_ =	shalt  }
0x79: {  	_ =	shalt  }
0x7a: {  	_ =	shalt  }
0x7b: {  	_ =	shalt  }
0x7c: {  	_ =	shalt  }
0x7d: {  	_ =	shalt  }
0x7e: {  	_ =	shalt  }
0x7f: {  	_ =	shalt  }
0x80: {  	_ =	shalt  }
0x81: {  	_ =	shalt  }
0x82: {  	_ =	shalt  }
0x83: {  	_ =	shalt  }
0x84: {  	_ =	shalt  }
0x85: {  	_ =	shalt  }
0x86: {  	_ =	shalt  }
0x87: {  	_ =	shalt  }
.Lfunc_end0:
.L_simem_size_0:
called_computation_lowered:
.L_overlay_start_0:
0x88: {  	s2 =	sld [smem:$0x3FD9]  }
0x89: {  	s3 =	sld [smem:$0x3FFE];
	_ =	sdelay $0x1  }
0x8a: {  	s1 =	srdreg.scid  }
0x8b: {  	s0 =	sand.u32 $0x1, s1  }
0x8c: {  	s17 =	sshll.u32 s0, $0xA;
	s2 =	sadd.s32 s3, s2  }
0x8d: {  	s2 =	sadd.s32 s2, s17  }
0x8e: {  	[smem:$0x3FC4] =	sst s2  }
0x8f: {  	_ = 	snop  }
0x90: {  	s2 =	sld [smem:$0x3FD0];
	(tm) =	ssettm $0x1  }
0x91: {  	s18 =	sld [smem:$0x3FFB];
	_ =	sdelay $0x3  }
0x92: {  	_ =	strace s18  }
0x93: {  	s3 =	sld [smem:$0x3FFC];
	_ =	sdelay $0x3  }
0x94: {  	_ =	strace s3  }
0x95: {  	s3 =	sld [smem:$0x3FFD];
	_ =	sdelay $0x3  }
0x96: {  	_ =	strace s3  }
0x97: {  	_ =	strace $0x8FFFFFFF  }
0x98: {  	s19 =	sld [smem:$0x3FDB];
	_ =	sdelay $0x1  }
0x99: {  	s4 =	simm.s32 $_scs_section_size  }
0x9a: {  	s5 =	simm.s32 $_size__tile_overlayer_lowered;
	s6 =	simm.s32 $_tile_overlayer_lowered  }
0x9b: {  	s22 =	simm.s32 $0x1BFF;
	s21 =	sshll.u32 s6, $0x1;
	s3 =	sadd.s32 s4, s19  }
0x9c: {  	s7 =	simm.s32 $0x0;
	s20 =	sshll.u32 s5, $0x1;
	s5 =	sadd.s32 s21, s3  }
0x9d: {  	[timem:s7], [sflag:s22] =	dma.local [hbm:s5], s20  }
0x9e: {  	_ =	swait.ge [sflag:s22], s20  }
0x9f: {  	s4 =	ssub.s32 $0x0, s20;
	[sflag:s22] =	ssyncset.done $0x0  }
0xa0: {  	[sflag:s22] =	ssyncadd.s32 s4;
	_ =	sdelay $0x1  }
0xa1: {  	s23 =	simm.s32 $0x1B8B  }
0xa2: {  	_ =	swait.ge [sflag:s23], $0x1  }
0xa3: {  	[sflag:s23] =	ssyncset.done $0x0  }
0xa4: {  	s25 =	simm.s32 $0x1B8E;
	s24 =	sld [smem:$0x3FFE];
	[sflag:s23] =	ssyncadd.s32 $0xFFFFFFFF  }
0xa5: {  	s26 =	simm.s32 $execute0_lowered;
	[smem:$0x3FD2] =	sst s25  }
0xa6: {  	s5 =	sshll.u32 s26, $0x1;
	_ =	strace $0x80000046;
	[dreg:$0x1] =	wrdreg $0xFFFFFFFF  }
0xa7: {  	s28 =	simm.s32 $_size_execute0_lowered;
	s3 =	sadd.s32 s3, s5;
	[dreg:$0x0] =	wrdreg $0x0  }
0xa8: {  	s5 =	sshll.u32 s28, $0x1;
	[dreg:$0x2] =	wrdreg s3  }
0xa9: {  	[dreg:$0x3] =	wrdreg s5  }
0xaa: {  	[dreg:$0x4] =	wrdreg $0xC0  }
0xab: {  	_ =	task [dreg:s7], $0x5FFFF  }
0xac: {  	[dreg:$0x1] =	wrdreg $0xFFFFFFFF  }
0xad: {  	[dreg:$0x0] =	wrdreg $0x60  }
0xae: {  	[dreg:$0x2] =	wrdreg s24  }
0xaf: {  	[dreg:$0x3] =	wrdreg s2  }
0xb0: {  	[dreg:$0x4] =	wrdreg $0x138800  }
0xb1: {  	[dreg:$0x5] =	wrdreg $0x0  }
0xb2: {  	[dreg:$0x6] =	wrdreg $0x9  }
0xb3: {  	_ =	task.clear_ibuf [dreg:s7], $0x7FFFF;
	_ =	strace $0x90000046  }
0xb4: {  	s29 =	simm.s32 $0x9;
	_ =	strace $0x8000004B  }
0xb5: {  	_ =	swait.ge [sflag:s29], $0x1  }
0xb6: {  	[sflag:s29] =	ssyncadd.s32 $0xFFFFFFFF  }
0xb7: {  	_ =	strace $0x9000004B  }
0xb8: {  	_ =	sfence  }
0xb9: {  	s30 =	sld [smem:$0x0];
	_ =	sdelay $0x2  }
0xba: {  	s31 =	sshll.u32 s1, $0xD;
	s1 =	sshrl.u32 s1, $0x2  }
0xbb: {  	s3 =	sand.u32 $0x4000, s31;
	s1 =	sadd.s32 s1, s30  }
0xbc: {  	s0 =	sor.u32 s3, s0;
	s1 =	sshll.u32 s1, $0x11  }
0xbd: {  	s0 =	sor.u32 s1, s0  }
0xbe: {  	s0 =	sadd.s32 $0x8F2B, s0  }
0xbf: {  	[sflag:s0] =	ssyncadd.remote.s32 $0x1  }
0xc0: {  	_ =	sfence.sel $0xFFFF  }
0xc1: {  	[dreg:$0x0] =	wrdreg $0xFFFFFFFF;
	(pc) =	sbr.abs _section_cstart, $3  }
0xc2: {  	[dreg:$0x1] =	wrdreg $0xFFFFFFFF  }
0xc3: {  	_ =	task.clear_ibuf [dreg:s7], $0x2FFFF;
	_ =	strace $0x9FFFFFFF  }
0xc4: {  	(tm) =	ssettm $0x7FFFFFFF  }
0xc5: {  	_ =	shalt  }
tec
execute0_lowered:
.L_overlay_start_1:
0x0: {  	(tag) =	ssettag $0x1  }
0x1: {  	s10 =	rddreg [dreg:$0x0]  }
0x2: {  	s3 =	rddreg [dreg:$0x1]  }
0x3: {  	s4 =	rddreg [dreg:$0x2]  }
0x4: {  	s5 =	rddreg [dreg:$0x3];
	s13 =	stileid.u32  }
0x5: {  	s0 =	srdreg.scid;
	s6 =	simm.s32 $0x0;
	s11 =	simm.s32 $0xA  }
0x6: {  	s17 =	simm.s32 $0x1B040;
	s18 =	simm.s32 $0x2;
	s1 =	smul.u32 $0x9C4, s13  }
0x7: {  	s28 =	simm.s32 $0x1C440;
	s29 =	simm.s32 $0x6;
	s8 =	smul.u32 $0x280, s13  }
0x8: {  	s30 =	simm.s32 $0x28;
	s31 =	simm.s32 $0x1BA40;
	s24 =	smul.u32 $0x50000, s13  }
0x9: {  	s0 =	sand.u32 $0x1, s0;
	[smem:$0x7FF] =	sst s6;
	s16 =	smul.u32 $0x14000, s13  }
0xa: {  	s9 =	sadd.s32 $0x600, s10;
	p0 =	seq.s32 s13, $0xF;
	s2 =	smul.u32 $0x27100, s0  }
0xb: {  	_ =	strace $0x80000047;
	s7 =	ssub.s32 $0x2, s0;
	[dreg:$0x5] =	wrdreg s9  }
0xc: {  	v0 =	vimm.s32 $0xFEDCBA98;
	v1 =	vimm.s32 $0x76543210;
	s21 =	sshll.u32 s0, $0x1;
	s22 =	sxor.u32 $0xFFFFFFFF, s0;
	s0 =	smul.u32 $0xFFFFD8F0, s0  }
0xd: {  	v2 =	vimm.s32 $0xBA98FEDC;
	v3 =	vimm.s32 $0x32107654;
	v4 =	vimm.s32 $0xDCFE98BA;
	s11 =	simm.s32 @!p0 $0x10;
	s1 =	sadd.s32 s1, s10;
	s19 =	sshrl.u32 s7, $0x1  }
0xe: {  	v5 =	vimm.s32 $0x54761032;
	v6 =	vimm.s32 $0xEFCDAB89;
	v7 =	vimm.s32 $0x67452301;
	s8 =	sadd.s32 s8, s4;
	s23 =	sadd.s32 s22, s21;
	s25 =	sshrl.u32 s24, $0x2  }
0xf: {  	v8 =	vimm.s32 $0x3;
	v9 =	vimm.s32 $0x4;
	v10 =	vimm.s32 $0x5;
	s2 =	sadd.s32 s2, s10;
	s7 =	ssub.s32 s7, s19;
	[dreg:$0x6] =	wrdreg s8  }
0x10: {  	v11 =	vimm.s32 $0x6;
	v12 =	vimm.s32 $0x7;
	v0 =	vunpack.c.l.s4.s8 v0;
	s20 =	sadd.s32 $0xAA00, s1;
	s14 =	sadd.s32 $0xC00, s1;
	s1 =	smul.u32 $0x2710, s23  }
0x11: {  	v1 =	vunpack.c.l.s4.s8 v1;
	v2 =	vunpack.c.l.s4.s8 v2;
	v3 =	vunpack.c.l.s4.s8 v3;
	s0 =	sadd.s32 $0x2710, s0;
	s15 =	sadd.s32 s25, s5;
	s19 =	simm.s32 $0x1D750  }
0x12: {  	v4 =	vunpack.c.l.s4.s8 v4;
	v5 =	vunpack.c.l.s4.s8 v5;
	v6 =	vunpack.c.l.s4.s8 v6;
	s23 =	simm.s32 $0x13B00;
	s25 =	simm.s32 $0x50;
	[dreg:$0x7] =	wrdreg s20  }
0x13: {  	v7 =	vunpack.c.l.s4.s8 v7;
	v0 =	vunpack.c.0.s8.s32 v0;
	v2 =	vunpack.c.0.s8.s32 v2;
	s12 =	sadd.s32 $0x14800, s2;
	s7 =	smax.u32 s7, $0x1;
	[dreg:$0x8] =	wrdreg s14  }
0x14: {  	v3 =	vunpack.c.0.s8.s32 v3;
	v4 =	vunpack.c.0.s8.s32 v4;
	v5 =	vunpack.c.0.s8.s32 v5;
	s0 =	sshrl.u32 s0, $0x3;
	s2 =	simm.s32 $0x1D840;
	[dreg:$0x9] =	wrdreg s7  }
0x15: {  	v1 =	vunpack.c.0.s8.s32 v1;
	v6 =	vunpack.c.0.s8.s32 v6;
	v7 =	vunpack.c.0.s8.s32 v7;
	s1 =	sadd.s32 $0x2710, s1;
	s26 =	sadd.s32 s0, s20;
	s0 =	sadd.s32 s0, s14  }
0x16: {  	v0 =	vand.u32 $0xF, v0;
	v2 =	vcombine.low v3, v2;
	v3 =	vcombine.low v5, v4;
	s14 =	simm.s32 $0x16210;
	s7 =	simm.s32 $0x0;
	[dreg:$0xb] =	wrdreg s26  }
0x17: {  	v4 =	vcombine.low v7, v6;
	v5 =	vimm.s32 $0x0;
	v6 =	vimm.s32 $0x1;
	s1 =	sshrl.u32 s1, $0x3;
	[dreg:$0xc] =	wrdreg s0;
	s26 =	simm.s32 $0x1  }
0x18: {  	v7 =	vimm.s32 $0x2;
	v0 =	vcombine.low v0, v1;
	v1 =	vimm.f32 $0.0e+00;
	s0 =	simm.s32 $0x3;
	[dreg:$0xa] =	wrdreg s1;
	s1 =	simm.s32 $0x5  }
.LBB2_1:
0x19: {  	_ =	strace $0x80000048  }
0x1a: {  	s8 =	rddreg [dreg:$0x5]  }
0x1b: {  	[tilespmem:s17], [sflag:$0x2] =	stream.linear.gather [hbm4b:s8+s6], $0x2710, $0x200038;
	[tilespmem:$0x1FE60] =	vst v63  }
0x1c: {  	_ =	swait.ge [sflag:s18], $0x2710  }
0x1d: {  	[sflag:s18] =	ssyncset.done $0x0  }
0x1e: {  	[sflag:s18] =	ssyncadd.s32 $0xFFFFD8F0  }
0x1f: {  	s21 =	rddreg [dreg:$0x0]  }
0x20: {  	[tilespmem:s19], [sflag:$0x2] =	stream.linear.gather [hbm4b:s21+s6], $0x2710, $0x200038;
	[tilespmem:$0x1FE60] =	vst v63  }
0x21: {  	_ =	swait.ge [sflag:s18], $0x2710  }
0x22: {  	[sflag:s18] =	ssyncset.done $0x0  }
0x23: {  	[sflag:s18] =	ssyncadd.s32 $0xFFFFD8F0  }
0x24: {  	[tilespmem:$0x18920] =	vst v1  }
0x25: {  	[tilespmem:$0x18930] =	vst v1  }
0x26: {  	[tilespmem:$0x18940] =	vst v1  }
0x27: {  	[tilespmem:$0x18950] =	vst v1  }
0x28: {  	[tilespmem:$0x18960] =	vst v1  }
0x29: {  	[tilespmem:$0x18970] =	vst v1  }
0x2a: {  	[tilespmem:$0x18980] =	vst v1  }
0x2b: {  	[tilespmem:$0x18990] =	vst v1  }
0x2c: {  	[tilespmem:$0x189A0] =	vst v1  }
0x2d: {  	[tilespmem:$0x189B0] =	vst v1  }
0x2e: {  	[tilespmem:$0x189C0] =	vst v1  }
0x2f: {  	[tilespmem:$0x189D0] =	vst v1  }
0x30: {  	[tilespmem:$0x189E0] =	vst v1  }
0x31: {  	[tilespmem:$0x189F0] =	vst v1  }
0x32: {  	[tilespmem:$0x18A00] =	vst v1  }
0x33: {  	[tilespmem:$0x18A10] =	vst v1  }
0x34: {  	[tilespmem:$0x18A20] =	vst v1  }
0x35: {  	[tilespmem:$0x18A30] =	vst v1  }
0x36: {  	[tilespmem:$0x18A40] =	vst v1  }
0x37: {  	[tilespmem:$0x18A50] =	vst v1  }
0x38: {  	[tilespmem:$0x18A60] =	vst v1  }
0x39: {  	[tilespmem:$0x18A70] =	vst v1  }
0x3a: {  	[tilespmem:$0x18A80] =	vst v1  }
0x3b: {  	[tilespmem:$0x18A90] =	vst v1  }
0x3c: {  	[tilespmem:$0x18AA0] =	vst v1  }
0x3d: {  	[tilespmem:$0x18AB0] =	vst v1  }
0x3e: {  	[tilespmem:$0x18AC0] =	vst v1  }
0x3f: {  	[tilespmem:$0x18AD0] =	vst v1  }
0x40: {  	[tilespmem:$0x18AE0] =	vst v1  }
0x41: {  	[tilespmem:$0x18AF0] =	vst v1  }
0x42: {  	[tilespmem:$0x18B00] =	vst v1  }
0x43: {  	[tilespmem:$0x18B10] =	vst v1  }
0x44: {  	[tilespmem:$0x18B20] =	vst v1  }
0x45: {  	[tilespmem:$0x18B30] =	vst v1  }
0x46: {  	[tilespmem:$0x18B40] =	vst v1  }
0x47: {  	[tilespmem:$0x18B50] =	vst v1  }
0x48: {  	[tilespmem:$0x18B60] =	vst v1  }
0x49: {  	[tilespmem:$0x18B70] =	vst v1  }
0x4a: {  	[tilespmem:$0x18B80] =	vst v1  }
0x4b: {  	s9 =	simm.s32 $0x18920;
	s22 =	rddreg [dreg:$0x6];
	[tilespmem:$0x18B90] =	vst v1  }
0x4c: {  	[spmem:s22] =	stream.linear.scatter [tilespmem:s9], [sflag:$0x2], $0x280, $0x200038;
	[tilespmem:$0x1FE60] =	vst v63  }
0x4d: {  	_ =	swait.ge [sflag:s18], $0x280  }
0x4e: {  	[sflag:s18] =	ssyncset.done $0x0  }
0x4f: {  	s24 =	simm.s32 $0x0;
	[sflag:s18] =	ssyncadd.s32 $0xFFFFFD80  }
0x50: {  	v13 =	vimm.f32 $-Inf;
	s8 =	simm.s32 $0x40;
	v14 =	vld [tilespmem:s24+$0x1B040]  }
.LBB2_2:
0x51: {  	p0 =	sne.s32 s8, $0x9C00  }
.Ltmp0:
0x52: {  	_ = 	snop;
	(pc) =	sbr.rel @p0 .LBB2_2-.Ltmp0, $3  }
0x53: {  	_ =	sdelay $0x1  }
0x54: {  	s9 =	sshra.s32 s8, $0x2;
	s8 =	sadd.s32 $0x40, s8;
	v13 =	vmax.f32 v13, v14  }
0x55: {  	v14 =	vld [tilespmem:s9+$0x1B040]  }
0x56: {  	_ =	sdelay $0x3  }
0x57: {  	v13 =	vmax.f32 v13, v14  }
0x58: {  	v14 =	vperm.xlane v13, v0;
	_ =	sdelay $0x1  }
0x59: {  	v13 =	vmax.f32 v13, v14  }
0x5a: {  	v14 =	vperm.xlane v13, v2;
	_ =	sdelay $0x1  }
0x5b: {  	v13 =	vmax.f32 v13, v14  }
0x5c: {  	v14 =	vperm.xlane v13, v3;
	_ =	sdelay $0x1  }
0x5d: {  	s9 =	simm.s32 $0x0;
	v13 =	vmax.f32 v13, v14  }
0x5e: {  	v15 =	vimm.f32 $-Inf;
	s8 =	simm.s32 $0x40;
	v16 =	vld [tilespmem:s9+$0x1D750];
	v14 =	vperm.xlane v13, v4  }
.LBB2_4:
0x5f: {  	p0 =	sne.s32 s8, $0x9C00  }
.Ltmp1:
0x60: {  	_ = 	snop;
	(pc) =	sbr.rel @p0 .LBB2_4-.Ltmp1, $3  }
0x61: {  	_ =	sdelay $0x1  }
0x62: {  	s9 =	sshra.s32 s8, $0x2;
	s8 =	sadd.s32 $0x40, s8;
	v15 =	vmax.f32 v15, v16  }
0x63: {  	v16 =	vld [tilespmem:s9+$0x1D750]  }
0x64: {  	[bflag:$0x0] =	sbarrier.arrive $0xFFFF  }
0x65: {  	s8 =	simm.s32 $0x0;
	s9 =	rddreg [dreg:$0xb]  }
0x66: {  	[tilespmem:s23], [sflag:$0x2] =	stream.linear.gather [hbm4b:s9+s8], $0x2710, $0x200038;
	[tilespmem:$0x1FE60] =	vst v63  }
0x67: {  	_ =	swait.ge [sflag:s18], $0x2710  }
0x68: {  	[sflag:s18] =	ssyncset.done $0x0  }
0x69: {  	s24 =	rddreg [dreg:$0xc];
	[sflag:s18] =	ssyncadd.s32 $0xFFFFD8F0  }
0x6a: {  	[tilespmem:s14], [sflag:$0x2] =	stream.linear.gather [hbm4b:s24+s8], $0x2710, $0x200038;
	[tilespmem:$0x1FE60] =	vst v63  }
0x6b: {  	_ =	swait.ge [sflag:s18], $0x2710  }
0x6c: {  	[sflag:s18] =	ssyncset.done $0x0  }
0x6d: {  	s9 =	simm.s32 $0x0;
	[sflag:s18] =	ssyncadd.s32 $0xFFFFD8F0  }
0x6e: {  	v17 =	vld [tilespmem:s9+$0x13B00]  }
0x6f: {  	s10 =	simm.s32 $0x10;
	v15 =	vmax.f32 v15, v16;
	v18 =	vld [tilespmem:s9+$0x16210]  }
0x70: {  	v19 =	vperm.xlane v15, v0;
	v16 =	vld [tilespmem:s10+$0x13B00]  }
0x71: {  	v20 =	vld [tilespmem:s10+$0x16210]  }
0x72: {  	v15 =	vmax.f32 v15, v19  }
0x73: {  	v19 =	vperm.xlane v15, v2;
	_ =	sdelay $0x1  }
0x74: {  	v15 =	vmax.f32 v15, v19  }
0x75: {  	v19 =	vperm.xlane v15, v3;
	v17 =	vld.idx.msk [tilespmem:v17+s17+$0x0], $0xffff  }
0x76: {  	v18 =	vld.idx.msk [tilespmem:v18+s19+$0x0], $0xffff  }
0x77: {  	v15 =	vmax.f32 v15, v19;
	v16 =	vld.idx.msk [tilespmem:v16+s17+$0x0], $0xffff  }
0x78: {  	v19 =	vld.idx.msk [tilespmem:v20+s19+$0x0], $0xffff;
	v20 =	vperm.xlane v15, v4;
	_ =	sdelay $0x1  }
0x79: {  	s13 =	simm.s32 $0x20;
	v13 =	vmax.f32 v13, v14;
	v14 =	vmax.f32 v15, v20  }
0x7a: {  	v22 =	vld [tilespmem:s13+$0x16210];
	v13 =	vadd.f32 v14, v13;
	v14 =	vadd.f32 v18, v17;
	_ =	sdelay $0x1  }
0x7b: {  	v15 =	vadd.f32 v19, v16;
	v16 =	vmul.f32 $9.999999770e-03, v13;
	v17 =	vmul.f32 $9.999999770e-03, v14  }
0x7c: {  	v21 =	vld [tilespmem:s13+$0x13B00]  }
0x7d: {  	v13 =	vmax.f32 v13, v16;
	v14 =	vmax.f32 v14, v17  }
0x7e: {  	v14 =	vsub.f32 v14, v13;
	_ =	sdelay $0x1  }
0x7f: {  	v14 =	vmul.f32 $1.442695020e+00, v14  }
0x80: {  	s20 =	simm.s32 $0x30;
	v20 =	vld.idx.msk [tilespmem:v22+s19+$0x0], $0xffff;
	v18 =	vmul.f32 $9.999999770e-03, v15  }
0x81: {  	v19 =	vld [tilespmem:s20+$0x13B00];
	(erf) = vpow2.f32 v14  }
0x82: {  	v15 =	vmax.f32 v15, v18;
	v18 =	vld [tilespmem:s20+$0x16210]  }
0x83: {  	v17 =	vld.idx.msk [tilespmem:v21+s17+$0x0], $0xffff  }
0x84: {  	v16 =	vsub.f32 v15, v13;
	_ =	sdelay $0x1  }
0x85: {  	s21 =	simm.s32 $0x40;
	v63 =	vmul.f32 $1.442695020e+00, v16  }
0x86: {  	v15 =	vld [tilespmem:s21+$0x13B00]  }
0x87: {  	v16 =	vld [tilespmem:s21+$0x16210];
	v17 =	vadd.f32 v20, v17;
	(erf) = vpow2.f32 v63  }
0x88: {  	s22 =	simm.s32 $0x140;
	v14 =	vld.idx.msk [tilespmem:v19+s17+$0x0], $0xffff  }
.LBB2_6:
0x89: {  	p0 =	sne.s32 s22, $0x9C00;
	v19 =	vld.idx.msk [tilespmem:v18+s19+$0x0], $0xffff;
	v21 =	vmul.f32 $9.999999770e-03, v17;
	v20 =	vpop (erf)  }
0x8a: {  	[tilespmem:s9+$0x18920] =	vst v20;
	s9 =	smov.u32 s10;
	s10 =	smov.u32 s13;
	s13 =	smov.u32 s20  }
0x8b: {  	s20 =	smov.u32 s21;
	v17 =	vmax.f32 v17, v21;
	v20 =	vmov v15  }
.Ltmp2:
0x8c: {  	v17 =	vsub.f32 v17, v13;
	v18 =	vmov v16;
	(pc) =	sbr.rel @p0 .LBB2_6-.Ltmp2, $4  }
0x8d: {  	s21 =	sshra.s32 s22, $0x2  }
0x8e: {  	v15 =	vld [tilespmem:s21+$0x13B00];
	v21 =	vmul.f32 $1.442695020e+00, v17  }
0x8f: {  	v17 =	vadd.f32 v19, v14;
	v16 =	vld [tilespmem:s21+$0x16210]  }
0x90: {  	s22 =	sadd.s32 $0x40, s22;
	v14 =	vld.idx.msk [tilespmem:v20+s17+$0x0], $0xffff;
	(erf) = vpow2.f32 v21  }
0x91: {  	_ =	sdelay $0x4  }
0x92: {  	v18 =	vld.idx.msk [tilespmem:v18+s19+$0x0], $0xffff  }
0x93: {  	v15 =	vld.idx.msk [tilespmem:v15+s17+$0x0], $0xffff  }
0x94: {  	v16 =	vld.idx.msk [tilespmem:v16+s19+$0x0], $0xffff;
	_ =	sdelay $0x3  }
0x95: {  	v14 =	vadd.f32 v18, v14  }
0x96: {  	v60 =	vmul.f32 $9.999999770e-03, v17;
	v15 =	vadd.f32 v16, v15  }
0x97: {  	v61 =	vmul.f32 $9.999999770e-03, v14  }
0x98: {  	v17 =	vmax.f32 v17, v60;
	v62 =	vmul.f32 $9.999999770e-03, v15  }
0x99: {  	v17 =	vsub.f32 v17, v13;
	v14 =	vmax.f32 v14, v61  }
0x9a: {  	v14 =	vsub.f32 v14, v13;
	v15 =	vmax.f32 v15, v62  }
0x9b: {  	v63 =	vmul.f32 $1.442695020e+00, v17;
	v15 =	vsub.f32 v15, v13  }
0x9c: {  	v14 =	vmul.f32 $1.442695020e+00, v14  }
0x9d: {  	(erf) = vpow2.f32 v63;
	v15 =	vmul.f32 $1.442695020e+00, v15  }
0x9e: {  	(erf) = vpow2.f32 v14  }
0x9f: {  	(erf) = vpow2.f32 v15;
	_ =	sdelay $0x4  }
0xa0: {  	v14 =	vpop (erf)  }
0xa1: {  	[tilespmem:s9+$0x18920] =	vst v14;
	v15 =	vpop (erf)  }
0xa2: {  	v14 =	vpop (erf);
	[tilespmem:s10+$0x18920] =	vst v15  }
0xa3: {  	[tilespmem:s13+$0x18920] =	vst v14;
	v14 =	vpop (erf)  }
0xa4: {  	[tilespmem:s20+$0x18920] =	vst v14;
	v14 =	vpop (erf)  }
0xa5: {  	[tilespmem:s21+$0x18920] =	vst v14  }
.LBB2_8:
0xa6: {  	p0 =	sne.s32 s8, $0x9B00  }
.Ltmp3:
0xa7: {  	_ = 	snop;
	(pc) =	sbr.rel @p0 .LBB2_8-.Ltmp3, $4  }
0xa8: {  	_ = 	snop  }
0xa9: {  	s9 =	sshra.s32 s8, $0x2  }
0xaa: {  	s8 =	sadd.s32 $0x140, s8;
	s10 =	sadd.s32 $0x18920, s9;
	s9 =	sadd.s32 $0x16210, s9  }
0xab: {  	[spmem:s4] =	stream.indirect.scatter.add.f32 [tilespmem:s10], [sflag:$0x1], $0x1, s9, s25, $0x2000b8;
	[tilespmem:$0x1FE60] =	vst v63  }
0xac: {  	_ =	swait.ge [sflag:s26], $0x50  }
0xad: {  	s8 =	simm.s32 $0x7C;
	[sflag:s26] =	ssyncset.done $0x0  }
.LBB2_10:
0xae: {  	p0 =	sne.s32 s8, $0x1;
	s8 =	sadd.s32 $0xFFFFFFFF, s8;
	[sflag:s26] =	ssyncadd.s32 $0xFFFFFFB0  }
.Ltmp4:
0xaf: {  	(pc) =	sbr.rel @p0 .LBB2_10-.Ltmp4, $3  }
0xb0: {  	_ =	sdelay $0x1  }
0xb1: {  	_ =	swait.ge [sflag:s26], $0x50  }
0xb2: {  	[sflag:s26] =	ssyncset.done $0x0  }
0xb3: {  	s8 =	rddreg [dreg:$0x7]  }
0xb4: {  	s10 =	rddreg [dreg:$0xa]  }
0xb5: {  	[sflag:s26] =	ssyncadd.s32 $0xFFFFFFB0;
	s9 =	sadd.s32 s10, s8;
	s8 =	simm.s32 $0x0  }
0xb6: {  	[tilespmem:s23], [sflag:$0x2] =	stream.linear.gather [hbm4b:s9+s8], $0x2710, $0x200038;
	[tilespmem:$0x1FE60] =	vst v63  }
0xb7: {  	_ =	swait.ge [sflag:s18], $0x2710  }
0xb8: {  	[sflag:s18] =	ssyncset.done $0x0;
	s24 =	rddreg [dreg:$0x8]  }
0xb9: {  	[sflag:s18] =	ssyncadd.s32 $0xFFFFD8F0;
	s9 =	sadd.s32 s10, s24  }
0xba: {  	[tilespmem:s14], [sflag:$0x2] =	stream.linear.gather [hbm4b:s9+s8], $0x2710, $0x200038;
	[tilespmem:$0x1FE60] =	vst v63  }
0xbb: {  	_ =	swait.ge [sflag:s18], $0x2710  }
0xbc: {  	[sflag:s18] =	ssyncset.done $0x0  }
0xbd: {  	s9 =	simm.s32 $0x0;
	[sflag:s18] =	ssyncadd.s32 $0xFFFFD8F0  }
0xbe: {  	v14 =	vld [tilespmem:s9+$0x13B00]  }
0xbf: {  	s10 =	simm.s32 $0x10;
	v15 =	vld [tilespmem:s9+$0x16210]  }
0xc0: {  	v16 =	vld [tilespmem:s10+$0x13B00]  }
0xc1: {  	v17 =	vld [tilespmem:s10+$0x16210];
	_ =	sdelay $0x4  }
0xc2: {  	v14 =	vld.idx.msk [tilespmem:v14+s17+$0x0], $0xffff  }
0xc3: {  	v15 =	vld.idx.msk [tilespmem:v15+s19+$0x0], $0xffff  }
0xc4: {  	v16 =	vld.idx.msk [tilespmem:v16+s17+$0x0], $0xffff  }
0xc5: {  	v17 =	vld.idx.msk [tilespmem:v17+s19+$0x0], $0xffff;
	_ =	sdelay $0x2  }
0xc6: {  	s13 =	simm.s32 $0x20;
	v14 =	vadd.f32 v15, v14  }
0xc7: {  	v18 =	vld [tilespmem:s13+$0x13B00]  }
0xc8: {  	v15 =	vadd.f32 v17, v16;
	v16 =	vmul.f32 $9.999999770e-03, v14  }
0xc9: {  	v19 =	vld [tilespmem:s13+$0x16210]  }
0xca: {  	v14 =	vmax.f32 v14, v16  }
0xcb: {  	v14 =	vsub.f32 v14, v13;
	_ =	sdelay $0x1  }
0xcc: {  	s20 =	simm.s32 $0x30;
	v14 =	vmul.f32 $1.442695020e+00, v14  }
0xcd: {  	v20 =	vld [tilespmem:s20+$0x13B00]  }
0xce: {  	v21 =	vld.idx.msk [tilespmem:v18+s17+$0x0], $0xffff;
	v17 =	vmul.f32 $9.999999770e-03, v15;
	(erf) = vpow2.f32 v14  }
0xcf: {  	v18 =	vld [tilespmem:s20+$0x16210]  }
0xd0: {  	v19 =	vld.idx.msk [tilespmem:v19+s19+$0x0], $0xffff;
	v15 =	vmax.f32 v15, v17  }
0xd1: {  	v16 =	vsub.f32 v15, v13;
	_ =	sdelay $0x1  }
0xd2: {  	s21 =	simm.s32 $0x40;
	v22 =	vmul.f32 $1.442695020e+00, v16  }
0xd3: {  	v15 =	vld [tilespmem:s21+$0x13B00]  }
0xd4: {  	v17 =	vadd.f32 v19, v21;
	v16 =	vld [tilespmem:s21+$0x16210];
	(erf) = vpow2.f32 v22  }
0xd5: {  	s22 =	simm.s32 $0x140;
	v14 =	vld.idx.msk [tilespmem:v20+s17+$0x0], $0xffff  }
.LBB2_12:
0xd6: {  	p0 =	sne.s32 s22, $0x9C00;
	v19 =	vld.idx.msk [tilespmem:v18+s19+$0x0], $0xffff;
	v21 =	vmul.f32 $9.999999770e-03, v17;
	v20 =	vpop (erf)  }
0xd7: {  	[tilespmem:s9+$0x18920] =	vst v20;
	s9 =	smov.u32 s10;
	s10 =	smov.u32 s13;
	s13 =	smov.u32 s20  }
0xd8: {  	s20 =	smov.u32 s21;
	v17 =	vmax.f32 v17, v21;
	v20 =	vmov v15  }
.Ltmp5:
0xd9: {  	v17 =	vsub.f32 v17, v13;
	v18 =	vmov v16;
	(pc) =	sbr.rel @p0 .LBB2_12-.Ltmp5, $4  }
0xda: {  	s21 =	sshra.s32 s22, $0x2  }
0xdb: {  	v15 =	vld [tilespmem:s21+$0x13B00];
	v21 =	vmul.f32 $1.442695020e+00, v17  }
0xdc: {  	v17 =	vadd.f32 v19, v14;
	v16 =	vld [tilespmem:s21+$0x16210]  }
0xdd: {  	s22 =	sadd.s32 $0x40, s22;
	v14 =	vld.idx.msk [tilespmem:v20+s17+$0x0], $0xffff;
	(erf) = vpow2.f32 v21  }
0xde: {  	_ =	sdelay $0x4  }
0xdf: {  	v18 =	vld.idx.msk [tilespmem:v18+s19+$0x0], $0xffff  }
0xe0: {  	v15 =	vld.idx.msk [tilespmem:v15+s17+$0x0], $0xffff  }
0xe1: {  	v16 =	vld.idx.msk [tilespmem:v16+s19+$0x0], $0xffff;
	_ =	sdelay $0x3  }
0xe2: {  	v14 =	vadd.f32 v18, v14  }
0xe3: {  	v60 =	vmul.f32 $9.999999770e-03, v17;
	v15 =	vadd.f32 v16, v15  }
0xe4: {  	v61 =	vmul.f32 $9.999999770e-03, v14  }
0xe5: {  	v17 =	vmax.f32 v17, v60;
	v62 =	vmul.f32 $9.999999770e-03, v15  }
0xe6: {  	v17 =	vsub.f32 v17, v13;
	v14 =	vmax.f32 v14, v61  }
0xe7: {  	v14 =	vsub.f32 v14, v13;
	v15 =	vmax.f32 v15, v62  }
0xe8: {  	v63 =	vmul.f32 $1.442695020e+00, v17;
	v13 =	vsub.f32 v15, v13  }
0xe9: {  	v14 =	vmul.f32 $1.442695020e+00, v14  }
0xea: {  	(erf) = vpow2.f32 v63;
	v13 =	vmul.f32 $1.442695020e+00, v13  }
0xeb: {  	(erf) = vpow2.f32 v14  }
0xec: {  	(erf) = vpow2.f32 v13;
	_ =	sdelay $0x4  }
0xed: {  	v13 =	vpop (erf)  }
0xee: {  	v14 =	vpop (erf);
	[tilespmem:s9+$0x18920] =	vst v13  }
0xef: {  	v13 =	vpop (erf);
	[tilespmem:s10+$0x18920] =	vst v14  }
0xf0: {  	[tilespmem:s13+$0x18920] =	vst v13;
	v13 =	vpop (erf)  }
0xf1: {  	[tilespmem:s20+$0x18920] =	vst v13;
	v13 =	vpop (erf)  }
0xf2: {  	[tilespmem:s21+$0x18920] =	vst v13  }
.LBB2_14:
0xf3: {  	p0 =	sne.s32 s8, $0x9B00  }
.Ltmp6:
0xf4: {  	_ = 	snop;
	(pc) =	sbr.rel @p0 .LBB2_14-.Ltmp6, $4  }
0xf5: {  	_ = 	snop  }
0xf6: {  	s9 =	sshra.s32 s8, $0x2  }
0xf7: {  	s8 =	sadd.s32 $0x140, s8;
	s10 =	sadd.s32 $0x18920, s9;
	s9 =	sadd.s32 $0x16210, s9  }
0xf8: {  	[spmem:s4] =	stream.indirect.scatter.add.f32 [tilespmem:s10], [sflag:$0x1], $0x1, s9, s25, $0x2000b8;
	[tilespmem:$0x1FE60] =	vst v63  }
0xf9: {  	_ =	swait.ge [sflag:s26], $0x50  }
0xfa: {  	s8 =	simm.s32 $0x7C;
	[sflag:s26] =	ssyncset.done $0x0  }
.LBB2_16:
0xfb: {  	p0 =	sne.s32 s8, $0x1;
	s8 =	sadd.s32 $0xFFFFFFFF, s8;
	[sflag:s26] =	ssyncadd.s32 $0xFFFFFFB0  }
.Ltmp7:
0xfc: {  	(pc) =	sbr.rel @p0 .LBB2_16-.Ltmp7, $3  }
0xfd: {  	_ =	sdelay $0x1  }
0xfe: {  	_ =	swait.ge [sflag:s26], $0x50  }
0xff: {  	[sflag:s26] =	ssyncset.done $0x0  }
0x100: {  	[sflag:s26] =	ssyncadd.s32 $0xFFFFFFB0  }
0x101: {  	[bflag:$0x0] =	sbarrier.arrive $0xFFFF  }
0x102: {  	_ =	strace $0x90000048  }
0x103: {  	_ =	strace $0x80000049  }
0x104: {  	[tilespmem:s17], [sflag:$0x2] =	stream.linear.gather [spmem:s4], $0x2710, $0x200038;
	[tilespmem:$0x1FE60] =	vst v63  }
0x105: {  	_ =	swait.ge [sflag:s18], $0x2710  }
0x106: {  	[sflag:s18] =	ssyncset.done $0x0  }
0x107: {  	s8 =	simm.s32 $0x0;
	s9 =	simm.s32 $0x40;
	[sflag:s18] =	ssyncadd.s32 $0xFFFFD8F0  }
.LBB2_18:
0x108: {  	p0 =	sne.s32 s9, $0x9C00;
	v13 =	vld [tilespmem:s8+$0x1B040];
	_ =	sdelay $0x4  }
0x109: {  	(erf) = vrcp.f32 v13;
	_ =	sdelay $0x6  }
.Ltmp8:
0x10a: {  	(pc) =	sbr.rel @p0 .LBB2_18-.Ltmp8, $4  }
0x10b: {  	_ = 	snop  }
0x10c: {  	vm0 =	veq.f32 v13, $0.0e+00;
	v13 =	vpop (erf)  }
0x10d: {  	v13 =	vsel vm0, $0x3F800000, v13  }
0x10e: {  	[tilespmem:s8+$0x1B040] =	vst v13;
	s8 =	sshra.s32 s9, $0x2;
	s9 =	sadd.s32 $0x40, s9  }
0x10f: {  	v13 =	vld [tilespmem:s8+$0x1B040];
	_ =	sdelay $0x4  }
0x110: {  	(erf) = vrcp.f32 v13;
	_ =	sdelay $0x2  }
0x111: {  	s9 =	simm.s32 $0x0  }
0x112: {  	v14 =	vld [tilespmem:s9+$0x16210];
	_ =	sdelay $0x4  }
0x113: {  	vm0 =	veq.f32 v13, $0.0e+00;
	v13 =	vpop (erf)  }
0x114: {  	s10 =	simm.s32 $0x10;
	v13 =	vsel vm0, $0x3F800000, v13  }
0x115: {  	[tilespmem:s8+$0x1B040] =	vst v13;
	v13 =	vld [tilespmem:s10+$0x16210]  }
0x116: {  	s8 =	simm.s32 $0x80;
	v14 =	vld.idx.msk [tilespmem:v14+s17+$0x0], $0xffff  }
.LBB2_20:
0x117: {  	p0 =	sne.s32 s8, $0x9C00;
	v15 =	vld [tilespmem:s9+$0x18920];
	_ =	sdelay $0x2  }
0x118: {  	v16 =	vmov v13  }
.Ltmp9:
0x119: {  	(pc) =	sbr.rel @p0 .LBB2_20-.Ltmp9, $4  }
0x11a: {  	v14 =	vmul.f32 v15, v14  }
0x11b: {  	s13 =	sshra.s32 s8, $0x2  }
0x11c: {  	v13 =	vld [tilespmem:s13+$0x16210];
	[tilespmem:s9+$0x18920] =	vst v14;
	s9 =	smov.u32 s10;
	s10 =	smov.u32 s13  }
0x11d: {  	s8 =	sadd.s32 $0x40, s8;
	v14 =	vld.idx.msk [tilespmem:v16+s17+$0x0], $0xffff  }
0x11e: {  	v15 =	vld [tilespmem:s9+$0x18920];
	_ =	sdelay $0x4  }
0x11f: {  	v14 =	vmul.f32 v15, v14;
	_ =	sdelay $0x1  }
0x120: {  	v13 =	vld.idx.msk [tilespmem:v13+s17+$0x0], $0xffff;
	[tilespmem:s9+$0x18920] =	vst v14  }
0x121: {  	v14 =	vld [tilespmem:s10+$0x18920];
	_ =	sdelay $0x4  }
0x122: {  	v13 =	vmul.f32 v14, v13;
	_ =	sdelay $0x1  }
0x123: {  	[tilespmem:s10+$0x18920] =	vst v13  }
0x124: {  	_ =	strace $0x90000049  }
0x125: {  	s8 =	simm.s32 $0x0;
	s9 =	simm.s32 $0x200;
	_ =	strace $0x8000004A  }
.LBB2_22:
0x126: {  	p0 =	sne.s32 s9, $0x4E00;
	[tilespmem:s8+$0x1C4B0] =	vst v1  }
0x127: {  	[tilespmem:s8+$0x1C440] =	vst v1  }
0x128: {  	[tilespmem:s8+$0x1C450] =	vst v1  }
.Ltmp10:
0x129: {  	[tilespmem:s8+$0x1C460] =	vst v1;
	(pc) =	sbr.rel @p0 .LBB2_22-.Ltmp10, $4  }
0x12a: {  	[tilespmem:s8+$0x1C470] =	vst v1  }
0x12b: {  	[tilespmem:s8+$0x1C480] =	vst v1  }
0x12c: {  	[tilespmem:s8+$0x1C490] =	vst v1  }
0x12d: {  	[tilespmem:s8+$0x1C4A0] =	vst v1;
	s8 =	sshra.s32 s9, $0x2;
	s9 =	sadd.s32 $0x200, s9  }
0x12e: {  	[tilespmem:s8+$0x1C4B0] =	vst v1  }
0x12f: {  	[tilespmem:s8+$0x1C440] =	vst v1  }
0x130: {  	[tilespmem:s8+$0x1C450] =	vst v1  }
0x131: {  	[tilespmem:s8+$0x1C460] =	vst v1  }
0x132: {  	[tilespmem:s8+$0x1C470] =	vst v1  }
0x133: {  	[tilespmem:s8+$0x1C480] =	vst v1;
	p0 =	sne.s32 s11, $0x1  }
.Ltmp11:
0x134: {  	[tilespmem:s8+$0x1C490] =	vst v1;
	(pc) =	sbr.rel @!p0 .LBB2_25-.Ltmp11, $4  }
0x135: {  	[tilespmem:s8+$0x1C4A0] =	vst v1  }
0x136: {  	[spmem:s15] =	stream.linear.scatter [tilespmem:s28], [sflag:$0x6], $0x1400, $0x200038;
	[tilespmem:$0x1FE60] =	vst v63  }
0x137: {  	_ =	swait.ge [sflag:s29], $0x1400  }
0x138: {  	s8 =	sadd.s32 $0xFFFFFFFF, s11;
	s9 =	smov.u32 s15;
	[sflag:s29] =	ssyncset.done $0x0  }
.LBB2_24:
0x139: {  	p1 =	sne.s32 s8, $0x1;
	[sflag:s29] =	ssyncadd.s32 $0xFFFFEC00;
	s9 =	sadd.s32 $0x1400, s9  }
.Ltmp12:
0x13a: {  	s8 =	sadd.s32 $0xFFFFFFFF, s8;
	(pc) =	sbr.rel @p1 .LBB2_24-.Ltmp12, $4  }
0x13b: {  	_ = 	snop  }
0x13c: {  	[spmem:s9] =	stream.linear.scatter [tilespmem:s28], [sflag:$0x6], $0x1400, $0x200038;
	[tilespmem:$0x1FE60] =	vst v63  }
0x13d: {  	_ =	swait.ge [sflag:s29], $0x1400  }
0x13e: {  	[sflag:s29] =	ssyncset.done $0x0  }
.LBB2_25:
0x13f: {  	[sflag:s29] =	ssyncadd.s32 $0xFFFFEC00;
	s8 =	simm.s32 $0x0  }
0x140: {  	s24 =	simm.s32 $0x18920;
	s13 =	simm.s32 $0x18948;
	[bflag:$0x0] =	sbarrier.arrive $0xFFFF  }
0x141: {  	[tilespmem:s17], [sflag:$0x2] =	stream.indirect.gather [hbm4b:s3+s30], $0x40, s23, s30, $0x2000b8;
	[tilespmem:$0x1FE60] =	vst v63  }
.LBB2_26:
0x142: {  	s23 =	smul.u32 $0x140, s8;
	_ =	sdelay $0x1  }
0x143: {  	_ =	swait.ge [sflag:s18], $0xA00;
	s9 =	sadd.s32 $0xA0, s23  }
0x144: {  	[sflag:s18] =	ssyncset.done $0x0;
	s21 =	sshra.s32 s9, $0x2  }
0x145: {  	p1 =	seq.s32 s8, $0x0;
	[sflag:s18] =	ssyncadd.s32 $0xFFFFF600;
	s9 =	sadd.s32 $0x13B00, s21  }
0x146: {  	v13 =	vmov s24;
	[tilespmem:s31], [sflag:$0x3] =	stream.indirect.gather [hbm4b:s3+s30], $0x40, s9, s30, $0x2000b8;
	[tilespmem:$0x1FE60] =	vst v63  }
0x147: {  	s9 =	simm.s32 @!p1 $0x4  }
0x148: {  	_ =	swait.ge @!p1 [sflag:s9], $0x1400  }
0x149: {  	[sflag:s9] =	ssyncset.done @!p1 $0x0  }
0x14a: {  	s22 =	simm.s32 $0x0;
	[sflag:s9] =	ssyncadd.s32 @!p1 $0xFFFFEC00  }
0x14b: {  	s10 =	simm.s32 $0x1B140;
	v15 =	vld.idx.msk [tilespmem:v13+s22+$0x0 ss:$0x1], $0xffff  }
0x14c: {  	v16 =	vld [tilespmem:s10+$0xF0]  }
0x14d: {  	v17 =	vld [tilespmem:s10+$0xFFFFFF00];
	_ =	sdelay $0x1  }
0x14e: {  	v18 =	vld [tilespmem:s10+$0xFFFFFF10]  }
0x14f: {  	v14 =	vperm.xlane v15, v12  }
0x150: {  	v19 =	vld [tilespmem:s10+$0xFFFFFF20];
	v20 =	vperm.xlane v15, v5;
	v21 =	vand.u32 $0xFFFF0000, v16  }
0x151: {  	v22 =	vshll.u32 v17, $0x10;
	v21 =	vmul.f32 v21, v14  }
0x152: {  	s9 =	simm.s32 $0x1C640;
	v23 =	vld [tilespmem:s10+$0xFFFFFF30];
	v17 =	vand.u32 $0xFFFF0000, v17;
	v22 =	vmul.f32 v22, v20  }
0x153: {  	v24 =	vshll.u32 v18, $0x10;
	v17 =	vmul.f32 v17, v20;
	[tilespmem:s9+$0x1F0] =	vst v21  }
0x154: {  	v18 =	vand.u32 $0xFFFF0000, v18;
	v21 =	vld [tilespmem:s10+$0xFFFFFF40];
	[tilespmem:s9+$0xFFFFFE00] =	vst v22;
	v22 =	vmul.f32 v24, v20  }
0x155: {  	v24 =	vshll.u32 v19, $0x10;
	[tilespmem:s9+$0xFFFFFE10] =	vst v17;
	v17 =	vmul.f32 v18, v20  }
0x156: {  	v18 =	vld [tilespmem:s10+$0xFFFFFF50];
	v19 =	vand.u32 $0xFFFF0000, v19;
	[tilespmem:s9+$0xFFFFFE20] =	vst v22;
	v22 =	vmul.f32 v24, v20  }
0x157: {  	v24 =	vshll.u32 v23, $0x10;
	[tilespmem:s9+$0xFFFFFE30] =	vst v17;
	v17 =	vmul.f32 v19, v20  }
0x158: {  	v25 =	vld [tilespmem:s10+$0xFFFFFF60];
	v19 =	vperm.xlane v15, v6;
	v23 =	vand.u32 $0xFFFF0000, v23;
	[tilespmem:s9+$0xFFFFFE40] =	vst v22;
	v22 =	vmul.f32 v24, v20  }
0x159: {  	[tilespmem:s9+$0xFFFFFE50] =	vst v17;
	v17 =	vmul.f32 v23, v20;
	v24 =	vshll.u32 v21, $0x10  }
0x15a: {  	v20 =	vld [tilespmem:s10+$0xFFFFFF70];
	v21 =	vand.u32 $0xFFFF0000, v21;
	[tilespmem:s9+$0xFFFFFE60] =	vst v22;
	v22 =	vmul.f32 v24, v19  }
0x15b: {  	v23 =	vshll.u32 v18, $0x10;
	[tilespmem:s9+$0xFFFFFE70] =	vst v17;
	v17 =	vmul.f32 v21, v19  }
0x15c: {  	v18 =	vand.u32 $0xFFFF0000, v18;
	v21 =	vld [tilespmem:s10+$0xFFFFFF80];
	[tilespmem:s9+$0xFFFFFE80] =	vst v22;
	v22 =	vmul.f32 v23, v19  }
0x15d: {  	v23 =	vshll.u32 v25, $0x10;
	[tilespmem:s9+$0xFFFFFE90] =	vst v17;
	v17 =	vmul.f32 v18, v19  }
0x15e: {  	v24 =	vand.u32 $0xFFFF0000, v25;
	v18 =	vld [tilespmem:s10+$0xFFFFFF90];
	[tilespmem:s9+$0xFFFFFEA0] =	vst v22;
	v22 =	vmul.f32 v23, v19  }
0x15f: {  	v23 =	vshll.u32 v20, $0x10;
	[tilespmem:s9+$0xFFFFFEB0] =	vst v17;
	v17 =	vmul.f32 v24, v19  }
0x160: {  	v25 =	vld [tilespmem:s10+$0xFFFFFFA0];
	v24 =	vperm.xlane v15, v7;
	v20 =	vand.u32 $0xFFFF0000, v20;
	[tilespmem:s9+$0xFFFFFEC0] =	vst v22;
	v22 =	vmul.f32 v23, v19  }
0x161: {  	v33 =	vld [tilespmem:s10+$0x60];
	v23 =	vshll.u32 v21, $0x10;
	[tilespmem:s9+$0xFFFFFED0] =	vst v17;
	v17 =	vmul.f32 v20, v19  }
0x162: {  	v19 =	vld [tilespmem:s10+$0xFFFFFFB0];
	v20 =	vand.u32 $0xFFFF0000, v21;
	v21 =	vmul.f32 v23, v24;
	[tilespmem:s9+$0xFFFFFEE0] =	vst v22  }
0x163: {  	v22 =	vshll.u32 v18, $0x10;
	[tilespmem:s9+$0xFFFFFEF0] =	vst v17;
	v17 =	vmul.f32 v20, v24  }
0x164: {  	v35 =	vld [tilespmem:s10+$0x80];
	v18 =	vand.u32 $0xFFFF0000, v18;
	[tilespmem:s9+$0xFFFFFF00] =	vst v21;
	v21 =	vmul.f32 v22, v24  }
0x165: {  	v22 =	vshll.u32 v25, $0x10;
	[tilespmem:s9+$0xFFFFFF10] =	vst v17;
	v17 =	vmul.f32 v18, v24  }
0x166: {  	v16 =	vshll.u32 v16, $0x10;
	v20 =	vld [tilespmem:s10+$0xFFFFFFC0];
	v25 =	vand.u32 $0xFFFF0000, v25;
	[tilespmem:s9+$0xFFFFFF20] =	vst v21;
	v21 =	vmul.f32 v22, v24  }
0x167: {  	v36 =	vshll.u32 v33, $0x10;
	v23 =	vld [tilespmem:s10+$0xFFFFFFD0];
	v27 =	vshll.u32 v19, $0x10;
	[tilespmem:s9+$0xFFFFFF30] =	vst v17;
	v17 =	vmul.f32 v25, v24  }
0x168: {  	v19 =	vand.u32 $0xFFFF0000, v19;
	v25 =	vperm.xlane v15, v10;
	[tilespmem:s9+$0xFFFFFF40] =	vst v21;
	v21 =	vmul.f32 v27, v24  }
0x169: {  	v26 =	vld [tilespmem:s10+$0xFFFFFFE0];
	v33 =	vand.u32 $0xFFFF0000, v33;
	v37 =	vshll.u32 v35, $0x10;
	[tilespmem:s9+$0xFFFFFF50] =	vst v17;
	v17 =	vmul.f32 v19, v24  }
0x16a: {  	v28 =	vld [tilespmem:s10+$0xFFFFFFF0];
	v35 =	vand.u32 $0xFFFF0000, v35;
	v18 =	vperm.xlane v15, v8;
	v36 =	vmul.f32 v36, v25;
	[tilespmem:s9+$0xFFFFFF60] =	vst v21  }
0x16b: {  	v22 =	vperm.xlane v15, v9;
	v27 =	vld [tilespmem:s10+$0x0];
	v29 =	vshll.u32 v20, $0x10;
	v33 =	vmul.f32 v33, v25;
	[tilespmem:s9+$0xFFFFFF70] =	vst v17  }
0x16c: {  	v31 =	vld [tilespmem:s10+$0x40];
	v15 =	vperm.xlane v15, v11;
	v24 =	vshll.u32 v23, $0x10;
	v21 =	vmul.f32 v29, v18;
	[tilespmem:s9+$0xC0] =	vst v36  }
0x16d: {  	v19 =	vand.u32 $0xFFFF0000, v20;
	v20 =	vld [tilespmem:s10+$0x10];
	v23 =	vand.u32 $0xFFFF0000, v23;
	v24 =	vmul.f32 v24, v18;
	[tilespmem:s9+$0xD0] =	vst v33  }
0x16e: {  	v30 =	vld [tilespmem:s10+$0x30];
	v23 =	vmul.f32 v23, v18;
	v17 =	vmul.f32 v19, v18;
	v19 =	vshll.u32 v26, $0x10;
	[tilespmem:s9+$0xFFFFFF80] =	vst v21  }
0x16f: {  	v29 =	vld [tilespmem:s10+$0x20];
	v26 =	vand.u32 $0xFFFF0000, v26;
	v21 =	vshll.u32 v28, $0x10;
	v28 =	vand.u32 $0xFFFF0000, v28;
	[tilespmem:s9+$0xFFFFFFA0] =	vst v24  }
0x170: {  	v19 =	vmul.f32 v19, v18;
	v26 =	vmul.f32 v26, v18;
	[tilespmem:s9+$0xFFFFFF90] =	vst v17;
	v17 =	vshll.u32 v27, $0x10  }
0x171: {  	v32 =	vld [tilespmem:s10+$0x50];
	[tilespmem:s9+$0xFFFFFFB0] =	vst v23;
	v27 =	vand.u32 $0xFFFF0000, v27;
	v21 =	vmul.f32 v21, v18;
	v18 =	vmul.f32 v28, v18  }
0x172: {  	v28 =	vand.u32 $0xFFFF0000, v31;
	v24 =	vshll.u32 v20, $0x10;
	v20 =	vand.u32 $0xFFFF0000, v20;
	[tilespmem:s9+$0xFFFFFFC0] =	vst v19  }
0x173: {  	v34 =	vld [tilespmem:s10+$0x70];
	v19 =	vshll.u32 v30, $0x10;
	v30 =	vand.u32 $0xFFFF0000, v30;
	[tilespmem:s9+$0xFFFFFFD0] =	vst v26;
	v26 =	vshll.u32 v31, $0x10  }
0x174: {  	v17 =	vmul.f32 v17, v22;
	v27 =	vmul.f32 v27, v22;
	v23 =	vshll.u32 v29, $0x10;
	[tilespmem:s9+$0xFFFFFFE0] =	vst v21  }
0x175: {  	v41 =	vld [tilespmem:s10+$0xD0];
	v29 =	vand.u32 $0xFFFF0000, v29;
	[tilespmem:s9+$0xFFFFFFF0] =	vst v18;
	v24 =	vmul.f32 v24, v22;
	v20 =	vmul.f32 v20, v22  }
0x176: {  	v31 =	vld [tilespmem:s10+$0x90];
	v21 =	vshll.u32 v32, $0x10;
	v19 =	vmul.f32 v19, v22;
	[tilespmem:s9+$0x0] =	vst v17;
	v23 =	vmul.f32 v23, v22  }
0x177: {  	v38 =	vld [tilespmem:s10+$0xC0];
	v32 =	vand.u32 $0xFFFF0000, v32;
	[tilespmem:s9+$0x10] =	vst v27;
	v29 =	vmul.f32 v29, v22;
	v40 =	vmul.f32 v21, v25  }
0x178: {  	v18 =	vld [tilespmem:s10+$0xA0];
	v17 =	vshll.u32 v34, $0x10;
	v32 =	vmul.f32 v32, v25;
	[tilespmem:s9+$0x30] =	vst v20;
	v20 =	vmul.f32 v30, v22  }
0x179: {  	v34 =	vand.u32 $0xFFFF0000, v34;
	v27 =	vld [tilespmem:s10+$0xB0];
	[tilespmem:s9+$0x20] =	vst v24;
	v22 =	vmul.f32 v26, v25;
	v26 =	vmul.f32 v28, v25  }
0x17a: {  	[tilespmem:s9+$0x60] =	vst v19;
	v42 =	vmul.f32 v17, v25;
	v34 =	vmul.f32 v34, v25;
	v25 =	vand.u32 $0xFFFF0000, v41  }
0x17b: {  	v30 =	vmul.f32 v37, v15;
	[tilespmem:s9+$0x40] =	vst v23;
	v25 =	vmul.f32 v25, v14;
	v24 =	vshll.u32 v31, $0x10  }
0x17c: {  	v43 =	vld [tilespmem:s10+$0xE0];
	v39 =	vand.u32 $0xFFFF0000, v31;
	[tilespmem:s9+$0x80] =	vst v22;
	v22 =	vshll.u32 v38, $0x10;
	v31 =	vmul.f32 v35, v15  }
0x17d: {  	[tilespmem:s9+$0x70] =	vst v20;
	v23 =	vshll.u32 v18, $0x10;
	v18 =	vand.u32 $0xFFFF0000, v18;
	v20 =	vmul.f32 v24, v15  }
0x17e: {  	[tilespmem:s9+$0x50] =	vst v29;
	v24 =	vand.u32 $0xFFFF0000, v38;
	v28 =	vmul.f32 v39, v15;
	v19 =	vshll.u32 v27, $0x10  }
0x17f: {  	[tilespmem:s9+$0xA0] =	vst v40;
	v17 =	vand.u32 $0xFFFF0000, v27;
	v21 =	vmul.f32 v23, v15;
	v29 =	vmul.f32 v18, v15  }
0x180: {  	[tilespmem:s9+$0xB0] =	vst v32;
	v23 =	vshll.u32 v41, $0x10;
	v27 =	vmul.f32 v24, v14;
	v19 =	vmul.f32 v19, v15  }
0x181: {  	[tilespmem:s9+$0x90] =	vst v26;
	v18 =	vmul.f32 v17, v15;
	v17 =	vmul.f32 v22, v14;
	v15 =	vshll.u32 v43, $0x10  }
0x182: {  	[tilespmem:s9+$0xE0] =	vst v42;
	v26 =	vmul.f32 v23, v14;
	v22 =	vand.u32 $0xFFFF0000, v43;
	v24 =	vmul.f32 v15, v14  }
0x183: {  	s14 =	simm.s32 $0x8;
	s20 =	simm.s32 $0x40;
	s22 =	simm.s32 $0x1C640;
	[tilespmem:s9+$0xF0] =	vst v34;
	v23 =	vmul.f32 v22, v14;
	v22 =	vmul.f32 v16, v14  }
.LBB2_27:
0x184: {  	p1 =	sne.s32 s20, $0x80;
	v15 =	vld.idx.msk [tilespmem:v13+s14+$0x0 ss:$0x1], $0xffff;
	[tilespmem:s9+$0x100] =	vst v30  }
0x185: {  	s10 =	sadd.s32 $0x200, s10;
	[tilespmem:s9+$0x110] =	vst v31  }
0x186: {  	v16 =	vld [tilespmem:s10+$0xF0];
	[tilespmem:s9+$0x120] =	vst v20  }
0x187: {  	v30 =	vld [tilespmem:s10+$0xFFFFFF00];
	[tilespmem:s9+$0x130] =	vst v28  }
0x188: {  	v28 =	vld [tilespmem:s10+$0xFFFFFF10];
	[tilespmem:s9+$0x140] =	vst v21  }
0x189: {  	v31 =	vld [tilespmem:s10+$0xFFFFFF20];
	[tilespmem:s9+$0x150] =	vst v29  }
0x18a: {  	v29 =	vperm.xlane v15, v5;
	v14 =	vperm.xlane v15, v12;
	v32 =	vld [tilespmem:s10+$0xFFFFFF30];
	[tilespmem:s9+$0x160] =	vst v19  }
0x18b: {  	v21 =	vperm.xlane v15, v6;
	v20 =	vperm.xlane v15, v7;
	v33 =	vld [tilespmem:s10+$0xFFFFFF40];
	v34 =	vand.u32 $0xFFFF0000, v16;
	[tilespmem:s9+$0x170] =	vst v18  }
0x18c: {  	v19 =	vperm.xlane v15, v8;
	v35 =	vshll.u32 v30, $0x10;
	v36 =	vld [tilespmem:s10+$0xFFFFFF50];
	v34 =	vmul.f32 v34, v14;
	[tilespmem:s9+$0x180] =	vst v17  }
0x18d: {  	v18 =	vperm.xlane v15, v9;
	v30 =	vand.u32 $0xFFFF0000, v30;
	v17 =	vperm.xlane v15, v10;
	s9 =	sadd.s32 $0x400, s9;
	v37 =	vld [tilespmem:s10+$0xFFFFFF60];
	[tilespmem:s22+$0x190] =	vst v27  }
0x18e: {  	v15 =	vperm.xlane v15, v11;
	v27 =	vshll.u32 v28, $0x10;
	v28 =	vand.u32 $0xFFFF0000, v28;
	v38 =	vld [tilespmem:s10+$0xFFFFFF70];
	[tilespmem:s9+$0x1F0] =	vst v34  }
0x18f: {  	v34 =	vshll.u32 v31, $0x10;
	v31 =	vand.u32 $0xFFFF0000, v31;
	v39 =	vshll.u32 v32, $0x10;
	v40 =	vld [tilespmem:s10+$0xFFFFFF80];
	[tilespmem:s22+$0x1A0] =	vst v26  }
0x190: {  	v26 =	vand.u32 $0xFFFF0000, v32;
	v32 =	vshll.u32 v33, $0x10;
	v33 =	vand.u32 $0xFFFF0000, v33;
	v41 =	vld [tilespmem:s10+$0xFFFFFF90];
	[tilespmem:s22+$0x1B0] =	vst v25  }
0x191: {  	v16 =	vshll.u32 v16, $0x10;
	v25 =	vshll.u32 v36, $0x10;
	v36 =	vand.u32 $0xFFFF0000, v36;
	v42 =	vld [tilespmem:s10+$0xFFFFFFA0];
	[tilespmem:s22+$0x1C0] =	vst v24  }
0x192: {  	v24 =	vmul.f32 v35, v29;
	v35 =	vshll.u32 v37, $0x10;
	v37 =	vand.u32 $0xFFFF0000, v37;
	v43 =	vld [tilespmem:s10+$0xFFFFFFB0];
	[tilespmem:s22+$0x1D0] =	vst v23  }
0x193: {  	v23 =	vmul.f32 v30, v29;
	v30 =	vshll.u32 v38, $0x10;
	v38 =	vand.u32 $0xFFFF0000, v38;
	v44 =	vld [tilespmem:s10+$0xFFFFFFC0];
	[tilespmem:s22+$0x1E0] =	vst v22;
	s22 =	smov.u32 s9  }
0x194: {  	v22 =	vmul.f32 v27, v29;
	[tilespmem:s9+$0xFFFFFE00] =	vst v24;
	v24 =	vshll.u32 v40, $0x10;
	v27 =	vand.u32 $0xFFFF0000, v40;
	v40 =	vld [tilespmem:s10+$0xFFFFFFD0]  }
0x195: {  	[tilespmem:s9+$0xFFFFFE10] =	vst v23;
	v23 =	vmul.f32 v28, v29;
	v28 =	vshll.u32 v41, $0x10;
	v41 =	vand.u32 $0xFFFF0000, v41;
	v45 =	vld [tilespmem:s10+$0xFFFFFFE0]  }
0x196: {  	[tilespmem:s9+$0xFFFFFE20] =	vst v22;
	v22 =	vmul.f32 v34, v29;
	v34 =	vshll.u32 v42, $0x10;
	v42 =	vand.u32 $0xFFFF0000, v42;
	v46 =	vld [tilespmem:s10+$0xFFFFFFF0]  }
0x197: {  	[tilespmem:s9+$0xFFFFFE30] =	vst v23;
	v23 =	vmul.f32 v31, v29;
	v31 =	vshll.u32 v43, $0x10;
	v43 =	vand.u32 $0xFFFF0000, v43;
	v47 =	vld [tilespmem:s10+$0x0]  }
0x198: {  	[tilespmem:s9+$0xFFFFFE40] =	vst v22;
	v22 =	vmul.f32 v39, v29;
	v39 =	vshll.u32 v44, $0x10;
	v44 =	vand.u32 $0xFFFF0000, v44;
	v48 =	vld [tilespmem:s10+$0x10]  }
0x199: {  	[tilespmem:s9+$0xFFFFFE50] =	vst v23;
	v23 =	vmul.f32 v26, v29;
	v26 =	vshll.u32 v40, $0x10;
	v29 =	vand.u32 $0xFFFF0000, v40;
	v40 =	vld [tilespmem:s10+$0x20]  }
0x19a: {  	[tilespmem:s9+$0xFFFFFE60] =	vst v22;
	v22 =	vmul.f32 v32, v21;
	v32 =	vshll.u32 v45, $0x10;
	v45 =	vand.u32 $0xFFFF0000, v45;
	v49 =	vld [tilespmem:s10+$0x30]  }
0x19b: {  	[tilespmem:s9+$0xFFFFFE70] =	vst v23;
	v23 =	vmul.f32 v33, v21;
	v33 =	vshll.u32 v46, $0x10;
	v46 =	vand.u32 $0xFFFF0000, v46;
	v50 =	vld [tilespmem:s10+$0x40]  }
0x19c: {  	[tilespmem:s9+$0xFFFFFE80] =	vst v22;
	v22 =	vmul.f32 v25, v21;
	v25 =	vshll.u32 v47, $0x10;
	v47 =	vand.u32 $0xFFFF0000, v47;
	v51 =	vld [tilespmem:s10+$0x50]  }
0x19d: {  	[tilespmem:s9+$0xFFFFFE90] =	vst v23;
	v23 =	vmul.f32 v36, v21;
	v36 =	vshll.u32 v48, $0x10;
	v48 =	vand.u32 $0xFFFF0000, v48;
	v52 =	vld [tilespmem:s10+$0x60]  }
0x19e: {  	[tilespmem:s9+$0xFFFFFEA0] =	vst v22;
	v22 =	vmul.f32 v35, v21;
	v35 =	vshll.u32 v40, $0x10;
	v40 =	vand.u32 $0xFFFF0000, v40;
	v53 =	vld [tilespmem:s10+$0x70]  }
0x19f: {  	[tilespmem:s9+$0xFFFFFEB0] =	vst v23;
	v23 =	vmul.f32 v37, v21;
	v37 =	vshll.u32 v49, $0x10;
	v49 =	vand.u32 $0xFFFF0000, v49;
	v54 =	vld [tilespmem:s10+$0x80]  }
0x1a0: {  	[tilespmem:s9+$0xFFFFFEC0] =	vst v22;
	v22 =	vmul.f32 v30, v21;
	v30 =	vshll.u32 v50, $0x10;
	v50 =	vand.u32 $0xFFFF0000, v50;
	v55 =	vld [tilespmem:s10+$0x90]  }
0x1a1: {  	v21 =	vmul.f32 v38, v21;
	[tilespmem:s9+$0xFFFFFED0] =	vst v23;
	v23 =	vshll.u32 v51, $0x10;
	v38 =	vand.u32 $0xFFFF0000, v51;
	v51 =	vld [tilespmem:s10+$0xA0]  }
0x1a2: {  	[tilespmem:s9+$0xFFFFFEE0] =	vst v22;
	v22 =	vmul.f32 v24, v20;
	v24 =	vshll.u32 v52, $0x10;
	v52 =	vand.u32 $0xFFFF0000, v52;
	v56 =	vld [tilespmem:s10+$0xB0]  }
0x1a3: {  	[tilespmem:s9+$0xFFFFFEF0] =	vst v21;
	v21 =	vmul.f32 v27, v20;
	v27 =	vshll.u32 v53, $0x10;
	v53 =	vand.u32 $0xFFFF0000, v53;
	v57 =	vld [tilespmem:s10+$0xC0]  }
0x1a4: {  	[tilespmem:s9+$0xFFFFFF00] =	vst v22;
	v22 =	vmul.f32 v28, v20;
	v28 =	vshll.u32 v54, $0x10;
	v54 =	vand.u32 $0xFFFF0000, v54;
	v58 =	vld [tilespmem:s10+$0xD0]  }
0x1a5: {  	[tilespmem:s9+$0xFFFFFF10] =	vst v21;
	v21 =	vmul.f32 v41, v20;
	v41 =	vshll.u32 v55, $0x10;
	v55 =	vand.u32 $0xFFFF0000, v55;
	v59 =	vld [tilespmem:s10+$0xE0]  }
0x1a6: {  	[tilespmem:s9+$0xFFFFFF20] =	vst v22;
	v22 =	vmul.f32 v34, v20;
	v34 =	vshll.u32 v51, $0x10;
	v51 =	vand.u32 $0xFFFF0000, v51  }
0x1a7: {  	[tilespmem:s9+$0xFFFFFF30] =	vst v21;
	v21 =	vmul.f32 v42, v20;
	v42 =	vshll.u32 v56, $0x10;
	v56 =	vand.u32 $0xFFFF0000, v56  }
0x1a8: {  	[tilespmem:s9+$0xFFFFFF40] =	vst v22;
	v22 =	vmul.f32 v31, v20;
	v60 =	vshll.u32 v57, $0x10;
	v57 =	vand.u32 $0xFFFF0000, v57  }
0x1a9: {  	v20 =	vmul.f32 v43, v20;
	[tilespmem:s9+$0xFFFFFF50] =	vst v21;
	v43 =	vshll.u32 v58, $0x10;
	v58 =	vand.u32 $0xFFFF0000, v58  }
0x1aa: {  	v21 =	vmul.f32 v39, v19;
	[tilespmem:s9+$0xFFFFFF60] =	vst v22;
	v22 =	vshll.u32 v59, $0x10;
	v39 =	vand.u32 $0xFFFF0000, v59  }
0x1ab: {  	v26 =	vmul.f32 v26, v19;
	[tilespmem:s9+$0xFFFFFF70] =	vst v20;
	v20 =	vmul.f32 v44, v19  }
0x1ac: {  	[tilespmem:s9+$0xFFFFFF80] =	vst v21;
	v21 =	vmul.f32 v29, v19;
	v29 =	vmul.f32 v32, v19  }
0x1ad: {  	v31 =	vmul.f32 v33, v19;
	[tilespmem:s9+$0xFFFFFF90] =	vst v20;
	v20 =	vmul.f32 v45, v19  }
0x1ae: {  	v25 =	vmul.f32 v25, v18;
	v19 =	vmul.f32 v46, v19;
	[tilespmem:s9+$0xFFFFFFA0] =	vst v26  }
0x1af: {  	v26 =	vmul.f32 v36, v18;
	[tilespmem:s9+$0xFFFFFFB0] =	vst v21;
	v21 =	vmul.f32 v47, v18  }
0x1b0: {  	v32 =	vmul.f32 v35, v18;
	[tilespmem:s9+$0xFFFFFFC0] =	vst v29;
	v29 =	vmul.f32 v48, v18  }
0x1b1: {  	v33 =	vmul.f32 v40, v18;
	v35 =	vmul.f32 v37, v18;
	[tilespmem:s9+$0xFFFFFFD0] =	vst v20  }
0x1b2: {  	v37 =	vmul.f32 v30, v17;
	v36 =	vmul.f32 v49, v18;
	[tilespmem:s9+$0xFFFFFFE0] =	vst v31  }
0x1b3: {  	v40 =	vmul.f32 v50, v17;
	v44 =	vmul.f32 v23, v17;
	[tilespmem:s9+$0xFFFFFFF0] =	vst v19  }
0x1b4: {  	v38 =	vmul.f32 v38, v17;
	v45 =	vmul.f32 v24, v17;
	[tilespmem:s9+$0x0] =	vst v25  }
0x1b5: {  	v46 =	vmul.f32 v52, v17;
	v47 =	vmul.f32 v27, v17;
	[tilespmem:s9+$0x10] =	vst v21  }
0x1b6: {  	v30 =	vmul.f32 v28, v15;
	v48 =	vmul.f32 v53, v17;
	[tilespmem:s9+$0x20] =	vst v26  }
0x1b7: {  	v20 =	vmul.f32 v41, v15;
	v31 =	vmul.f32 v54, v15;
	[tilespmem:s9+$0x30] =	vst v29  }
0x1b8: {  	v28 =	vmul.f32 v55, v15;
	v21 =	vmul.f32 v34, v15;
	[tilespmem:s9+$0x40] =	vst v32  }
0x1b9: {  	v19 =	vmul.f32 v42, v15;
	v29 =	vmul.f32 v51, v15;
	[tilespmem:s9+$0x50] =	vst v33  }
0x1ba: {  	v18 =	vmul.f32 v56, v15;
	v17 =	vmul.f32 v60, v14;
	[tilespmem:s9+$0x60] =	vst v35  }
0x1bb: {  	v27 =	vmul.f32 v57, v14;
	v26 =	vmul.f32 v43, v14;
	[tilespmem:s9+$0x70] =	vst v36  }
0x1bc: {  	v24 =	vmul.f32 v22, v14;
	v25 =	vmul.f32 v58, v14;
	[tilespmem:s9+$0x80] =	vst v37  }
0x1bd: {  	v23 =	vmul.f32 v39, v14;
	v22 =	vmul.f32 v16, v14;
	[tilespmem:s9+$0x90] =	vst v40  }
0x1be: {  	[tilespmem:s9+$0xA0] =	vst v44  }
.Ltmp13:
0x1bf: {  	[tilespmem:s9+$0xB0] =	vst v38;
	(pc) =	sbr.rel @p1 .LBB2_27-.Ltmp13, $4  }
0x1c0: {  	[tilespmem:s9+$0xC0] =	vst v45  }
0x1c1: {  	[tilespmem:s9+$0xD0] =	vst v46  }
0x1c2: {  	[tilespmem:s9+$0xE0] =	vst v47  }
0x1c3: {  	s14 =	sshra.s32 s20, $0x2;
	s20 =	sadd.s32 $0x20, s20;
	[tilespmem:s9+$0xF0] =	vst v48  }
0x1c4: {  	_ = 	snop  }
0x1c5: {  	[tilespmem:s9+$0x100] =	vst v30  }
0x1c6: {  	[tilespmem:s9+$0x110] =	vst v31  }
0x1c7: {  	[tilespmem:s9+$0x120] =	vst v20  }
0x1c8: {  	v15 =	vld.idx.msk [tilespmem:v13+s14+$0x0 ss:$0x1], $0xffff;
	s10 =	sadd.s32 $0x200, s10;
	[tilespmem:s9+$0x130] =	vst v28  }
0x1c9: {  	[tilespmem:s9+$0x140] =	vst v21;
	v13 =	vld [tilespmem:s10+$0xF0]  }
0x1ca: {  	[tilespmem:s9+$0x170] =	vst v18;
	v18 =	vld [tilespmem:s10+$0xFFFFFF00]  }
0x1cb: {  	[tilespmem:s9+$0x150] =	vst v29  }
0x1cc: {  	[tilespmem:s9+$0x160] =	vst v19  }
0x1cd: {  	[tilespmem:s9+$0x180] =	vst v17;
	v14 =	vperm.xlane v15, v12  }
0x1ce: {  	[tilespmem:s22+$0x190] =	vst v27;
	v19 =	vperm.xlane v15, v5;
	v16 =	vand.u32 $0xFFFF0000, v13  }
0x1cf: {  	[tilespmem:s22+$0x1A0] =	vst v26;
	v20 =	vshll.u32 v18, $0x10;
	v16 =	vmul.f32 v16, v14  }
0x1d0: {  	s14 =	sadd.s32 $0x400, s9;
	v17 =	vld [tilespmem:s10+$0xFFFFFF10];
	[tilespmem:s22+$0x1B0] =	vst v25;
	v18 =	vand.u32 $0xFFFF0000, v18;
	v20 =	vmul.f32 v20, v19  }
0x1d1: {  	v18 =	vmul.f32 v18, v19;
	[tilespmem:s14+$0x1F0] =	vst v16  }
0x1d2: {  	v16 =	vld [tilespmem:s10+$0xFFFFFF20];
	[tilespmem:s14+$0xFFFFFE00] =	vst v20  }
0x1d3: {  	[tilespmem:s14+$0xFFFFFE10] =	vst v18  }
0x1d4: {  	v21 =	vld [tilespmem:s10+$0xFFFFFF30];
	v13 =	vshll.u32 v13, $0x10;
	[tilespmem:s22+$0x1C0] =	vst v24  }
0x1d5: {  	v13 =	vmul.f32 v13, v14;
	[tilespmem:s22+$0x1D0] =	vst v23;
	v23 =	vshll.u32 v17, $0x10  }
0x1d6: {  	[tilespmem:s22+$0x1E0] =	vst v22;
	v22 =	vld [tilespmem:s10+$0xFFFFFF40];
	v17 =	vand.u32 $0xFFFF0000, v17;
	v20 =	vmul.f32 v23, v19  }
0x1d7: {  	v17 =	vmul.f32 v17, v19;
	[tilespmem:s14+$0x1E0] =	vst v13;
	v23 =	vshll.u32 v16, $0x10  }
0x1d8: {  	v18 =	vld [tilespmem:s10+$0xFFFFFF50];
	[tilespmem:s14+$0xFFFFFE20] =	vst v20;
	v16 =	vand.u32 $0xFFFF0000, v16;
	v20 =	vmul.f32 v23, v19  }
0x1d9: {  	[tilespmem:s14+$0xFFFFFE30] =	vst v17;
	v23 =	vshll.u32 v21, $0x10;
	v16 =	vmul.f32 v16, v19  }
0x1da: {  	v24 =	vld [tilespmem:s10+$0xFFFFFF60];
	v17 =	vperm.xlane v15, v6;
	v21 =	vand.u32 $0xFFFF0000, v21;
	[tilespmem:s14+$0xFFFFFE40] =	vst v20;
	v20 =	vmul.f32 v23, v19  }
0x1db: {  	v23 =	vshll.u32 v22, $0x10;
	[tilespmem:s14+$0xFFFFFE50] =	vst v16;
	v16 =	vmul.f32 v21, v19  }
0x1dc: {  	v19 =	vld [tilespmem:s10+$0xFFFFFF70];
	v21 =	vand.u32 $0xFFFF0000, v22;
	[tilespmem:s14+$0xFFFFFE60] =	vst v20;
	v20 =	vmul.f32 v23, v17  }
0x1dd: {  	v22 =	vshll.u32 v18, $0x10;
	[tilespmem:s14+$0xFFFFFE70] =	vst v16;
	v16 =	vmul.f32 v21, v17  }
0x1de: {  	v18 =	vand.u32 $0xFFFF0000, v18;
	v21 =	vld [tilespmem:s10+$0xFFFFFF80];
	[tilespmem:s14+$0xFFFFFE80] =	vst v20;
	v20 =	vmul.f32 v22, v17  }
0x1df: {  	v22 =	vshll.u32 v24, $0x10;
	[tilespmem:s14+$0xFFFFFE90] =	vst v16;
	v16 =	vmul.f32 v18, v17  }
0x1e0: {  	v23 =	vand.u32 $0xFFFF0000, v24;
	v18 =	vld [tilespmem:s10+$0xFFFFFF90];
	[tilespmem:s14+$0xFFFFFEA0] =	vst v20;
	v20 =	vmul.f32 v22, v17  }
0x1e1: {  	v22 =	vshll.u32 v19, $0x10;
	[tilespmem:s14+$0xFFFFFEB0] =	vst v16;
	v16 =	vmul.f32 v23, v17  }
0x1e2: {  	v24 =	vld [tilespmem:s10+$0xFFFFFFA0];
	v23 =	vperm.xlane v15, v7;
	v19 =	vand.u32 $0xFFFF0000, v19;
	[tilespmem:s14+$0xFFFFFEC0] =	vst v20;
	v20 =	vmul.f32 v22, v17  }
0x1e3: {  	v22 =	vshll.u32 v21, $0x10;
	[tilespmem:s14+$0xFFFFFED0] =	vst v16;
	v16 =	vmul.f32 v19, v17  }
0x1e4: {  	v17 =	vld [tilespmem:s10+$0xFFFFFFB0];
	v19 =	vand.u32 $0xFFFF0000, v21;
	[tilespmem:s14+$0xFFFFFEE0] =	vst v20;
	v20 =	vmul.f32 v22, v23  }
0x1e5: {  	v21 =	vshll.u32 v18, $0x10;
	[tilespmem:s14+$0xFFFFFEF0] =	vst v16;
	v16 =	vmul.f32 v19, v23  }
0x1e6: {  	v18 =	vand.u32 $0xFFFF0000, v18;
	v19 =	vld [tilespmem:s10+$0xFFFFFFC0];
	[tilespmem:s14+$0xFFFFFF00] =	vst v20;
	v20 =	vmul.f32 v21, v23  }
0x1e7: {  	v21 =	vshll.u32 v24, $0x10;
	[tilespmem:s14+$0xFFFFFF10] =	vst v16;
	v16 =	vmul.f32 v18, v23  }
0x1e8: {  	v22 =	vand.u32 $0xFFFF0000, v24;
	v24 =	vld [tilespmem:s10+$0xFFFFFFE0];
	[tilespmem:s14+$0xFFFFFF20] =	vst v20;
	v20 =	vmul.f32 v21, v23  }
0x1e9: {  	v18 =	vld [tilespmem:s10+$0xFFFFFFD0];
	v21 =	vshll.u32 v17, $0x10;
	[tilespmem:s14+$0xFFFFFF30] =	vst v16;
	v16 =	vmul.f32 v22, v23  }
0x1ea: {  	v22 =	vperm.xlane v15, v8;
	v17 =	vand.u32 $0xFFFF0000, v17;
	[tilespmem:s14+$0xFFFFFF40] =	vst v20;
	v20 =	vmul.f32 v21, v23  }
0x1eb: {  	v21 =	vshll.u32 v19, $0x10;
	[tilespmem:s14+$0xFFFFFF50] =	vst v16;
	v16 =	vmul.f32 v17, v23  }
0x1ec: {  	v17 =	vld [tilespmem:s10+$0xFFFFFFF0];
	v19 =	vand.u32 $0xFFFF0000, v19;
	[tilespmem:s14+$0xFFFFFF60] =	vst v20;
	v20 =	vmul.f32 v21, v22  }
0x1ed: {  	v23 =	vand.u32 $0xFFFF0000, v24;
	[tilespmem:s14+$0xFFFFFF70] =	vst v16;
	v16 =	vmul.f32 v19, v22  }
0x1ee: {  	v21 =	vshll.u32 v18, $0x10;
	v19 =	vld [tilespmem:s10+$0x0];
	v23 =	vmul.f32 v23, v22;
	[tilespmem:s14+$0xFFFFFF80] =	vst v20  }
0x1ef: {  	v18 =	vand.u32 $0xFFFF0000, v18;
	v21 =	vmul.f32 v21, v22;
	[tilespmem:s14+$0xFFFFFF90] =	vst v16  }
0x1f0: {  	v18 =	vmul.f32 v18, v22;
	v20 =	vshll.u32 v24, $0x10;
	v16 =	vld [tilespmem:s10+$0x10];
	[tilespmem:s14+$0xFFFFFFD0] =	vst v23  }
0x1f1: {  	v20 =	vmul.f32 v20, v22;
	[tilespmem:s14+$0xFFFFFFA0] =	vst v21;
	v21 =	vshll.u32 v17, $0x10  }
0x1f2: {  	v24 =	vld [tilespmem:s10+$0x20];
	[tilespmem:s14+$0xFFFFFFB0] =	vst v18;
	v18 =	vperm.xlane v15, v9;
	v17 =	vand.u32 $0xFFFF0000, v17;
	v21 =	vmul.f32 v21, v22  }
0x1f3: {  	v17 =	vmul.f32 v17, v22;
	[tilespmem:s14+$0xFFFFFFC0] =	vst v20;
	v20 =	vshll.u32 v19, $0x10  }
0x1f4: {  	v22 =	vld [tilespmem:s10+$0x30];
	v19 =	vand.u32 $0xFFFF0000, v19;
	v20 =	vmul.f32 v20, v18;
	[tilespmem:s14+$0xFFFFFFE0] =	vst v21  }
0x1f5: {  	v19 =	vmul.f32 v19, v18;
	[tilespmem:s14+$0xFFFFFFF0] =	vst v17;
	v21 =	vshll.u32 v16, $0x10  }
0x1f6: {  	v17 =	vld [tilespmem:s10+$0x40];
	v16 =	vand.u32 $0xFFFF0000, v16;
	v21 =	vmul.f32 v21, v18;
	[tilespmem:s14+$0x0] =	vst v20  }
0x1f7: {  	v23 =	vand.u32 $0xFFFF0000, v24;
	v16 =	vmul.f32 v16, v18;
	[tilespmem:s14+$0x10] =	vst v19  }
0x1f8: {  	v20 =	vshll.u32 v24, $0x10;
	v19 =	vld [tilespmem:s10+$0x50];
	v23 =	vmul.f32 v23, v18;
	[tilespmem:s14+$0x20] =	vst v21  }
0x1f9: {  	v20 =	vmul.f32 v20, v18;
	v21 =	vshll.u32 v22, $0x10;
	[tilespmem:s14+$0x30] =	vst v16  }
0x1fa: {  	v24 =	vld [tilespmem:s10+$0x60];
	v16 =	vperm.xlane v15, v10;
	v22 =	vand.u32 $0xFFFF0000, v22;
	[tilespmem:s14+$0x50] =	vst v23;
	v21 =	vmul.f32 v21, v18  }
0x1fb: {  	[tilespmem:s14+$0x40] =	vst v20;
	v20 =	vshll.u32 v17, $0x10;
	v18 =	vmul.f32 v22, v18  }
0x1fc: {  	v22 =	vld [tilespmem:s10+$0x70];
	v17 =	vand.u32 $0xFFFF0000, v17;
	v20 =	vmul.f32 v20, v16;
	[tilespmem:s14+$0x60] =	vst v21  }
0x1fd: {  	v17 =	vmul.f32 v17, v16;
	v21 =	vshll.u32 v19, $0x10;
	[tilespmem:s14+$0x70] =	vst v18  }
0x1fe: {  	v18 =	vld [tilespmem:s10+$0x80];
	v19 =	vand.u32 $0xFFFF0000, v19;
	v21 =	vmul.f32 v21, v16;
	[tilespmem:s14+$0x80] =	vst v20  }
0x1ff: {  	v23 =	vand.u32 $0xFFFF0000, v24;
	v19 =	vmul.f32 v19, v16;
	[tilespmem:s14+$0x90] =	vst v17  }
0x200: {  	v20 =	vshll.u32 v24, $0x10;
	v17 =	vld [tilespmem:s10+$0x90];
	v23 =	vmul.f32 v23, v16;
	[tilespmem:s14+$0xA0] =	vst v21  }
0x201: {  	v20 =	vmul.f32 v20, v16;
	v21 =	vshll.u32 v22, $0x10;
	[tilespmem:s14+$0xB0] =	vst v19  }
0x202: {  	v15 =	vperm.xlane v15, v11;
	v19 =	vld [tilespmem:s10+$0xA0];
	v22 =	vand.u32 $0xFFFF0000, v22;
	[tilespmem:s14+$0xD0] =	vst v23;
	v21 =	vmul.f32 v21, v16  }
0x203: {  	[tilespmem:s14+$0xC0] =	vst v20;
	v16 =	vmul.f32 v22, v16;
	v20 =	vshll.u32 v18, $0x10  }
0x204: {  	v22 =	vld [tilespmem:s10+$0xB0];
	v18 =	vand.u32 $0xFFFF0000, v18;
	v20 =	vmul.f32 v20, v15;
	[tilespmem:s14+$0xE0] =	vst v21  }
0x205: {  	v21 =	vshll.u32 v17, $0x10;
	v18 =	vmul.f32 v18, v15;
	[tilespmem:s14+$0xF0] =	vst v16  }
0x206: {  	v16 =	vld [tilespmem:s10+$0xC0];
	v17 =	vand.u32 $0xFFFF0000, v17;
	v21 =	vmul.f32 v21, v15;
	[tilespmem:s14+$0x100] =	vst v20  }
0x207: {  	v17 =	vmul.f32 v17, v15;
	v20 =	vshll.u32 v19, $0x10;
	[tilespmem:s14+$0x110] =	vst v18  }
0x208: {  	v18 =	vld [tilespmem:s10+$0xD0];
	v19 =	vand.u32 $0xFFFF0000, v19;
	v20 =	vmul.f32 v20, v15;
	[tilespmem:s14+$0x120] =	vst v21  }
0x209: {  	v21 =	vshll.u32 v22, $0x10;
	v19 =	vmul.f32 v19, v15;
	[tilespmem:s14+$0x130] =	vst v17  }
0x20a: {  	v17 =	vld [tilespmem:s10+$0xE0];
	v22 =	vand.u32 $0xFFFF0000, v22;
	v21 =	vmul.f32 v21, v15;
	[tilespmem:s14+$0x140] =	vst v20  }
0x20b: {  	v15 =	vmul.f32 v22, v15;
	v20 =	vshll.u32 v16, $0x10;
	[tilespmem:s14+$0x150] =	vst v19  }
0x20c: {  	v16 =	vand.u32 $0xFFFF0000, v16;
	v19 =	vmul.f32 v20, v14;
	[tilespmem:s14+$0x160] =	vst v21  }
0x20d: {  	v16 =	vmul.f32 v16, v14;
	[tilespmem:s14+$0x170] =	vst v15;
	v20 =	vshll.u32 v18, $0x10  }
0x20e: {  	v15 =	vand.u32 $0xFFFF0000, v18;
	v18 =	vmul.f32 v20, v14;
	[tilespmem:s14+$0x180] =	vst v19  }
0x20f: {  	v19 =	vshll.u32 v17, $0x10;
	v15 =	vmul.f32 v15, v14;
	[tilespmem:s14+$0x190] =	vst v16  }
0x210: {  	v16 =	vand.u32 $0xFFFF0000, v17;
	v17 =	vmul.f32 v19, v14;
	[tilespmem:s14+$0x1A0] =	vst v18  }
0x211: {  	v16 =	vmul.f32 v16, v14;
	[tilespmem:s14+$0x1B0] =	vst v15  }
0x212: {  	s20 =	sshra.s32 s23, $0x2;
	[tilespmem:s14+$0x1C0] =	vst v17  }
0x213: {  	p1 =	seq.s32 s8, $0x7C;
	s22 =	sadd.s32 $0x16210, s20;
	[tilespmem:s14+$0x1D0] =	vst v16  }
0x214: {  	[spmem:s5] =	stream.indirect.scatter.add.f32 [tilespmem:s28], [sflag:$0x4], $0x80, s22, s30, $0x2000b8;
	[tilespmem:$0x1FE60] =	vst v63  }
0x215: {  	s9 =	sshra.s32 @!p1 s23, $0x2;
	_ =	swait.ge [sflag:s0], $0xA00  }
0x216: {  	p2 =	seq.s32 @!p1 s8, $0x0;
	s9 =	sadd.s32 @!p1 $0x13B50, s9;
	[sflag:s0] =	ssyncset.done $0x0  }
0x217: {  	s10 =	simm.s32 @!p1 $0x28;
	s14 =	simm.s32 @!p1 $0x1B040;
	[sflag:s0] =	ssyncadd.s32 $0xFFFFF600  }
0x218: {  	v13 =	vmov s13;
	[tilespmem:s14], [sflag:$0x2] =	stream.indirect.gather @!p1 [hbm4b:s3+s10], $0x40, s9, s10, $0x2000b8;
	[tilespmem:$0x1FE60] =	vst v63  }
0x219: {  	p1 =	por p1, !p2  }
0x21a: {  	_ =	swait.ge @p1 [sflag:s1], $0x1400  }
0x21b: {  	[sflag:s1] =	ssyncset.done @p1 $0x0  }
0x21c: {  	s23 =	simm.s32 $0x0;
	[sflag:s1] =	ssyncadd.s32 @p1 $0xFFFFEC00  }
0x21d: {  	s10 =	simm.s32 $0x1BB40;
	v15 =	vld.idx.msk [tilespmem:v13+s23+$0x0 ss:$0x1], $0xffff  }
0x21e: {  	v16 =	vld [tilespmem:s10+$0xF0]  }
0x21f: {  	v17 =	vld [tilespmem:s10+$0xFFFFFF00];
	_ =	sdelay $0x1  }
0x220: {  	v18 =	vld [tilespmem:s10+$0xFFFFFF10]  }
0x221: {  	v14 =	vperm.xlane v15, v12  }
0x222: {  	v19 =	vld [tilespmem:s10+$0xFFFFFF20];
	v20 =	vperm.xlane v15, v5;
	v21 =	vand.u32 $0xFFFF0000, v16  }
0x223: {  	v22 =	vshll.u32 v17, $0x10;
	v21 =	vmul.f32 v21, v14  }
0x224: {  	s9 =	simm.s32 $0x1DA40;
	v23 =	vld [tilespmem:s10+$0xFFFFFF30];
	v17 =	vand.u32 $0xFFFF0000, v17;
	v22 =	vmul.f32 v22, v20  }
0x225: {  	v24 =	vshll.u32 v18, $0x10;
	v17 =	vmul.f32 v17, v20;
	[tilespmem:s9+$0x1F0] =	vst v21  }
0x226: {  	v18 =	vand.u32 $0xFFFF0000, v18;
	v21 =	vld [tilespmem:s10+$0xFFFFFF40];
	[tilespmem:s9+$0xFFFFFE00] =	vst v22;
	v22 =	vmul.f32 v24, v20  }
0x227: {  	v24 =	vshll.u32 v19, $0x10;
	[tilespmem:s9+$0xFFFFFE10] =	vst v17;
	v17 =	vmul.f32 v18, v20  }
0x228: {  	v18 =	vld [tilespmem:s10+$0xFFFFFF50];
	v19 =	vand.u32 $0xFFFF0000, v19;
	[tilespmem:s9+$0xFFFFFE20] =	vst v22;
	v22 =	vmul.f32 v24, v20  }
0x229: {  	v24 =	vshll.u32 v23, $0x10;
	[tilespmem:s9+$0xFFFFFE30] =	vst v17;
	v17 =	vmul.f32 v19, v20  }
0x22a: {  	v25 =	vld [tilespmem:s10+$0xFFFFFF60];
	v19 =	vperm.xlane v15, v6;
	v23 =	vand.u32 $0xFFFF0000, v23;
	[tilespmem:s9+$0xFFFFFE40] =	vst v22;
	v22 =	vmul.f32 v24, v20  }
0x22b: {  	[tilespmem:s9+$0xFFFFFE50] =	vst v17;
	v17 =	vmul.f32 v23, v20;
	v24 =	vshll.u32 v21, $0x10  }
0x22c: {  	v20 =	vld [tilespmem:s10+$0xFFFFFF70];
	v21 =	vand.u32 $0xFFFF0000, v21;
	[tilespmem:s9+$0xFFFFFE60] =	vst v22;
	v22 =	vmul.f32 v24, v19  }
0x22d: {  	v23 =	vshll.u32 v18, $0x10;
	[tilespmem:s9+$0xFFFFFE70] =	vst v17;
	v17 =	vmul.f32 v21, v19  }
0x22e: {  	v18 =	vand.u32 $0xFFFF0000, v18;
	v21 =	vld [tilespmem:s10+$0xFFFFFF80];
	[tilespmem:s9+$0xFFFFFE80] =	vst v22;
	v22 =	vmul.f32 v23, v19  }
0x22f: {  	v23 =	vshll.u32 v25, $0x10;
	[tilespmem:s9+$0xFFFFFE90] =	vst v17;
	v17 =	vmul.f32 v18, v19  }
0x230: {  	v24 =	vand.u32 $0xFFFF0000, v25;
	v18 =	vld [tilespmem:s10+$0xFFFFFF90];
	[tilespmem:s9+$0xFFFFFEA0] =	vst v22;
	v22 =	vmul.f32 v23, v19  }
0x231: {  	v23 =	vshll.u32 v20, $0x10;
	[tilespmem:s9+$0xFFFFFEB0] =	vst v17;
	v17 =	vmul.f32 v24, v19  }
0x232: {  	v25 =	vld [tilespmem:s10+$0xFFFFFFA0];
	v24 =	vperm.xlane v15, v7;
	v20 =	vand.u32 $0xFFFF0000, v20;
	[tilespmem:s9+$0xFFFFFEC0] =	vst v22;
	v22 =	vmul.f32 v23, v19  }
0x233: {  	v33 =	vld [tilespmem:s10+$0x60];
	v23 =	vshll.u32 v21, $0x10;
	[tilespmem:s9+$0xFFFFFED0] =	vst v17;
	v17 =	vmul.f32 v20, v19  }
0x234: {  	v19 =	vld [tilespmem:s10+$0xFFFFFFB0];
	v20 =	vand.u32 $0xFFFF0000, v21;
	v21 =	vmul.f32 v23, v24;
	[tilespmem:s9+$0xFFFFFEE0] =	vst v22  }
0x235: {  	v22 =	vshll.u32 v18, $0x10;
	[tilespmem:s9+$0xFFFFFEF0] =	vst v17;
	v17 =	vmul.f32 v20, v24  }
0x236: {  	v35 =	vld [tilespmem:s10+$0x80];
	v18 =	vand.u32 $0xFFFF0000, v18;
	[tilespmem:s9+$0xFFFFFF00] =	vst v21;
	v21 =	vmul.f32 v22, v24  }
0x237: {  	v22 =	vshll.u32 v25, $0x10;
	[tilespmem:s9+$0xFFFFFF10] =	vst v17;
	v17 =	vmul.f32 v18, v24  }
0x238: {  	v16 =	vshll.u32 v16, $0x10;
	v20 =	vld [tilespmem:s10+$0xFFFFFFC0];
	v25 =	vand.u32 $0xFFFF0000, v25;
	[tilespmem:s9+$0xFFFFFF20] =	vst v21;
	v21 =	vmul.f32 v22, v24  }
0x239: {  	v36 =	vshll.u32 v33, $0x10;
	v23 =	vld [tilespmem:s10+$0xFFFFFFD0];
	v27 =	vshll.u32 v19, $0x10;
	[tilespmem:s9+$0xFFFFFF30] =	vst v17;
	v17 =	vmul.f32 v25, v24  }
0x23a: {  	v19 =	vand.u32 $0xFFFF0000, v19;
	v25 =	vperm.xlane v15, v10;
	[tilespmem:s9+$0xFFFFFF40] =	vst v21;
	v21 =	vmul.f32 v27, v24  }
0x23b: {  	v26 =	vld [tilespmem:s10+$0xFFFFFFE0];
	v33 =	vand.u32 $0xFFFF0000, v33;
	v37 =	vshll.u32 v35, $0x10;
	[tilespmem:s9+$0xFFFFFF50] =	vst v17;
	v17 =	vmul.f32 v19, v24  }
0x23c: {  	v28 =	vld [tilespmem:s10+$0xFFFFFFF0];
	v35 =	vand.u32 $0xFFFF0000, v35;
	v18 =	vperm.xlane v15, v8;
	v36 =	vmul.f32 v36, v25;
	[tilespmem:s9+$0xFFFFFF60] =	vst v21  }
0x23d: {  	v22 =	vperm.xlane v15, v9;
	v27 =	vld [tilespmem:s10+$0x0];
	v29 =	vshll.u32 v20, $0x10;
	v33 =	vmul.f32 v33, v25;
	[tilespmem:s9+$0xFFFFFF70] =	vst v17  }
0x23e: {  	v31 =	vld [tilespmem:s10+$0x40];
	v15 =	vperm.xlane v15, v11;
	v24 =	vshll.u32 v23, $0x10;
	v21 =	vmul.f32 v29, v18;
	[tilespmem:s9+$0xC0] =	vst v36  }
0x23f: {  	v19 =	vand.u32 $0xFFFF0000, v20;
	v20 =	vld [tilespmem:s10+$0x10];
	v23 =	vand.u32 $0xFFFF0000, v23;
	v24 =	vmul.f32 v24, v18;
	[tilespmem:s9+$0xD0] =	vst v33  }
0x240: {  	v30 =	vld [tilespmem:s10+$0x30];
	v23 =	vmul.f32 v23, v18;
	v17 =	vmul.f32 v19, v18;
	v19 =	vshll.u32 v26, $0x10;
	[tilespmem:s9+$0xFFFFFF80] =	vst v21  }
0x241: {  	v29 =	vld [tilespmem:s10+$0x20];
	v26 =	vand.u32 $0xFFFF0000, v26;
	v21 =	vshll.u32 v28, $0x10;
	v28 =	vand.u32 $0xFFFF0000, v28;
	[tilespmem:s9+$0xFFFFFFA0] =	vst v24  }
0x242: {  	v19 =	vmul.f32 v19, v18;
	v26 =	vmul.f32 v26, v18;
	[tilespmem:s9+$0xFFFFFF90] =	vst v17;
	v17 =	vshll.u32 v27, $0x10  }
0x243: {  	v32 =	vld [tilespmem:s10+$0x50];
	[tilespmem:s9+$0xFFFFFFB0] =	vst v23;
	v27 =	vand.u32 $0xFFFF0000, v27;
	v21 =	vmul.f32 v21, v18;
	v18 =	vmul.f32 v28, v18  }
0x244: {  	v28 =	vand.u32 $0xFFFF0000, v31;
	v24 =	vshll.u32 v20, $0x10;
	v20 =	vand.u32 $0xFFFF0000, v20;
	[tilespmem:s9+$0xFFFFFFC0] =	vst v19  }
0x245: {  	v34 =	vld [tilespmem:s10+$0x70];
	v19 =	vshll.u32 v30, $0x10;
	v30 =	vand.u32 $0xFFFF0000, v30;
	[tilespmem:s9+$0xFFFFFFD0] =	vst v26;
	v26 =	vshll.u32 v31, $0x10  }
0x246: {  	v17 =	vmul.f32 v17, v22;
	v27 =	vmul.f32 v27, v22;
	v23 =	vshll.u32 v29, $0x10;
	[tilespmem:s9+$0xFFFFFFE0] =	vst v21  }
0x247: {  	v41 =	vld [tilespmem:s10+$0xD0];
	v29 =	vand.u32 $0xFFFF0000, v29;
	[tilespmem:s9+$0xFFFFFFF0] =	vst v18;
	v24 =	vmul.f32 v24, v22;
	v20 =	vmul.f32 v20, v22  }
0x248: {  	v31 =	vld [tilespmem:s10+$0x90];
	v21 =	vshll.u32 v32, $0x10;
	v19 =	vmul.f32 v19, v22;
	[tilespmem:s9+$0x0] =	vst v17;
	v23 =	vmul.f32 v23, v22  }
0x249: {  	v38 =	vld [tilespmem:s10+$0xC0];
	v32 =	vand.u32 $0xFFFF0000, v32;
	[tilespmem:s9+$0x10] =	vst v27;
	v29 =	vmul.f32 v29, v22;
	v40 =	vmul.f32 v21, v25  }
0x24a: {  	v18 =	vld [tilespmem:s10+$0xA0];
	v17 =	vshll.u32 v34, $0x10;
	v32 =	vmul.f32 v32, v25;
	[tilespmem:s9+$0x30] =	vst v20;
	v20 =	vmul.f32 v30, v22  }
0x24b: {  	v34 =	vand.u32 $0xFFFF0000, v34;
	v27 =	vld [tilespmem:s10+$0xB0];
	[tilespmem:s9+$0x20] =	vst v24;
	v22 =	vmul.f32 v26, v25;
	v26 =	vmul.f32 v28, v25  }
0x24c: {  	[tilespmem:s9+$0x60] =	vst v19;
	v42 =	vmul.f32 v17, v25;
	v34 =	vmul.f32 v34, v25;
	v25 =	vand.u32 $0xFFFF0000, v41  }
0x24d: {  	v30 =	vmul.f32 v37, v15;
	[tilespmem:s9+$0x40] =	vst v23;
	v25 =	vmul.f32 v25, v14;
	v24 =	vshll.u32 v31, $0x10  }
0x24e: {  	v43 =	vld [tilespmem:s10+$0xE0];
	v39 =	vand.u32 $0xFFFF0000, v31;
	[tilespmem:s9+$0x80] =	vst v22;
	v22 =	vshll.u32 v38, $0x10;
	v31 =	vmul.f32 v35, v15  }
0x24f: {  	[tilespmem:s9+$0x70] =	vst v20;
	v23 =	vshll.u32 v18, $0x10;
	v18 =	vand.u32 $0xFFFF0000, v18;
	v20 =	vmul.f32 v24, v15  }
0x250: {  	[tilespmem:s9+$0x50] =	vst v29;
	v24 =	vand.u32 $0xFFFF0000, v38;
	v28 =	vmul.f32 v39, v15;
	v19 =	vshll.u32 v27, $0x10  }
0x251: {  	[tilespmem:s9+$0xA0] =	vst v40;
	v17 =	vand.u32 $0xFFFF0000, v27;
	v21 =	vmul.f32 v23, v15;
	v29 =	vmul.f32 v18, v15  }
0x252: {  	[tilespmem:s9+$0xB0] =	vst v32;
	v23 =	vshll.u32 v41, $0x10;
	v27 =	vmul.f32 v24, v14;
	v19 =	vmul.f32 v19, v15  }
0x253: {  	[tilespmem:s9+$0x90] =	vst v26;
	v18 =	vmul.f32 v17, v15;
	v17 =	vmul.f32 v22, v14;
	v15 =	vshll.u32 v43, $0x10  }
0x254: {  	[tilespmem:s9+$0xE0] =	vst v42;
	v26 =	vmul.f32 v23, v14;
	v22 =	vand.u32 $0xFFFF0000, v43;
	v24 =	vmul.f32 v15, v14  }
0x255: {  	s20 =	simm.s32 $0x40;
	s22 =	simm.s32 $0x1DA40;
	s14 =	simm.s32 $0x8;
	[tilespmem:s9+$0xF0] =	vst v34;
	v23 =	vmul.f32 v22, v14;
	v22 =	vmul.f32 v16, v14  }
.LBB2_29:
0x256: {  	p1 =	sne.s32 s20, $0x80;
	v15 =	vld.idx.msk [tilespmem:v13+s14+$0x0 ss:$0x1], $0xffff;
	[tilespmem:s9+$0x100] =	vst v30  }
0x257: {  	s10 =	sadd.s32 $0x200, s10;
	[tilespmem:s9+$0x110] =	vst v31  }
0x258: {  	v16 =	vld [tilespmem:s10+$0xF0];
	[tilespmem:s9+$0x120] =	vst v20  }
0x259: {  	v30 =	vld [tilespmem:s10+$0xFFFFFF00];
	[tilespmem:s9+$0x130] =	vst v28  }
0x25a: {  	v28 =	vld [tilespmem:s10+$0xFFFFFF10];
	[tilespmem:s9+$0x140] =	vst v21  }
0x25b: {  	v31 =	vld [tilespmem:s10+$0xFFFFFF20];
	[tilespmem:s9+$0x150] =	vst v29  }
0x25c: {  	v29 =	vperm.xlane v15, v5;
	v14 =	vperm.xlane v15, v12;
	v32 =	vld [tilespmem:s10+$0xFFFFFF30];
	[tilespmem:s9+$0x160] =	vst v19  }
0x25d: {  	v21 =	vperm.xlane v15, v6;
	v20 =	vperm.xlane v15, v7;
	v33 =	vld [tilespmem:s10+$0xFFFFFF40];
	v34 =	vand.u32 $0xFFFF0000, v16;
	[tilespmem:s9+$0x170] =	vst v18  }
0x25e: {  	v19 =	vperm.xlane v15, v8;
	v35 =	vshll.u32 v30, $0x10;
	v36 =	vld [tilespmem:s10+$0xFFFFFF50];
	v34 =	vmul.f32 v34, v14;
	[tilespmem:s9+$0x180] =	vst v17  }
0x25f: {  	v18 =	vperm.xlane v15, v9;
	v30 =	vand.u32 $0xFFFF0000, v30;
	v17 =	vperm.xlane v15, v10;
	s9 =	sadd.s32 $0x400, s9;
	v37 =	vld [tilespmem:s10+$0xFFFFFF60];
	[tilespmem:s22+$0x190] =	vst v27  }
0x260: {  	v15 =	vperm.xlane v15, v11;
	v27 =	vshll.u32 v28, $0x10;
	v28 =	vand.u32 $0xFFFF0000, v28;
	v38 =	vld [tilespmem:s10+$0xFFFFFF70];
	[tilespmem:s9+$0x1F0] =	vst v34  }
0x261: {  	v34 =	vshll.u32 v31, $0x10;
	v31 =	vand.u32 $0xFFFF0000, v31;
	v39 =	vshll.u32 v32, $0x10;
	v40 =	vld [tilespmem:s10+$0xFFFFFF80];
	[tilespmem:s22+$0x1A0] =	vst v26  }
0x262: {  	v26 =	vand.u32 $0xFFFF0000, v32;
	v32 =	vshll.u32 v33, $0x10;
	v33 =	vand.u32 $0xFFFF0000, v33;
	v41 =	vld [tilespmem:s10+$0xFFFFFF90];
	[tilespmem:s22+$0x1B0] =	vst v25  }
0x263: {  	v16 =	vshll.u32 v16, $0x10;
	v25 =	vshll.u32 v36, $0x10;
	v36 =	vand.u32 $0xFFFF0000, v36;
	v42 =	vld [tilespmem:s10+$0xFFFFFFA0];
	[tilespmem:s22+$0x1C0] =	vst v24  }
0x264: {  	v24 =	vmul.f32 v35, v29;
	v35 =	vshll.u32 v37, $0x10;
	v37 =	vand.u32 $0xFFFF0000, v37;
	v43 =	vld [tilespmem:s10+$0xFFFFFFB0];
	[tilespmem:s22+$0x1D0] =	vst v23  }
0x265: {  	v23 =	vmul.f32 v30, v29;
	v30 =	vshll.u32 v38, $0x10;
	v38 =	vand.u32 $0xFFFF0000, v38;
	v44 =	vld [tilespmem:s10+$0xFFFFFFC0];
	[tilespmem:s22+$0x1E0] =	vst v22;
	s22 =	smov.u32 s9  }
0x266: {  	v22 =	vmul.f32 v27, v29;
	[tilespmem:s9+$0xFFFFFE00] =	vst v24;
	v24 =	vshll.u32 v40, $0x10;
	v27 =	vand.u32 $0xFFFF0000, v40;
	v40 =	vld [tilespmem:s10+$0xFFFFFFD0]  }
0x267: {  	[tilespmem:s9+$0xFFFFFE10] =	vst v23;
	v23 =	vmul.f32 v28, v29;
	v28 =	vshll.u32 v41, $0x10;
	v41 =	vand.u32 $0xFFFF0000, v41;
	v45 =	vld [tilespmem:s10+$0xFFFFFFE0]  }
0x268: {  	[tilespmem:s9+$0xFFFFFE20] =	vst v22;
	v22 =	vmul.f32 v34, v29;
	v34 =	vshll.u32 v42, $0x10;
	v42 =	vand.u32 $0xFFFF0000, v42;
	v46 =	vld [tilespmem:s10+$0xFFFFFFF0]  }
0x269: {  	[tilespmem:s9+$0xFFFFFE30] =	vst v23;
	v23 =	vmul.f32 v31, v29;
	v31 =	vshll.u32 v43, $0x10;
	v43 =	vand.u32 $0xFFFF0000, v43;
	v47 =	vld [tilespmem:s10+$0x0]  }
0x26a: {  	[tilespmem:s9+$0xFFFFFE40] =	vst v22;
	v22 =	vmul.f32 v39, v29;
	v39 =	vshll.u32 v44, $0x10;
	v44 =	vand.u32 $0xFFFF0000, v44;
	v48 =	vld [tilespmem:s10+$0x10]  }
0x26b: {  	[tilespmem:s9+$0xFFFFFE50] =	vst v23;
	v23 =	vmul.f32 v26, v29;
	v26 =	vshll.u32 v40, $0x10;
	v29 =	vand.u32 $0xFFFF0000, v40;
	v40 =	vld [tilespmem:s10+$0x20]  }
0x26c: {  	[tilespmem:s9+$0xFFFFFE60] =	vst v22;
	v22 =	vmul.f32 v32, v21;
	v32 =	vshll.u32 v45, $0x10;
	v45 =	vand.u32 $0xFFFF0000, v45;
	v49 =	vld [tilespmem:s10+$0x30]  }
0x26d: {  	[tilespmem:s9+$0xFFFFFE70] =	vst v23;
	v23 =	vmul.f32 v33, v21;
	v33 =	vshll.u32 v46, $0x10;
	v46 =	vand.u32 $0xFFFF0000, v46;
	v50 =	vld [tilespmem:s10+$0x40]  }
0x26e: {  	[tilespmem:s9+$0xFFFFFE80] =	vst v22;
	v22 =	vmul.f32 v25, v21;
	v25 =	vshll.u32 v47, $0x10;
	v47 =	vand.u32 $0xFFFF0000, v47;
	v51 =	vld [tilespmem:s10+$0x50]  }
0x26f: {  	[tilespmem:s9+$0xFFFFFE90] =	vst v23;
	v23 =	vmul.f32 v36, v21;
	v36 =	vshll.u32 v48, $0x10;
	v48 =	vand.u32 $0xFFFF0000, v48;
	v52 =	vld [tilespmem:s10+$0x60]  }
0x270: {  	[tilespmem:s9+$0xFFFFFEA0] =	vst v22;
	v22 =	vmul.f32 v35, v21;
	v35 =	vshll.u32 v40, $0x10;
	v40 =	vand.u32 $0xFFFF0000, v40;
	v53 =	vld [tilespmem:s10+$0x70]  }
0x271: {  	[tilespmem:s9+$0xFFFFFEB0] =	vst v23;
	v23 =	vmul.f32 v37, v21;
	v37 =	vshll.u32 v49, $0x10;
	v49 =	vand.u32 $0xFFFF0000, v49;
	v54 =	vld [tilespmem:s10+$0x80]  }
0x272: {  	[tilespmem:s9+$0xFFFFFEC0] =	vst v22;
	v22 =	vmul.f32 v30, v21;
	v30 =	vshll.u32 v50, $0x10;
	v50 =	vand.u32 $0xFFFF0000, v50;
	v55 =	vld [tilespmem:s10+$0x90]  }
0x273: {  	v21 =	vmul.f32 v38, v21;
	[tilespmem:s9+$0xFFFFFED0] =	vst v23;
	v23 =	vshll.u32 v51, $0x10;
	v38 =	vand.u32 $0xFFFF0000, v51;
	v51 =	vld [tilespmem:s10+$0xA0]  }
0x274: {  	[tilespmem:s9+$0xFFFFFEE0] =	vst v22;
	v22 =	vmul.f32 v24, v20;
	v24 =	vshll.u32 v52, $0x10;
	v52 =	vand.u32 $0xFFFF0000, v52;
	v56 =	vld [tilespmem:s10+$0xB0]  }
0x275: {  	[tilespmem:s9+$0xFFFFFEF0] =	vst v21;
	v21 =	vmul.f32 v27, v20;
	v27 =	vshll.u32 v53, $0x10;
	v53 =	vand.u32 $0xFFFF0000, v53;
	v57 =	vld [tilespmem:s10+$0xC0]  }
0x276: {  	[tilespmem:s9+$0xFFFFFF00] =	vst v22;
	v22 =	vmul.f32 v28, v20;
	v28 =	vshll.u32 v54, $0x10;
	v54 =	vand.u32 $0xFFFF0000, v54;
	v58 =	vld [tilespmem:s10+$0xD0]  }
0x277: {  	[tilespmem:s9+$0xFFFFFF10] =	vst v21;
	v21 =	vmul.f32 v41, v20;
	v41 =	vshll.u32 v55, $0x10;
	v55 =	vand.u32 $0xFFFF0000, v55;
	v59 =	vld [tilespmem:s10+$0xE0]  }
0x278: {  	[tilespmem:s9+$0xFFFFFF20] =	vst v22;
	v22 =	vmul.f32 v34, v20;
	v34 =	vshll.u32 v51, $0x10;
	v51 =	vand.u32 $0xFFFF0000, v51  }
0x279: {  	[tilespmem:s9+$0xFFFFFF30] =	vst v21;
	v21 =	vmul.f32 v42, v20;
	v42 =	vshll.u32 v56, $0x10;
	v56 =	vand.u32 $0xFFFF0000, v56  }
0x27a: {  	[tilespmem:s9+$0xFFFFFF40] =	vst v22;
	v22 =	vmul.f32 v31, v20;
	v60 =	vshll.u32 v57, $0x10;
	v57 =	vand.u32 $0xFFFF0000, v57  }
0x27b: {  	v20 =	vmul.f32 v43, v20;
	[tilespmem:s9+$0xFFFFFF50] =	vst v21;
	v43 =	vshll.u32 v58, $0x10;
	v58 =	vand.u32 $0xFFFF0000, v58  }
0x27c: {  	v21 =	vmul.f32 v39, v19;
	[tilespmem:s9+$0xFFFFFF60] =	vst v22;
	v22 =	vshll.u32 v59, $0x10;
	v39 =	vand.u32 $0xFFFF0000, v59  }
0x27d: {  	v26 =	vmul.f32 v26, v19;
	[tilespmem:s9+$0xFFFFFF70] =	vst v20;
	v20 =	vmul.f32 v44, v19  }
0x27e: {  	[tilespmem:s9+$0xFFFFFF80] =	vst v21;
	v21 =	vmul.f32 v29, v19;
	v29 =	vmul.f32 v32, v19  }
0x27f: {  	v31 =	vmul.f32 v33, v19;
	[tilespmem:s9+$0xFFFFFF90] =	vst v20;
	v20 =	vmul.f32 v45, v19  }
0x280: {  	v25 =	vmul.f32 v25, v18;
	v19 =	vmul.f32 v46, v19;
	[tilespmem:s9+$0xFFFFFFA0] =	vst v26  }
0x281: {  	v26 =	vmul.f32 v36, v18;
	[tilespmem:s9+$0xFFFFFFB0] =	vst v21;
	v21 =	vmul.f32 v47, v18  }
0x282: {  	v32 =	vmul.f32 v35, v18;
	[tilespmem:s9+$0xFFFFFFC0] =	vst v29;
	v29 =	vmul.f32 v48, v18  }
0x283: {  	v33 =	vmul.f32 v40, v18;
	v35 =	vmul.f32 v37, v18;
	[tilespmem:s9+$0xFFFFFFD0] =	vst v20  }
0x284: {  	v37 =	vmul.f32 v30, v17;
	v36 =	vmul.f32 v49, v18;
	[tilespmem:s9+$0xFFFFFFE0] =	vst v31  }
0x285: {  	v40 =	vmul.f32 v50, v17;
	v44 =	vmul.f32 v23, v17;
	[tilespmem:s9+$0xFFFFFFF0] =	vst v19  }
0x286: {  	v38 =	vmul.f32 v38, v17;
	v45 =	vmul.f32 v24, v17;
	[tilespmem:s9+$0x0] =	vst v25  }
0x287: {  	v46 =	vmul.f32 v52, v17;
	v47 =	vmul.f32 v27, v17;
	[tilespmem:s9+$0x10] =	vst v21  }
0x288: {  	v30 =	vmul.f32 v28, v15;
	v48 =	vmul.f32 v53, v17;
	[tilespmem:s9+$0x20] =	vst v26  }
0x289: {  	v20 =	vmul.f32 v41, v15;
	v31 =	vmul.f32 v54, v15;
	[tilespmem:s9+$0x30] =	vst v29  }
0x28a: {  	v28 =	vmul.f32 v55, v15;
	v21 =	vmul.f32 v34, v15;
	[tilespmem:s9+$0x40] =	vst v32  }
0x28b: {  	v19 =	vmul.f32 v42, v15;
	v29 =	vmul.f32 v51, v15;
	[tilespmem:s9+$0x50] =	vst v33  }
0x28c: {  	v18 =	vmul.f32 v56, v15;
	v17 =	vmul.f32 v60, v14;
	[tilespmem:s9+$0x60] =	vst v35  }
0x28d: {  	v27 =	vmul.f32 v57, v14;
	v26 =	vmul.f32 v43, v14;
	[tilespmem:s9+$0x70] =	vst v36  }
0x28e: {  	v24 =	vmul.f32 v22, v14;
	v25 =	vmul.f32 v58, v14;
	[tilespmem:s9+$0x80] =	vst v37  }
0x28f: {  	v23 =	vmul.f32 v39, v14;
	v22 =	vmul.f32 v16, v14;
	[tilespmem:s9+$0x90] =	vst v40  }
0x290: {  	[tilespmem:s9+$0xA0] =	vst v44  }
.Ltmp14:
0x291: {  	[tilespmem:s9+$0xB0] =	vst v38;
	(pc) =	sbr.rel @p1 .LBB2_29-.Ltmp14, $4  }
0x292: {  	[tilespmem:s9+$0xC0] =	vst v45  }
0x293: {  	[tilespmem:s9+$0xD0] =	vst v46  }
0x294: {  	[tilespmem:s9+$0xE0] =	vst v47  }
0x295: {  	s14 =	sshra.s32 s20, $0x2;
	s20 =	sadd.s32 $0x20, s20;
	[tilespmem:s9+$0xF0] =	vst v48  }
0x296: {  	_ = 	snop  }
0x297: {  	[tilespmem:s9+$0x100] =	vst v30  }
0x298: {  	[tilespmem:s9+$0x110] =	vst v31  }
0x299: {  	[tilespmem:s9+$0x120] =	vst v20  }
0x29a: {  	v15 =	vld.idx.msk [tilespmem:v13+s14+$0x0 ss:$0x1], $0xffff;
	s10 =	sadd.s32 $0x200, s10;
	[tilespmem:s9+$0x130] =	vst v28  }
0x29b: {  	[tilespmem:s9+$0x140] =	vst v21;
	v13 =	vld [tilespmem:s10+$0xF0]  }
0x29c: {  	[tilespmem:s9+$0x150] =	vst v29;
	v36 =	vld [tilespmem:s10+$0xFFFFFF00]  }
0x29d: {  	[tilespmem:s9+$0x160] =	vst v19  }
0x29e: {  	[tilespmem:s9+$0x170] =	vst v18;
	v37 =	vld [tilespmem:s10+$0xFFFFFF10]  }
0x29f: {  	[tilespmem:s9+$0x180] =	vst v17;
	v14 =	vperm.xlane v15, v12  }
0x2a0: {  	[tilespmem:s22+$0x190] =	vst v27;
	v38 =	vld [tilespmem:s10+$0xFFFFFF20];
	v39 =	vperm.xlane v15, v5;
	v16 =	vand.u32 $0xFFFF0000, v13  }
0x2a1: {  	[tilespmem:s22+$0x1A0] =	vst v26;
	v41 =	vld [tilespmem:s10+$0xFFFFFF30];
	v40 =	vshll.u32 v36, $0x10;
	v16 =	vmul.f32 v16, v14  }
0x2a2: {  	s20 =	sadd.s32 $0x400, s9;
	[tilespmem:s22+$0x1B0] =	vst v25;
	v18 =	vand.u32 $0xFFFF0000, v36;
	v20 =	vmul.f32 v40, v39  }
0x2a3: {  	v43 =	vld [tilespmem:s10+$0xFFFFFF40];
	v42 =	vshll.u32 v37, $0x10;
	v18 =	vmul.f32 v18, v39;
	[tilespmem:s20+$0x1F0] =	vst v16  }
0x2a4: {  	v17 =	vand.u32 $0xFFFF0000, v37;
	v44 =	vmul.f32 v42, v39;
	[tilespmem:s20+$0xFFFFFE00] =	vst v20  }
0x2a5: {  	v46 =	vld [tilespmem:s10+$0xFFFFFF50];
	v45 =	vshll.u32 v38, $0x10;
	v17 =	vmul.f32 v17, v39;
	[tilespmem:s20+$0xFFFFFE10] =	vst v18  }
0x2a6: {  	v50 =	vld [tilespmem:s10+$0xFFFFFF60];
	v48 =	vshll.u32 v41, $0x10;
	v47 =	vmul.f32 v45, v39;
	[tilespmem:s20+$0xFFFFFE20] =	vst v44  }
0x2a7: {  	v49 =	vperm.xlane v15, v6;
	v21 =	vand.u32 $0xFFFF0000, v41;
	v51 =	vmul.f32 v48, v39;
	[tilespmem:s20+$0xFFFFFE30] =	vst v17  }
0x2a8: {  	v54 =	vld [tilespmem:s10+$0xFFFFFF70];
	v52 =	vshll.u32 v43, $0x10;
	v53 =	vmul.f32 v21, v39;
	[tilespmem:s20+$0xFFFFFE40] =	vst v47  }
0x2a9: {  	v55 =	vand.u32 $0xFFFF0000, v43;
	v56 =	vmul.f32 v52, v49;
	[tilespmem:s20+$0xFFFFFE60] =	vst v51  }
0x2aa: {  	v59 =	vld [tilespmem:s10+$0xFFFFFF80];
	v57 =	vshll.u32 v46, $0x10;
	v58 =	vmul.f32 v55, v49;
	[tilespmem:s20+$0xFFFFFE70] =	vst v53  }
0x2ab: {  	v61 =	vshll.u32 v50, $0x10;
	v60 =	vmul.f32 v57, v49;
	[tilespmem:s20+$0xFFFFFE80] =	vst v56  }
0x2ac: {  	v27 =	vand.u32 $0xFFFF0000, v50;
	v28 =	vmul.f32 v61, v49;
	[tilespmem:s20+$0xFFFFFE90] =	vst v58  }
0x2ad: {  	v29 =	vshll.u32 v54, $0x10;
	v30 =	vmul.f32 v27, v49;
	[tilespmem:s20+$0xFFFFFEA0] =	vst v60  }
0x2ae: {  	v31 =	vperm.xlane v15, v7;
	v19 =	vand.u32 $0xFFFF0000, v54;
	v33 =	vmul.f32 v29, v49;
	[tilespmem:s20+$0xFFFFFEC0] =	vst v28  }
0x2af: {  	v32 =	vld [tilespmem:s10+$0xFFFFFFA0];
	v37 =	vand.u32 $0xFFFF0000, v59;
	v35 =	vmul.f32 v19, v49;
	[tilespmem:s20+$0xFFFFFED0] =	vst v30  }
0x2b0: {  	v40 =	vmul.f32 v37, v31;
	[tilespmem:s20+$0xFFFFFEE0] =	vst v33  }
0x2b1: {  	[tilespmem:s20+$0xFFFFFEF0] =	vst v35  }
0x2b2: {  	[tilespmem:s20+$0xFFFFFF10] =	vst v40  }
0x2b3: {  	v34 =	vshll.u32 v59, $0x10;
	[tilespmem:s22+$0x1C0] =	vst v24  }
0x2b4: {  	v63 =	vld [tilespmem:s10+$0xFFFFFF90];
	v43 =	vshll.u32 v32, $0x10;
	v16 =	vand.u32 $0xFFFF0000, v38;
	v38 =	vmul.f32 v34, v31;
	[tilespmem:s22+$0x1D0] =	vst v23  }
0x2b5: {  	v13 =	vshll.u32 v13, $0x10;
	v47 =	vmul.f32 v43, v31;
	[tilespmem:s22+$0x1E0] =	vst v22  }
0x2b6: {  	v36 =	vld [tilespmem:s10+$0xFFFFFFB0];
	v13 =	vmul.f32 v13, v14;
	[tilespmem:s20+$0xFFFFFF00] =	vst v38  }
0x2b7: {  	v18 =	vand.u32 $0xFFFF0000, v46;
	v16 =	vmul.f32 v16, v39;
	[tilespmem:s20+$0xFFFFFF40] =	vst v47  }
0x2b8: {  	v41 =	vld [tilespmem:s10+$0xFFFFFFC0];
	v46 =	vand.u32 $0xFFFF0000, v32;
	v62 =	vmul.f32 v18, v49;
	[tilespmem:s20+$0x1E0] =	vst v13  }
0x2b9: {  	v39 =	vshll.u32 v63, $0x10;
	v49 =	vmul.f32 v46, v31;
	[tilespmem:s20+$0xFFFFFE50] =	vst v16  }
0x2ba: {  	v45 =	vld [tilespmem:s10+$0xFFFFFFD0];
	v18 =	vand.u32 $0xFFFF0000, v63;
	v42 =	vmul.f32 v39, v31;
	[tilespmem:s20+$0xFFFFFEB0] =	vst v62  }
0x2bb: {  	v44 =	vmul.f32 v18, v31;
	v48 =	vshll.u32 v36, $0x10;
	[tilespmem:s20+$0xFFFFFF50] =	vst v49  }
0x2bc: {  	v50 =	vperm.xlane v15, v8;
	v55 =	vld [tilespmem:s10+$0xFFFFFFF0];
	v17 =	vand.u32 $0xFFFF0000, v36;
	v52 =	vmul.f32 v48, v31;
	[tilespmem:s20+$0xFFFFFF20] =	vst v42  }
0x2bd: {  	v59 =	vld [tilespmem:s10+$0x0];
	v53 =	vshll.u32 v41, $0x10;
	v54 =	vmul.f32 v17, v31;
	[tilespmem:s20+$0xFFFFFF30] =	vst v44  }
0x2be: {  	v61 =	vld [tilespmem:s10+$0x10];
	v19 =	vand.u32 $0xFFFF0000, v41;
	v56 =	vmul.f32 v53, v50;
	[tilespmem:s20+$0xFFFFFF60] =	vst v52  }
0x2bf: {  	v51 =	vld [tilespmem:s10+$0xFFFFFFE0];
	v57 =	vshll.u32 v45, $0x10;
	v58 =	vmul.f32 v19, v50;
	[tilespmem:s20+$0xFFFFFF70] =	vst v54  }
0x2c0: {  	v18 =	vand.u32 $0xFFFF0000, v45;
	v21 =	vmul.f32 v57, v50;
	[tilespmem:s20+$0xFFFFFF80] =	vst v56  }
0x2c1: {  	v28 =	vperm.xlane v15, v9;
	v17 =	vand.u32 $0xFFFF0000, v55;
	v18 =	vmul.f32 v18, v50;
	[tilespmem:s20+$0xFFFFFF90] =	vst v58  }
0x2c2: {  	v33 =	vld [tilespmem:s10+$0x40];
	v19 =	vand.u32 $0xFFFF0000, v59;
	v17 =	vmul.f32 v17, v50;
	[tilespmem:s20+$0xFFFFFFA0] =	vst v21  }
0x2c3: {  	v35 =	vld [tilespmem:s10+$0x50];
	v16 =	vand.u32 $0xFFFF0000, v61;
	v19 =	vmul.f32 v19, v28;
	[tilespmem:s20+$0xFFFFFFB0] =	vst v18  }
0x2c4: {  	v16 =	vmul.f32 v16, v28;
	v60 =	vshll.u32 v51, $0x10;
	[tilespmem:s20+$0xFFFFFFF0] =	vst v17  }
0x2c5: {  	v62 =	vand.u32 $0xFFFF0000, v51;
	v20 =	vmul.f32 v60, v50;
	[tilespmem:s20+$0x10] =	vst v19  }
0x2c6: {  	v29 =	vld [tilespmem:s10+$0x20];
	v38 =	vperm.xlane v15, v10;
	v63 =	vshll.u32 v55, $0x10;
	v23 =	vmul.f32 v62, v50;
	[tilespmem:s20+$0x30] =	vst v16  }
0x2c7: {  	v31 =	vld [tilespmem:s10+$0x30];
	v21 =	vmul.f32 v63, v50;
	v17 =	vand.u32 $0xFFFF0000, v33;
	[tilespmem:s20+$0xFFFFFFC0] =	vst v20  }
0x2c8: {  	v19 =	vand.u32 $0xFFFF0000, v35;
	v17 =	vmul.f32 v17, v38;
	[tilespmem:s20+$0xFFFFFFD0] =	vst v23  }
0x2c9: {  	v30 =	vshll.u32 v59, $0x10;
	v19 =	vmul.f32 v19, v38;
	[tilespmem:s20+$0xFFFFFFE0] =	vst v21  }
0x2ca: {  	v39 =	vld [tilespmem:s10+$0x60];
	v32 =	vshll.u32 v61, $0x10;
	v20 =	vmul.f32 v30, v28;
	[tilespmem:s20+$0x90] =	vst v17  }
0x2cb: {  	v41 =	vld [tilespmem:s10+$0x70];
	v36 =	vand.u32 $0xFFFF0000, v29;
	v21 =	vmul.f32 v32, v28;
	[tilespmem:s20+$0xB0] =	vst v19  }
0x2cc: {  	v45 =	vld [tilespmem:s10+$0x90];
	v23 =	vmul.f32 v36, v28;
	v22 =	vand.u32 $0xFFFF0000, v31;
	[tilespmem:s20+$0x0] =	vst v20  }
0x2cd: {  	v34 =	vshll.u32 v29, $0x10;
	v48 =	vld [tilespmem:s10+$0xA0];
	v18 =	vmul.f32 v22, v28;
	[tilespmem:s20+$0x20] =	vst v21  }
0x2ce: {  	v52 =	vld [tilespmem:s10+$0xC0];
	v37 =	vshll.u32 v31, $0x10;
	v20 =	vmul.f32 v34, v28;
	[tilespmem:s20+$0x50] =	vst v23  }
0x2cf: {  	v54 =	vld [tilespmem:s10+$0xD0];
	v46 =	vand.u32 $0xFFFF0000, v39;
	v21 =	vmul.f32 v37, v28;
	[tilespmem:s20+$0x70] =	vst v18  }
0x2d0: {  	v15 =	vperm.xlane v15, v11;
	v56 =	vld [tilespmem:s10+$0xE0];
	v22 =	vand.u32 $0xFFFF0000, v41;
	v23 =	vmul.f32 v46, v38;
	[tilespmem:s20+$0x40] =	vst v20  }
0x2d1: {  	v17 =	vand.u32 $0xFFFF0000, v45;
	v16 =	vmul.f32 v22, v38;
	[tilespmem:s20+$0x60] =	vst v21  }
0x2d2: {  	v19 =	vand.u32 $0xFFFF0000, v48;
	v17 =	vmul.f32 v17, v15;
	[tilespmem:s20+$0xD0] =	vst v23  }
0x2d3: {  	v43 =	vld [tilespmem:s10+$0x80];
	v19 =	vmul.f32 v19, v15;
	v57 =	vshll.u32 v52, $0x10;
	[tilespmem:s20+$0xF0] =	vst v16  }
0x2d4: {  	v59 =	vshll.u32 v54, $0x10;
	v58 =	vmul.f32 v57, v14;
	[tilespmem:s20+$0x130] =	vst v17  }
0x2d5: {  	v61 =	vshll.u32 v56, $0x10;
	v60 =	vmul.f32 v59, v14;
	[tilespmem:s20+$0x150] =	vst v19  }
0x2d6: {  	v40 =	vshll.u32 v33, $0x10;
	v63 =	vmul.f32 v61, v14;
	[tilespmem:s20+$0x180] =	vst v58  }
0x2d7: {  	v42 =	vshll.u32 v35, $0x10;
	v20 =	vmul.f32 v40, v38;
	[tilespmem:s20+$0x1A0] =	vst v60  }
0x2d8: {  	v18 =	vand.u32 $0xFFFF0000, v43;
	v21 =	vmul.f32 v42, v38;
	[tilespmem:s20+$0x1C0] =	vst v63  }
0x2d9: {  	v50 =	vld [tilespmem:s10+$0xB0];
	v18 =	vmul.f32 v18, v15;
	v16 =	vand.u32 $0xFFFF0000, v52;
	[tilespmem:s20+$0x80] =	vst v20  }
0x2da: {  	v44 =	vshll.u32 v39, $0x10;
	v16 =	vmul.f32 v16, v14;
	[tilespmem:s20+$0xA0] =	vst v21  }
0x2db: {  	v47 =	vshll.u32 v41, $0x10;
	v20 =	vmul.f32 v44, v38;
	[tilespmem:s20+$0x110] =	vst v18  }
0x2dc: {  	v49 =	vshll.u32 v43, $0x10;
	v21 =	vmul.f32 v47, v38;
	[tilespmem:s20+$0x190] =	vst v16  }
0x2dd: {  	v51 =	vshll.u32 v45, $0x10;
	v53 =	vshll.u32 v48, $0x10;
	[tilespmem:s20+$0xC0] =	vst v20;
	v20 =	vmul.f32 v49, v15  }
0x2de: {  	v62 =	vand.u32 $0xFFFF0000, v56;
	v55 =	vshll.u32 v50, $0x10;
	[tilespmem:s20+$0xE0] =	vst v21;
	v21 =	vmul.f32 v51, v15  }
0x2df: {  	v22 =	vand.u32 $0xFFFF0000, v50;
	v16 =	vmul.f32 v62, v14;
	[tilespmem:s20+$0x100] =	vst v20;
	v20 =	vmul.f32 v53, v15  }
0x2e0: {  	s8 =	sadd.s32 $0x1, s8;
	[tilespmem:s20+$0x120] =	vst v21;
	v21 =	vmul.f32 v55, v15;
	v15 =	vmul.f32 v22, v15  }
0x2e1: {  	p1 =	sne.s32 s8, $0x7D;
	[tilespmem:s20+$0x1D0] =	vst v16  }
.Ltmp15:
0x2e2: {  	[tilespmem:s20+$0x170] =	vst v15;
	v15 =	vand.u32 $0xFFFF0000, v54;
	(pc) =	sbr.rel @p1 .LBB2_26-.Ltmp15, $4  }
0x2e3: {  	[tilespmem:s20+$0x140] =	vst v20;
	v15 =	vmul.f32 v15, v14  }
0x2e4: {  	[tilespmem:s20+$0x160] =	vst v21  }
0x2e5: {  	s23 =	sadd.s32 $0x16210, s21;
	s24 =	sadd.s32 $0x50, s24;
	s13 =	sadd.s32 $0x50, s13;
	[tilespmem:s20+$0x1B0] =	vst v15  }
0x2e6: {  	[spmem:s5] =	stream.indirect.scatter.add.f32 [tilespmem:s2], [sflag:$0x5], $0x80, s23, s30, $0x2000b8;
	[tilespmem:$0x1FE60] =	vst v63  }
0x2e7: {  	s8 =	simm.s32 $0x4  }
0x2e8: {  	_ =	swait.ge [sflag:s8], $0x1400  }
0x2e9: {  	[sflag:s8] =	ssyncset.done $0x0  }
0x2ea: {  	[sflag:s8] =	ssyncadd.s32 $0xFFFFEC00  }
0x2eb: {  	_ =	swait.ge [sflag:s1], $0x1400  }
0x2ec: {  	[sflag:s1] =	ssyncset.done $0x0  }
0x2ed: {  	[sflag:s1] =	ssyncadd.s32 $0xFFFFEC00  }
0x2ee: {  	[bflag:$0x0] =	sbarrier.arrive $0xFFFF  }
0x2ef: {  	[tilespmem:s28], [sflag:$0x6] =	stream.linear.gather [spmem:s15], $0x1400, $0x200038;
	[tilespmem:$0x1FE60] =	vst v63  }
0x2f0: {  	_ =	swait.ge [sflag:s29], $0x1400  }
.Ltmp16:
0x2f1: {  	s24 =	sshrl.u32 s16, $0x3;
	[sflag:s29] =	ssyncset.done $0x0;
	(pc) =	sbr.rel @!p0 .LBB2_33-.Ltmp16, $4  }
0x2f2: {  	s8 =	sadd.s32 s24, s12;
	[sflag:s29] =	ssyncadd.s32 $0xFFFFEC00  }
0x2f3: {  	[hbm4b:s8+s6] =	stream.linear.scatter [tilespmem:s28], [sflag:$0x6], $0x1400, $0x200038;
	[tilespmem:$0x1FE60] =	vst v63  }
0x2f4: {  	s9 =	smov.u32 s15;
	_ =	swait.ge [sflag:s29], $0x1400  }
0x2f5: {  	s10 =	smov.u32 s16;
	s8 =	sadd.s32 $0xFFFFFFFF, s11;
	[sflag:s29] =	ssyncset.done $0x0  }
.LBB2_32:
0x2f6: {  	[sflag:s29] =	ssyncadd.s32 $0xFFFFEC00;
	s9 =	sadd.s32 $0x1400, s9;
	s10 =	sadd.s32 $0x1400, s10  }
0x2f7: {  	[tilespmem:s28], [sflag:$0x6] =	stream.linear.gather [spmem:s9], $0x1400, $0x200038;
	[tilespmem:$0x1FE60] =	vst v63  }
0x2f8: {  	p0 =	sne.s32 s8, $0x1;
	s8 =	sadd.s32 $0xFFFFFFFF, s8;
	_ =	swait.ge [sflag:s29], $0x1400  }
.Ltmp17:
0x2f9: {  	s13 =	sshrl.u32 s10, $0x3;
	[sflag:s29] =	ssyncset.done $0x0;
	(pc) =	sbr.rel @p0 .LBB2_32-.Ltmp17, $4  }
0x2fa: {  	s13 =	sadd.s32 s13, s12;
	[sflag:s29] =	ssyncadd.s32 $0xFFFFEC00  }
0x2fb: {  	[hbm4b:s13+s6] =	stream.linear.scatter [tilespmem:s28], [sflag:$0x6], $0x1400, $0x200038;
	[tilespmem:$0x1FE60] =	vst v63  }
0x2fc: {  	_ =	swait.ge [sflag:s29], $0x1400  }
0x2fd: {  	[sflag:s29] =	ssyncset.done $0x0  }
.LBB2_33:
0x2fe: {  	s7 =	sadd.s32 $0x1, s7;
	s8 =	rddreg [dreg:$0x9]  }
0x2ff: {  	p0 =	sne.s32 s7, s8  }
.Ltmp18:
0x300: {  	_ = 	snop;
	(pc) =	sbr.rel @p0 .LBB2_1-.Ltmp18, $3  }
0x301: {  	_ =	sdelay $0x1  }
0x302: {  	[sflag:s29] =	ssyncadd.s32 $0xFFFFEC00  }
0x303: {  	s23 =	simm.s32 $0x13B00;
	s14 =	simm.s32 $0x16210;
	_ =	strace $0x9000004A  }
0x304: {  	_ =	sfence.sel $0x180000  }
0x305: {  	[bflag:$0x0] =	sbarrier.arrive $0xFFFF  }
0x306: {  	_ =	strace $0x90000047  }
0x307: {  	s0 =	stileid.u32;
	[bflag:$0x2] =	sbarrier.arrive $0xFFFF  }
0x308: {  	p0 =	sne.s32 s0, $0x0;
	s0 =	rddreg [dreg:$0x4]  }
0x309: {  	s0 =	sadd.s32 @!p0 $0x100000, s0  }
0x30a: {  	[sflag:s0] =	ssyncadd.tile.s32 @!p0 $0x1;
	_ =	shalt  }
.Lfunc_end2:
_tile_overlayer_lowered:
.L_overlay_start_2:
0x30b: {  	(tag) =	ssettag $0x2  }
0x30c: {  	s0 =	rddreg [dreg:$0x0];
	s2 =	stileid.u32  }
0x30d: {  	s1 =	rddreg [dreg:$0x1];
	p0 =	sne.s32 s2, $0x0  }
0x30e: {  	s3 =	rddreg [dreg:$0x2];
	[bflag:$0x3] =	sbarrier.arrive $0xFFFF;
	s2 =	simm.s32 @!p0 $0x1C01  }
0x30f: {  	[timem:s3], [sflag:s2] =	dma.local @!p0 [hbm:s0], s1  }
0x310: {  	s0 =	simm.s32 @!p0 $0x1  }
0x311: {  	_ =	swait.ge @!p0 [sflag:s0], s1  }
0x312: {  	s1 =	ssub.s32 @!p0 $0x0, s1;
	[sflag:s0] =	ssyncset.done @!p0 $0x0  }
0x313: {  	[sflag:s0] =	ssyncadd.s32 @!p0 s1  }
0x314: {  	[bflag:$0x3] =	sbarrier.arrive $0xFFFF  }
0x315: {  	_ =	shalt  }

</sc_bundles>
